<compile_context>
chip_gen: v7x
topology: tpu7x:2x2x1
jax: 0.10.2.dev20260603
libtpu: 0.0.44.dev20260713+nightly
codegen_flags: <defaults>
</compile_context>

<pallas_src>
import jax
import jax.numpy as jnp
from jax import lax
from jax.experimental import pallas as pl
from jax.experimental.pallas import tpu as pltpu
from jax.experimental.pallas import tpu_sc as plsc

_VOCAB = 1000000
_D = 16
_B = 16384
_SEQ = 50

_NC = 2
_NS = 16
_NW = _NC * _NS
_B_PER_W = _B // _NW
_CHUNK_C = 64
_N_CHUNK = _B_PER_W // _CHUNK_C
_IDX_PER_CHUNK = _CHUNK_C * _SEQ


def _encoder_body(idx_hbm, table_hbm, out_hbm, idx_v, rows_v, out_v, sems):
    wid = lax.axis_index("s") * _NC + lax.axis_index("c")

    pltpu.sync_copy(idx_hbm.at[pl.ds(wid * _B_PER_W * _SEQ, _B_PER_W * _SEQ)], idx_v)

    def fire(g, p):
        pltpu.make_async_copy(
            table_hbm.at[idx_v.at[pl.ds(g * _IDX_PER_CHUNK, _IDX_PER_CHUNK)]],
            rows_v.at[p],
            sems.at[p],
        ).start()

    def drain(p):
        pltpu.make_async_copy(
            table_hbm.at[pl.ds(0, _IDX_PER_CHUNK)], rows_v.at[p], sems.at[p]
        ).wait()

    def compute_store(g, p):
        r = rows_v

        def cbody(c, carry):
            base = c * _SEQ
            a0 = r[p, base, :]
            a1 = r[p, base + 1, :]
            a2 = r[p, base + 2, :]
            a3 = r[p, base + 3, :]
            for l in range(4, _SEQ - 2, 4):
                a0 = a0 + r[p, base + l, :]
                a1 = a1 + r[p, base + l + 1, :]
                a2 = a2 + r[p, base + l + 2, :]
                a3 = a3 + r[p, base + l + 3, :]
            a0 = a0 + r[p, base + _SEQ - 2, :]
            a1 = a1 + r[p, base + _SEQ - 1, :]
            out_v[c, :] = ((a0 + a1) + (a2 + a3)) * jnp.float32(1.0 / _SEQ)
            return carry

        lax.fori_loop(0, _CHUNK_C, cbody, 0, unroll=False)
        out_base = wid * _B_PER_W + g * _CHUNK_C
        pltpu.sync_copy(out_v, out_hbm.at[pl.ds(out_base, _CHUNK_C)])

    fire(0, 0)
    for g in range(_N_CHUNK):
        p = g % 2
        if g + 1 < _N_CHUNK:
            fire(g + 1, 1 - p)
        drain(p)
        compute_store(g, p)


def kernel(txt_input, table):
    idx_flat = txt_input.reshape(_B * _SEQ)
    mesh = plsc.VectorSubcoreMesh(core_axis_name="c", subcore_axis_name="s")
    run = pl.kernel(
        _encoder_body,
        out_type=jax.ShapeDtypeStruct((_B, _D), jnp.float32),
        mesh=mesh,
        scratch_types=[
            pltpu.VMEM((_B_PER_W * _SEQ,), jnp.int32),
            pltpu.VMEM((2, _IDX_PER_CHUNK, _D), jnp.float32),
            pltpu.VMEM((_CHUNK_C, _D), jnp.float32),
            pltpu.SemaphoreType.DMA((2,)),
        ],
        compiler_params=pltpu.CompilerParams(use_tc_tiling_on_sc=False),
    )
    return run(idx_flat, table)

# --- scband reference (transcript-rebuilt; emitter-appended) ---
"""Pipeline reference for scband-w2-vtxt-encoder-61229053771897 (READ-ONLY COPY).

The authoritative reference and input builder live on the scoring server;
editing this copy changes nothing except your own understanding.
"""

import jax, jax.numpy as jnp
import numpy as np

VOCAB = 1000000
EMBED_DIM = 16
BATCH = 16384
SEQ = 50

def setup_inputs(seed: int = 0) -> dict:
    key = jax.random.key(seed)
    k1, k2 = jax.random.split(key)
    # token indices for each caption (int32 used to avoid jax x64 config issues; values fit)
    txt_input = jax.random.randint(k1, (BATCH, SEQ), 0, VOCAB, dtype=jnp.int32)
    # learned w2v embedding table
    table = jax.random.normal(k2, (VOCAB, EMBED_DIM), dtype=jnp.float32) * 0.02
    return {"txt_input": txt_input, "table": table}

def reference(txt_input, table):
    # W2VTxtEncoder.forward: t2v_w2v.encoding(caption) is a bag-of-words
    # mean of word2vec vectors for each caption -> [B, embed_dim]
    emb = jnp.take(table, txt_input, axis=0)  # [B, L, D] gather
    w2v_out = jnp.mean(emb, axis=1)           # [B, D] mean pooling over tokens
    return w2v_out

if __name__ == "__main__":
    import jax
    _d = setup_inputs()
    print(jax.jit(kernel)(*tuple(_d.values())))

</pallas_src>

<mosaic_0001>
#map = affine_map<(d0, d1) -> (0)>
#map1 = affine_map<(d0, d1) -> (0, 0)>
module attributes {stable_mosaic.version = 14 : i64} {
  func.func @_encoder_body(%arg0: i32, %arg1: i32, %arg2: memref<819200xi32, #tpu.memory_space<hbm>>, %arg3: memref<1000000x16xf32, #tpu.memory_space<hbm>>, %arg4: memref<16384x16xf32, #tpu.memory_space<hbm>>, %arg5: memref<25600xi32, #tpu.memory_space<vmem>>, %arg6: memref<2x3200x16xf32, #tpu.memory_space<vmem>>, %arg7: memref<64x16xf32, #tpu.memory_space<vmem>>, %arg8: memref<2x!tpu.dma_semaphore, #tpu.memory_space<semaphore_mem>>) attributes {dimension_semantics = [#tpu.dimension_semantics<core_parallel>, #tpu.dimension_semantics<subcore_parallel>], iteration_bounds = array<i64: 2, 16>, scalar_prefetch = 0 : i64, scratch_operands = 4 : i64, tpu.core_type = #tpu.core_type<sc_vector_subcore>, window_params = [{transform_indices = #map}, {transform_indices = #map1}, {transform_indices = #map1}]} {
    %mul3A = arith.constant 2 : i32
    %mul3A_0 = arith.muli %arg1, %mul3A : i32
    %add3A = arith.addi %mul3A_0, %arg0 : i32
    %mul3A_1 = arith.constant 512 : i32
    %mul3A_2 = arith.muli %add3A, %mul3A_1 : i32
    %mul3A_3 = arith.constant 50 : i32
    %mul3A_4 = arith.muli %mul3A_2, %mul3A_3 : i32
    "tpu.region"() ({
      %run_scoped3A = tpu.sem_alloc : memref<!tpu.dma_semaphore, #tpu.memory_space<semaphore_mem>>
      %dma_start3A_330 = tpu.memref_slice %arg2[%mul3A_4] : memref<819200xi32, #tpu.memory_space<hbm>> -> memref<25600xi32, #tpu.memory_space<hbm>>
      %dma_start3A_331 = tpu.memref_slice %arg2[%mul3A_4] : memref<819200xi32, #tpu.memory_space<hbm>> -> memref<25600xi32, #tpu.memory_space<hbm>>
      tpu.enqueue_dma source(%dma_start3A_331 : memref<25600xi32, #tpu.memory_space<hbm>>) target(%arg5 : memref<25600xi32, #tpu.memory_space<vmem>>) target_semaphore(%run_scoped3A : memref<!tpu.dma_semaphore, #tpu.memory_space<semaphore_mem>>)
      %dma_wait3A_332 = tpu.memref_slice %arg2[%mul3A_4] : memref<819200xi32, #tpu.memory_space<hbm>> -> memref<25600xi32, #tpu.memory_space<hbm>>
      %dma_wait3A_333 = tpu.memref_slice %arg2[%mul3A_4] : memref<819200xi32, #tpu.memory_space<hbm>> -> memref<25600xi32, #tpu.memory_space<hbm>>
      tpu.wait_dma2 semaphore(%run_scoped3A : memref<!tpu.dma_semaphore, #tpu.memory_space<semaphore_mem>>) src(%dma_wait3A_333 : memref<25600xi32, #tpu.memory_space<hbm>>) dst(%arg5 : memref<25600xi32, #tpu.memory_space<vmem>>)
      tpu.yield
    }) : () -> ()
    %dma_start3A = arith.constant 0 : i32
    %dma_start3A_5 = arith.constant 0 : i32
    %dma_start3A_6 = arith.constant 0 : i32
    %dma_start3A_7 = arith.constant 0 : i32
    %dma_start3A_8 = tpu.memref_slice %arg6[%dma_start3A, %dma_start3A_6, %dma_start3A_7] : memref<2x3200x16xf32, #tpu.memory_space<vmem>> -> memref<1x3200x16xf32, #tpu.memory_space<vmem>>
    %dma_start3A_9 = tpu.memref_squeeze %dma_start3A_8 : memref<1x3200x16xf32, #tpu.memory_space<vmem>> -> memref<3200x16xf32, #tpu.memory_space<vmem>>
    %dma_start3A_10 = arith.constant 0 : i32
    %dma_start3A_11 = tpu.memref_slice %arg5[%dma_start3A_10] : memref<25600xi32, #tpu.memory_space<vmem>> -> memref<3200xi32, #tpu.memory_space<vmem>>
    %dma_start3A_12 = arith.constant 0 : i32
    %dma_start3A_13 = arith.constant 0 : i32
    %dma_start3A_14 = tpu.memref_slice %arg3[%dma_start3A_12, %dma_start3A_13] : memref<1000000x16xf32, #tpu.memory_space<hbm>> -> memref<1000000x16xf32, #tpu.memory_space<hbm>>
    %dma_start3A_15 = tpu.memref_slice %arg8[%dma_start3A_5] : memref<2x!tpu.dma_semaphore, #tpu.memory_space<semaphore_mem>> -> memref<1x!tpu.dma_semaphore, #tpu.memory_space<semaphore_mem>>
    %dma_start3A_16 = tpu.memref_squeeze %dma_start3A_15 : memref<1x!tpu.dma_semaphore, #tpu.memory_space<semaphore_mem>> -> memref<!tpu.dma_semaphore, #tpu.memory_space<semaphore_mem>>
    tpu.enqueue_indirect_dma source(%dma_start3A_14 : memref<1000000x16xf32, #tpu.memory_space<hbm>>) target(%dma_start3A_9 : memref<3200x16xf32, #tpu.memory_space<vmem>>) offsets(%dma_start3A_11 : memref<3200xi32, #tpu.memory_space<vmem>>) semaphore(%dma_start3A_16 : memref<!tpu.dma_semaphore, #tpu.memory_space<semaphore_mem>>)
    %dma_start3A_17 = arith.constant 1 : i32
    %dma_start3A_18 = arith.constant 1 : i32
    %dma_start3A_19 = arith.constant 0 : i32
    %dma_start3A_20 = arith.constant 0 : i32
    %dma_start3A_21 = tpu.memref_slice %arg6[%dma_start3A_17, %dma_start3A_19, %dma_start3A_20] : memref<2x3200x16xf32, #tpu.memory_space<vmem>> -> memref<1x3200x16xf32, #tpu.memory_space<vmem>>
    %dma_start3A_22 = tpu.memref_squeeze %dma_start3A_21 : memref<1x3200x16xf32, #tpu.memory_space<vmem>> -> memref<3200x16xf32, #tpu.memory_space<vmem>>
    %dma_start3A_23 = arith.constant 3200 : i32
    %dma_start3A_24 = tpu.memref_slice %arg5[%dma_start3A_23] : memref<25600xi32, #tpu.memory_space<vmem>> -> memref<3200xi32, #tpu.memory_space<vmem>>
    %dma_start3A_25 = arith.constant 0 : i32
    %dma_start3A_26 = arith.constant 0 : i32
    %dma_start3A_27 = tpu.memref_slice %arg3[%dma_start3A_25, %dma_start3A_26] : memref<1000000x16xf32, #tpu.memory_space<hbm>> -> memref<1000000x16xf32, #tpu.memory_space<hbm>>
    %dma_start3A_28 = tpu.memref_slice %arg8[%dma_start3A_18] : memref<2x!tpu.dma_semaphore, #tpu.memory_space<semaphore_mem>> -> memref<1x!tpu.dma_semaphore, #tpu.memory_space<semaphore_mem>>
    %dma_start3A_29 = tpu.memref_squeeze %dma_start3A_28 : memref<1x!tpu.dma_semaphore, #tpu.memory_space<semaphore_mem>> -> memref<!tpu.dma_semaphore, #tpu.memory_space<semaphore_mem>>
    tpu.enqueue_indirect_dma source(%dma_start3A_27 : memref<1000000x16xf32, #tpu.memory_space<hbm>>) target(%dma_start3A_22 : memref<3200x16xf32, #tpu.memory_space<vmem>>) offsets(%dma_start3A_24 : memref<3200xi32, #tpu.memory_space<vmem>>) semaphore(%dma_start3A_29 : memref<!tpu.dma_semaphore, #tpu.memory_space<semaphore_mem>>)
    %dma_wait3A = arith.constant 0 : i32
    %dma_wait3A_30 = arith.constant 0 : i32
    %dma_wait3A_31 = arith.constant 0 : i32
    %dma_wait3A_32 = arith.constant 0 : i32
    %dma_wait3A_33 = tpu.memref_slice %arg6[%dma_wait3A, %dma_wait3A_31, %dma_wait3A_32] : memref<2x3200x16xf32, #tpu.memory_space<vmem>> -> memref<1x3200x16xf32, #tpu.memory_space<vmem>>
    %dma_wait3A_34 = tpu.memref_squeeze %dma_wait3A_33 : memref<1x3200x16xf32, #tpu.memory_space<vmem>> -> memref<3200x16xf32, #tpu.memory_space<vmem>>
    %dma_wait3A_35 = arith.constant 0 : i32
    %dma_wait3A_36 = arith.constant 0 : i32
    %dma_wait3A_37 = tpu.memref_slice %arg3[%dma_wait3A_35, %dma_wait3A_36] : memref<1000000x16xf32, #tpu.memory_space<hbm>> -> memref<3200x16xf32, #tpu.memory_space<hbm>>
    %dma_wait3A_38 = tpu.memref_slice %arg8[%dma_wait3A_30] : memref<2x!tpu.dma_semaphore, #tpu.memory_space<semaphore_mem>> -> memref<1x!tpu.dma_semaphore, #tpu.memory_space<semaphore_mem>>
    %dma_wait3A_39 = tpu.memref_squeeze %dma_wait3A_38 : memref<1x!tpu.dma_semaphore, #tpu.memory_space<semaphore_mem>> -> memref<!tpu.dma_semaphore, #tpu.memory_space<semaphore_mem>>
    %dma_wait3A_40 = arith.constant 0 : i32
    %dma_wait3A_41 = arith.constant 0 : i32
    %dma_wait3A_42 = tpu.memref_slice %arg6[%dma_wait3A, %dma_wait3A_40, %dma_wait3A_41] : memref<2x3200x16xf32, #tpu.memory_space<vmem>> -> memref<1x3200x16xf32, #tpu.memory_space<vmem>>
    %dma_wait3A_43 = tpu.memref_squeeze %dma_wait3A_42 : memref<1x3200x16xf32, #tpu.memory_space<vmem>> -> memref<3200x16xf32, #tpu.memory_space<vmem>>
    %dma_wait3A_44 = arith.constant 0 : i32
    %dma_wait3A_45 = arith.constant 0 : i32
    %dma_wait3A_46 = tpu.memref_slice %arg3[%dma_wait3A_44, %dma_wait3A_45] : memref<1000000x16xf32, #tpu.memory_space<hbm>> -> memref<3200x16xf32, #tpu.memory_space<hbm>>
    tpu.wait_dma2 semaphore(%dma_wait3A_39 : memref<!tpu.dma_semaphore, #tpu.memory_space<semaphore_mem>>) src(%dma_wait3A_46 : memref<3200x16xf32, #tpu.memory_space<hbm>>) dst(%dma_wait3A_43 : memref<3200x16xf32, #tpu.memory_space<vmem>>)
    %scan3A = arith.constant 0 : i32
    %scan3A_47 = arith.constant 0 : i32
    %scan3A_48 = arith.constant 64 : i32
    %scan3A_49 = arith.addi %scan3A_47, %scan3A_48 : i32
    %scan3A_50 = arith.constant 1 : i32
    scf.for %scan3A_330 = %scan3A_47 to %scan3A_49 step %scan3A_50  : i32 {
      %mul3A_331 = arith.constant 50 : i32
      %mul3A_332 = arith.muli %scan3A_330, %mul3A_331 : i32
      %get3A = arith.constant 0 : i32
      %get3A_333 = arith.index_cast %get3A : i32 to index
      %get3A_334 = arith.index_cast %mul3A_332 : i32 to index
      %get3A_335 = arith.constant 0 : index
      %get3A_336 = tpu.vector_load %arg6[%get3A_333, %get3A_334, %get3A_335] {strides = array<i32>} : memref<2x3200x16xf32, #tpu.memory_space<vmem>>, vector<1x1x16xf32>,
      %get3A_337 = vector.shape_cast %get3A_336 : vector<1x1x16xf32> to vector<16xf32>
      %add3A_338 = arith.constant 1 : i32
      %add3A_339 = arith.addi %mul3A_332, %add3A_338 : i32
      %get3A_340 = arith.constant 0 : i32
      %get3A_341 = arith.index_cast %get3A_340 : i32 to index
      %get3A_342 = arith.index_cast %add3A_339 : i32 to index
      %get3A_343 = arith.constant 0 : index
      %get3A_344 = tpu.vector_load %arg6[%get3A_341, %get3A_342, %get3A_343] {strides = array<i32>} : memref<2x3200x16xf32, #tpu.memory_space<vmem>>, vector<1x1x16xf32>,
      %get3A_345 = vector.shape_cast %get3A_344 : vector<1x1x16xf32> to vector<16xf32>
      %add3A_346 = arith.constant 2 : i32
      %add3A_347 = arith.addi %mul3A_332, %add3A_346 : i32
      %get3A_348 = arith.constant 0 : i32
      %get3A_349 = arith.index_cast %get3A_348 : i32 to index
      %get3A_350 = arith.index_cast %add3A_347 : i32 to index
      %get3A_351 = arith.constant 0 : index
      %get3A_352 = tpu.vector_load %arg6[%get3A_349, %get3A_350, %get3A_351] {strides = array<i32>} : memref<2x3200x16xf32, #tpu.memory_space<vmem>>, vector<1x1x16xf32>,
      %get3A_353 = vector.shape_cast %get3A_352 : vector<1x1x16xf32> to vector<16xf32>
      %add3A_354 = arith.constant 3 : i32
      %add3A_355 = arith.addi %mul3A_332, %add3A_354 : i32
      %get3A_356 = arith.constant 0 : i32
      %get3A_357 = arith.index_cast %get3A_356 : i32 to index
      %get3A_358 = arith.index_cast %add3A_355 : i32 to index
      %get3A_359 = arith.constant 0 : index
      %get3A_360 = tpu.vector_load %arg6[%get3A_357, %get3A_358, %get3A_359] {strides = array<i32>} : memref<2x3200x16xf32, #tpu.memory_space<vmem>>, vector<1x1x16xf32>,
      %get3A_361 = vector.shape_cast %get3A_360 : vector<1x1x16xf32> to vector<16xf32>
      %add3A_362 = arith.constant 4 : i32
      %add3A_363 = arith.addi %mul3A_332, %add3A_362 : i32
      %get3A_364 = arith.constant 0 : i32
      %get3A_365 = arith.index_cast %get3A_364 : i32 to index
      %get3A_366 = arith.index_cast %add3A_363 : i32 to index
      %get3A_367 = arith.constant 0 : index
      %get3A_368 = tpu.vector_load %arg6[%get3A_365, %get3A_366, %get3A_367] {strides = array<i32>} : memref<2x3200x16xf32, #tpu.memory_space<vmem>>, vector<1x1x16xf32>,
      %get3A_369 = vector.shape_cast %get3A_368 : vector<1x1x16xf32> to vector<16xf32>
      %add3A_370 = arith.addf %get3A_337, %get3A_369 : vector<16xf32>
      %add3A_371 = arith.constant 4 : i32
      %add3A_372 = arith.addi %mul3A_332, %add3A_371 : i32
      %add3A_373 = arith.constant 1 : i32
      %add3A_374 = arith.addi %add3A_372, %add3A_373 : i32
      %get3A_375 = arith.constant 0 : i32
      %get3A_376 = arith.index_cast %get3A_375 : i32 to index
      %get3A_377 = arith.index_cast %add3A_374 : i32 to index
      %get3A_378 = arith.constant 0 : index
      %get3A_379 = tpu.vector_load %arg6[%get3A_376, %get3A_377, %get3A_378] {strides = array<i32>} : memref<2x3200x16xf32, #tpu.memory_space<vmem>>, vector<1x1x16xf32>,
      %get3A_380 = vector.shape_cast %get3A_379 : vector<1x1x16xf32> to vector<16xf32>
      %add3A_381 = arith.addf %get3A_345, %get3A_380 : vector<16xf32>
      %add3A_382 = arith.constant 4 : i32
      %add3A_383 = arith.addi %mul3A_332, %add3A_382 : i32
      %add3A_384 = arith.constant 2 : i32
      %add3A_385 = arith.addi %add3A_383, %add3A_384 : i32
      %get3A_386 = arith.constant 0 : i32
      %get3A_387 = arith.index_cast %get3A_386 : i32 to index
      %get3A_388 = arith.index_cast %add3A_385 : i32 to index
      %get3A_389 = arith.constant 0 : index
      %get3A_390 = tpu.vector_load %arg6[%get3A_387, %get3A_388, %get3A_389] {strides = array<i32>} : memref<2x3200x16xf32, #tpu.memory_space<vmem>>, vector<1x1x16xf32>,
      %get3A_391 = vector.shape_cast %get3A_390 : vector<1x1x16xf32> to vector<16xf32>
      %add3A_392 = arith.addf %get3A_353, %get3A_391 : vector<16xf32>
      %add3A_393 = arith.constant 4 : i32
      %add3A_394 = arith.addi %mul3A_332, %add3A_393 : i32
      %add3A_395 = arith.constant 3 : i32
      %add3A_396 = arith.addi %add3A_394, %add3A_395 : i32
      %get3A_397 = arith.constant 0 : i32
      %get3A_398 = arith.index_cast %get3A_397 : i32 to index
      %get3A_399 = arith.index_cast %add3A_396 : i32 to index
      %get3A_400 = arith.constant 0 : index
      %get3A_401 = tpu.vector_load %arg6[%get3A_398, %get3A_399, %get3A_400] {strides = array<i32>} : memref<2x3200x16xf32, #tpu.memory_space<vmem>>, vector<1x1x16xf32>,
      %get3A_402 = vector.shape_cast %get3A_401 : vector<1x1x16xf32> to vector<16xf32>
      %add3A_403 = arith.addf %get3A_361, %get3A_402 : vector<16xf32>
      %add3A_404 = arith.constant 8 : i32
      %add3A_405 = arith.addi %mul3A_332, %add3A_404 : i32
      %get3A_406 = arith.constant 0 : i32
      %get3A_407 = arith.index_cast %get3A_406 : i32 to index
      %get3A_408 = arith.index_cast %add3A_405 : i32 to index
      %get3A_409 = arith.constant 0 : index
      %get3A_410 = tpu.vector_load %arg6[%get3A_407, %get3A_408, %get3A_409] {strides = array<i32>} : memref<2x3200x16xf32, #tpu.memory_space<vmem>>, vector<1x1x16xf32>,
      %get3A_411 = vector.shape_cast %get3A_410 : vector<1x1x16xf32> to vector<16xf32>
      %add3A_412 = arith.addf %add3A_370, %get3A_411 : vector<16xf32>
      %add3A_413 = arith.constant 8 : i32
      %add3A_414 = arith.addi %mul3A_332, %add3A_413 : i32
      %add3A_415 = arith.constant 1 : i32
      %add3A_416 = arith.addi %add3A_414, %add3A_415 : i32
      %get3A_417 = arith.constant 0 : i32
      %get3A_418 = arith.index_cast %get3A_417 : i32 to index
      %get3A_419 = arith.index_cast %add3A_416 : i32 to index
      %get3A_420 = arith.constant 0 : index
      %get3A_421 = tpu.vector_load %arg6[%get3A_418, %get3A_419, %get3A_420] {strides = array<i32>} : memref<2x3200x16xf32, #tpu.memory_space<vmem>>, vector<1x1x16xf32>,
      %get3A_422 = vector.shape_cast %get3A_421 : vector<1x1x16xf32> to vector<16xf32>
      %add3A_423 = arith.addf %add3A_381, %get3A_422 : vector<16xf32>
      %add3A_424 = arith.constant 8 : i32
      %add3A_425 = arith.addi %mul3A_332, %add3A_424 : i32
      %add3A_426 = arith.constant 2 : i32
      %add3A_427 = arith.addi %add3A_425, %add3A_426 : i32
      %get3A_428 = arith.constant 0 : i32
      %get3A_429 = arith.index_cast %get3A_428 : i32 to index
      %get3A_430 = arith.index_cast %add3A_427 : i32 to index
      %get3A_431 = arith.constant 0 : index
      %get3A_432 = tpu.vector_load %arg6[%get3A_429, %get3A_430, %get3A_431] {strides = array<i32>} : memref<2x3200x16xf32, #tpu.memory_space<vmem>>, vector<1x1x16xf32>,
      %get3A_433 = vector.shape_cast %get3A_432 : vector<1x1x16xf32> to vector<16xf32>
      %add3A_434 = arith.addf %add3A_392, %get3A_433 : vector<16xf32>
      %add3A_435 = arith.constant 8 : i32
      %add3A_436 = arith.addi %mul3A_332, %add3A_435 : i32
      %add3A_437 = arith.constant 3 : i32
      %add3A_438 = arith.addi %add3A_436, %add3A_437 : i32
      %get3A_439 = arith.constant 0 : i32
      %get3A_440 = arith.index_cast %get3A_439 : i32 to index
      %get3A_441 = arith.index_cast %add3A_438 : i32 to index
      %get3A_442 = arith.constant 0 : index
      %get3A_443 = tpu.vector_load %arg6[%get3A_440, %get3A_441, %get3A_442] {strides = array<i32>} : memref<2x3200x16xf32, #tpu.memory_space<vmem>>, vector<1x1x16xf32>,
      %get3A_444 = vector.shape_cast %get3A_443 : vector<1x1x16xf32> to vector<16xf32>
      %add3A_445 = arith.addf %add3A_403, %get3A_444 : vector<16xf32>
      %add3A_446 = arith.constant 12 : i32
      %add3A_447 = arith.addi %mul3A_332, %add3A_446 : i32
      %get3A_448 = arith.constant 0 : i32
      %get3A_449 = arith.index_cast %get3A_448 : i32 to index
      %get3A_450 = arith.index_cast %add3A_447 : i32 to index
      %get3A_451 = arith.constant 0 : index
      %get3A_452 = tpu.vector_load %arg6[%get3A_449, %get3A_450, %get3A_451] {strides = array<i32>} : memref<2x3200x16xf32, #tpu.memory_space<vmem>>, vector<1x1x16xf32>,
      %get3A_453 = vector.shape_cast %get3A_452 : vector<1x1x16xf32> to vector<16xf32>
      %add3A_454 = arith.addf %add3A_412, %get3A_453 : vector<16xf32>
      %add3A_455 = arith.constant 12 : i32
      %add3A_456 = arith.addi %mul3A_332, %add3A_455 : i32
      %add3A_457 = arith.constant 1 : i32
      %add3A_458 = arith.addi %add3A_456, %add3A_457 : i32
      %get3A_459 = arith.constant 0 : i32
      %get3A_460 = arith.index_cast %get3A_459 : i32 to index
      %get3A_461 = arith.index_cast %add3A_458 : i32 to index
      %get3A_462 = arith.constant 0 : index
      %get3A_463 = tpu.vector_load %arg6[%get3A_460, %get3A_461, %get3A_462] {strides = array<i32>} : memref<2x3200x16xf32, #tpu.memory_space<vmem>>, vector<1x1x16xf32>,
      %get3A_464 = vector.shape_cast %get3A_463 : vector<1x1x16xf32> to vector<16xf32>
      %add3A_465 = arith.addf %add3A_423, %get3A_464 : vector<16xf32>
      %add3A_466 = arith.constant 12 : i32
      %add3A_467 = arith.addi %mul3A_332, %add3A_466 : i32
      %add3A_468 = arith.constant 2 : i32
      %add3A_469 = arith.addi %add3A_467, %add3A_468 : i32
      %get3A_470 = arith.constant 0 : i32
      %get3A_471 = arith.index_cast %get3A_470 : i32 to index
      %get3A_472 = arith.index_cast %add3A_469 : i32 to index
      %get3A_473 = arith.constant 0 : index
      %get3A_474 = tpu.vector_load %arg6[%get3A_471, %get3A_472, %get3A_473] {strides = array<i32>} : memref<2x3200x16xf32, #tpu.memory_space<vmem>>, vector<1x1x16xf32>,
      %get3A_475 = vector.shape_cast %get3A_474 : vector<1x1x16xf32> to vector<16xf32>
      %add3A_476 = arith.addf %add3A_434, %get3A_475 : vector<16xf32>
      %add3A_477 = arith.constant 12 : i32
      %add3A_478 = arith.addi %mul3A_332, %add3A_477 : i32
      %add3A_479 = arith.constant 3 : i32
      %add3A_480 = arith.addi %add3A_478, %add3A_479 : i32
      %get3A_481 = arith.constant 0 : i32
      %get3A_482 = arith.index_cast %get3A_481 : i32 to index
      %get3A_483 = arith.index_cast %add3A_480 : i32 to index
      %get3A_484 = arith.constant 0 : index
      %get3A_485 = tpu.vector_load %arg6[%get3A_482, %get3A_483, %get3A_484] {strides = array<i32>} : memref<2x3200x16xf32, #tpu.memory_space<vmem>>, vector<1x1x16xf32>,
      %get3A_486 = vector.shape_cast %get3A_485 : vector<1x1x16xf32> to vector<16xf32>
      %add3A_487 = arith.addf %add3A_445, %get3A_486 : vector<16xf32>
      %add3A_488 = arith.constant 16 : i32
      %add3A_489 = arith.addi %mul3A_332, %add3A_488 : i32
      %get3A_490 = arith.constant 0 : i32
      %get3A_491 = arith.index_cast %get3A_490 : i32 to index
      %get3A_492 = arith.index_cast %add3A_489 : i32 to index
      %get3A_493 = arith.constant 0 : index
      %get3A_494 = tpu.vector_load %arg6[%get3A_491, %get3A_492, %get3A_493] {strides = array<i32>} : memref<2x3200x16xf32, #tpu.memory_space<vmem>>, vector<1x1x16xf32>,
      %get3A_495 = vector.shape_cast %get3A_494 : vector<1x1x16xf32> to vector<16xf32>
      %add3A_496 = arith.addf %add3A_454, %get3A_495 : vector<16xf32>
      %add3A_497 = arith.constant 16 : i32
      %add3A_498 = arith.addi %mul3A_332, %add3A_497 : i32
      %add3A_499 = arith.constant 1 : i32
      %add3A_500 = arith.addi %add3A_498, %add3A_499 : i32
      %get3A_501 = arith.constant 0 : i32
      %get3A_502 = arith.index_cast %get3A_501 : i32 to index
      %get3A_503 = arith.index_cast %add3A_500 : i32 to index
      %get3A_504 = arith.constant 0 : index
      %get3A_505 = tpu.vector_load %arg6[%get3A_502, %get3A_503, %get3A_504] {strides = array<i32>} : memref<2x3200x16xf32, #tpu.memory_space<vmem>>, vector<1x1x16xf32>,
      %get3A_506 = vector.shape_cast %get3A_505 : vector<1x1x16xf32> to vector<16xf32>
      %add3A_507 = arith.addf %add3A_465, %get3A_506 : vector<16xf32>
      %add3A_508 = arith.constant 16 : i32
      %add3A_509 = arith.addi %mul3A_332, %add3A_508 : i32
      %add3A_510 = arith.constant 2 : i32
      %add3A_511 = arith.addi %add3A_509, %add3A_510 : i32
      %get3A_512 = arith.constant 0 : i32
      %get3A_513 = arith.index_cast %get3A_512 : i32 to index
      %get3A_514 = arith.index_cast %add3A_511 : i32 to index
      %get3A_515 = arith.constant 0 : index
      %get3A_516 = tpu.vector_load %arg6[%get3A_513, %get3A_514, %get3A_515] {strides = array<i32>} : memref<2x3200x16xf32, #tpu.memory_space<vmem>>, vector<1x1x16xf32>,
      %get3A_517 = vector.shape_cast %get3A_516 : vector<1x1x16xf32> to vector<16xf32>
      %add3A_518 = arith.addf %add3A_476, %get3A_517 : vector<16xf32>
      %add3A_519 = arith.constant 16 : i32
      %add3A_520 = arith.addi %mul3A_332, %add3A_519 : i32
      %add3A_521 = arith.constant 3 : i32
      %add3A_522 = arith.addi %add3A_520, %add3A_521 : i32
      %get3A_523 = arith.constant 0 : i32
      %get3A_524 = arith.index_cast %get3A_523 : i32 to index
      %get3A_525 = arith.index_cast %add3A_522 : i32 to index
      %get3A_526 = arith.constant 0 : index
      %get3A_527 = tpu.vector_load %arg6[%get3A_524, %get3A_525, %get3A_526] {strides = array<i32>} : memref<2x3200x16xf32, #tpu.memory_space<vmem>>, vector<1x1x16xf32>,
      %get3A_528 = vector.shape_cast %get3A_527 : vector<1x1x16xf32> to vector<16xf32>
      %add3A_529 = arith.addf %add3A_487, %get3A_528 : vector<16xf32>
      %add3A_530 = arith.constant 20 : i32
      %add3A_531 = arith.addi %mul3A_332, %add3A_530 : i32
      %get3A_532 = arith.constant 0 : i32
      %get3A_533 = arith.index_cast %get3A_532 : i32 to index
      %get3A_534 = arith.index_cast %add3A_531 : i32 to index
      %get3A_535 = arith.constant 0 : index
      %get3A_536 = tpu.vector_load %arg6[%get3A_533, %get3A_534, %get3A_535] {strides = array<i32>} : memref<2x3200x16xf32, #tpu.memory_space<vmem>>, vector<1x1x16xf32>,
      %get3A_537 = vector.shape_cast %get3A_536 : vector<1x1x16xf32> to vector<16xf32>
      %add3A_538 = arith.addf %add3A_496, %get3A_537 : vector<16xf32>
      %add3A_539 = arith.constant 20 : i32
      %add3A_540 = arith.addi %mul3A_332, %add3A_539 : i32
      %add3A_541 = arith.constant 1 : i32
      %add3A_542 = arith.addi %add3A_540, %add3A_541 : i32
      %get3A_543 = arith.constant 0 : i32
      %get3A_544 = arith.index_cast %get3A_543 : i32 to index
      %get3A_545 = arith.index_cast %add3A_542 : i32 to index
      %get3A_546 = arith.constant 0 : index
      %get3A_547 = tpu.vector_load %arg6[%get3A_544, %get3A_545, %get3A_546] {strides = array<i32>} : memref<2x3200x16xf32, #tpu.memory_space<vmem>>, vector<1x1x16xf32>,
      %get3A_548 = vector.shape_cast %get3A_547 : vector<1x1x16xf32> to vector<16xf32>
      %add3A_549 = arith.addf %add3A_507, %get3A_548 : vector<16xf32>
      %add3A_550 = arith.constant 20 : i32
      %add3A_551 = arith.addi %mul3A_332, %add3A_550 : i32
      %add3A_552 = arith.constant 2 : i32
      %add3A_553 = arith.addi %add3A_551, %add3A_552 : i32
      %get3A_554 = arith.constant 0 : i32
      %get3A_555 = arith.index_cast %get3A_554 : i32 to index
      %get3A_556 = arith.index_cast %add3A_553 : i32 to index
      %get3A_557 = arith.constant 0 : index
      %get3A_558 = tpu.vector_load %arg6[%get3A_555, %get3A_556, %get3A_557] {strides = array<i32>} : memref<2x3200x16xf32, #tpu.memory_space<vmem>>, vector<1x1x16xf32>,
      %get3A_559 = vector.shape_cast %get3A_558 : vector<1x1x16xf32> to vector<16xf32>
      %add3A_560 = arith.addf %add3A_518, %get3A_559 : vector<16xf32>
      %add3A_561 = arith.constant 20 : i32
      %add3A_562 = arith.addi %mul3A_332, %add3A_561 : i32
      %add3A_563 = arith.constant 3 : i32
      %add3A_564 = arith.addi %add3A_562, %add3A_563 : i32
      %get3A_565 = arith.constant 0 : i32
      %get3A_566 = arith.index_cast %get3A_565 : i32 to index
      %get3A_567 = arith.index_cast %add3A_564 : i32 to index
      %get3A_568 = arith.constant 0 : index
      %get3A_569 = tpu.vector_load %arg6[%get3A_566, %get3A_567, %get3A_568] {strides = array<i32>} : memref<2x3200x16xf32, #tpu.memory_space<vmem>>, vector<1x1x16xf32>,
      %get3A_570 = vector.shape_cast %get3A_569 : vector<1x1x16xf32> to vector<16xf32>
      %add3A_571 = arith.addf %add3A_529, %get3A_570 : vector<16xf32>
      %add3A_572 = arith.constant 24 : i32
      %add3A_573 = arith.addi %mul3A_332, %add3A_572 : i32
      %get3A_574 = arith.constant 0 : i32
      %get3A_575 = arith.index_cast %get3A_574 : i32 to index
      %get3A_576 = arith.index_cast %add3A_573 : i32 to index
      %get3A_577 = arith.constant 0 : index
      %get3A_578 = tpu.vector_load %arg6[%get3A_575, %get3A_576, %get3A_577] {strides = array<i32>} : memref<2x3200x16xf32, #tpu.memory_space<vmem>>, vector<1x1x16xf32>,
      %get3A_579 = vector.shape_cast %get3A_578 : vector<1x1x16xf32> to vector<16xf32>
      %add3A_580 = arith.addf %add3A_538, %get3A_579 : vector<16xf32>
      %add3A_581 = arith.constant 24 : i32
      %add3A_582 = arith.addi %mul3A_332, %add3A_581 : i32
      %add3A_583 = arith.constant 1 : i32
      %add3A_584 = arith.addi %add3A_582, %add3A_583 : i32
      %get3A_585 = arith.constant 0 : i32
      %get3A_586 = arith.index_cast %get3A_585 : i32 to index
      %get3A_587 = arith.index_cast %add3A_584 : i32 to index
      %get3A_588 = arith.constant 0 : index
      %get3A_589 = tpu.vector_load %arg6[%get3A_586, %get3A_587, %get3A_588] {strides = array<i32>} : memref<2x3200x16xf32, #tpu.memory_space<vmem>>, vector<1x1x16xf32>,
      %get3A_590 = vector.shape_cast %get3A_589 : vector<1x1x16xf32> to vector<16xf32>
      %add3A_591 = arith.addf %add3A_549, %get3A_590 : vector<16xf32>
      %add3A_592 = arith.constant 24 : i32
      %add3A_593 = arith.addi %mul3A_332, %add3A_592 : i32
      %add3A_594 = arith.constant 2 : i32
      %add3A_595 = arith.addi %add3A_593, %add3A_594 : i32
      %get3A_596 = arith.constant 0 : i32
      %get3A_597 = arith.index_cast %get3A_596 : i32 to index
      %get3A_598 = arith.index_cast %add3A_595 : i32 to index
      %get3A_599 = arith.constant 0 : index
      %get3A_600 = tpu.vector_load %arg6[%get3A_597, %get3A_598, %get3A_599] {strides = array<i32>} : memref<2x3200x16xf32, #tpu.memory_space<vmem>>, vector<1x1x16xf32>,
      %get3A_601 = vector.shape_cast %get3A_600 : vector<1x1x16xf32> to vector<16xf32>
      %add3A_602 = arith.addf %add3A_560, %get3A_601 : vector<16xf32>
      %add3A_603 = arith.constant 24 : i32
      %add3A_604 = arith.addi %mul3A_332, %add3A_603 : i32
      %add3A_605 = arith.constant 3 : i32
      %add3A_606 = arith.addi %add3A_604, %add3A_605 : i32
      %get3A_607 = arith.constant 0 : i32
      %get3A_608 = arith.index_cast %get3A_607 : i32 to index
      %get3A_609 = arith.index_cast %add3A_606 : i32 to index
      %get3A_610 = arith.constant 0 : index
      %get3A_611 = tpu.vector_load %arg6[%get3A_608, %get3A_609, %get3A_610] {strides = array<i32>} : memref<2x3200x16xf32, #tpu.memory_space<vmem>>, vector<1x1x16xf32>,
      %get3A_612 = vector.shape_cast %get3A_611 : vector<1x1x16xf32> to vector<16xf32>
      %add3A_613 = arith.addf %add3A_571, %get3A_612 : vector<16xf32>
      %add3A_614 = arith.constant 28 : i32
      %add3A_615 = arith.addi %mul3A_332, %add3A_614 : i32
      %get3A_616 = arith.constant 0 : i32
      %get3A_617 = arith.index_cast %get3A_616 : i32 to index
      %get3A_618 = arith.index_cast %add3A_615 : i32 to index
      %get3A_619 = arith.constant 0 : index
      %get3A_620 = tpu.vector_load %arg6[%get3A_617, %get3A_618, %get3A_619] {strides = array<i32>} : memref<2x3200x16xf32, #tpu.memory_space<vmem>>, vector<1x1x16xf32>,
      %get3A_621 = vector.shape_cast %get3A_620 : vector<1x1x16xf32> to vector<16xf32>
      %add3A_622 = arith.addf %add3A_580, %get3A_621 : vector<16xf32>
      %add3A_623 = arith.constant 28 : i32
      %add3A_624 = arith.addi %mul3A_332, %add3A_623 : i32
      %add3A_625 = arith.constant 1 : i32
      %add3A_626 = arith.addi %add3A_624, %add3A_625 : i32
      %get3A_627 = arith.constant 0 : i32
      %get3A_628 = arith.index_cast %get3A_627 : i32 to index
      %get3A_629 = arith.index_cast %add3A_626 : i32 to index
      %get3A_630 = arith.constant 0 : index
      %get3A_631 = tpu.vector_load %arg6[%get3A_628, %get3A_629, %get3A_630] {strides = array<i32>} : memref<2x3200x16xf32, #tpu.memory_space<vmem>>, vector<1x1x16xf32>,
      %get3A_632 = vector.shape_cast %get3A_631 : vector<1x1x16xf32> to vector<16xf32>
      %add3A_633 = arith.addf %add3A_591, %get3A_632 : vector<16xf32>
      %add3A_634 = arith.constant 28 : i32
      %add3A_635 = arith.addi %mul3A_332, %add3A_634 : i32
      %add3A_636 = arith.constant 2 : i32
      %add3A_637 = arith.addi %add3A_635, %add3A_636 : i32
      %get3A_638 = arith.constant 0 : i32
      %get3A_639 = arith.index_cast %get3A_638 : i32 to index
      %get3A_640 = arith.index_cast %add3A_637 : i32 to index
      %get3A_641 = arith.constant 0 : index
      %get3A_642 = tpu.vector_load %arg6[%get3A_639, %get3A_640, %get3A_641] {strides = array<i32>} : memref<2x3200x16xf32, #tpu.memory_space<vmem>>, vector<1x1x16xf32>,
      %get3A_643 = vector.shape_cast %get3A_642 : vector<1x1x16xf32> to vector<16xf32>
      %add3A_644 = arith.addf %add3A_602, %get3A_643 : vector<16xf32>
      %add3A_645 = arith.constant 28 : i32
      %add3A_646 = arith.addi %mul3A_332, %add3A_645 : i32
      %add3A_647 = arith.constant 3 : i32
      %add3A_648 = arith.addi %add3A_646, %add3A_647 : i32
      %get3A_649 = arith.constant 0 : i32
      %get3A_650 = arith.index_cast %get3A_649 : i32 to index
      %get3A_651 = arith.index_cast %add3A_648 : i32 to index
      %get3A_652 = arith.constant 0 : index
      %get3A_653 = tpu.vector_load %arg6[%get3A_650, %get3A_651, %get3A_652] {strides = array<i32>} : memref<2x3200x16xf32, #tpu.memory_space<vmem>>, vector<1x1x16xf32>,
      %get3A_654 = vector.shape_cast %get3A_653 : vector<1x1x16xf32> to vector<16xf32>
      %add3A_655 = arith.addf %add3A_613, %get3A_654 : vector<16xf32>
      %add3A_656 = arith.constant 32 : i32
      %add3A_657 = arith.addi %mul3A_332, %add3A_656 : i32
      %get3A_658 = arith.constant 0 : i32
      %get3A_659 = arith.index_cast %get3A_658 : i32 to index
      %get3A_660 = arith.index_cast %add3A_657 : i32 to index
      %get3A_661 = arith.constant 0 : index
      %get3A_662 = tpu.vector_load %arg6[%get3A_659, %get3A_660, %get3A_661] {strides = array<i32>} : memref<2x3200x16xf32, #tpu.memory_space<vmem>>, vector<1x1x16xf32>,
      %get3A_663 = vector.shape_cast %get3A_662 : vector<1x1x16xf32> to vector<16xf32>
      %add3A_664 = arith.addf %add3A_622, %get3A_663 : vector<16xf32>
      %add3A_665 = arith.constant 32 : i32
      %add3A_666 = arith.addi %mul3A_332, %add3A_665 : i32
      %add3A_667 = arith.constant 1 : i32
      %add3A_668 = arith.addi %add3A_666, %add3A_667 : i32
      %get3A_669 = arith.constant 0 : i32
      %get3A_670 = arith.index_cast %get3A_669 : i32 to index
      %get3A_671 = arith.index_cast %add3A_668 : i32 to index
      %get3A_672 = arith.constant 0 : index
      %get3A_673 = tpu.vector_load %arg6[%get3A_670, %get3A_671, %get3A_672] {strides = array<i32>} : memref<2x3200x16xf32, #tpu.memory_space<vmem>>, vector<1x1x16xf32>,
      %get3A_674 = vector.shape_cast %get3A_673 : vector<1x1x16xf32> to vector<16xf32>
      %add3A_675 = arith.addf %add3A_633, %get3A_674 : vector<16xf32>
      %add3A_676 = arith.constant 32 : i32
      %add3A_677 = arith.addi %mul3A_332, %add3A_676 : i32
      %add3A_678 = arith.constant 2 : i32
      %add3A_679 = arith.addi %add3A_677, %add3A_678 : i32
      %get3A_680 = arith.constant 0 : i32
      %get3A_681 = arith.index_cast %get3A_680 : i32 to index
      %get3A_682 = arith.index_cast %add3A_679 : i32 to index
      %get3A_683 = arith.constant 0 : index
      %get3A_684 = tpu.vector_load %arg6[%get3A_681, %get3A_682, %get3A_683] {strides = array<i32>} : memref<2x3200x16xf32, #tpu.memory_space<vmem>>, vector<1x1x16xf32>,
      %get3A_685 = vector.shape_cast %get3A_684 : vector<1x1x16xf32> to vector<16xf32>
      %add3A_686 = arith.addf %add3A_644, %get3A_685 : vector<16xf32>
      %add3A_687 = arith.constant 32 : i32
      %add3A_688 = arith.addi %mul3A_332, %add3A_687 : i32
      %add3A_689 = arith.constant 3 : i32
      %add3A_690 = arith.addi %add3A_688, %add3A_689 : i32
      %get3A_691 = arith.constant 0 : i32
      %get3A_692 = arith.index_cast %get3A_691 : i32 to index
      %get3A_693 = arith.index_cast %add3A_690 : i32 to index
      %get3A_694 = arith.constant 0 : index
      %get3A_695 = tpu.vector_load %arg6[%get3A_692, %get3A_693, %get3A_694] {strides = array<i32>} : memref<2x3200x16xf32, #tpu.memory_space<vmem>>, vector<1x1x16xf32>,
      %get3A_696 = vector.shape_cast %get3A_695 : vector<1x1x16xf32> to vector<16xf32>
      %add3A_697 = arith.addf %add3A_655, %get3A_696 : vector<16xf32>
      %add3A_698 = arith.constant 36 : i32
      %add3A_699 = arith.addi %mul3A_332, %add3A_698 : i32
      %get3A_700 = arith.constant 0 : i32
      %get3A_701 = arith.index_cast %get3A_700 : i32 to index
      %get3A_702 = arith.index_cast %add3A_699 : i32 to index
      %get3A_703 = arith.constant 0 : index
      %get3A_704 = tpu.vector_load %arg6[%get3A_701, %get3A_702, %get3A_703] {strides = array<i32>} : memref<2x3200x16xf32, #tpu.memory_space<vmem>>, vector<1x1x16xf32>,
      %get3A_705 = vector.shape_cast %get3A_704 : vector<1x1x16xf32> to vector<16xf32>
      %add3A_706 = arith.addf %add3A_664, %get3A_705 : vector<16xf32>
      %add3A_707 = arith.constant 36 : i32
      %add3A_708 = arith.addi %mul3A_332, %add3A_707 : i32
      %add3A_709 = arith.constant 1 : i32
      %add3A_710 = arith.addi %add3A_708, %add3A_709 : i32
      %get3A_711 = arith.constant 0 : i32
      %get3A_712 = arith.index_cast %get3A_711 : i32 to index
      %get3A_713 = arith.index_cast %add3A_710 : i32 to index
      %get3A_714 = arith.constant 0 : index
      %get3A_715 = tpu.vector_load %arg6[%get3A_712, %get3A_713, %get3A_714] {strides = array<i32>} : memref<2x3200x16xf32, #tpu.memory_space<vmem>>, vector<1x1x16xf32>,
      %get3A_716 = vector.shape_cast %get3A_715 : vector<1x1x16xf32> to vector<16xf32>
      %add3A_717 = arith.addf %add3A_675, %get3A_716 : vector<16xf32>
      %add3A_718 = arith.constant 36 : i32
      %add3A_719 = arith.addi %mul3A_332, %add3A_718 : i32
      %add3A_720 = arith.constant 2 : i32
      %add3A_721 = arith.addi %add3A_719, %add3A_720 : i32
      %get3A_722 = arith.constant 0 : i32
      %get3A_723 = arith.index_cast %get3A_722 : i32 to index
      %get3A_724 = arith.index_cast %add3A_721 : i32 to index
      %get3A_725 = arith.constant 0 : index
      %get3A_726 = tpu.vector_load %arg6[%get3A_723, %get3A_724, %get3A_725] {strides = array<i32>} : memref<2x3200x16xf32, #tpu.memory_space<vmem>>, vector<1x1x16xf32>,
      %get3A_727 = vector.shape_cast %get3A_726 : vector<1x1x16xf32> to vector<16xf32>
      %add3A_728 = arith.addf %add3A_686, %get3A_727 : vector<16xf32>
      %add3A_729 = arith.constant 36 : i32
      %add3A_730 = arith.addi %mul3A_332, %add3A_729 : i32
      %add3A_731 = arith.constant 3 : i32
      %add3A_732 = arith.addi %add3A_730, %add3A_731 : i32
      %get3A_733 = arith.constant 0 : i32
      %get3A_734 = arith.index_cast %get3A_733 : i32 to index
      %get3A_735 = arith.index_cast %add3A_732 : i32 to index
      %get3A_736 = arith.constant 0 : index
      %get3A_737 = tpu.vector_load %arg6[%get3A_734, %get3A_735, %get3A_736] {strides = array<i32>} : memref<2x3200x16xf32, #tpu.memory_space<vmem>>, vector<1x1x16xf32>,
      %get3A_738 = vector.shape_cast %get3A_737 : vector<1x1x16xf32> to vector<16xf32>
      %add3A_739 = arith.addf %add3A_697, %get3A_738 : vector<16xf32>
      %add3A_740 = arith.constant 40 : i32
      %add3A_741 = arith.addi %mul3A_332, %add3A_740 : i32
      %get3A_742 = arith.constant 0 : i32
      %get3A_743 = arith.index_cast %get3A_742 : i32 to index
      %get3A_744 = arith.index_cast %add3A_741 : i32 to index
      %get3A_745 = arith.constant 0 : index
      %get3A_746 = tpu.vector_load %arg6[%get3A_743, %get3A_744, %get3A_745] {strides = array<i32>} : memref<2x3200x16xf32, #tpu.memory_space<vmem>>, vector<1x1x16xf32>,
      %get3A_747 = vector.shape_cast %get3A_746 : vector<1x1x16xf32> to vector<16xf32>
      %add3A_748 = arith.addf %add3A_706, %get3A_747 : vector<16xf32>
      %add3A_749 = arith.constant 40 : i32
      %add3A_750 = arith.addi %mul3A_332, %add3A_749 : i32
      %add3A_751 = arith.constant 1 : i32
      %add3A_752 = arith.addi %add3A_750, %add3A_751 : i32
      %get3A_753 = arith.constant 0 : i32
      %get3A_754 = arith.index_cast %get3A_753 : i32 to index
      %get3A_755 = arith.index_cast %add3A_752 : i32 to index
      %get3A_756 = arith.constant 0 : index
      %get3A_757 = tpu.vector_load %arg6[%get3A_754, %get3A_755, %get3A_756] {strides = array<i32>} : memref<2x3200x16xf32, #tpu.memory_space<vmem>>, vector<1x1x16xf32>,
      %get3A_758 = vector.shape_cast %get3A_757 : vector<1x1x16xf32> to vector<16xf32>
      %add3A_759 = arith.addf %add3A_717, %get3A_758 : vector<16xf32>
      %add3A_760 = arith.constant 40 : i32
      %add3A_761 = arith.addi %mul3A_332, %add3A_760 : i32
      %add3A_762 = arith.constant 2 : i32
      %add3A_763 = arith.addi %add3A_761, %add3A_762 : i32
      %get3A_764 = arith.constant 0 : i32
      %get3A_765 = arith.index_cast %get3A_764 : i32 to index
      %get3A_766 = arith.index_cast %add3A_763 : i32 to index
      %get3A_767 = arith.constant 0 : index
      %get3A_768 = tpu.vector_load %arg6[%get3A_765, %get3A_766, %get3A_767] {strides = array<i32>} : memref<2x3200x16xf32, #tpu.memory_space<vmem>>, vector<1x1x16xf32>,
      %get3A_769 = vector.shape_cast %get3A_768 : vector<1x1x16xf32> to vector<16xf32>
      %add3A_770 = arith.addf %add3A_728, %get3A_769 : vector<16xf32>
      %add3A_771 = arith.constant 40 : i32
      %add3A_772 = arith.addi %mul3A_332, %add3A_771 : i32
      %add3A_773 = arith.constant 3 : i32
      %add3A_774 = arith.addi %add3A_772, %add3A_773 : i32
      %get3A_775 = arith.constant 0 : i32
      %get3A_776 = arith.index_cast %get3A_775 : i32 to index
      %get3A_777 = arith.index_cast %add3A_774 : i32 to index
      %get3A_778 = arith.constant 0 : index
      %get3A_779 = tpu.vector_load %arg6[%get3A_776, %get3A_777, %get3A_778] {strides = array<i32>} : memref<2x3200x16xf32, #tpu.memory_space<vmem>>, vector<1x1x16xf32>,
      %get3A_780 = vector.shape_cast %get3A_779 : vector<1x1x16xf32> to vector<16xf32>
      %add3A_781 = arith.addf %add3A_739, %get3A_780 : vector<16xf32>
      %add3A_782 = arith.constant 44 : i32
      %add3A_783 = arith.addi %mul3A_332, %add3A_782 : i32
      %get3A_784 = arith.constant 0 : i32
      %get3A_785 = arith.index_cast %get3A_784 : i32 to index
      %get3A_786 = arith.index_cast %add3A_783 : i32 to index
      %get3A_787 = arith.constant 0 : index
      %get3A_788 = tpu.vector_load %arg6[%get3A_785, %get3A_786, %get3A_787] {strides = array<i32>} : memref<2x3200x16xf32, #tpu.memory_space<vmem>>, vector<1x1x16xf32>,
      %get3A_789 = vector.shape_cast %get3A_788 : vector<1x1x16xf32> to vector<16xf32>
      %add3A_790 = arith.addf %add3A_748, %get3A_789 : vector<16xf32>
      %add3A_791 = arith.constant 44 : i32
      %add3A_792 = arith.addi %mul3A_332, %add3A_791 : i32
      %add3A_793 = arith.constant 1 : i32
      %add3A_794 = arith.addi %add3A_792, %add3A_793 : i32
      %get3A_795 = arith.constant 0 : i32
      %get3A_796 = arith.index_cast %get3A_795 : i32 to index
      %get3A_797 = arith.index_cast %add3A_794 : i32 to index
      %get3A_798 = arith.constant 0 : index
      %get3A_799 = tpu.vector_load %arg6[%get3A_796, %get3A_797, %get3A_798] {strides = array<i32>} : memref<2x3200x16xf32, #tpu.memory_space<vmem>>, vector<1x1x16xf32>,
      %get3A_800 = vector.shape_cast %get3A_799 : vector<1x1x16xf32> to vector<16xf32>
      %add3A_801 = arith.addf %add3A_759, %get3A_800 : vector<16xf32>
      %add3A_802 = arith.constant 44 : i32
      %add3A_803 = arith.addi %mul3A_332, %add3A_802 : i32
      %add3A_804 = arith.constant 2 : i32
      %add3A_805 = arith.addi %add3A_803, %add3A_804 : i32
      %get3A_806 = arith.constant 0 : i32
      %get3A_807 = arith.index_cast %get3A_806 : i32 to index
      %get3A_808 = arith.index_cast %add3A_805 : i32 to index
      %get3A_809 = arith.constant 0 : index
      %get3A_810 = tpu.vector_load %arg6[%get3A_807, %get3A_808, %get3A_809] {strides = array<i32>} : memref<2x3200x16xf32, #tpu.memory_space<vmem>>, vector<1x1x16xf32>,
      %get3A_811 = vector.shape_cast %get3A_810 : vector<1x1x16xf32> to vector<16xf32>
      %add3A_812 = arith.addf %add3A_770, %get3A_811 : vector<16xf32>
      %add3A_813 = arith.constant 44 : i32
      %add3A_814 = arith.addi %mul3A_332, %add3A_813 : i32
      %add3A_815 = arith.constant 3 : i32
      %add3A_816 = arith.addi %add3A_814, %add3A_815 : i32
      %get3A_817 = arith.constant 0 : i32
      %get3A_818 = arith.index_cast %get3A_817 : i32 to index
      %get3A_819 = arith.index_cast %add3A_816 : i32 to index
      %get3A_820 = arith.constant 0 : index
      %get3A_821 = tpu.vector_load %arg6[%get3A_818, %get3A_819, %get3A_820] {strides = array<i32>} : memref<2x3200x16xf32, #tpu.memory_space<vmem>>, vector<1x1x16xf32>,
      %get3A_822 = vector.shape_cast %get3A_821 : vector<1x1x16xf32> to vector<16xf32>
      %add3A_823 = arith.addf %add3A_781, %get3A_822 : vector<16xf32>
      %add3A_824 = arith.constant 50 : i32
      %add3A_825 = arith.addi %mul3A_332, %add3A_824 : i32
      %sub3A = arith.constant 2 : i32
      %sub3A_826 = arith.subi %add3A_825, %sub3A : i32
      %get3A_827 = arith.constant 0 : i32
      %get3A_828 = arith.index_cast %get3A_827 : i32 to index
      %get3A_829 = arith.index_cast %sub3A_826 : i32 to index
      %get3A_830 = arith.constant 0 : index
      %get3A_831 = tpu.vector_load %arg6[%get3A_828, %get3A_829, %get3A_830] {strides = array<i32>} : memref<2x3200x16xf32, #tpu.memory_space<vmem>>, vector<1x1x16xf32>,
      %get3A_832 = vector.shape_cast %get3A_831 : vector<1x1x16xf32> to vector<16xf32>
      %add3A_833 = arith.addf %add3A_790, %get3A_832 : vector<16xf32>
      %add3A_834 = arith.constant 50 : i32
      %add3A_835 = arith.addi %mul3A_332, %add3A_834 : i32
      %sub3A_836 = arith.constant 1 : i32
      %sub3A_837 = arith.subi %add3A_835, %sub3A_836 : i32
      %get3A_838 = arith.constant 0 : i32
      %get3A_839 = arith.index_cast %get3A_838 : i32 to index
      %get3A_840 = arith.index_cast %sub3A_837 : i32 to index
      %get3A_841 = arith.constant 0 : index
      %get3A_842 = tpu.vector_load %arg6[%get3A_839, %get3A_840, %get3A_841] {strides = array<i32>} : memref<2x3200x16xf32, #tpu.memory_space<vmem>>, vector<1x1x16xf32>,
      %get3A_843 = vector.shape_cast %get3A_842 : vector<1x1x16xf32> to vector<16xf32>
      %add3A_844 = arith.addf %add3A_801, %get3A_843 : vector<16xf32>
      %add3A_845 = arith.addf %add3A_833, %add3A_844 : vector<16xf32>
      %add3A_846 = arith.addf %add3A_812, %add3A_823 : vector<16xf32>
      %add3A_847 = arith.addf %add3A_845, %add3A_846 : vector<16xf32>
      %mul3A_848 = arith.constant 2.000000e-02 : f32
      %mul3A_849 = vector.broadcast %mul3A_848 : f32 to vector<16xf32>
      %mul3A_850 = arith.mulf %add3A_847, %mul3A_849 : vector<16xf32>
      %swap3A = arith.index_cast %scan3A_330 : i32 to index
      %swap3A_851 = arith.constant 0 : index
      %swap3A_852 = tpu.vector_load %arg7[%swap3A, %swap3A_851] {strides = array<i32>} : memref<64x16xf32, #tpu.memory_space<vmem>>, vector<1x16xf32>,
      %swap3A_853 = vector.shape_cast %swap3A_852 : vector<1x16xf32> to vector<16xf32>
      %swap3A_854 = vector.shape_cast %mul3A_850 : vector<16xf32> to vector<1x16xf32>
      tpu.vector_store %arg7[%swap3A, %swap3A_851], %swap3A_854 {strides = array<i32>} : memref<64x16xf32, #tpu.memory_space<vmem>>, vector<1x16xf32>,
    }
    %scan3A_51 = arith.constant 64 : i32
    %mul3A_52 = arith.constant 512 : i32
    %mul3A_53 = arith.muli %add3A, %mul3A_52 : i32
    %add3A_54 = arith.constant 0 : i32
    %add3A_55 = arith.addi %mul3A_53, %add3A_54 : i32
    "tpu.region"() ({
      %run_scoped3A = tpu.sem_alloc : memref<!tpu.dma_semaphore, #tpu.memory_space<semaphore_mem>>
      %dma_start3A_330 = arith.constant 0 : i32
      %dma_start3A_331 = tpu.memref_slice %arg4[%add3A_55, %dma_start3A_330] : memref<16384x16xf32, #tpu.memory_space<hbm>> -> memref<64x16xf32, #tpu.memory_space<hbm>>
      %dma_start3A_332 = arith.constant 0 : i32
      %dma_start3A_333 = tpu.memref_slice %arg4[%add3A_55, %dma_start3A_332] : memref<16384x16xf32, #tpu.memory_space<hbm>> -> memref<64x16xf32, #tpu.memory_space<hbm>>
      tpu.enqueue_dma source(%arg7 : memref<64x16xf32, #tpu.memory_space<vmem>>) target(%dma_start3A_333 : memref<64x16xf32, #tpu.memory_space<hbm>>) target_semaphore(%run_scoped3A : memref<!tpu.dma_semaphore, #tpu.memory_space<semaphore_mem>>)
      %dma_wait3A_334 = arith.constant 0 : i32
      %dma_wait3A_335 = tpu.memref_slice %arg4[%add3A_55, %dma_wait3A_334] : memref<16384x16xf32, #tpu.memory_space<hbm>> -> memref<64x16xf32, #tpu.memory_space<hbm>>
      %dma_wait3A_336 = arith.constant 0 : i32
      %dma_wait3A_337 = tpu.memref_slice %arg4[%add3A_55, %dma_wait3A_336] : memref<16384x16xf32, #tpu.memory_space<hbm>> -> memref<64x16xf32, #tpu.memory_space<hbm>>
      tpu.wait_dma2 semaphore(%run_scoped3A : memref<!tpu.dma_semaphore, #tpu.memory_space<semaphore_mem>>) src(%arg7 : memref<64x16xf32, #tpu.memory_space<vmem>>) dst(%dma_wait3A_337 : memref<64x16xf32, #tpu.memory_space<hbm>>)
      tpu.yield
    }) : () -> ()
    %dma_start3A_56 = arith.constant 0 : i32
    %dma_start3A_57 = arith.constant 0 : i32
    %dma_start3A_58 = arith.constant 0 : i32
    %dma_start3A_59 = arith.constant 0 : i32
    %dma_start3A_60 = tpu.memref_slice %arg6[%dma_start3A_56, %dma_start3A_58, %dma_start3A_59] : memref<2x3200x16xf32, #tpu.memory_space<vmem>> -> memref<1x3200x16xf32, #tpu.memory_space<vmem>>
    %dma_start3A_61 = tpu.memref_squeeze %dma_start3A_60 : memref<1x3200x16xf32, #tpu.memory_space<vmem>> -> memref<3200x16xf32, #tpu.memory_space<vmem>>
    %dma_start3A_62 = arith.constant 6400 : i32
    %dma_start3A_63 = tpu.memref_slice %arg5[%dma_start3A_62] : memref<25600xi32, #tpu.memory_space<vmem>> -> memref<3200xi32, #tpu.memory_space<vmem>>
    %dma_start3A_64 = arith.constant 0 : i32
    %dma_start3A_65 = arith.constant 0 : i32
    %dma_start3A_66 = tpu.memref_slice %arg3[%dma_start3A_64, %dma_start3A_65] : memref<1000000x16xf32, #tpu.memory_space<hbm>> -> memref<1000000x16xf32, #tpu.memory_space<hbm>>
    %dma_start3A_67 = tpu.memref_slice %arg8[%dma_start3A_57] : memref<2x!tpu.dma_semaphore, #tpu.memory_space<semaphore_mem>> -> memref<1x!tpu.dma_semaphore, #tpu.memory_space<semaphore_mem>>
    %dma_start3A_68 = tpu.memref_squeeze %dma_start3A_67 : memref<1x!tpu.dma_semaphore, #tpu.memory_space<semaphore_mem>> -> memref<!tpu.dma_semaphore, #tpu.memory_space<semaphore_mem>>
    tpu.enqueue_indirect_dma source(%dma_start3A_66 : memref<1000000x16xf32, #tpu.memory_space<hbm>>) target(%dma_start3A_61 : memref<3200x16xf32, #tpu.memory_space<vmem>>) offsets(%dma_start3A_63 : memref<3200xi32, #tpu.memory_space<vmem>>) semaphore(%dma_start3A_68 : memref<!tpu.dma_semaphore, #tpu.memory_space<semaphore_mem>>)
    %dma_wait3A_69 = arith.constant 1 : i32
    %dma_wait3A_70 = arith.constant 1 : i32
    %dma_wait3A_71 = arith.constant 0 : i32
    %dma_wait3A_72 = arith.constant 0 : i32
    %dma_wait3A_73 = tpu.memref_slice %arg6[%dma_wait3A_69, %dma_wait3A_71, %dma_wait3A_72] : memref<2x3200x16xf32, #tpu.memory_space<vmem>> -> memref<1x3200x16xf32, #tpu.memory_space<vmem>>
    %dma_wait3A_74 = tpu.memref_squeeze %dma_wait3A_73 : memref<1x3200x16xf32, #tpu.memory_space<vmem>> -> memref<3200x16xf32, #tpu.memory_space<vmem>>
    %dma_wait3A_75 = arith.constant 0 : i32
    %dma_wait3A_76 = arith.constant 0 : i32
    %dma_wait3A_77 = tpu.memref_slice %arg3[%dma_wait3A_75, %dma_wait3A_76] : memref<1000000x16xf32, #tpu.memory_space<hbm>> -> memref<3200x16xf32, #tpu.memory_space<hbm>>
    %dma_wait3A_78 = tpu.memref_slice %arg8[%dma_wait3A_70] : memref<2x!tpu.dma_semaphore, #tpu.memory_space<semaphore_mem>> -> memref<1x!tpu.dma_semaphore, #tpu.memory_space<semaphore_mem>>
    %dma_wait3A_79 = tpu.memref_squeeze %dma_wait3A_78 : memref<1x!tpu.dma_semaphore, #tpu.memory_space<semaphore_mem>> -> memref<!tpu.dma_semaphore, #tpu.memory_space<semaphore_mem>>
    %dma_wait3A_80 = arith.constant 0 : i32
    %dma_wait3A_81 = arith.constant 0 : i32
    %dma_wait3A_82 = tpu.memref_slice %arg6[%dma_wait3A_69, %dma_wait3A_80, %dma_wait3A_81] : memref<2x3200x16xf32, #tpu.memory_space<vmem>> -> memref<1x3200x16xf32, #tpu.memory_space<vmem>>
    %dma_wait3A_83 = tpu.memref_squeeze %dma_wait3A_82 : memref<1x3200x16xf32, #tpu.memory_space<vmem>> -> memref<3200x16xf32, #tpu.memory_space<vmem>>
    %dma_wait3A_84 = arith.constant 0 : i32
    %dma_wait3A_85 = arith.constant 0 : i32
    %dma_wait3A_86 = tpu.memref_slice %arg3[%dma_wait3A_84, %dma_wait3A_85] : memref<1000000x16xf32, #tpu.memory_space<hbm>> -> memref<3200x16xf32, #tpu.memory_space<hbm>>
    tpu.wait_dma2 semaphore(%dma_wait3A_79 : memref<!tpu.dma_semaphore, #tpu.memory_space<semaphore_mem>>) src(%dma_wait3A_86 : memref<3200x16xf32, #tpu.memory_space<hbm>>) dst(%dma_wait3A_83 : memref<3200x16xf32, #tpu.memory_space<vmem>>)
    %scan3A_87 = arith.constant 0 : i32
    %scan3A_88 = arith.constant 0 : i32
    %scan3A_89 = arith.constant 64 : i32
    %scan3A_90 = arith.addi %scan3A_88, %scan3A_89 : i32
    %scan3A_91 = arith.constant 1 : i32
    scf.for %scan3A_330 = %scan3A_88 to %scan3A_90 step %scan3A_91  : i32 {
      %mul3A_331 = arith.constant 50 : i32
      %mul3A_332 = arith.muli %scan3A_330, %mul3A_331 : i32
      %get3A = arith.constant 1 : i32
      %get3A_333 = arith.index_cast %get3A : i32 to index
      %get3A_334 = arith.index_cast %mul3A_332 : i32 to index
      %get3A_335 = arith.constant 0 : index
      %get3A_336 = tpu.vector_load %arg6[%get3A_333, %get3A_334, %get3A_335] {strides = array<i32>} : memref<2x3200x16xf32, #tpu.memory_space<vmem>>, vector<1x1x16xf32>,
      %get3A_337 = vector.shape_cast %get3A_336 : vector<1x1x16xf32> to vector<16xf32>
      %add3A_338 = arith.constant 1 : i32
      %add3A_339 = arith.addi %mul3A_332, %add3A_338 : i32
      %get3A_340 = arith.constant 1 : i32
      %get3A_341 = arith.index_cast %get3A_340 : i32 to index
      %get3A_342 = arith.index_cast %add3A_339 : i32 to index
      %get3A_343 = arith.constant 0 : index
      %get3A_344 = tpu.vector_load %arg6[%get3A_341, %get3A_342, %get3A_343] {strides = array<i32>} : memref<2x3200x16xf32, #tpu.memory_space<vmem>>, vector<1x1x16xf32>,
      %get3A_345 = vector.shape_cast %get3A_344 : vector<1x1x16xf32> to vector<16xf32>
      %add3A_346 = arith.constant 2 : i32
      %add3A_347 = arith.addi %mul3A_332, %add3A_346 : i32
      %get3A_348 = arith.constant 1 : i32
      %get3A_349 = arith.index_cast %get3A_348 : i32 to index
      %get3A_350 = arith.index_cast %add3A_347 : i32 to index
      %get3A_351 = arith.constant 0 : index
      %get3A_352 = tpu.vector_load %arg6[%get3A_349, %get3A_350, %get3A_351] {strides = array<i32>} : memref<2x3200x16xf32, #tpu.memory_space<vmem>>, vector<1x1x16xf32>,
      %get3A_353 = vector.shape_cast %get3A_352 : vector<1x1x16xf32> to vector<16xf32>
      %add3A_354 = arith.constant 3 : i32
      %add3A_355 = arith.addi %mul3A_332, %add3A_354 : i32
      %get3A_356 = arith.constant 1 : i32
      %get3A_357 = arith.index_cast %get3A_356 : i32 to index
      %get3A_358 = arith.index_cast %add3A_355 : i32 to index
      %get3A_359 = arith.constant 0 : index
      %get3A_360 = tpu.vector_load %arg6[%get3A_357, %get3A_358, %get3A_359] {strides = array<i32>} : memref<2x3200x16xf32, #tpu.memory_space<vmem>>, vector<1x1x16xf32>,
      %get3A_361 = vector.shape_cast %get3A_360 : vector<1x1x16xf32> to vector<16xf32>
      %add3A_362 = arith.constant 4 : i32
      %add3A_363 = arith.addi %mul3A_332, %add3A_362 : i32
      %get3A_364 = arith.constant 1 : i32
      %get3A_365 = arith.index_cast %get3A_364 : i32 to index
      %get3A_366 = arith.index_cast %add3A_363 : i32 to index
      %get3A_367 = arith.constant 0 : index
      %get3A_368 = tpu.vector_load %arg6[%get3A_365, %get3A_366, %get3A_367] {strides = array<i32>} : memref<2x3200x16xf32, #tpu.memory_space<vmem>>, vector<1x1x16xf32>,
      %get3A_369 = vector.shape_cast %get3A_368 : vector<1x1x16xf32> to vector<16xf32>
      %add3A_370 = arith.addf %get3A_337, %get3A_369 : vector<16xf32>
      %add3A_371 = arith.constant 4 : i32
      %add3A_372 = arith.addi %mul3A_332, %add3A_371 : i32
      %add3A_373 = arith.constant 1 : i32
      %add3A_374 = arith.addi %add3A_372, %add3A_373 : i32
      %get3A_375 = arith.constant 1 : i32
      %get3A_376 = arith.index_cast %get3A_375 : i32 to index
      %get3A_377 = arith.index_cast %add3A_374 : i32 to index
      %get3A_378 = arith.constant 0 : index
      %get3A_379 = tpu.vector_load %arg6[%get3A_376, %get3A_377, %get3A_378] {strides = array<i32>} : memref<2x3200x16xf32, #tpu.memory_space<vmem>>, vector<1x1x16xf32>,
      %get3A_380 = vector.shape_cast %get3A_379 : vector<1x1x16xf32> to vector<16xf32>
      %add3A_381 = arith.addf %get3A_345, %get3A_380 : vector<16xf32>
      %add3A_382 = arith.constant 4 : i32
      %add3A_383 = arith.addi %mul3A_332, %add3A_382 : i32
      %add3A_384 = arith.constant 2 : i32
      %add3A_385 = arith.addi %add3A_383, %add3A_384 : i32
      %get3A_386 = arith.constant 1 : i32
      %get3A_387 = arith.index_cast %get3A_386 : i32 to index
      %get3A_388 = arith.index_cast %add3A_385 : i32 to index
      %get3A_389 = arith.constant 0 : index
      %get3A_390 = tpu.vector_load %arg6[%get3A_387, %get3A_388, %get3A_389] {strides = array<i32>} : memref<2x3200x16xf32, #tpu.memory_space<vmem>>, vector<1x1x16xf32>,
      %get3A_391 = vector.shape_cast %get3A_390 : vector<1x1x16xf32> to vector<16xf32>
      %add3A_392 = arith.addf %get3A_353, %get3A_391 : vector<16xf32>
      %add3A_393 = arith.constant 4 : i32
      %add3A_394 = arith.addi %mul3A_332, %add3A_393 : i32
      %add3A_395 = arith.constant 3 : i32
      %add3A_396 = arith.addi %add3A_394, %add3A_395 : i32
      %get3A_397 = arith.constant 1 : i32
      %get3A_398 = arith.index_cast %get3A_397 : i32 to index
      %get3A_399 = arith.index_cast %add3A_396 : i32 to index
      %get3A_400 = arith.constant 0 : index
      %get3A_401 = tpu.vector_load %arg6[%get3A_398, %get3A_399, %get3A_400] {strides = array<i32>} : memref<2x3200x16xf32, #tpu.memory_space<vmem>>, vector<1x1x16xf32>,
      %get3A_402 = vector.shape_cast %get3A_401 : vector<1x1x16xf32> to vector<16xf32>
      %add3A_403 = arith.addf %get3A_361, %get3A_402 : vector<16xf32>
      %add3A_404 = arith.constant 8 : i32
      %add3A_405 = arith.addi %mul3A_332, %add3A_404 : i32
      %get3A_406 = arith.constant 1 : i32
      %get3A_407 = arith.index_cast %get3A_406 : i32 to index
      %get3A_408 = arith.index_cast %add3A_405 : i32 to index
      %get3A_409 = arith.constant 0 : index
      %get3A_410 = tpu.vector_load %arg6[%get3A_407, %get3A_408, %get3A_409] {strides = array<i32>} : memref<2x3200x16xf32, #tpu.memory_space<vmem>>, vector<1x1x16xf32>,
      %get3A_411 = vector.shape_cast %get3A_410 : vector<1x1x16xf32> to vector<16xf32>
      %add3A_412 = arith.addf %add3A_370, %get3A_411 : vector<16xf32>
      %add3A_413 = arith.constant 8 : i32
      %add3A_414 = arith.addi %mul3A_332, %add3A_413 : i32
      %add3A_415 = arith.constant 1 : i32
      %add3A_416 = arith.addi %add3A_414, %add3A_415 : i32
      %get3A_417 = arith.constant 1 : i32
      %get3A_418 = arith.index_cast %get3A_417 : i32 to index
      %get3A_419 = arith.index_cast %add3A_416 : i32 to index
      %get3A_420 = arith.constant 0 : index
      %get3A_421 = tpu.vector_load %arg6[%get3A_418, %get3A_419, %get3A_420] {strides = array<i32>} : memref<2x3200x16xf32, #tpu.memory_space<vmem>>, vector<1x1x16xf32>,
      %get3A_422 = vector.shape_cast %get3A_421 : vector<1x1x16xf32> to vector<16xf32>
      %add3A_423 = arith.addf %add3A_381, %get3A_422 : vector<16xf32>
      %add3A_424 = arith.constant 8 : i32
      %add3A_425 = arith.addi %mul3A_332, %add3A_424 : i32
      %add3A_426 = arith.constant 2 : i32
      %add3A_427 = arith.addi %add3A_425, %add3A_426 : i32
      %get3A_428 = arith.constant 1 : i32
      %get3A_429 = arith.index_cast %get3A_428 : i32 to index
      %get3A_430 = arith.index_cast %add3A_427 : i32 to index
      %get3A_431 = arith.constant 0 : index
      %get3A_432 = tpu.vector_load %arg6[%get3A_429, %get3A_430, %get3A_431] {strides = array<i32>} : memref<2x3200x16xf32, #tpu.memory_space<vmem>>, vector<1x1x16xf32>,
      %get3A_433 = vector.shape_cast %get3A_432 : vector<1x1x16xf32> to vector<16xf32>
      %add3A_434 = arith.addf %add3A_392, %get3A_433 : vector<16xf32>
      %add3A_435 = arith.constant 8 : i32
      %add3A_436 = arith.addi %mul3A_332, %add3A_435 : i32
      %add3A_437 = arith.constant 3 : i32
      %add3A_438 = arith.addi %add3A_436, %add3A_437 : i32
      %get3A_439 = arith.constant 1 : i32
      %get3A_440 = arith.index_cast %get3A_439 : i32 to index
      %get3A_441 = arith.index_cast %add3A_438 : i32 to index
      %get3A_442 = arith.constant 0 : index
      %get3A_443 = tpu.vector_load %arg6[%get3A_440, %get3A_441, %get3A_442] {strides = array<i32>} : memref<2x3200x16xf32, #tpu.memory_space<vmem>>, vector<1x1x16xf32>,
      %get3A_444 = vector.shape_cast %get3A_443 : vector<1x1x16xf32> to vector<16xf32>
      %add3A_445 = arith.addf %add3A_403, %get3A_444 : vector<16xf32>
      %add3A_446 = arith.constant 12 : i32
      %add3A_447 = arith.addi %mul3A_332, %add3A_446 : i32
      %get3A_448 = arith.constant 1 : i32
      %get3A_449 = arith.index_cast %get3A_448 : i32 to index
      %get3A_450 = arith.index_cast %add3A_447 : i32 to index
      %get3A_451 = arith.constant 0 : index
      %get3A_452 = tpu.vector_load %arg6[%get3A_449, %get3A_450, %get3A_451] {strides = array<i32>} : memref<2x3200x16xf32, #tpu.memory_space<vmem>>, vector<1x1x16xf32>,
      %get3A_453 = vector.shape_cast %get3A_452 : vector<1x1x16xf32> to vector<16xf32>
      %add3A_454 = arith.addf %add3A_412, %get3A_453 : vector<16xf32>
      %add3A_455 = arith.constant 12 : i32
      %add3A_456 = arith.addi %mul3A_332, %add3A_455 : i32
      %add3A_457 = arith.constant 1 : i32
      %add3A_458 = arith.addi %add3A_456, %add3A_457 : i32
      %get3A_459 = arith.constant 1 : i32
      %get3A_460 = arith.index_cast %get3A_459 : i32 to index
      %get3A_461 = arith.index_cast %add3A_458 : i32 to index
      %get3A_462 = arith.constant 0 : index
      %get3A_463 = tpu.vector_load %arg6[%get3A_460, %get3A_461, %get3A_462] {strides = array<i32>} : memref<2x3200x16xf32, #tpu.memory_space<vmem>>, vector<1x1x16xf32>,
      %get3A_464 = vector.shape_cast %get3A_463 : vector<1x1x16xf32> to vector<16xf32>
      %add3A_465 = arith.addf %add3A_423, %get3A_464 : vector<16xf32>
      %add3A_466 = arith.constant 12 : i32
      %add3A_467 = arith.addi %mul3A_332, %add3A_466 : i32
      %add3A_468 = arith.constant 2 : i32
      %add3A_469 = arith.addi %add3A_467, %add3A_468 : i32
      %get3A_470 = arith.constant 1 : i32
      %get3A_471 = arith.index_cast %get3A_470 : i32 to index
      %get3A_472 = arith.index_cast %add3A_469 : i32 to index
      %get3A_473 = arith.constant 0 : index
      %get3A_474 = tpu.vector_load %arg6[%get3A_471, %get3A_472, %get3A_473] {strides = array<i32>} : memref<2x3200x16xf32, #tpu.memory_space<vmem>>, vector<1x1x16xf32>,
      %get3A_475 = vector.shape_cast %get3A_474 : vector<1x1x16xf32> to vector<16xf32>
      %add3A_476 = arith.addf %add3A_434, %get3A_475 : vector<16xf32>
      %add3A_477 = arith.constant 12 : i32
      %add3A_478 = arith.addi %mul3A_332, %add3A_477 : i32
      %add3A_479 = arith.constant 3 : i32
      %add3A_480 = arith.addi %add3A_478, %add3A_479 : i32
      %get3A_481 = arith.constant 1 : i32
      %get3A_482 = arith.index_cast %get3A_481 : i32 to index
      %get3A_483 = arith.index_cast %add3A_480 : i32 to index
      %get3A_484 = arith.constant 0 : index
      %get3A_485 = tpu.vector_load %arg6[%get3A_482, %get3A_483, %get3A_484] {strides = array<i32>} : memref<2x3200x16xf32, #tpu.memory_space<vmem>>, vector<1x1x16xf32>,
      %get3A_486 = vector.shape_cast %get3A_485 : vector<1x1x16xf32> to vector<16xf32>
      %add3A_487 = arith.addf %add3A_445, %get3A_486 : vector<16xf32>
      %add3A_488 = arith.constant 16 : i32
      %add3A_489 = arith.addi %mul3A_332, %add3A_488 : i32
      %get3A_490 = arith.constant 1 : i32
      %get3A_491 = arith.index_cast %get3A_490 : i32 to index
      %get3A_492 = arith.index_cast %add3A_489 : i32 to index
      %get3A_493 = arith.constant 0 : index
      %get3A_494 = tpu.vector_load %arg6[%get3A_491, %get3A_492, %get3A_493] {strides = array<i32>} : memref<2x3200x16xf32, #tpu.memory_space<vmem>>, vector<1x1x16xf32>,
      %get3A_495 = vector.shape_cast %get3A_494 : vector<1x1x16xf32> to vector<16xf32>
      %add3A_496 = arith.addf %add3A_454, %get3A_495 : vector<16xf32>
      %add3A_497 = arith.constant 16 : i32
      %add3A_498 = arith.addi %mul3A_332, %add3A_497 : i32
      %add3A_499 = arith.constant 1 : i32
      %add3A_500 = arith.addi %add3A_498, %add3A_499 : i32
      %get3A_501 = arith.constant 1 : i32
      %get3A_502 = arith.index_cast %get3A_501 : i32 to index
      %get3A_503 = arith.index_cast %add3A_500 : i32 to index
      %get3A_504 = arith.constant 0 : index
      %get3A_505 = tpu.vector_load %arg6[%get3A_502, %get3A_503, %get3A_504] {strides = array<i32>} : memref<2x3200x16xf32, #tpu.memory_space<vmem>>, vector<1x1x16xf32>,
      %get3A_506 = vector.shape_cast %get3A_505 : vector<1x1x16xf32> to vector<16xf32>
      %add3A_507 = arith.addf %add3A_465, %get3A_506 : vector<16xf32>
      %add3A_508 = arith.constant 16 : i32
      %add3A_509 = arith.addi %mul3A_332, %add3A_508 : i32
      %add3A_510 = arith.constant 2 : i32
      %add3A_511 = arith.addi %add3A_509, %add3A_510 : i32
      %get3A_512 = arith.constant 1 : i32
      %get3A_513 = arith.index_cast %get3A_512 : i32 to index
      %get3A_514 = arith.index_cast %add3A_511 : i32 to index
      %get3A_515 = arith.constant 0 : index
      %get3A_516 = tpu.vector_load %arg6[%get3A_513, %get3A_514, %get3A_515] {strides = array<i32>} : memref<2x3200x16xf32, #tpu.memory_space<vmem>>, vector<1x1x16xf32>,
      %get3A_517 = vector.shape_cast %get3A_516 : vector<1x1x16xf32> to vector<16xf32>
      %add3A_518 = arith.addf %add3A_476, %get3A_517 : vector<16xf32>
      %add3A_519 = arith.constant 16 : i32
      %add3A_520 = arith.addi %mul3A_332, %add3A_519 : i32
      %add3A_521 = arith.constant 3 : i32
      %add3A_522 = arith.addi %add3A_520, %add3A_521 : i32
      %get3A_523 = arith.constant 1 : i32
      %get3A_524 = arith.index_cast %get3A_523 : i32 to index
      %get3A_525 = arith.index_cast %add3A_522 : i32 to index
      %get3A_526 = arith.constant 0 : index
      %get3A_527 = tpu.vector_load %arg6[%get3A_524, %get3A_525, %get3A_526] {strides = array<i32>} : memref<2x3200x16xf32, #tpu.memory_space<vmem>>, vector<1x1x16xf32>,
      %get3A_528 = vector.shape_cast %get3A_527 : vector<1x1x16xf32> to vector<16xf32>
      %add3A_529 = arith.addf %add3A_487, %get3A_528 : vector<16xf32>
      %add3A_530 = arith.constant 20 : i32
      %add3A_531 = arith.addi %mul3A_332, %add3A_530 : i32
      %get3A_532 = arith.constant 1 : i32
      %get3A_533 = arith.index_cast %get3A_532 : i32 to index
      %get3A_534 = arith.index_cast %add3A_531 : i32 to index
      %get3A_535 = arith.constant 0 : index
      %get3A_536 = tpu.vector_load %arg6[%get3A_533, %get3A_534, %get3A_535] {strides = array<i32>} : memref<2x3200x16xf32, #tpu.memory_space<vmem>>, vector<1x1x16xf32>,
      %get3A_537 = vector.shape_cast %get3A_536 : vector<1x1x16xf32> to vector<16xf32>
      %add3A_538 = arith.addf %add3A_496, %get3A_537 : vector<16xf32>
      %add3A_539 = arith.constant 20 : i32
      %add3A_540 = arith.addi %mul3A_332, %add3A_539 : i32
      %add3A_541 = arith.constant 1 : i32
      %add3A_542 = arith.addi %add3A_540, %add3A_541 : i32
      %get3A_543 = arith.constant 1 : i32
      %get3A_544 = arith.index_cast %get3A_543 : i32 to index
      %get3A_545 = arith.index_cast %add3A_542 : i32 to index
      %get3A_546 = arith.constant 0 : index
      %get3A_547 = tpu.vector_load %arg6[%get3A_544, %get3A_545, %get3A_546] {strides = array<i32>} : memref<2x3200x16xf32, #tpu.memory_space<vmem>>, vector<1x1x16xf32>,
      %get3A_548 = vector.shape_cast %get3A_547 : vector<1x1x16xf32> to vector<16xf32>
      %add3A_549 = arith.addf %add3A_507, %get3A_548 : vector<16xf32>
      %add3A_550 = arith.constant 20 : i32
      %add3A_551 = arith.addi %mul3A_332, %add3A_550 : i32
      %add3A_552 = arith.constant 2 : i32
      %add3A_553 = arith.addi %add3A_551, %add3A_552 : i32
      %get3A_554 = arith.constant 1 : i32
      %get3A_555 = arith.index_cast %get3A_554 : i32 to index
      %get3A_556 = arith.index_cast %add3A_553 : i32 to index
      %get3A_557 = arith.constant 0 : index
      %get3A_558 = tpu.vector_load %arg6[%get3A_555, %get3A_556, %get3A_557] {strides = array<i32>} : memref<2x3200x16xf32, #tpu.memory_space<vmem>>, vector<1x1x16xf32>,
      %get3A_559 = vector.shape_cast %get3A_558 : vector<1x1x16xf32> to vector<16xf32>
      %add3A_560 = arith.addf %add3A_518, %get3A_559 : vector<16xf32>
      %add3A_561 = arith.constant 20 : i32
      %add3A_562 = arith.addi %mul3A_332, %add3A_561 : i32
      %add3A_563 = arith.constant 3 : i32
      %add3A_564 = arith.addi %add3A_562, %add3A_563 : i32
      %get3A_565 = arith.constant 1 : i32
      %get3A_566 = arith.index_cast %get3A_565 : i32 to index
      %get3A_567 = arith.index_cast %add3A_564 : i32 to index
      %get3A_568 = arith.constant 0 : index
      %get3A_569 = tpu.vector_load %arg6[%get3A_566, %get3A_567, %get3A_568] {strides = array<i32>} : memref<2x3200x16xf32, #tpu.memory_space<vmem>>, vector<1x1x16xf32>,
      %get3A_570 = vector.shape_cast %get3A_569 : vector<1x1x16xf32> to vector<16xf32>
      %add3A_571 = arith.addf %add3A_529, %get3A_570 : vector<16xf32>
      %add3A_572 = arith.constant 24 : i32
      %add3A_573 = arith.addi %mul3A_332, %add3A_572 : i32
      %get3A_574 = arith.constant 1 : i32
      %get3A_575 = arith.index_cast %get3A_574 : i32 to index
      %get3A_576 = arith.index_cast %add3A_573 : i32 to index
      %get3A_577 = arith.constant 0 : index
      %get3A_578 = tpu.vector_load %arg6[%get3A_575, %get3A_576, %get3A_577] {strides = array<i32>} : memref<2x3200x16xf32, #tpu.memory_space<vmem>>, vector<1x1x16xf32>,
      %get3A_579 = vector.shape_cast %get3A_578 : vector<1x1x16xf32> to vector<16xf32>
      %add3A_580 = arith.addf %add3A_538, %get3A_579 : vector<16xf32>
      %add3A_581 = arith.constant 24 : i32
      %add3A_582 = arith.addi %mul3A_332, %add3A_581 : i32
      %add3A_583 = arith.constant 1 : i32
      %add3A_584 = arith.addi %add3A_582, %add3A_583 : i32
      %get3A_585 = arith.constant 1 : i32
      %get3A_586 = arith.index_cast %get3A_585 : i32 to index
      %get3A_587 = arith.index_cast %add3A_584 : i32 to index
      %get3A_588 = arith.constant 0 : index
      %get3A_589 = tpu.vector_load %arg6[%get3A_586, %get3A_587, %get3A_588] {strides = array<i32>} : memref<2x3200x16xf32, #tpu.memory_space<vmem>>, vector<1x1x16xf32>,
      %get3A_590 = vector.shape_cast %get3A_589 : vector<1x1x16xf32> to vector<16xf32>
      %add3A_591 = arith.addf %add3A_549, %get3A_590 : vector<16xf32>
      %add3A_592 = arith.constant 24 : i32
      %add3A_593 = arith.addi %mul3A_332, %add3A_592 : i32
      %add3A_594 = arith.constant 2 : i32
      %add3A_595 = arith.addi %add3A_593, %add3A_594 : i32
      %get3A_596 = arith.constant 1 : i32
      %get3A_597 = arith.index_cast %get3A_596 : i32 to index
      %get3A_598 = arith.index_cast %add3A_595 : i32 to index
      %get3A_599 = arith.constant 0 : index
      %get3A_600 = tpu.vector_load %arg6[%get3A_597, %get3A_598, %get3A_599] {strides = array<i32>} : memref<2x3200x16xf32, #tpu.memory_space<vmem>>, vector<1x1x16xf32>,
      %get3A_601 = vector.shape_cast %get3A_600 : vector<1x1x16xf32> to vector<16xf32>
      %add3A_602 = arith.addf %add3A_560, %get3A_601 : vector<16xf32>
      %add3A_603 = arith.constant 24 : i32
      %add3A_604 = arith.addi %mul3A_332, %add3A_603 : i32
      %add3A_605 = arith.constant 3 : i32
      %add3A_606 = arith.addi %add3A_604, %add3A_605 : i32
      %get3A_607 = arith.constant 1 : i32
      %get3A_608 = arith.index_cast %get3A_607 : i32 to index
      %get3A_609 = arith.index_cast %add3A_606 : i32 to index
      %get3A_610 = arith.constant 0 : index
      %get3A_611 = tpu.vector_load %arg6[%get3A_608, %get3A_609, %get3A_610] {strides = array<i32>} : memref<2x3200x16xf32, #tpu.memory_space<vmem>>, vector<1x1x16xf32>,
      %get3A_612 = vector.shape_cast %get3A_611 : vector<1x1x16xf32> to vector<16xf32>
      %add3A_613 = arith.addf %add3A_571, %get3A_612 : vector<16xf32>
      %add3A_614 = arith.constant 28 : i32
      %add3A_615 = arith.addi %mul3A_332, %add3A_614 : i32
      %get3A_616 = arith.constant 1 : i32
      %get3A_617 = arith.index_cast %get3A_616 : i32 to index
      %get3A_618 = arith.index_cast %add3A_615 : i32 to index
      %get3A_619 = arith.constant 0 : index
      %get3A_620 = tpu.vector_load %arg6[%get3A_617, %get3A_618, %get3A_619] {strides = array<i32>} : memref<2x3200x16xf32, #tpu.memory_space<vmem>>, vector<1x1x16xf32>,
      %get3A_621 = vector.shape_cast %get3A_620 : vector<1x1x16xf32> to vector<16xf32>
      %add3A_622 = arith.addf %add3A_580, %get3A_621 : vector<16xf32>
      %add3A_623 = arith.constant 28 : i32
      %add3A_624 = arith.addi %mul3A_332, %add3A_623 : i32
      %add3A_625 = arith.constant 1 : i32
      %add3A_626 = arith.addi %add3A_624, %add3A_625 : i32
      %get3A_627 = arith.constant 1 : i32
      %get3A_628 = arith.index_cast %get3A_627 : i32 to index
      %get3A_629 = arith.index_cast %add3A_626 : i32 to index
      %get3A_630 = arith.constant 0 : index
      %get3A_631 = tpu.vector_load %arg6[%get3A_628, %get3A_629, %get3A_630] {strides = array<i32>} : memref<2x3200x16xf32, #tpu.memory_space<vmem>>, vector<1x1x16xf32>,
      %get3A_632 = vector.shape_cast %get3A_631 : vector<1x1x16xf32> to vector<16xf32>
      %add3A_633 = arith.addf %add3A_591, %get3A_632 : vector<16xf32>
      %add3A_634 = arith.constant 28 : i32
      %add3A_635 = arith.addi %mul3A_332, %add3A_634 : i32
      %add3A_636 = arith.constant 2 : i32
      %add3A_637 = arith.addi %add3A_635, %add3A_636 : i32
      %get3A_638 = arith.constant 1 : i32
      %get3A_639 = arith.index_cast %get3A_638 : i32 to index
      %get3A_640 = arith.index_cast %add3A_637 : i32 to index
      %get3A_641 = arith.constant 0 : index
      %get3A_642 = tpu.vector_load %arg6[%get3A_639, %get3A_640, %get3A_641] {strides = array<i32>} : memref<2x3200x16xf32, #tpu.memory_space<vmem>>, vector<1x1x16xf32>,
      %get3A_643 = vector.shape_cast %get3A_642 : vector<1x1x16xf32> to vector<16xf32>
      %add3A_644 = arith.addf %add3A_602, %get3A_643 : vector<16xf32>
      %add3A_645 = arith.constant 28 : i32
      %add3A_646 = arith.addi %mul3A_332, %add3A_645 : i32
      %add3A_647 = arith.constant 3 : i32
      %add3A_648 = arith.addi %add3A_646, %add3A_647 : i32
      %get3A_649 = arith.constant 1 : i32
      %get3A_650 = arith.index_cast %get3A_649 : i32 to index
      %get3A_651 = arith.index_cast %add3A_648 : i32 to index
      %get3A_652 = arith.constant 0 : index
      %get3A_653 = tpu.vector_load %arg6[%get3A_650, %get3A_651, %get3A_652] {strides = array<i32>} : memref<2x3200x16xf32, #tpu.memory_space<vmem>>, vector<1x1x16xf32>,
      %get3A_654 = vector.shape_cast %get3A_653 : vector<1x1x16xf32> to vector<16xf32>
      %add3A_655 = arith.addf %add3A_613, %get3A_654 : vector<16xf32>
      %add3A_656 = arith.constant 32 : i32
      %add3A_657 = arith.addi %mul3A_332, %add3A_656 : i32
      %get3A_658 = arith.constant 1 : i32
      %get3A_659 = arith.index_cast %get3A_658 : i32 to index
      %get3A_660 = arith.index_cast %add3A_657 : i32 to index
      %get3A_661 = arith.constant 0 : index
      %get3A_662 = tpu.vector_load %arg6[%get3A_659, %get3A_660, %get3A_661] {strides = array<i32>} : memref<2x3200x16xf32, #tpu.memory_space<vmem>>, vector<1x1x16xf32>,
      %get3A_663 = vector.shape_cast %get3A_662 : vector<1x1x16xf32> to vector<16xf32>
      %add3A_664 = arith.addf %add3A_622, %get3A_663 : vector<16xf32>
      %add3A_665 = arith.constant 32 : i32
      %add3A_666 = arith.addi %mul3A_332, %add3A_665 : i32
      %add3A_667 = arith.constant 1 : i32
      %add3A_668 = arith.addi %add3A_666, %add3A_667 : i32
      %get3A_669 = arith.constant 1 : i32
      %get3A_670 = arith.index_cast %get3A_669 : i32 to index
      %get3A_671 = arith.index_cast %add3A_668 : i32 to index
      %get3A_672 = arith.constant 0 : index
      %get3A_673 = tpu.vector_load %arg6[%get3A_670, %get3A_671, %get3A_672] {strides = array<i32>} : memref<2x3200x16xf32, #tpu.memory_space<vmem>>, vector<1x1x16xf32>,
      %get3A_674 = vector.shape_cast %get3A_673 : vector<1x1x16xf32> to vector<16xf32>
      %add3A_675 = arith.addf %add3A_633, %get3A_674 : vector<16xf32>
      %add3A_676 = arith.constant 32 : i32
      %add3A_677 = arith.addi %mul3A_332, %add3A_676 : i32
      %add3A_678 = arith.constant 2 : i32
      %add3A_679 = arith.addi %add3A_677, %add3A_678 : i32
      %get3A_680 = arith.constant 1 : i32
      %get3A_681 = arith.index_cast %get3A_680 : i32 to index
      %get3A_682 = arith.index_cast %add3A_679 : i32 to index
      %get3A_683 = arith.constant 0 : index
      %get3A_684 = tpu.vector_load %arg6[%get3A_681, %get3A_682, %get3A_683] {strides = array<i32>} : memref<2x3200x16xf32, #tpu.memory_space<vmem>>, vector<1x1x16xf32>,
      %get3A_685 = vector.shape_cast %get3A_684 : vector<1x1x16xf32> to vector<16xf32>
      %add3A_686 = arith.addf %add3A_644, %get3A_685 : vector<16xf32>
      %add3A_687 = arith.constant 32 : i32
      %add3A_688 = arith.addi %mul3A_332, %add3A_687 : i32
      %add3A_689 = arith.constant 3 : i32
      %add3A_690 = arith.addi %add3A_688, %add3A_689 : i32
      %get3A_691 = arith.constant 1 : i32
      %get3A_692 = arith.index_cast %get3A_691 : i32 to index
      %get3A_693 = arith.index_cast %add3A_690 : i32 to index
      %get3A_694 = arith.constant 0 : index
      %get3A_695 = tpu.vector_load %arg6[%get3A_692, %get3A_693, %get3A_694] {strides = array<i32>} : memref<2x3200x16xf32, #tpu.memory_space<vmem>>, vector<1x1x16xf32>,
      %get3A_696 = vector.shape_cast %get3A_695 : vector<1x1x16xf32> to vector<16xf32>
      %add3A_697 = arith.addf %add3A_655, %get3A_696 : vector<16xf32>
      %add3A_698 = arith.constant 36 : i32
      %add3A_699 = arith.addi %mul3A_332, %add3A_698 : i32
      %get3A_700 = arith.constant 1 : i32
      %get3A_701 = arith.index_cast %get3A_700 : i32 to index
      %get3A_702 = arith.index_cast %add3A_699 : i32 to index
      %get3A_703 = arith.constant 0 : index
      %get3A_704 = tpu.vector_load %arg6[%get3A_701, %get3A_702, %get3A_703] {strides = array<i32>} : memref<2x3200x16xf32, #tpu.memory_space<vmem>>, vector<1x1x16xf32>,
      %get3A_705 = vector.shape_cast %get3A_704 : vector<1x1x16xf32> to vector<16xf32>
      %add3A_706 = arith.addf %add3A_664, %get3A_705 : vector<16xf32>
      %add3A_707 = arith.constant 36 : i32
      %add3A_708 = arith.addi %mul3A_332, %add3A_707 : i32
      %add3A_709 = arith.constant 1 : i32
      %add3A_710 = arith.addi %add3A_708, %add3A_709 : i32
      %get3A_711 = arith.constant 1 : i32
      %get3A_712 = arith.index_cast %get3A_711 : i32 to index
      %get3A_713 = arith.index_cast %add3A_710 : i32 to index
      %get3A_714 = arith.constant 0 : index
      %get3A_715 = tpu.vector_load %arg6[%get3A_712, %get3A_713, %get3A_714] {strides = array<i32>} : memref<2x3200x16xf32, #tpu.memory_space<vmem>>, vector<1x1x16xf32>,
      %get3A_716 = vector.shape_cast %get3A_715 : vector<1x1x16xf32> to vector<16xf32>
      %add3A_717 = arith.addf %add3A_675, %get3A_716 : vector<16xf32>
      %add3A_718 = arith.constant 36 : i32
      %add3A_719 = arith.addi %mul3A_332, %add3A_718 : i32
      %add3A_720 = arith.constant 2 : i32
      %add3A_721 = arith.addi %add3A_719, %add3A_720 : i32
      %get3A_722 = arith.constant 1 : i32
      %get3A_723 = arith.index_cast %get3A_722 : i32 to index
      %get3A_724 = arith.index_cast %add3A_721 : i32 to index
      %get3A_725 = arith.constant 0 : index
      %get3A_726 = tpu.vector_load %arg6[%get3A_723, %get3A_724, %get3A_725] {strides = array<i32>} : memref<2x3200x16xf32, #tpu.memory_space<vmem>>, vector<1x1x16xf32>,
      %get3A_727 = vector.shape_cast %get3A_726 : vector<1x1x16xf32> to vector<16xf32>
      %add3A_728 = arith.addf %add3A_686, %get3A_727 : vector<16xf32>
      %add3A_729 = arith.constant 36 : i32
      %add3A_730 = arith.addi %mul3A_332, %add3A_729 : i32
      %add3A_731 = arith.constant 3 : i32
      %add3A_732 = arith.addi %add3A_730, %add3A_731 : i32
      %get3A_733 = arith.constant 1 : i32
      %get3A_734 = arith.index_cast %get3A_733 : i32 to index
      %get3A_735 = arith.index_cast %add3A_732 : i32 to index
      %get3A_736 = arith.constant 0 : index
      %get3A_737 = tpu.vector_load %arg6[%get3A_734, %get3A_735, %get3A_736] {strides = array<i32>} : memref<2x3200x16xf32, #tpu.memory_space<vmem>>, vector<1x1x16xf32>,
      %get3A_738 = vector.shape_cast %get3A_737 : vector<1x1x16xf32> to vector<16xf32>
      %add3A_739 = arith.addf %add3A_697, %get3A_738 : vector<16xf32>
      %add3A_740 = arith.constant 40 : i32
      %add3A_741 = arith.addi %mul3A_332, %add3A_740 : i32
      %get3A_742 = arith.constant 1 : i32
      %get3A_743 = arith.index_cast %get3A_742 : i32 to index
      %get3A_744 = arith.index_cast %add3A_741 : i32 to index
      %get3A_745 = arith.constant 0 : index
      %get3A_746 = tpu.vector_load %arg6[%get3A_743, %get3A_744, %get3A_745] {strides = array<i32>} : memref<2x3200x16xf32, #tpu.memory_space<vmem>>, vector<1x1x16xf32>,
      %get3A_747 = vector.shape_cast %get3A_746 : vector<1x1x16xf32> to vector<16xf32>
      %add3A_748 = arith.addf %add3A_706, %get3A_747 : vector<16xf32>
      %add3A_749 = arith.constant 40 : i32
      %add3A_750 = arith.addi %mul3A_332, %add3A_749 : i32
      %add3A_751 = arith.constant 1 : i32
      %add3A_752 = arith.addi %add3A_750, %add3A_751 : i32
      %get3A_753 = arith.constant 1 : i32
      %get3A_754 = arith.index_cast %get3A_753 : i32 to index
      %get3A_755 = arith.index_cast %add3A_752 : i32 to index
      %get3A_756 = arith.constant 0 : index
      %get3A_757 = tpu.vector_load %arg6[%get3A_754, %get3A_755, %get3A_756] {strides = array<i32>} : memref<2x3200x16xf32, #tpu.memory_space<vmem>>, vector<1x1x16xf32>,
      %get3A_758 = vector.shape_cast %get3A_757 : vector<1x1x16xf32> to vector<16xf32>
      %add3A_759 = arith.addf %add3A_717, %get3A_758 : vector<16xf32>
      %add3A_760 = arith.constant 40 : i32
      %add3A_761 = arith.addi %mul3A_332, %add3A_760 : i32
      %add3A_762 = arith.constant 2 : i32
      %add3A_763 = arith.addi %add3A_761, %add3A_762 : i32
      %get3A_764 = arith.constant 1 : i32
      %get3A_765 = arith.index_cast %get3A_764 : i32 to index
      %get3A_766 = arith.index_cast %add3A_763 : i32 to index
      %get3A_767 = arith.constant 0 : index
      %get3A_768 = tpu.vector_load %arg6[%get3A_765, %get3A_766, %get3A_767] {strides = array<i32>} : memref<2x3200x16xf32, #tpu.memory_space<vmem>>, vector<1x1x16xf32>,
      %get3A_769 = vector.shape_cast %get3A_768 : vector<1x1x16xf32> to vector<16xf32>
      %add3A_770 = arith.addf %add3A_728, %get3A_769 : vector<16xf32>
      %add3A_771 = arith.constant 40 : i32
      %add3A_772 = arith.addi %mul3A_332, %add3A_771 : i32
      %add3A_773 = arith.constant 3 : i32
      %add3A_774 = arith.addi %add3A_772, %add3A_773 : i32
      %get3A_775 = arith.constant 1 : i32
      %get3A_776 = arith.index_cast %get3A_775 : i32 to index
      %get3A_777 = arith.index_cast %add3A_774 : i32 to index
      %get3A_778 = arith.constant 0 : index
      %get3A_779 = tpu.vector_load %arg6[%get3A_776, %get3A_777, %get3A_778] {strides = array<i32>} : memref<2x3200x16xf32, #tpu.memory_space<vmem>>, vector<1x1x16xf32>,
      %get3A_780 = vector.shape_cast %get3A_779 : vector<1x1x16xf32> to vector<16xf32>
      %add3A_781 = arith.addf %add3A_739, %get3A_780 : vector<16xf32>
      %add3A_782 = arith.constant 44 : i32
      %add3A_783 = arith.addi %mul3A_332, %add3A_782 : i32
      %get3A_784 = arith.constant 1 : i32
      %get3A_785 = arith.index_cast %get3A_784 : i32 to index
      %get3A_786 = arith.index_cast %add3A_783 : i32 to index
      %get3A_787 = arith.constant 0 : index
      %get3A_788 = tpu.vector_load %arg6[%get3A_785, %get3A_786, %get3A_787] {strides = array<i32>} : memref<2x3200x16xf32, #tpu.memory_space<vmem>>, vector<1x1x16xf32>,
      %get3A_789 = vector.shape_cast %get3A_788 : vector<1x1x16xf32> to vector<16xf32>
      %add3A_790 = arith.addf %add3A_748, %get3A_789 : vector<16xf32>
      %add3A_791 = arith.constant 44 : i32
      %add3A_792 = arith.addi %mul3A_332, %add3A_791 : i32
      %add3A_793 = arith.constant 1 : i32
      %add3A_794 = arith.addi %add3A_792, %add3A_793 : i32
      %get3A_795 = arith.constant 1 : i32
      %get3A_796 = arith.index_cast %get3A_795 : i32 to index
      %get3A_797 = arith.index_cast %add3A_794 : i32 to index
      %get3A_798 = arith.constant 0 : index
      %get3A_799 = tpu.vector_load %arg6[%get3A_796, %get3A_797, %get3A_798] {strides = array<i32>} : memref<2x3200x16xf32, #tpu.memory_space<vmem>>, vector<1x1x16xf32>,
      %get3A_800 = vector.shape_cast %get3A_799 : vector<1x1x16xf32> to vector<16xf32>
      %add3A_801 = arith.addf %add3A_759, %get3A_800 : vector<16xf32>
      %add3A_802 = arith.constant 44 : i32
      %add3A_803 = arith.addi %mul3A_332, %add3A_802 : i32
      %add3A_804 = arith.constant 2 : i32
      %add3A_805 = arith.addi %add3A_803, %add3A_804 : i32
      %get3A_806 = arith.constant 1 : i32
      %get3A_807 = arith.index_cast %get3A_806 : i32 to index
      %get3A_808 = arith.index_cast %add3A_805 : i32 to index
      %get3A_809 = arith.constant 0 : index
      %get3A_810 = tpu.vector_load %arg6[%get3A_807, %get3A_808, %get3A_809] {strides = array<i32>} : memref<2x3200x16xf32, #tpu.memory_space<vmem>>, vector<1x1x16xf32>,
      %get3A_811 = vector.shape_cast %get3A_810 : vector<1x1x16xf32> to vector<16xf32>
      %add3A_812 = arith.addf %add3A_770, %get3A_811 : vector<16xf32>
      %add3A_813 = arith.constant 44 : i32
      %add3A_814 = arith.addi %mul3A_332, %add3A_813 : i32
      %add3A_815 = arith.constant 3 : i32
      %add3A_816 = arith.addi %add3A_814, %add3A_815 : i32
      %get3A_817 = arith.constant 1 : i32
      %get3A_818 = arith.index_cast %get3A_817 : i32 to index
      %get3A_819 = arith.index_cast %add3A_816 : i32 to index
      %get3A_820 = arith.constant 0 : index
      %get3A_821 = tpu.vector_load %arg6[%get3A_818, %get3A_819, %get3A_820] {strides = array<i32>} : memref<2x3200x16xf32, #tpu.memory_space<vmem>>, vector<1x1x16xf32>,
      %get3A_822 = vector.shape_cast %get3A_821 : vector<1x1x16xf32> to vector<16xf32>
      %add3A_823 = arith.addf %add3A_781, %get3A_822 : vector<16xf32>
      %add3A_824 = arith.constant 50 : i32
      %add3A_825 = arith.addi %mul3A_332, %add3A_824 : i32
      %sub3A = arith.constant 2 : i32
      %sub3A_826 = arith.subi %add3A_825, %sub3A : i32
      %get3A_827 = arith.constant 1 : i32
      %get3A_828 = arith.index_cast %get3A_827 : i32 to index
      %get3A_829 = arith.index_cast %sub3A_826 : i32 to index
      %get3A_830 = arith.constant 0 : index
      %get3A_831 = tpu.vector_load %arg6[%get3A_828, %get3A_829, %get3A_830] {strides = array<i32>} : memref<2x3200x16xf32, #tpu.memory_space<vmem>>, vector<1x1x16xf32>,
      %get3A_832 = vector.shape_cast %get3A_831 : vector<1x1x16xf32> to vector<16xf32>
      %add3A_833 = arith.addf %add3A_790, %get3A_832 : vector<16xf32>
      %add3A_834 = arith.constant 50 : i32
      %add3A_835 = arith.addi %mul3A_332, %add3A_834 : i32
      %sub3A_836 = arith.constant 1 : i32
      %sub3A_837 = arith.subi %add3A_835, %sub3A_836 : i32
      %get3A_838 = arith.constant 1 : i32
      %get3A_839 = arith.index_cast %get3A_838 : i32 to index
      %get3A_840 = arith.index_cast %sub3A_837 : i32 to index
      %get3A_841 = arith.constant 0 : index
      %get3A_842 = tpu.vector_load %arg6[%get3A_839, %get3A_840, %get3A_841] {strides = array<i32>} : memref<2x3200x16xf32, #tpu.memory_space<vmem>>, vector<1x1x16xf32>,
      %get3A_843 = vector.shape_cast %get3A_842 : vector<1x1x16xf32> to vector<16xf32>
      %add3A_844 = arith.addf %add3A_801, %get3A_843 : vector<16xf32>
      %add3A_845 = arith.addf %add3A_833, %add3A_844 : vector<16xf32>
      %add3A_846 = arith.addf %add3A_812, %add3A_823 : vector<16xf32>
      %add3A_847 = arith.addf %add3A_845, %add3A_846 : vector<16xf32>
      %mul3A_848 = arith.constant 2.000000e-02 : f32
      %mul3A_849 = vector.broadcast %mul3A_848 : f32 to vector<16xf32>
      %mul3A_850 = arith.mulf %add3A_847, %mul3A_849 : vector<16xf32>
      %swap3A = arith.index_cast %scan3A_330 : i32 to index
      %swap3A_851 = arith.constant 0 : index
      %swap3A_852 = tpu.vector_load %arg7[%swap3A, %swap3A_851] {strides = array<i32>} : memref<64x16xf32, #tpu.memory_space<vmem>>, vector<1x16xf32>,
      %swap3A_853 = vector.shape_cast %swap3A_852 : vector<1x16xf32> to vector<16xf32>
      %swap3A_854 = vector.shape_cast %mul3A_850 : vector<16xf32> to vector<1x16xf32>
      tpu.vector_store %arg7[%swap3A, %swap3A_851], %swap3A_854 {strides = array<i32>} : memref<64x16xf32, #tpu.memory_space<vmem>>, vector<1x16xf32>,
    }
    %scan3A_92 = arith.constant 64 : i32
    %mul3A_93 = arith.constant 512 : i32
    %mul3A_94 = arith.muli %add3A, %mul3A_93 : i32
    %add3A_95 = arith.constant 64 : i32
    %add3A_96 = arith.addi %mul3A_94, %add3A_95 : i32
    "tpu.region"() ({
      %run_scoped3A = tpu.sem_alloc : memref<!tpu.dma_semaphore, #tpu.memory_space<semaphore_mem>>
      %dma_start3A_330 = arith.constant 0 : i32
      %dma_start3A_331 = tpu.memref_slice %arg4[%add3A_96, %dma_start3A_330] : memref<16384x16xf32, #tpu.memory_space<hbm>> -> memref<64x16xf32, #tpu.memory_space<hbm>>
      %dma_start3A_332 = arith.constant 0 : i32
      %dma_start3A_333 = tpu.memref_slice %arg4[%add3A_96, %dma_start3A_332] : memref<16384x16xf32, #tpu.memory_space<hbm>> -> memref<64x16xf32, #tpu.memory_space<hbm>>
      tpu.enqueue_dma source(%arg7 : memref<64x16xf32, #tpu.memory_space<vmem>>) target(%dma_start3A_333 : memref<64x16xf32, #tpu.memory_space<hbm>>) target_semaphore(%run_scoped3A : memref<!tpu.dma_semaphore, #tpu.memory_space<semaphore_mem>>)
      %dma_wait3A_334 = arith.constant 0 : i32
      %dma_wait3A_335 = tpu.memref_slice %arg4[%add3A_96, %dma_wait3A_334] : memref<16384x16xf32, #tpu.memory_space<hbm>> -> memref<64x16xf32, #tpu.memory_space<hbm>>
      %dma_wait3A_336 = arith.constant 0 : i32
      %dma_wait3A_337 = tpu.memref_slice %arg4[%add3A_96, %dma_wait3A_336] : memref<16384x16xf32, #tpu.memory_space<hbm>> -> memref<64x16xf32, #tpu.memory_space<hbm>>
      tpu.wait_dma2 semaphore(%run_scoped3A : memref<!tpu.dma_semaphore, #tpu.memory_space<semaphore_mem>>) src(%arg7 : memref<64x16xf32, #tpu.memory_space<vmem>>) dst(%dma_wait3A_337 : memref<64x16xf32, #tpu.memory_space<hbm>>)
      tpu.yield
    }) : () -> ()
    %dma_start3A_97 = arith.constant 1 : i32
    %dma_start3A_98 = arith.constant 1 : i32
    %dma_start3A_99 = arith.constant 0 : i32
    %dma_start3A_100 = arith.constant 0 : i32
    %dma_start3A_101 = tpu.memref_slice %arg6[%dma_start3A_97, %dma_start3A_99, %dma_start3A_100] : memref<2x3200x16xf32, #tpu.memory_space<vmem>> -> memref<1x3200x16xf32, #tpu.memory_space<vmem>>
    %dma_start3A_102 = tpu.memref_squeeze %dma_start3A_101 : memref<1x3200x16xf32, #tpu.memory_space<vmem>> -> memref<3200x16xf32, #tpu.memory_space<vmem>>
    %dma_start3A_103 = arith.constant 9600 : i32
    %dma_start3A_104 = tpu.memref_slice %arg5[%dma_start3A_103] : memref<25600xi32, #tpu.memory_space<vmem>> -> memref<3200xi32, #tpu.memory_space<vmem>>
    %dma_start3A_105 = arith.constant 0 : i32
    %dma_start3A_106 = arith.constant 0 : i32
    %dma_start3A_107 = tpu.memref_slice %arg3[%dma_start3A_105, %dma_start3A_106] : memref<1000000x16xf32, #tpu.memory_space<hbm>> -> memref<1000000x16xf32, #tpu.memory_space<hbm>>
    %dma_start3A_108 = tpu.memref_slice %arg8[%dma_start3A_98] : memref<2x!tpu.dma_semaphore, #tpu.memory_space<semaphore_mem>> -> memref<1x!tpu.dma_semaphore, #tpu.memory_space<semaphore_mem>>
    %dma_start3A_109 = tpu.memref_squeeze %dma_start3A_108 : memref<1x!tpu.dma_semaphore, #tpu.memory_space<semaphore_mem>> -> memref<!tpu.dma_semaphore, #tpu.memory_space<semaphore_mem>>
    tpu.enqueue_indirect_dma source(%dma_start3A_107 : memref<1000000x16xf32, #tpu.memory_space<hbm>>) target(%dma_start3A_102 : memref<3200x16xf32, #tpu.memory_space<vmem>>) offsets(%dma_start3A_104 : memref<3200xi32, #tpu.memory_space<vmem>>) semaphore(%dma_start3A_109 : memref<!tpu.dma_semaphore, #tpu.memory_space<semaphore_mem>>)
    %dma_wait3A_110 = arith.constant 0 : i32
    %dma_wait3A_111 = arith.constant 0 : i32
    %dma_wait3A_112 = arith.constant 0 : i32
    %dma_wait3A_113 = arith.constant 0 : i32
    %dma_wait3A_114 = tpu.memref_slice %arg6[%dma_wait3A_110, %dma_wait3A_112, %dma_wait3A_113] : memref<2x3200x16xf32, #tpu.memory_space<vmem>> -> memref<1x3200x16xf32, #tpu.memory_space<vmem>>
    %dma_wait3A_115 = tpu.memref_squeeze %dma_wait3A_114 : memref<1x3200x16xf32, #tpu.memory_space<vmem>> -> memref<3200x16xf32, #tpu.memory_space<vmem>>
    %dma_wait3A_116 = arith.constant 0 : i32
    %dma_wait3A_117 = arith.constant 0 : i32
    %dma_wait3A_118 = tpu.memref_slice %arg3[%dma_wait3A_116, %dma_wait3A_117] : memref<1000000x16xf32, #tpu.memory_space<hbm>> -> memref<3200x16xf32, #tpu.memory_space<hbm>>
    %dma_wait3A_119 = tpu.memref_slice %arg8[%dma_wait3A_111] : memref<2x!tpu.dma_semaphore, #tpu.memory_space<semaphore_mem>> -> memref<1x!tpu.dma_semaphore, #tpu.memory_space<semaphore_mem>>
    %dma_wait3A_120 = tpu.memref_squeeze %dma_wait3A_119 : memref<1x!tpu.dma_semaphore, #tpu.memory_space<semaphore_mem>> -> memref<!tpu.dma_semaphore, #tpu.memory_space<semaphore_mem>>
    %dma_wait3A_121 = arith.constant 0 : i32
    %dma_wait3A_122 = arith.constant 0 : i32
    %dma_wait3A_123 = tpu.memref_slice %arg6[%dma_wait3A_110, %dma_wait3A_121, %dma_wait3A_122] : memref<2x3200x16xf32, #tpu.memory_space<vmem>> -> memref<1x3200x16xf32, #tpu.memory_space<vmem>>
    %dma_wait3A_124 = tpu.memref_squeeze %dma_wait3A_123 : memref<1x3200x16xf32, #tpu.memory_space<vmem>> -> memref<3200x16xf32, #tpu.memory_space<vmem>>
    %dma_wait3A_125 = arith.constant 0 : i32
    %dma_wait3A_126 = arith.constant 0 : i32
    %dma_wait3A_127 = tpu.memref_slice %arg3[%dma_wait3A_125, %dma_wait3A_126] : memref<1000000x16xf32, #tpu.memory_space<hbm>> -> memref<3200x16xf32, #tpu.memory_space<hbm>>
    tpu.wait_dma2 semaphore(%dma_wait3A_120 : memref<!tpu.dma_semaphore, #tpu.memory_space<semaphore_mem>>) src(%dma_wait3A_127 : memref<3200x16xf32, #tpu.memory_space<hbm>>) dst(%dma_wait3A_124 : memref<3200x16xf32, #tpu.memory_space<vmem>>)
    %scan3A_128 = arith.constant 0 : i32
    %scan3A_129 = arith.constant 0 : i32
    %scan3A_130 = arith.constant 64 : i32
    %scan3A_131 = arith.addi %scan3A_129, %scan3A_130 : i32
    %scan3A_132 = arith.constant 1 : i32
    scf.for %scan3A_330 = %scan3A_129 to %scan3A_131 step %scan3A_132  : i32 {
      %mul3A_331 = arith.constant 50 : i32
      %mul3A_332 = arith.muli %scan3A_330, %mul3A_331 : i32
      %get3A = arith.constant 0 : i32
      %get3A_333 = arith.index_cast %get3A : i32 to index
      %get3A_334 = arith.index_cast %mul3A_332 : i32 to index
      %get3A_335 = arith.constant 0 : index
      %get3A_336 = tpu.vector_load %arg6[%get3A_333, %get3A_334, %get3A_335] {strides = array<i32>} : memref<2x3200x16xf32, #tpu.memory_space<vmem>>, vector<1x1x16xf32>,
      %get3A_337 = vector.shape_cast %get3A_336 : vector<1x1x16xf32> to vector<16xf32>
      %add3A_338 = arith.constant 1 : i32
      %add3A_339 = arith.addi %mul3A_332, %add3A_338 : i32
      %get3A_340 = arith.constant 0 : i32
      %get3A_341 = arith.index_cast %get3A_340 : i32 to index
      %get3A_342 = arith.index_cast %add3A_339 : i32 to index
      %get3A_343 = arith.constant 0 : index
      %get3A_344 = tpu.vector_load %arg6[%get3A_341, %get3A_342, %get3A_343] {strides = array<i32>} : memref<2x3200x16xf32, #tpu.memory_space<vmem>>, vector<1x1x16xf32>,
      %get3A_345 = vector.shape_cast %get3A_344 : vector<1x1x16xf32> to vector<16xf32>
      %add3A_346 = arith.constant 2 : i32
      %add3A_347 = arith.addi %mul3A_332, %add3A_346 : i32
      %get3A_348 = arith.constant 0 : i32
      %get3A_349 = arith.index_cast %get3A_348 : i32 to index
      %get3A_350 = arith.index_cast %add3A_347 : i32 to index
      %get3A_351 = arith.constant 0 : index
      %get3A_352 = tpu.vector_load %arg6[%get3A_349, %get3A_350, %get3A_351] {strides = array<i32>} : memref<2x3200x16xf32, #tpu.memory_space<vmem>>, vector<1x1x16xf32>,
      %get3A_353 = vector.shape_cast %get3A_352 : vector<1x1x16xf32> to vector<16xf32>
      %add3A_354 = arith.constant 3 : i32
      %add3A_355 = arith.addi %mul3A_332, %add3A_354 : i32
      %get3A_356 = arith.constant 0 : i32
      %get3A_357 = arith.index_cast %get3A_356 : i32 to index
      %get3A_358 = arith.index_cast %add3A_355 : i32 to index
      %get3A_359 = arith.constant 0 : index
      %get3A_360 = tpu.vector_load %arg6[%get3A_357, %get3A_358, %get3A_359] {strides = array<i32>} : memref<2x3200x16xf32, #tpu.memory_space<vmem>>, vector<1x1x16xf32>,
      %get3A_361 = vector.shape_cast %get3A_360 : vector<1x1x16xf32> to vector<16xf32>
      %add3A_362 = arith.constant 4 : i32
      %add3A_363 = arith.addi %mul3A_332, %add3A_362 : i32
      %get3A_364 = arith.constant 0 : i32
      %get3A_365 = arith.index_cast %get3A_364 : i32 to index
      %get3A_366 = arith.index_cast %add3A_363 : i32 to index
      %get3A_367 = arith.constant 0 : index
      %get3A_368 = tpu.vector_load %arg6[%get3A_365, %get3A_366, %get3A_367] {strides = array<i32>} : memref<2x3200x16xf32, #tpu.memory_space<vmem>>, vector<1x1x16xf32>,
      %get3A_369 = vector.shape_cast %get3A_368 : vector<1x1x16xf32> to vector<16xf32>
      %add3A_370 = arith.addf %get3A_337, %get3A_369 : vector<16xf32>
      %add3A_371 = arith.constant 4 : i32
      %add3A_372 = arith.addi %mul3A_332, %add3A_371 : i32
      %add3A_373 = arith.constant 1 : i32
      %add3A_374 = arith.addi %add3A_372, %add3A_373 : i32
      %get3A_375 = arith.constant 0 : i32
      %get3A_376 = arith.index_cast %get3A_375 : i32 to index
      %get3A_377 = arith.index_cast %add3A_374 : i32 to index
      %get3A_378 = arith.constant 0 : index
      %get3A_379 = tpu.vector_load %arg6[%get3A_376, %get3A_377, %get3A_378] {strides = array<i32>} : memref<2x3200x16xf32, #tpu.memory_space<vmem>>, vector<1x1x16xf32>,
      %get3A_380 = vector.shape_cast %get3A_379 : vector<1x1x16xf32> to vector<16xf32>
      %add3A_381 = arith.addf %get3A_345, %get3A_380 : vector<16xf32>
      %add3A_382 = arith.constant 4 : i32
      %add3A_383 = arith.addi %mul3A_332, %add3A_382 : i32
      %add3A_384 = arith.constant 2 : i32
      %add3A_385 = arith.addi %add3A_383, %add3A_384 : i32
      %get3A_386 = arith.constant 0 : i32
      %get3A_387 = arith.index_cast %get3A_386 : i32 to index
      %get3A_388 = arith.index_cast %add3A_385 : i32 to index
      %get3A_389 = arith.constant 0 : index
      %get3A_390 = tpu.vector_load %arg6[%get3A_387, %get3A_388, %get3A_389] {strides = array<i32>} : memref<2x3200x16xf32, #tpu.memory_space<vmem>>, vector<1x1x16xf32>,
      %get3A_391 = vector.shape_cast %get3A_390 : vector<1x1x16xf32> to vector<16xf32>
      %add3A_392 = arith.addf %get3A_353, %get3A_391 : vector<16xf32>
      %add3A_393 = arith.constant 4 : i32
      %add3A_394 = arith.addi %mul3A_332, %add3A_393 : i32
      %add3A_395 = arith.constant 3 : i32
      %add3A_396 = arith.addi %add3A_394, %add3A_395 : i32
      %get3A_397 = arith.constant 0 : i32
      %get3A_398 = arith.index_cast %get3A_397 : i32 to index
      %get3A_399 = arith.index_cast %add3A_396 : i32 to index
      %get3A_400 = arith.constant 0 : index
      %get3A_401 = tpu.vector_load %arg6[%get3A_398, %get3A_399, %get3A_400] {strides = array<i32>} : memref<2x3200x16xf32, #tpu.memory_space<vmem>>, vector<1x1x16xf32>,
      %get3A_402 = vector.shape_cast %get3A_401 : vector<1x1x16xf32> to vector<16xf32>
      %add3A_403 = arith.addf %get3A_361, %get3A_402 : vector<16xf32>
      %add3A_404 = arith.constant 8 : i32
      %add3A_405 = arith.addi %mul3A_332, %add3A_404 : i32
      %get3A_406 = arith.constant 0 : i32
      %get3A_407 = arith.index_cast %get3A_406 : i32 to index
      %get3A_408 = arith.index_cast %add3A_405 : i32 to index
      %get3A_409 = arith.constant 0 : index
      %get3A_410 = tpu.vector_load %arg6[%get3A_407, %get3A_408, %get3A_409] {strides = array<i32>} : memref<2x3200x16xf32, #tpu.memory_space<vmem>>, vector<1x1x16xf32>,
      %get3A_411 = vector.shape_cast %get3A_410 : vector<1x1x16xf32> to vector<16xf32>
      %add3A_412 = arith.addf %add3A_370, %get3A_411 : vector<16xf32>
      %add3A_413 = arith.constant 8 : i32
      %add3A_414 = arith.addi %mul3A_332, %add3A_413 : i32
      %add3A_415 = arith.constant 1 : i32
      %add3A_416 = arith.addi %add3A_414, %add3A_415 : i32
      %get3A_417 = arith.constant 0 : i32
      %get3A_418 = arith.index_cast %get3A_417 : i32 to index
      %get3A_419 = arith.index_cast %add3A_416 : i32 to index
      %get3A_420 = arith.constant 0 : index
      %get3A_421 = tpu.vector_load %arg6[%get3A_418, %get3A_419, %get3A_420] {strides = array<i32>} : memref<2x3200x16xf32, #tpu.memory_space<vmem>>, vector<1x1x16xf32>,
      %get3A_422 = vector.shape_cast %get3A_421 : vector<1x1x16xf32> to vector<16xf32>
      %add3A_423 = arith.addf %add3A_381, %get3A_422 : vector<16xf32>
      %add3A_424 = arith.constant 8 : i32
      %add3A_425 = arith.addi %mul3A_332, %add3A_424 : i32
      %add3A_426 = arith.constant 2 : i32
      %add3A_427 = arith.addi %add3A_425, %add3A_426 : i32
      %get3A_428 = arith.constant 0 : i32
      %get3A_429 = arith.index_cast %get3A_428 : i32 to index
      %get3A_430 = arith.index_cast %add3A_427 : i32 to index
      %get3A_431 = arith.constant 0 : index
      %get3A_432 = tpu.vector_load %arg6[%get3A_429, %get3A_430, %get3A_431] {strides = array<i32>} : memref<2x3200x16xf32, #tpu.memory_space<vmem>>, vector<1x1x16xf32>,
      %get3A_433 = vector.shape_cast %get3A_432 : vector<1x1x16xf32> to vector<16xf32>
      %add3A_434 = arith.addf %add3A_392, %get3A_433 : vector<16xf32>
      %add3A_435 = arith.constant 8 : i32
      %add3A_436 = arith.addi %mul3A_332, %add3A_435 : i32
      %add3A_437 = arith.constant 3 : i32
      %add3A_438 = arith.addi %add3A_436, %add3A_437 : i32
      %get3A_439 = arith.constant 0 : i32
      %get3A_440 = arith.index_cast %get3A_439 : i32 to index
      %get3A_441 = arith.index_cast %add3A_438 : i32 to index
      %get3A_442 = arith.constant 0 : index
      %get3A_443 = tpu.vector_load %arg6[%get3A_440, %get3A_441, %get3A_442] {strides = array<i32>} : memref<2x3200x16xf32, #tpu.memory_space<vmem>>, vector<1x1x16xf32>,
      %get3A_444 = vector.shape_cast %get3A_443 : vector<1x1x16xf32> to vector<16xf32>
      %add3A_445 = arith.addf %add3A_403, %get3A_444 : vector<16xf32>
      %add3A_446 = arith.constant 12 : i32
      %add3A_447 = arith.addi %mul3A_332, %add3A_446 : i32
      %get3A_448 = arith.constant 0 : i32
      %get3A_449 = arith.index_cast %get3A_448 : i32 to index
      %get3A_450 = arith.index_cast %add3A_447 : i32 to index
      %get3A_451 = arith.constant 0 : index
      %get3A_452 = tpu.vector_load %arg6[%get3A_449, %get3A_450, %get3A_451] {strides = array<i32>} : memref<2x3200x16xf32, #tpu.memory_space<vmem>>, vector<1x1x16xf32>,
      %get3A_453 = vector.shape_cast %get3A_452 : vector<1x1x16xf32> to vector<16xf32>
      %add3A_454 = arith.addf %add3A_412, %get3A_453 : vector<16xf32>
      %add3A_455 = arith.constant 12 : i32
      %add3A_456 = arith.addi %mul3A_332, %add3A_455 : i32
      %add3A_457 = arith.constant 1 : i32
      %add3A_458 = arith.addi %add3A_456, %add3A_457 : i32
      %get3A_459 = arith.constant 0 : i32
      %get3A_460 = arith.index_cast %get3A_459 : i32 to index
      %get3A_461 = arith.index_cast %add3A_458 : i32 to index
      %get3A_462 = arith.constant 0 : index
      %get3A_463 = tpu.vector_load %arg6[%get3A_460, %get3A_461, %get3A_462] {strides = array<i32>} : memref<2x3200x16xf32, #tpu.memory_space<vmem>>, vector<1x1x16xf32>,
      %get3A_464 = vector.shape_cast %get3A_463 : vector<1x1x16xf32> to vector<16xf32>
      %add3A_465 = arith.addf %add3A_423, %get3A_464 : vector<16xf32>
      %add3A_466 = arith.constant 12 : i32
      %add3A_467 = arith.addi %mul3A_332, %add3A_466 : i32
      %add3A_468 = arith.constant 2 : i32
      %add3A_469 = arith.addi %add3A_467, %add3A_468 : i32
      %get3A_470 = arith.constant 0 : i32
      %get3A_471 = arith.index_cast %get3A_470 : i32 to index
      %get3A_472 = arith.index_cast %add3A_469 : i32 to index
      %get3A_473 = arith.constant 0 : index
      %get3A_474 = tpu.vector_load %arg6[%get3A_471, %get3A_472, %get3A_473] {strides = array<i32>} : memref<2x3200x16xf32, #tpu.memory_space<vmem>>, vector<1x1x16xf32>,
      %get3A_475 = vector.shape_cast %get3A_474 : vector<1x1x16xf32> to vector<16xf32>
      %add3A_476 = arith.addf %add3A_434, %get3A_475 : vector<16xf32>
      %add3A_477 = arith.constant 12 : i32
      %add3A_478 = arith.addi %mul3A_332, %add3A_477 : i32
      %add3A_479 = arith.constant 3 : i32
      %add3A_480 = arith.addi %add3A_478, %add3A_479 : i32
      %get3A_481 = arith.constant 0 : i32
      %get3A_482 = arith.index_cast %get3A_481 : i32 to index
      %get3A_483 = arith.index_cast %add3A_480 : i32 to index
      %get3A_484 = arith.constant 0 : index
      %get3A_485 = tpu.vector_load %arg6[%get3A_482, %get3A_483, %get3A_484] {strides = array<i32>} : memref<2x3200x16xf32, #tpu.memory_space<vmem>>, vector<1x1x16xf32>,
      %get3A_486 = vector.shape_cast %get3A_485 : vector<1x1x16xf32> to vector<16xf32>
      %add3A_487 = arith.addf %add3A_445, %get3A_486 : vector<16xf32>
      %add3A_488 = arith.constant 16 : i32
      %add3A_489 = arith.addi %mul3A_332, %add3A_488 : i32
      %get3A_490 = arith.constant 0 : i32
      %get3A_491 = arith.index_cast %get3A_490 : i32 to index
      %get3A_492 = arith.index_cast %add3A_489 : i32 to index
      %get3A_493 = arith.constant 0 : index
      %get3A_494 = tpu.vector_load %arg6[%get3A_491, %get3A_492, %get3A_493] {strides = array<i32>} : memref<2x3200x16xf32, #tpu.memory_space<vmem>>, vector<1x1x16xf32>,
      %get3A_495 = vector.shape_cast %get3A_494 : vector<1x1x16xf32> to vector<16xf32>
      %add3A_496 = arith.addf %add3A_454, %get3A_495 : vector<16xf32>
      %add3A_497 = arith.constant 16 : i32
      %add3A_498 = arith.addi %mul3A_332, %add3A_497 : i32
      %add3A_499 = arith.constant 1 : i32
      %add3A_500 = arith.addi %add3A_498, %add3A_499 : i32
      %get3A_501 = arith.constant 0 : i32
      %get3A_502 = arith.index_cast %get3A_501 : i32 to index
      %get3A_503 = arith.index_cast %add3A_500 : i32 to index
      %get3A_504 = arith.constant 0 : index
      %get3A_505 = tpu.vector_load %arg6[%get3A_502, %get3A_503, %get3A_504] {strides = array<i32>} : memref<2x3200x16xf32, #tpu.memory_space<vmem>>, vector<1x1x16xf32>,
      %get3A_506 = vector.shape_cast %get3A_505 : vector<1x1x16xf32> to vector<16xf32>
      %add3A_507 = arith.addf %add3A_465, %get3A_506 : vector<16xf32>
      %add3A_508 = arith.constant 16 : i32
      %add3A_509 = arith.addi %mul3A_332, %add3A_508 : i32
      %add3A_510 = arith.constant 2 : i32
      %add3A_511 = arith.addi %add3A_509, %add3A_510 : i32
      %get3A_512 = arith.constant 0 : i32
      %get3A_513 = arith.index_cast %get3A_512 : i32 to index
      %get3A_514 = arith.index_cast %add3A_511 : i32 to index
      %get3A_515 = arith.constant 0 : index
      %get3A_516 = tpu.vector_load %arg6[%get3A_513, %get3A_514, %get3A_515] {strides = array<i32>} : memref<2x3200x16xf32, #tpu.memory_space<vmem>>, vector<1x1x16xf32>,
      %get3A_517 = vector.shape_cast %get3A_516 : vector<1x1x16xf32> to vector<16xf32>
      %add3A_518 = arith.addf %add3A_476, %get3A_517 : vector<16xf32>
      %add3A_519 = arith.constant 16 : i32
      %add3A_520 = arith.addi %mul3A_332, %add3A_519 : i32
      %add3A_521 = arith.constant 3 : i32
      %add3A_522 = arith.addi %add3A_520, %add3A_521 : i32
      %get3A_523 = arith.constant 0 : i32
      %get3A_524 = arith.index_cast %get3A_523 : i32 to index
      %get3A_525 = arith.index_cast %add3A_522 : i32 to index
      %get3A_526 = arith.constant 0 : index
      %get3A_527 = tpu.vector_load %arg6[%get3A_524, %get3A_525, %get3A_526] {strides = array<i32>} : memref<2x3200x16xf32, #tpu.memory_space<vmem>>, vector<1x1x16xf32>,
      %get3A_528 = vector.shape_cast %get3A_527 : vector<1x1x16xf32> to vector<16xf32>
      %add3A_529 = arith.addf %add3A_487, %get3A_528 : vector<16xf32>
      %add3A_530 = arith.constant 20 : i32
      %add3A_531 = arith.addi %mul3A_332, %add3A_530 : i32
      %get3A_532 = arith.constant 0 : i32
      %get3A_533 = arith.index_cast %get3A_532 : i32 to index
      %get3A_534 = arith.index_cast %add3A_531 : i32 to index
      %get3A_535 = arith.constant 0 : index
      %get3A_536 = tpu.vector_load %arg6[%get3A_533, %get3A_534, %get3A_535] {strides = array<i32>} : memref<2x3200x16xf32, #tpu.memory_space<vmem>>, vector<1x1x16xf32>,
      %get3A_537 = vector.shape_cast %get3A_536 : vector<1x1x16xf32> to vector<16xf32>
      %add3A_538 = arith.addf %add3A_496, %get3A_537 : vector<16xf32>
      %add3A_539 = arith.constant 20 : i32
      %add3A_540 = arith.addi %mul3A_332, %add3A_539 : i32
      %add3A_541 = arith.constant 1 : i32
      %add3A_542 = arith.addi %add3A_540, %add3A_541 : i32
      %get3A_543 = arith.constant 0 : i32
      %get3A_544 = arith.index_cast %get3A_543 : i32 to index
      %get3A_545 = arith.index_cast %add3A_542 : i32 to index
      %get3A_546 = arith.constant 0 : index
      %get3A_547 = tpu.vector_load %arg6[%get3A_544, %get3A_545, %get3A_546] {strides = array<i32>} : memref<2x3200x16xf32, #tpu.memory_space<vmem>>, vector<1x1x16xf32>,
      %get3A_548 = vector.shape_cast %get3A_547 : vector<1x1x16xf32> to vector<16xf32>
      %add3A_549 = arith.addf %add3A_507, %get3A_548 : vector<16xf32>
      %add3A_550 = arith.constant 20 : i32
      %add3A_551 = arith.addi %mul3A_332, %add3A_550 : i32
      %add3A_552 = arith.constant 2 : i32
      %add3A_553 = arith.addi %add3A_551, %add3A_552 : i32
      %get3A_554 = arith.constant 0 : i32
      %get3A_555 = arith.index_cast %get3A_554 : i32 to index
      %get3A_556 = arith.index_cast %add3A_553 : i32 to index
      %get3A_557 = arith.constant 0 : index
      %get3A_558 = tpu.vector_load %arg6[%get3A_555, %get3A_556, %get3A_557] {strides = array<i32>} : memref<2x3200x16xf32, #tpu.memory_space<vmem>>, vector<1x1x16xf32>,
      %get3A_559 = vector.shape_cast %get3A_558 : vector<1x1x16xf32> to vector<16xf32>
      %add3A_560 = arith.addf %add3A_518, %get3A_559 : vector<16xf32>
      %add3A_561 = arith.constant 20 : i32
      %add3A_562 = arith.addi %mul3A_332, %add3A_561 : i32
      %add3A_563 = arith.constant 3 : i32
      %add3A_564 = arith.addi %add3A_562, %add3A_563 : i32
      %get3A_565 = arith.constant 0 : i32
      %get3A_566 = arith.index_cast %get3A_565 : i32 to index
      %get3A_567 = arith.index_cast %add3A_564 : i32 to index
      %get3A_568 = arith.constant 0 : index
      %get3A_569 = tpu.vector_load %arg6[%get3A_566, %get3A_567, %get3A_568] {strides = array<i32>} : memref<2x3200x16xf32, #tpu.memory_space<vmem>>, vector<1x1x16xf32>,
      %get3A_570 = vector.shape_cast %get3A_569 : vector<1x1x16xf32> to vector<16xf32>
      %add3A_571 = arith.addf %add3A_529, %get3A_570 : vector<16xf32>
      %add3A_572 = arith.constant 24 : i32
      %add3A_573 = arith.addi %mul3A_332, %add3A_572 : i32
      %get3A_574 = arith.constant 0 : i32
      %get3A_575 = arith.index_cast %get3A_574 : i32 to index
      %get3A_576 = arith.index_cast %add3A_573 : i32 to index
      %get3A_577 = arith.constant 0 : index
      %get3A_578 = tpu.vector_load %arg6[%get3A_575, %get3A_576, %get3A_577] {strides = array<i32>} : memref<2x3200x16xf32, #tpu.memory_space<vmem>>, vector<1x1x16xf32>,
      %get3A_579 = vector.shape_cast %get3A_578 : vector<1x1x16xf32> to vector<16xf32>
      %add3A_580 = arith.addf %add3A_538, %get3A_579 : vector<16xf32>
      %add3A_581 = arith.constant 24 : i32
      %add3A_582 = arith.addi %mul3A_332, %add3A_581 : i32
      %add3A_583 = arith.constant 1 : i32
      %add3A_584 = arith.addi %add3A_582, %add3A_583 : i32
      %get3A_585 = arith.constant 0 : i32
      %get3A_586 = arith.index_cast %get3A_585 : i32 to index
      %get3A_587 = arith.index_cast %add3A_584 : i32 to index
      %get3A_588 = arith.constant 0 : index
      %get3A_589 = tpu.vector_load %arg6[%get3A_586, %get3A_587, %get3A_588] {strides = array<i32>} : memref<2x3200x16xf32, #tpu.memory_space<vmem>>, vector<1x1x16xf32>,
      %get3A_590 = vector.shape_cast %get3A_589 : vector<1x1x16xf32> to vector<16xf32>
      %add3A_591 = arith.addf %add3A_549, %get3A_590 : vector<16xf32>
      %add3A_592 = arith.constant 24 : i32
      %add3A_593 = arith.addi %mul3A_332, %add3A_592 : i32
      %add3A_594 = arith.constant 2 : i32
      %add3A_595 = arith.addi %add3A_593, %add3A_594 : i32
      %get3A_596 = arith.constant 0 : i32
      %get3A_597 = arith.index_cast %get3A_596 : i32 to index
      %get3A_598 = arith.index_cast %add3A_595 : i32 to index
      %get3A_599 = arith.constant 0 : index
      %get3A_600 = tpu.vector_load %arg6[%get3A_597, %get3A_598, %get3A_599] {strides = array<i32>} : memref<2x3200x16xf32, #tpu.memory_space<vmem>>, vector<1x1x16xf32>,
      %get3A_601 = vector.shape_cast %get3A_600 : vector<1x1x16xf32> to vector<16xf32>
      %add3A_602 = arith.addf %add3A_560, %get3A_601 : vector<16xf32>
      %add3A_603 = arith.constant 24 : i32
      %add3A_604 = arith.addi %mul3A_332, %add3A_603 : i32
      %add3A_605 = arith.constant 3 : i32
      %add3A_606 = arith.addi %add3A_604, %add3A_605 : i32
      %get3A_607 = arith.constant 0 : i32
      %get3A_608 = arith.index_cast %get3A_607 : i32 to index
      %get3A_609 = arith.index_cast %add3A_606 : i32 to index
      %get3A_610 = arith.constant 0 : index
      %get3A_611 = tpu.vector_load %arg6[%get3A_608, %get3A_609, %get3A_610] {strides = array<i32>} : memref<2x3200x16xf32, #tpu.memory_space<vmem>>, vector<1x1x16xf32>,
      %get3A_612 = vector.shape_cast %get3A_611 : vector<1x1x16xf32> to vector<16xf32>
      %add3A_613 = arith.addf %add3A_571, %get3A_612 : vector<16xf32>
      %add3A_614 = arith.constant 28 : i32
      %add3A_615 = arith.addi %mul3A_332, %add3A_614 : i32
      %get3A_616 = arith.constant 0 : i32
      %get3A_617 = arith.index_cast %get3A_616 : i32 to index
      %get3A_618 = arith.index_cast %add3A_615 : i32 to index
      %get3A_619 = arith.constant 0 : index
      %get3A_620 = tpu.vector_load %arg6[%get3A_617, %get3A_618, %get3A_619] {strides = array<i32>} : memref<2x3200x16xf32, #tpu.memory_space<vmem>>, vector<1x1x16xf32>,
      %get3A_621 = vector.shape_cast %get3A_620 : vector<1x1x16xf32> to vector<16xf32>
      %add3A_622 = arith.addf %add3A_580, %get3A_621 : vector<16xf32>
      %add3A_623 = arith.constant 28 : i32
      %add3A_624 = arith.addi %mul3A_332, %add3A_623 : i32
      %add3A_625 = arith.constant 1 : i32
      %add3A_626 = arith.addi %add3A_624, %add3A_625 : i32
      %get3A_627 = arith.constant 0 : i32
      %get3A_628 = arith.index_cast %get3A_627 : i32 to index
      %get3A_629 = arith.index_cast %add3A_626 : i32 to index
      %get3A_630 = arith.constant 0 : index
      %get3A_631 = tpu.vector_load %arg6[%get3A_628, %get3A_629, %get3A_630] {strides = array<i32>} : memref<2x3200x16xf32, #tpu.memory_space<vmem>>, vector<1x1x16xf32>,
      %get3A_632 = vector.shape_cast %get3A_631 : vector<1x1x16xf32> to vector<16xf32>
      %add3A_633 = arith.addf %add3A_591, %get3A_632 : vector<16xf32>
      %add3A_634 = arith.constant 28 : i32
      %add3A_635 = arith.addi %mul3A_332, %add3A_634 : i32
      %add3A_636 = arith.constant 2 : i32
      %add3A_637 = arith.addi %add3A_635, %add3A_636 : i32
      %get3A_638 = arith.constant 0 : i32
      %get3A_639 = arith.index_cast %get3A_638 : i32 to index
      %get3A_640 = arith.index_cast %add3A_637 : i32 to index
      %get3A_641 = arith.constant 0 : index
      %get3A_642 = tpu.vector_load %arg6[%get3A_639, %get3A_640, %get3A_641] {strides = array<i32>} : memref<2x3200x16xf32, #tpu.memory_space<vmem>>, vector<1x1x16xf32>,
      %get3A_643 = vector.shape_cast %get3A_642 : vector<1x1x16xf32> to vector<16xf32>
      %add3A_644 = arith.addf %add3A_602, %get3A_643 : vector<16xf32>
      %add3A_645 = arith.constant 28 : i32
      %add3A_646 = arith.addi %mul3A_332, %add3A_645 : i32
      %add3A_647 = arith.constant 3 : i32
      %add3A_648 = arith.addi %add3A_646, %add3A_647 : i32
      %get3A_649 = arith.constant 0 : i32
      %get3A_650 = arith.index_cast %get3A_649 : i32 to index
      %get3A_651 = arith.index_cast %add3A_648 : i32 to index
      %get3A_652 = arith.constant 0 : index
      %get3A_653 = tpu.vector_load %arg6[%get3A_650, %get3A_651, %get3A_652] {strides = array<i32>} : memref<2x3200x16xf32, #tpu.memory_space<vmem>>, vector<1x1x16xf32>,
      %get3A_654 = vector.shape_cast %get3A_653 : vector<1x1x16xf32> to vector<16xf32>
      %add3A_655 = arith.addf %add3A_613, %get3A_654 : vector<16xf32>
      %add3A_656 = arith.constant 32 : i32
      %add3A_657 = arith.addi %mul3A_332, %add3A_656 : i32
      %get3A_658 = arith.constant 0 : i32
      %get3A_659 = arith.index_cast %get3A_658 : i32 to index
      %get3A_660 = arith.index_cast %add3A_657 : i32 to index
      %get3A_661 = arith.constant 0 : index
      %get3A_662 = tpu.vector_load %arg6[%get3A_659, %get3A_660, %get3A_661] {strides = array<i32>} : memref<2x3200x16xf32, #tpu.memory_space<vmem>>, vector<1x1x16xf32>,
      %get3A_663 = vector.shape_cast %get3A_662 : vector<1x1x16xf32> to vector<16xf32>
      %add3A_664 = arith.addf %add3A_622, %get3A_663 : vector<16xf32>
      %add3A_665 = arith.constant 32 : i32
      %add3A_666 = arith.addi %mul3A_332, %add3A_665 : i32
      %add3A_667 = arith.constant 1 : i32
      %add3A_668 = arith.addi %add3A_666, %add3A_667 : i32
      %get3A_669 = arith.constant 0 : i32
      %get3A_670 = arith.index_cast %get3A_669 : i32 to index
      %get3A_671 = arith.index_cast %add3A_668 : i32 to index
      %get3A_672 = arith.constant 0 : index
      %get3A_673 = tpu.vector_load %arg6[%get3A_670, %get3A_671, %get3A_672] {strides = array<i32>} : memref<2x3200x16xf32, #tpu.memory_space<vmem>>, vector<1x1x16xf32>,
      %get3A_674 = vector.shape_cast %get3A_673 : vector<1x1x16xf32> to vector<16xf32>
      %add3A_675 = arith.addf %add3A_633, %get3A_674 : vector<16xf32>
      %add3A_676 = arith.constant 32 : i32
      %add3A_677 = arith.addi %mul3A_332, %add3A_676 : i32
      %add3A_678 = arith.constant 2 : i32
      %add3A_679 = arith.addi %add3A_677, %add3A_678 : i32
      %get3A_680 = arith.constant 0 : i32
      %get3A_681 = arith.index_cast %get3A_680 : i32 to index
      %get3A_682 = arith.index_cast %add3A_679 : i32 to index
      %get3A_683 = arith.constant 0 : index
      %get3A_684 = tpu.vector_load %arg6[%get3A_681, %get3A_682, %get3A_683] {strides = array<i32>} : memref<2x3200x16xf32, #tpu.memory_space<vmem>>, vector<1x1x16xf32>,
      %get3A_685 = vector.shape_cast %get3A_684 : vector<1x1x16xf32> to vector<16xf32>
      %add3A_686 = arith.addf %add3A_644, %get3A_685 : vector<16xf32>
      %add3A_687 = arith.constant 32 : i32
      %add3A_688 = arith.addi %mul3A_332, %add3A_687 : i32
      %add3A_689 = arith.constant 3 : i32
      %add3A_690 = arith.addi %add3A_688, %add3A_689 : i32
      %get3A_691 = arith.constant 0 : i32
      %get3A_692 = arith.index_cast %get3A_691 : i32 to index
      %get3A_693 = arith.index_cast %add3A_690 : i32 to index
      %get3A_694 = arith.constant 0 : index
      %get3A_695 = tpu.vector_load %arg6[%get3A_692, %get3A_693, %get3A_694] {strides = array<i32>} : memref<2x3200x16xf32, #tpu.memory_space<vmem>>, vector<1x1x16xf32>,
      %get3A_696 = vector.shape_cast %get3A_695 : vector<1x1x16xf32> to vector<16xf32>
      %add3A_697 = arith.addf %add3A_655, %get3A_696 : vector<16xf32>
      %add3A_698 = arith.constant 36 : i32
      %add3A_699 = arith.addi %mul3A_332, %add3A_698 : i32
      %get3A_700 = arith.constant 0 : i32
      %get3A_701 = arith.index_cast %get3A_700 : i32 to index
      %get3A_702 = arith.index_cast %add3A_699 : i32 to index
      %get3A_703 = arith.constant 0 : index
      %get3A_704 = tpu.vector_load %arg6[%get3A_701, %get3A_702, %get3A_703] {strides = array<i32>} : memref<2x3200x16xf32, #tpu.memory_space<vmem>>, vector<1x1x16xf32>,
      %get3A_705 = vector.shape_cast %get3A_704 : vector<1x1x16xf32> to vector<16xf32>
      %add3A_706 = arith.addf %add3A_664, %get3A_705 : vector<16xf32>
      %add3A_707 = arith.constant 36 : i32
      %add3A_708 = arith.addi %mul3A_332, %add3A_707 : i32
      %add3A_709 = arith.constant 1 : i32
      %add3A_710 = arith.addi %add3A_708, %add3A_709 : i32
      %get3A_711 = arith.constant 0 : i32
      %get3A_712 = arith.index_cast %get3A_711 : i32 to index
      %get3A_713 = arith.index_cast %add3A_710 : i32 to index
      %get3A_714 = arith.constant 0 : index
      %get3A_715 = tpu.vector_load %arg6[%get3A_712, %get3A_713, %get3A_714] {strides = array<i32>} : memref<2x3200x16xf32, #tpu.memory_space<vmem>>, vector<1x1x16xf32>,
      %get3A_716 = vector.shape_cast %get3A_715 : vector<1x1x16xf32> to vector<16xf32>
      %add3A_717 = arith.addf %add3A_675, %get3A_716 : vector<16xf32>
      %add3A_718 = arith.constant 36 : i32
      %add3A_719 = arith.addi %mul3A_332, %add3A_718 : i32
      %add3A_720 = arith.constant 2 : i32
      %add3A_721 = arith.addi %add3A_719, %add3A_720 : i32
      %get3A_722 = arith.constant 0 : i32
      %get3A_723 = arith.index_cast %get3A_722 : i32 to index
      %get3A_724 = arith.index_cast %add3A_721 : i32 to index
      %get3A_725 = arith.constant 0 : index
      %get3A_726 = tpu.vector_load %arg6[%get3A_723, %get3A_724, %get3A_725] {strides = array<i32>} : memref<2x3200x16xf32, #tpu.memory_space<vmem>>, vector<1x1x16xf32>,
      %get3A_727 = vector.shape_cast %get3A_726 : vector<1x1x16xf32> to vector<16xf32>
      %add3A_728 = arith.addf %add3A_686, %get3A_727 : vector<16xf32>
      %add3A_729 = arith.constant 36 : i32
      %add3A_730 = arith.addi %mul3A_332, %add3A_729 : i32
      %add3A_731 = arith.constant 3 : i32
      %add3A_732 = arith.addi %add3A_730, %add3A_731 : i32
      %get3A_733 = arith.constant 0 : i32
      %get3A_734 = arith.index_cast %get3A_733 : i32 to index
      %get3A_735 = arith.index_cast %add3A_732 : i32 to index
      %get3A_736 = arith.constant 0 : index
      %get3A_737 = tpu.vector_load %arg6[%get3A_734, %get3A_735, %get3A_736] {strides = array<i32>} : memref<2x3200x16xf32, #tpu.memory_space<vmem>>, vector<1x1x16xf32>,
      %get3A_738 = vector.shape_cast %get3A_737 : vector<1x1x16xf32> to vector<16xf32>
      %add3A_739 = arith.addf %add3A_697, %get3A_738 : vector<16xf32>
      %add3A_740 = arith.constant 40 : i32
      %add3A_741 = arith.addi %mul3A_332, %add3A_740 : i32
      %get3A_742 = arith.constant 0 : i32
      %get3A_743 = arith.index_cast %get3A_742 : i32 to index
      %get3A_744 = arith.index_cast %add3A_741 : i32 to index
      %get3A_745 = arith.constant 0 : index
      %get3A_746 = tpu.vector_load %arg6[%get3A_743, %get3A_744, %get3A_745] {strides = array<i32>} : memref<2x3200x16xf32, #tpu.memory_space<vmem>>, vector<1x1x16xf32>,
      %get3A_747 = vector.shape_cast %get3A_746 : vector<1x1x16xf32> to vector<16xf32>
      %add3A_748 = arith.addf %add3A_706, %get3A_747 : vector<16xf32>
      %add3A_749 = arith.constant 40 : i32
      %add3A_750 = arith.addi %mul3A_332, %add3A_749 : i32
      %add3A_751 = arith.constant 1 : i32
      %add3A_752 = arith.addi %add3A_750, %add3A_751 : i32
      %get3A_753 = arith.constant 0 : i32
      %get3A_754 = arith.index_cast %get3A_753 : i32 to index
      %get3A_755 = arith.index_cast %add3A_752 : i32 to index
      %get3A_756 = arith.constant 0 : index
      %get3A_757 = tpu.vector_load %arg6[%get3A_754, %get3A_755, %get3A_756] {strides = array<i32>} : memref<2x3200x16xf32, #tpu.memory_space<vmem>>, vector<1x1x16xf32>,
      %get3A_758 = vector.shape_cast %get3A_757 : vector<1x1x16xf32> to vector<16xf32>
      %add3A_759 = arith.addf %add3A_717, %get3A_758 : vector<16xf32>
      %add3A_760 = arith.constant 40 : i32
      %add3A_761 = arith.addi %mul3A_332, %add3A_760 : i32
      %add3A_762 = arith.constant 2 : i32
      %add3A_763 = arith.addi %add3A_761, %add3A_762 : i32
      %get3A_764 = arith.constant 0 : i32
      %get3A_765 = arith.index_cast %get3A_764 : i32 to index
      %get3A_766 = arith.index_cast %add3A_763 : i32 to index
      %get3A_767 = arith.constant 0 : index
      %get3A_768 = tpu.vector_load %arg6[%get3A_765, %get3A_766, %get3A_767] {strides = array<i32>} : memref<2x3200x16xf32, #tpu.memory_space<vmem>>, vector<1x1x16xf32>,
      %get3A_769 = vector.shape_cast %get3A_768 : vector<1x1x16xf32> to vector<16xf32>
      %add3A_770 = arith.addf %add3A_728, %get3A_769 : vector<16xf32>
      %add3A_771 = arith.constant 40 : i32
      %add3A_772 = arith.addi %mul3A_332, %add3A_771 : i32
      %add3A_773 = arith.constant 3 : i32
      %add3A_774 = arith.addi %add3A_772, %add3A_773 : i32
      %get3A_775 = arith.constant 0 : i32
      %get3A_776 = arith.index_cast %get3A_775 : i32 to index
      %get3A_777 = arith.index_cast %add3A_774 : i32 to index
      %get3A_778 = arith.constant 0 : index
      %get3A_779 = tpu.vector_load %arg6[%get3A_776, %get3A_777, %get3A_778] {strides = array<i32>} : memref<2x3200x16xf32, #tpu.memory_space<vmem>>, vector<1x1x16xf32>,
      %get3A_780 = vector.shape_cast %get3A_779 : vector<1x1x16xf32> to vector<16xf32>
      %add3A_781 = arith.addf %add3A_739, %get3A_780 : vector<16xf32>
      %add3A_782 = arith.constant 44 : i32
      %add3A_783 = arith.addi %mul3A_332, %add3A_782 : i32
      %get3A_784 = arith.constant 0 : i32
      %get3A_785 = arith.index_cast %get3A_784 : i32 to index
      %get3A_786 = arith.index_cast %add3A_783 : i32 to index
      %get3A_787 = arith.constant 0 : index
      %get3A_788 = tpu.vector_load %arg6[%get3A_785, %get3A_786, %get3A_787] {strides = array<i32>} : memref<2x3200x16xf32, #tpu.memory_space<vmem>>, vector<1x1x16xf32>,
      %get3A_789 = vector.shape_cast %get3A_788 : vector<1x1x16xf32> to vector<16xf32>
      %add3A_790 = arith.addf %add3A_748, %get3A_789 : vector<16xf32>
      %add3A_791 = arith.constant 44 : i32
      %add3A_792 = arith.addi %mul3A_332, %add3A_791 : i32
      %add3A_793 = arith.constant 1 : i32
      %add3A_794 = arith.addi %add3A_792, %add3A_793 : i32
      %get3A_795 = arith.constant 0 : i32
      %get3A_796 = arith.index_cast %get3A_795 : i32 to index
      %get3A_797 = arith.index_cast %add3A_794 : i32 to index
      %get3A_798 = arith.constant 0 : index
      %get3A_799 = tpu.vector_load %arg6[%get3A_796, %get3A_797, %get3A_798] {strides = array<i32>} : memref<2x3200x16xf32, #tpu.memory_space<vmem>>, vector<1x1x16xf32>,
      %get3A_800 = vector.shape_cast %get3A_799 : vector<1x1x16xf32> to vector<16xf32>
      %add3A_801 = arith.addf %add3A_759, %get3A_800 : vector<16xf32>
      %add3A_802 = arith.constant 44 : i32
      %add3A_803 = arith.addi %mul3A_332, %add3A_802 : i32
      %add3A_804 = arith.constant 2 : i32
      %add3A_805 = arith.addi %add3A_803, %add3A_804 : i32
      %get3A_806 = arith.constant 0 : i32
      %get3A_807 = arith.index_cast %get3A_806 : i32 to index
      %get3A_808 = arith.index_cast %add3A_805 : i32 to index
      %get3A_809 = arith.constant 0 : index
      %get3A_810 = tpu.vector_load %arg6[%get3A_807, %get3A_808, %get3A_809] {strides = array<i32>} : memref<2x3200x16xf32, #tpu.memory_space<vmem>>, vector<1x1x16xf32>,
      %get3A_811 = vector.shape_cast %get3A_810 : vector<1x1x16xf32> to vector<16xf32>
      %add3A_812 = arith.addf %add3A_770, %get3A_811 : vector<16xf32>
      %add3A_813 = arith.constant 44 : i32
      %add3A_814 = arith.addi %mul3A_332, %add3A_813 : i32
      %add3A_815 = arith.constant 3 : i32
      %add3A_816 = arith.addi %add3A_814, %add3A_815 : i32
      %get3A_817 = arith.constant 0 : i32
      %get3A_818 = arith.index_cast %get3A_817 : i32 to index
      %get3A_819 = arith.index_cast %add3A_816 : i32 to index
      %get3A_820 = arith.constant 0 : index
      %get3A_821 = tpu.vector_load %arg6[%get3A_818, %get3A_819, %get3A_820] {strides = array<i32>} : memref<2x3200x16xf32, #tpu.memory_space<vmem>>, vector<1x1x16xf32>,
      %get3A_822 = vector.shape_cast %get3A_821 : vector<1x1x16xf32> to vector<16xf32>
      %add3A_823 = arith.addf %add3A_781, %get3A_822 : vector<16xf32>
      %add3A_824 = arith.constant 50 : i32
      %add3A_825 = arith.addi %mul3A_332, %add3A_824 : i32
      %sub3A = arith.constant 2 : i32
      %sub3A_826 = arith.subi %add3A_825, %sub3A : i32
      %get3A_827 = arith.constant 0 : i32
      %get3A_828 = arith.index_cast %get3A_827 : i32 to index
      %get3A_829 = arith.index_cast %sub3A_826 : i32 to index
      %get3A_830 = arith.constant 0 : index
      %get3A_831 = tpu.vector_load %arg6[%get3A_828, %get3A_829, %get3A_830] {strides = array<i32>} : memref<2x3200x16xf32, #tpu.memory_space<vmem>>, vector<1x1x16xf32>,
      %get3A_832 = vector.shape_cast %get3A_831 : vector<1x1x16xf32> to vector<16xf32>
      %add3A_833 = arith.addf %add3A_790, %get3A_832 : vector<16xf32>
      %add3A_834 = arith.constant 50 : i32
      %add3A_835 = arith.addi %mul3A_332, %add3A_834 : i32
      %sub3A_836 = arith.constant 1 : i32
      %sub3A_837 = arith.subi %add3A_835, %sub3A_836 : i32
      %get3A_838 = arith.constant 0 : i32
      %get3A_839 = arith.index_cast %get3A_838 : i32 to index
      %get3A_840 = arith.index_cast %sub3A_837 : i32 to index
      %get3A_841 = arith.constant 0 : index
      %get3A_842 = tpu.vector_load %arg6[%get3A_839, %get3A_840, %get3A_841] {strides = array<i32>} : memref<2x3200x16xf32, #tpu.memory_space<vmem>>, vector<1x1x16xf32>,
      %get3A_843 = vector.shape_cast %get3A_842 : vector<1x1x16xf32> to vector<16xf32>
      %add3A_844 = arith.addf %add3A_801, %get3A_843 : vector<16xf32>
      %add3A_845 = arith.addf %add3A_833, %add3A_844 : vector<16xf32>
      %add3A_846 = arith.addf %add3A_812, %add3A_823 : vector<16xf32>
      %add3A_847 = arith.addf %add3A_845, %add3A_846 : vector<16xf32>
      %mul3A_848 = arith.constant 2.000000e-02 : f32
      %mul3A_849 = vector.broadcast %mul3A_848 : f32 to vector<16xf32>
      %mul3A_850 = arith.mulf %add3A_847, %mul3A_849 : vector<16xf32>
      %swap3A = arith.index_cast %scan3A_330 : i32 to index
      %swap3A_851 = arith.constant 0 : index
      %swap3A_852 = tpu.vector_load %arg7[%swap3A, %swap3A_851] {strides = array<i32>} : memref<64x16xf32, #tpu.memory_space<vmem>>, vector<1x16xf32>,
      %swap3A_853 = vector.shape_cast %swap3A_852 : vector<1x16xf32> to vector<16xf32>
      %swap3A_854 = vector.shape_cast %mul3A_850 : vector<16xf32> to vector<1x16xf32>
      tpu.vector_store %arg7[%swap3A, %swap3A_851], %swap3A_854 {strides = array<i32>} : memref<64x16xf32, #tpu.memory_space<vmem>>, vector<1x16xf32>,
    }
    %scan3A_133 = arith.constant 64 : i32
    %mul3A_134 = arith.constant 512 : i32
    %mul3A_135 = arith.muli %add3A, %mul3A_134 : i32
    %add3A_136 = arith.constant 128 : i32
    %add3A_137 = arith.addi %mul3A_135, %add3A_136 : i32
    "tpu.region"() ({
      %run_scoped3A = tpu.sem_alloc : memref<!tpu.dma_semaphore, #tpu.memory_space<semaphore_mem>>
      %dma_start3A_330 = arith.constant 0 : i32
      %dma_start3A_331 = tpu.memref_slice %arg4[%add3A_137, %dma_start3A_330] : memref<16384x16xf32, #tpu.memory_space<hbm>> -> memref<64x16xf32, #tpu.memory_space<hbm>>
      %dma_start3A_332 = arith.constant 0 : i32
      %dma_start3A_333 = tpu.memref_slice %arg4[%add3A_137, %dma_start3A_332] : memref<16384x16xf32, #tpu.memory_space<hbm>> -> memref<64x16xf32, #tpu.memory_space<hbm>>
      tpu.enqueue_dma source(%arg7 : memref<64x16xf32, #tpu.memory_space<vmem>>) target(%dma_start3A_333 : memref<64x16xf32, #tpu.memory_space<hbm>>) target_semaphore(%run_scoped3A : memref<!tpu.dma_semaphore, #tpu.memory_space<semaphore_mem>>)
      %dma_wait3A_334 = arith.constant 0 : i32
      %dma_wait3A_335 = tpu.memref_slice %arg4[%add3A_137, %dma_wait3A_334] : memref<16384x16xf32, #tpu.memory_space<hbm>> -> memref<64x16xf32, #tpu.memory_space<hbm>>
      %dma_wait3A_336 = arith.constant 0 : i32
      %dma_wait3A_337 = tpu.memref_slice %arg4[%add3A_137, %dma_wait3A_336] : memref<16384x16xf32, #tpu.memory_space<hbm>> -> memref<64x16xf32, #tpu.memory_space<hbm>>
      tpu.wait_dma2 semaphore(%run_scoped3A : memref<!tpu.dma_semaphore, #tpu.memory_space<semaphore_mem>>) src(%arg7 : memref<64x16xf32, #tpu.memory_space<vmem>>) dst(%dma_wait3A_337 : memref<64x16xf32, #tpu.memory_space<hbm>>)
      tpu.yield
    }) : () -> ()
    %dma_start3A_138 = arith.constant 0 : i32
    %dma_start3A_139 = arith.constant 0 : i32
    %dma_start3A_140 = arith.constant 0 : i32
    %dma_start3A_141 = arith.constant 0 : i32
    %dma_start3A_142 = tpu.memref_slice %arg6[%dma_start3A_138, %dma_start3A_140, %dma_start3A_141] : memref<2x3200x16xf32, #tpu.memory_space<vmem>> -> memref<1x3200x16xf32, #tpu.memory_space<vmem>>
    %dma_start3A_143 = tpu.memref_squeeze %dma_start3A_142 : memref<1x3200x16xf32, #tpu.memory_space<vmem>> -> memref<3200x16xf32, #tpu.memory_space<vmem>>
    %dma_start3A_144 = arith.constant 12800 : i32
    %dma_start3A_145 = tpu.memref_slice %arg5[%dma_start3A_144] : memref<25600xi32, #tpu.memory_space<vmem>> -> memref<3200xi32, #tpu.memory_space<vmem>>
    %dma_start3A_146 = arith.constant 0 : i32
    %dma_start3A_147 = arith.constant 0 : i32
    %dma_start3A_148 = tpu.memref_slice %arg3[%dma_start3A_146, %dma_start3A_147] : memref<1000000x16xf32, #tpu.memory_space<hbm>> -> memref<1000000x16xf32, #tpu.memory_space<hbm>>
    %dma_start3A_149 = tpu.memref_slice %arg8[%dma_start3A_139] : memref<2x!tpu.dma_semaphore, #tpu.memory_space<semaphore_mem>> -> memref<1x!tpu.dma_semaphore, #tpu.memory_space<semaphore_mem>>
    %dma_start3A_150 = tpu.memref_squeeze %dma_start3A_149 : memref<1x!tpu.dma_semaphore, #tpu.memory_space<semaphore_mem>> -> memref<!tpu.dma_semaphore, #tpu.memory_space<semaphore_mem>>
    tpu.enqueue_indirect_dma source(%dma_start3A_148 : memref<1000000x16xf32, #tpu.memory_space<hbm>>) target(%dma_start3A_143 : memref<3200x16xf32, #tpu.memory_space<vmem>>) offsets(%dma_start3A_145 : memref<3200xi32, #tpu.memory_space<vmem>>) semaphore(%dma_start3A_150 : memref<!tpu.dma_semaphore, #tpu.memory_space<semaphore_mem>>)
    %dma_wait3A_151 = arith.constant 1 : i32
    %dma_wait3A_152 = arith.constant 1 : i32
    %dma_wait3A_153 = arith.constant 0 : i32
    %dma_wait3A_154 = arith.constant 0 : i32
    %dma_wait3A_155 = tpu.memref_slice %arg6[%dma_wait3A_151, %dma_wait3A_153, %dma_wait3A_154] : memref<2x3200x16xf32, #tpu.memory_space<vmem>> -> memref<1x3200x16xf32, #tpu.memory_space<vmem>>
    %dma_wait3A_156 = tpu.memref_squeeze %dma_wait3A_155 : memref<1x3200x16xf32, #tpu.memory_space<vmem>> -> memref<3200x16xf32, #tpu.memory_space<vmem>>
    %dma_wait3A_157 = arith.constant 0 : i32
    %dma_wait3A_158 = arith.constant 0 : i32
    %dma_wait3A_159 = tpu.memref_slice %arg3[%dma_wait3A_157, %dma_wait3A_158] : memref<1000000x16xf32, #tpu.memory_space<hbm>> -> memref<3200x16xf32, #tpu.memory_space<hbm>>
    %dma_wait3A_160 = tpu.memref_slice %arg8[%dma_wait3A_152] : memref<2x!tpu.dma_semaphore, #tpu.memory_space<semaphore_mem>> -> memref<1x!tpu.dma_semaphore, #tpu.memory_space<semaphore_mem>>
    %dma_wait3A_161 = tpu.memref_squeeze %dma_wait3A_160 : memref<1x!tpu.dma_semaphore, #tpu.memory_space<semaphore_mem>> -> memref<!tpu.dma_semaphore, #tpu.memory_space<semaphore_mem>>
    %dma_wait3A_162 = arith.constant 0 : i32
    %dma_wait3A_163 = arith.constant 0 : i32
    %dma_wait3A_164 = tpu.memref_slice %arg6[%dma_wait3A_151, %dma_wait3A_162, %dma_wait3A_163] : memref<2x3200x16xf32, #tpu.memory_space<vmem>> -> memref<1x3200x16xf32, #tpu.memory_space<vmem>>
    %dma_wait3A_165 = tpu.memref_squeeze %dma_wait3A_164 : memref<1x3200x16xf32, #tpu.memory_space<vmem>> -> memref<3200x16xf32, #tpu.memory_space<vmem>>
    %dma_wait3A_166 = arith.constant 0 : i32
    %dma_wait3A_167 = arith.constant 0 : i32
    %dma_wait3A_168 = tpu.memref_slice %arg3[%dma_wait3A_166, %dma_wait3A_167] : memref<1000000x16xf32, #tpu.memory_space<hbm>> -> memref<3200x16xf32, #tpu.memory_space<hbm>>
    tpu.wait_dma2 semaphore(%dma_wait3A_161 : memref<!tpu.dma_semaphore, #tpu.memory_space<semaphore_mem>>) src(%dma_wait3A_168 : memref<3200x16xf32, #tpu.memory_space<hbm>>) dst(%dma_wait3A_165 : memref<3200x16xf32, #tpu.memory_space<vmem>>)
    %scan3A_169 = arith.constant 0 : i32
    %scan3A_170 = arith.constant 0 : i32
    %scan3A_171 = arith.constant 64 : i32
    %scan3A_172 = arith.addi %scan3A_170, %scan3A_171 : i32
    %scan3A_173 = arith.constant 1 : i32
    scf.for %scan3A_330 = %scan3A_170 to %scan3A_172 step %scan3A_173  : i32 {
      %mul3A_331 = arith.constant 50 : i32
      %mul3A_332 = arith.muli %scan3A_330, %mul3A_331 : i32
      %get3A = arith.constant 1 : i32
      %get3A_333 = arith.index_cast %get3A : i32 to index
      %get3A_334 = arith.index_cast %mul3A_332 : i32 to index
      %get3A_335 = arith.constant 0 : index
      %get3A_336 = tpu.vector_load %arg6[%get3A_333, %get3A_334, %get3A_335] {strides = array<i32>} : memref<2x3200x16xf32, #tpu.memory_space<vmem>>, vector<1x1x16xf32>,
      %get3A_337 = vector.shape_cast %get3A_336 : vector<1x1x16xf32> to vector<16xf32>
      %add3A_338 = arith.constant 1 : i32
      %add3A_339 = arith.addi %mul3A_332, %add3A_338 : i32
      %get3A_340 = arith.constant 1 : i32
      %get3A_341 = arith.index_cast %get3A_340 : i32 to index
      %get3A_342 = arith.index_cast %add3A_339 : i32 to index
      %get3A_343 = arith.constant 0 : index
      %get3A_344 = tpu.vector_load %arg6[%get3A_341, %get3A_342, %get3A_343] {strides = array<i32>} : memref<2x3200x16xf32, #tpu.memory_space<vmem>>, vector<1x1x16xf32>,
      %get3A_345 = vector.shape_cast %get3A_344 : vector<1x1x16xf32> to vector<16xf32>
      %add3A_346 = arith.constant 2 : i32
      %add3A_347 = arith.addi %mul3A_332, %add3A_346 : i32
      %get3A_348 = arith.constant 1 : i32
      %get3A_349 = arith.index_cast %get3A_348 : i32 to index
      %get3A_350 = arith.index_cast %add3A_347 : i32 to index
      %get3A_351 = arith.constant 0 : index
      %get3A_352 = tpu.vector_load %arg6[%get3A_349, %get3A_350, %get3A_351] {strides = array<i32>} : memref<2x3200x16xf32, #tpu.memory_space<vmem>>, vector<1x1x16xf32>,
      %get3A_353 = vector.shape_cast %get3A_352 : vector<1x1x16xf32> to vector<16xf32>
      %add3A_354 = arith.constant 3 : i32
      %add3A_355 = arith.addi %mul3A_332, %add3A_354 : i32
      %get3A_356 = arith.constant 1 : i32
      %get3A_357 = arith.index_cast %get3A_356 : i32 to index
      %get3A_358 = arith.index_cast %add3A_355 : i32 to index
      %get3A_359 = arith.constant 0 : index
      %get3A_360 = tpu.vector_load %arg6[%get3A_357, %get3A_358, %get3A_359] {strides = array<i32>} : memref<2x3200x16xf32, #tpu.memory_space<vmem>>, vector<1x1x16xf32>,
      %get3A_361 = vector.shape_cast %get3A_360 : vector<1x1x16xf32> to vector<16xf32>
      %add3A_362 = arith.constant 4 : i32
      %add3A_363 = arith.addi %mul3A_332, %add3A_362 : i32
      %get3A_364 = arith.constant 1 : i32
      %get3A_365 = arith.index_cast %get3A_364 : i32 to index
      %get3A_366 = arith.index_cast %add3A_363 : i32 to index
      %get3A_367 = arith.constant 0 : index
      %get3A_368 = tpu.vector_load %arg6[%get3A_365, %get3A_366, %get3A_367] {strides = array<i32>} : memref<2x3200x16xf32, #tpu.memory_space<vmem>>, vector<1x1x16xf32>,
      %get3A_369 = vector.shape_cast %get3A_368 : vector<1x1x16xf32> to vector<16xf32>
      %add3A_370 = arith.addf %get3A_337, %get3A_369 : vector<16xf32>
      %add3A_371 = arith.constant 4 : i32
      %add3A_372 = arith.addi %mul3A_332, %add3A_371 : i32
      %add3A_373 = arith.constant 1 : i32
      %add3A_374 = arith.addi %add3A_372, %add3A_373 : i32
      %get3A_375 = arith.constant 1 : i32
      %get3A_376 = arith.index_cast %get3A_375 : i32 to index
      %get3A_377 = arith.index_cast %add3A_374 : i32 to index
      %get3A_378 = arith.constant 0 : index
      %get3A_379 = tpu.vector_load %arg6[%get3A_376, %get3A_377, %get3A_378] {strides = array<i32>} : memref<2x3200x16xf32, #tpu.memory_space<vmem>>, vector<1x1x16xf32>,
      %get3A_380 = vector.shape_cast %get3A_379 : vector<1x1x16xf32> to vector<16xf32>
      %add3A_381 = arith.addf %get3A_345, %get3A_380 : vector<16xf32>
      %add3A_382 = arith.constant 4 : i32
      %add3A_383 = arith.addi %mul3A_332, %add3A_382 : i32
      %add3A_384 = arith.constant 2 : i32
      %add3A_385 = arith.addi %add3A_383, %add3A_384 : i32
      %get3A_386 = arith.constant 1 : i32
      %get3A_387 = arith.index_cast %get3A_386 : i32 to index
      %get3A_388 = arith.index_cast %add3A_385 : i32 to index
      %get3A_389 = arith.constant 0 : index
      %get3A_390 = tpu.vector_load %arg6[%get3A_387, %get3A_388, %get3A_389] {strides = array<i32>} : memref<2x3200x16xf32, #tpu.memory_space<vmem>>, vector<1x1x16xf32>,
      %get3A_391 = vector.shape_cast %get3A_390 : vector<1x1x16xf32> to vector<16xf32>
      %add3A_392 = arith.addf %get3A_353, %get3A_391 : vector<16xf32>
      %add3A_393 = arith.constant 4 : i32
      %add3A_394 = arith.addi %mul3A_332, %add3A_393 : i32
      %add3A_395 = arith.constant 3 : i32
      %add3A_396 = arith.addi %add3A_394, %add3A_395 : i32
      %get3A_397 = arith.constant 1 : i32
      %get3A_398 = arith.index_cast %get3A_397 : i32 to index
      %get3A_399 = arith.index_cast %add3A_396 : i32 to index
      %get3A_400 = arith.constant 0 : index
      %get3A_401 = tpu.vector_load %arg6[%get3A_398, %get3A_399, %get3A_400] {strides = array<i32>} : memref<2x3200x16xf32, #tpu.memory_space<vmem>>, vector<1x1x16xf32>,
      %get3A_402 = vector.shape_cast %get3A_401 : vector<1x1x16xf32> to vector<16xf32>
      %add3A_403 = arith.addf %get3A_361, %get3A_402 : vector<16xf32>
      %add3A_404 = arith.constant 8 : i32
      %add3A_405 = arith.addi %mul3A_332, %add3A_404 : i32
      %get3A_406 = arith.constant 1 : i32
      %get3A_407 = arith.index_cast %get3A_406 : i32 to index
      %get3A_408 = arith.index_cast %add3A_405 : i32 to index
      %get3A_409 = arith.constant 0 : index
      %get3A_410 = tpu.vector_load %arg6[%get3A_407, %get3A_408, %get3A_409] {strides = array<i32>} : memref<2x3200x16xf32, #tpu.memory_space<vmem>>, vector<1x1x16xf32>,
      %get3A_411 = vector.shape_cast %get3A_410 : vector<1x1x16xf32> to vector<16xf32>
      %add3A_412 = arith.addf %add3A_370, %get3A_411 : vector<16xf32>
      %add3A_413 = arith.constant 8 : i32
      %add3A_414 = arith.addi %mul3A_332, %add3A_413 : i32
      %add3A_415 = arith.constant 1 : i32
      %add3A_416 = arith.addi %add3A_414, %add3A_415 : i32
      %get3A_417 = arith.constant 1 : i32
      %get3A_418 = arith.index_cast %get3A_417 : i32 to index
      %get3A_419 = arith.index_cast %add3A_416 : i32 to index
      %get3A_420 = arith.constant 0 : index
      %get3A_421 = tpu.vector_load %arg6[%get3A_418, %get3A_419, %get3A_420] {strides = array<i32>} : memref<2x3200x16xf32, #tpu.memory_space<vmem>>, vector<1x1x16xf32>,
      %get3A_422 = vector.shape_cast %get3A_421 : vector<1x1x16xf32> to vector<16xf32>
      %add3A_423 = arith.addf %add3A_381, %get3A_422 : vector<16xf32>
      %add3A_424 = arith.constant 8 : i32
      %add3A_425 = arith.addi %mul3A_332, %add3A_424 : i32
      %add3A_426 = arith.constant 2 : i32
      %add3A_427 = arith.addi %add3A_425, %add3A_426 : i32
      %get3A_428 = arith.constant 1 : i32
      %get3A_429 = arith.index_cast %get3A_428 : i32 to index
      %get3A_430 = arith.index_cast %add3A_427 : i32 to index
      %get3A_431 = arith.constant 0 : index
      %get3A_432 = tpu.vector_load %arg6[%get3A_429, %get3A_430, %get3A_431] {strides = array<i32>} : memref<2x3200x16xf32, #tpu.memory_space<vmem>>, vector<1x1x16xf32>,
      %get3A_433 = vector.shape_cast %get3A_432 : vector<1x1x16xf32> to vector<16xf32>
      %add3A_434 = arith.addf %add3A_392, %get3A_433 : vector<16xf32>
      %add3A_435 = arith.constant 8 : i32
      %add3A_436 = arith.addi %mul3A_332, %add3A_435 : i32
      %add3A_437 = arith.constant 3 : i32
      %add3A_438 = arith.addi %add3A_436, %add3A_437 : i32
      %get3A_439 = arith.constant 1 : i32
      %get3A_440 = arith.index_cast %get3A_439 : i32 to index
      %get3A_441 = arith.index_cast %add3A_438 : i32 to index
      %get3A_442 = arith.constant 0 : index
      %get3A_443 = tpu.vector_load %arg6[%get3A_440, %get3A_441, %get3A_442] {strides = array<i32>} : memref<2x3200x16xf32, #tpu.memory_space<vmem>>, vector<1x1x16xf32>,
      %get3A_444 = vector.shape_cast %get3A_443 : vector<1x1x16xf32> to vector<16xf32>
      %add3A_445 = arith.addf %add3A_403, %get3A_444 : vector<16xf32>
      %add3A_446 = arith.constant 12 : i32
      %add3A_447 = arith.addi %mul3A_332, %add3A_446 : i32
      %get3A_448 = arith.constant 1 : i32
      %get3A_449 = arith.index_cast %get3A_448 : i32 to index
      %get3A_450 = arith.index_cast %add3A_447 : i32 to index
      %get3A_451 = arith.constant 0 : index
      %get3A_452 = tpu.vector_load %arg6[%get3A_449, %get3A_450, %get3A_451] {strides = array<i32>} : memref<2x3200x16xf32, #tpu.memory_space<vmem>>, vector<1x1x16xf32>,
      %get3A_453 = vector.shape_cast %get3A_452 : vector<1x1x16xf32> to vector<16xf32>
      %add3A_454 = arith.addf %add3A_412, %get3A_453 : vector<16xf32>
      %add3A_455 = arith.constant 12 : i32
      %add3A_456 = arith.addi %mul3A_332, %add3A_455 : i32
      %add3A_457 = arith.constant 1 : i32
      %add3A_458 = arith.addi %add3A_456, %add3A_457 : i32
      %get3A_459 = arith.constant 1 : i32
      %get3A_460 = arith.index_cast %get3A_459 : i32 to index
      %get3A_461 = arith.index_cast %add3A_458 : i32 to index
      %get3A_462 = arith.constant 0 : index
      %get3A_463 = tpu.vector_load %arg6[%get3A_460, %get3A_461, %get3A_462] {strides = array<i32>} : memref<2x3200x16xf32, #tpu.memory_space<vmem>>, vector<1x1x16xf32>,
      %get3A_464 = vector.shape_cast %get3A_463 : vector<1x1x16xf32> to vector<16xf32>
      %add3A_465 = arith.addf %add3A_423, %get3A_464 : vector<16xf32>
      %add3A_466 = arith.constant 12 : i32
      %add3A_467 = arith.addi %mul3A_332, %add3A_466 : i32
      %add3A_468 = arith.constant 2 : i32
      %add3A_469 = arith.addi %add3A_467, %add3A_468 : i32
      %get3A_470 = arith.constant 1 : i32
      %get3A_471 = arith.index_cast %get3A_470 : i32 to index
      %get3A_472 = arith.index_cast %add3A_469 : i32 to index
      %get3A_473 = arith.constant 0 : index
      %get3A_474 = tpu.vector_load %arg6[%get3A_471, %get3A_472, %get3A_473] {strides = array<i32>} : memref<2x3200x16xf32, #tpu.memory_space<vmem>>, vector<1x1x16xf32>,
      %get3A_475 = vector.shape_cast %get3A_474 : vector<1x1x16xf32> to vector<16xf32>
      %add3A_476 = arith.addf %add3A_434, %get3A_475 : vector<16xf32>
      %add3A_477 = arith.constant 12 : i32
      %add3A_478 = arith.addi %mul3A_332, %add3A_477 : i32
      %add3A_479 = arith.constant 3 : i32
      %add3A_480 = arith.addi %add3A_478, %add3A_479 : i32
      %get3A_481 = arith.constant 1 : i32
      %get3A_482 = arith.index_cast %get3A_481 : i32 to index
      %get3A_483 = arith.index_cast %add3A_480 : i32 to index
      %get3A_484 = arith.constant 0 : index
      %get3A_485 = tpu.vector_load %arg6[%get3A_482, %get3A_483, %get3A_484] {strides = array<i32>} : memref<2x3200x16xf32, #tpu.memory_space<vmem>>, vector<1x1x16xf32>,
      %get3A_486 = vector.shape_cast %get3A_485 : vector<1x1x16xf32> to vector<16xf32>
      %add3A_487 = arith.addf %add3A_445, %get3A_486 : vector<16xf32>
      %add3A_488 = arith.constant 16 : i32
      %add3A_489 = arith.addi %mul3A_332, %add3A_488 : i32
      %get3A_490 = arith.constant 1 : i32
      %get3A_491 = arith.index_cast %get3A_490 : i32 to index
      %get3A_492 = arith.index_cast %add3A_489 : i32 to index
      %get3A_493 = arith.constant 0 : index
      %get3A_494 = tpu.vector_load %arg6[%get3A_491, %get3A_492, %get3A_493] {strides = array<i32>} : memref<2x3200x16xf32, #tpu.memory_space<vmem>>, vector<1x1x16xf32>,
      %get3A_495 = vector.shape_cast %get3A_494 : vector<1x1x16xf32> to vector<16xf32>
      %add3A_496 = arith.addf %add3A_454, %get3A_495 : vector<16xf32>
      %add3A_497 = arith.constant 16 : i32
      %add3A_498 = arith.addi %mul3A_332, %add3A_497 : i32
      %add3A_499 = arith.constant 1 : i32
      %add3A_500 = arith.addi %add3A_498, %add3A_499 : i32
      %get3A_501 = arith.constant 1 : i32
      %get3A_502 = arith.index_cast %get3A_501 : i32 to index
      %get3A_503 = arith.index_cast %add3A_500 : i32 to index
      %get3A_504 = arith.constant 0 : index
      %get3A_505 = tpu.vector_load %arg6[%get3A_502, %get3A_503, %get3A_504] {strides = array<i32>} : memref<2x3200x16xf32, #tpu.memory_space<vmem>>, vector<1x1x16xf32>,
      %get3A_506 = vector.shape_cast %get3A_505 : vector<1x1x16xf32> to vector<16xf32>
      %add3A_507 = arith.addf %add3A_465, %get3A_506 : vector<16xf32>
      %add3A_508 = arith.constant 16 : i32
      %add3A_509 = arith.addi %mul3A_332, %add3A_508 : i32
      %add3A_510 = arith.constant 2 : i32
      %add3A_511 = arith.addi %add3A_509, %add3A_510 : i32
      %get3A_512 = arith.constant 1 : i32
      %get3A_513 = arith.index_cast %get3A_512 : i32 to index
      %get3A_514 = arith.index_cast %add3A_511 : i32 to index
      %get3A_515 = arith.constant 0 : index
      %get3A_516 = tpu.vector_load %arg6[%get3A_513, %get3A_514, %get3A_515] {strides = array<i32>} : memref<2x3200x16xf32, #tpu.memory_space<vmem>>, vector<1x1x16xf32>,
      %get3A_517 = vector.shape_cast %get3A_516 : vector<1x1x16xf32> to vector<16xf32>
      %add3A_518 = arith.addf %add3A_476, %get3A_517 : vector<16xf32>
      %add3A_519 = arith.constant 16 : i32
      %add3A_520 = arith.addi %mul3A_332, %add3A_519 : i32
      %add3A_521 = arith.constant 3 : i32
      %add3A_522 = arith.addi %add3A_520, %add3A_521 : i32
      %get3A_523 = arith.constant 1 : i32
      %get3A_524 = arith.index_cast %get3A_523 : i32 to index
      %get3A_525 = arith.index_cast %add3A_522 : i32 to index
      %get3A_526 = arith.constant 0 : index
      %get3A_527 = tpu.vector_load %arg6[%get3A_524, %get3A_525, %get3A_526] {strides = array<i32>} : memref<2x3200x16xf32, #tpu.memory_space<vmem>>, vector<1x1x16xf32>,
      %get3A_528 = vector.shape_cast %get3A_527 : vector<1x1x16xf32> to vector<16xf32>
      %add3A_529 = arith.addf %add3A_487, %get3A_528 : vector<16xf32>
      %add3A_530 = arith.constant 20 : i32
      %add3A_531 = arith.addi %mul3A_332, %add3A_530 : i32
      %get3A_532 = arith.constant 1 : i32
      %get3A_533 = arith.index_cast %get3A_532 : i32 to index
      %get3A_534 = arith.index_cast %add3A_531 : i32 to index
      %get3A_535 = arith.constant 0 : index
      %get3A_536 = tpu.vector_load %arg6[%get3A_533, %get3A_534, %get3A_535] {strides = array<i32>} : memref<2x3200x16xf32, #tpu.memory_space<vmem>>, vector<1x1x16xf32>,
      %get3A_537 = vector.shape_cast %get3A_536 : vector<1x1x16xf32> to vector<16xf32>
      %add3A_538 = arith.addf %add3A_496, %get3A_537 : vector<16xf32>
      %add3A_539 = arith.constant 20 : i32
      %add3A_540 = arith.addi %mul3A_332, %add3A_539 : i32
      %add3A_541 = arith.constant 1 : i32
      %add3A_542 = arith.addi %add3A_540, %add3A_541 : i32
      %get3A_543 = arith.constant 1 : i32
      %get3A_544 = arith.index_cast %get3A_543 : i32 to index
      %get3A_545 = arith.index_cast %add3A_542 : i32 to index
      %get3A_546 = arith.constant 0 : index
      %get3A_547 = tpu.vector_load %arg6[%get3A_544, %get3A_545, %get3A_546] {strides = array<i32>} : memref<2x3200x16xf32, #tpu.memory_space<vmem>>, vector<1x1x16xf32>,
      %get3A_548 = vector.shape_cast %get3A_547 : vector<1x1x16xf32> to vector<16xf32>
      %add3A_549 = arith.addf %add3A_507, %get3A_548 : vector<16xf32>
      %add3A_550 = arith.constant 20 : i32
      %add3A_551 = arith.addi %mul3A_332, %add3A_550 : i32
      %add3A_552 = arith.constant 2 : i32
      %add3A_553 = arith.addi %add3A_551, %add3A_552 : i32
      %get3A_554 = arith.constant 1 : i32
      %get3A_555 = arith.index_cast %get3A_554 : i32 to index
      %get3A_556 = arith.index_cast %add3A_553 : i32 to index
      %get3A_557 = arith.constant 0 : index
      %get3A_558 = tpu.vector_load %arg6[%get3A_555, %get3A_556, %get3A_557] {strides = array<i32>} : memref<2x3200x16xf32, #tpu.memory_space<vmem>>, vector<1x1x16xf32>,
      %get3A_559 = vector.shape_cast %get3A_558 : vector<1x1x16xf32> to vector<16xf32>
      %add3A_560 = arith.addf %add3A_518, %get3A_559 : vector<16xf32>
      %add3A_561 = arith.constant 20 : i32
      %add3A_562 = arith.addi %mul3A_332, %add3A_561 : i32
      %add3A_563 = arith.constant 3 : i32
      %add3A_564 = arith.addi %add3A_562, %add3A_563 : i32
      %get3A_565 = arith.constant 1 : i32
      %get3A_566 = arith.index_cast %get3A_565 : i32 to index
      %get3A_567 = arith.index_cast %add3A_564 : i32 to index
      %get3A_568 = arith.constant 0 : index
      %get3A_569 = tpu.vector_load %arg6[%get3A_566, %get3A_567, %get3A_568] {strides = array<i32>} : memref<2x3200x16xf32, #tpu.memory_space<vmem>>, vector<1x1x16xf32>,
      %get3A_570 = vector.shape_cast %get3A_569 : vector<1x1x16xf32> to vector<16xf32>
      %add3A_571 = arith.addf %add3A_529, %get3A_570 : vector<16xf32>
      %add3A_572 = arith.constant 24 : i32
      %add3A_573 = arith.addi %mul3A_332, %add3A_572 : i32
      %get3A_574 = arith.constant 1 : i32
      %get3A_575 = arith.index_cast %get3A_574 : i32 to index
      %get3A_576 = arith.index_cast %add3A_573 : i32 to index
      %get3A_577 = arith.constant 0 : index
      %get3A_578 = tpu.vector_load %arg6[%get3A_575, %get3A_576, %get3A_577] {strides = array<i32>} : memref<2x3200x16xf32, #tpu.memory_space<vmem>>, vector<1x1x16xf32>,
      %get3A_579 = vector.shape_cast %get3A_578 : vector<1x1x16xf32> to vector<16xf32>
      %add3A_580 = arith.addf %add3A_538, %get3A_579 : vector<16xf32>
      %add3A_581 = arith.constant 24 : i32
      %add3A_582 = arith.addi %mul3A_332, %add3A_581 : i32
      %add3A_583 = arith.constant 1 : i32
      %add3A_584 = arith.addi %add3A_582, %add3A_583 : i32
      %get3A_585 = arith.constant 1 : i32
      %get3A_586 = arith.index_cast %get3A_585 : i32 to index
      %get3A_587 = arith.index_cast %add3A_584 : i32 to index
      %get3A_588 = arith.constant 0 : index
      %get3A_589 = tpu.vector_load %arg6[%get3A_586, %get3A_587, %get3A_588] {strides = array<i32>} : memref<2x3200x16xf32, #tpu.memory_space<vmem>>, vector<1x1x16xf32>,
      %get3A_590 = vector.shape_cast %get3A_589 : vector<1x1x16xf32> to vector<16xf32>
      %add3A_591 = arith.addf %add3A_549, %get3A_590 : vector<16xf32>
      %add3A_592 = arith.constant 24 : i32
      %add3A_593 = arith.addi %mul3A_332, %add3A_592 : i32
      %add3A_594 = arith.constant 2 : i32
      %add3A_595 = arith.addi %add3A_593, %add3A_594 : i32
      %get3A_596 = arith.constant 1 : i32
      %get3A_597 = arith.index_cast %get3A_596 : i32 to index
      %get3A_598 = arith.index_cast %add3A_595 : i32 to index
      %get3A_599 = arith.constant 0 : index
      %get3A_600 = tpu.vector_load %arg6[%get3A_597, %get3A_598, %get3A_599] {strides = array<i32>} : memref<2x3200x16xf32, #tpu.memory_space<vmem>>, vector<1x1x16xf32>,
      %get3A_601 = vector.shape_cast %get3A_600 : vector<1x1x16xf32> to vector<16xf32>
      %add3A_602 = arith.addf %add3A_560, %get3A_601 : vector<16xf32>
      %add3A_603 = arith.constant 24 : i32
      %add3A_604 = arith.addi %mul3A_332, %add3A_603 : i32
      %add3A_605 = arith.constant 3 : i32
      %add3A_606 = arith.addi %add3A_604, %add3A_605 : i32
      %get3A_607 = arith.constant 1 : i32
      %get3A_608 = arith.index_cast %get3A_607 : i32 to index
      %get3A_609 = arith.index_cast %add3A_606 : i32 to index
      %get3A_610 = arith.constant 0 : index
      %get3A_611 = tpu.vector_load %arg6[%get3A_608, %get3A_609, %get3A_610] {strides = array<i32>} : memref<2x3200x16xf32, #tpu.memory_space<vmem>>, vector<1x1x16xf32>,
      %get3A_612 = vector.shape_cast %get3A_611 : vector<1x1x16xf32> to vector<16xf32>
      %add3A_613 = arith.addf %add3A_571, %get3A_612 : vector<16xf32>
      %add3A_614 = arith.constant 28 : i32
      %add3A_615 = arith.addi %mul3A_332, %add3A_614 : i32
      %get3A_616 = arith.constant 1 : i32
      %get3A_617 = arith.index_cast %get3A_616 : i32 to index
      %get3A_618 = arith.index_cast %add3A_615 : i32 to index
      %get3A_619 = arith.constant 0 : index
      %get3A_620 = tpu.vector_load %arg6[%get3A_617, %get3A_618, %get3A_619] {strides = array<i32>} : memref<2x3200x16xf32, #tpu.memory_space<vmem>>, vector<1x1x16xf32>,
      %get3A_621 = vector.shape_cast %get3A_620 : vector<1x1x16xf32> to vector<16xf32>
      %add3A_622 = arith.addf %add3A_580, %get3A_621 : vector<16xf32>
      %add3A_623 = arith.constant 28 : i32
      %add3A_624 = arith.addi %mul3A_332, %add3A_623 : i32
      %add3A_625 = arith.constant 1 : i32
      %add3A_626 = arith.addi %add3A_624, %add3A_625 : i32
      %get3A_627 = arith.constant 1 : i32
      %get3A_628 = arith.index_cast %get3A_627 : i32 to index
      %get3A_629 = arith.index_cast %add3A_626 : i32 to index
      %get3A_630 = arith.constant 0 : index
      %get3A_631 = tpu.vector_load %arg6[%get3A_628, %get3A_629, %get3A_630] {strides = array<i32>} : memref<2x3200x16xf32, #tpu.memory_space<vmem>>, vector<1x1x16xf32>,
      %get3A_632 = vector.shape_cast %get3A_631 : vector<1x1x16xf32> to vector<16xf32>
      %add3A_633 = arith.addf %add3A_591, %get3A_632 : vector<16xf32>
      %add3A_634 = arith.constant 28 : i32
      %add3A_635 = arith.addi %mul3A_332, %add3A_634 : i32
      %add3A_636 = arith.constant 2 : i32
      %add3A_637 = arith.addi %add3A_635, %add3A_636 : i32
      %get3A_638 = arith.constant 1 : i32
      %get3A_639 = arith.index_cast %get3A_638 : i32 to index
      %get3A_640 = arith.index_cast %add3A_637 : i32 to index
      %get3A_641 = arith.constant 0 : index
      %get3A_642 = tpu.vector_load %arg6[%get3A_639, %get3A_640, %get3A_641] {strides = array<i32>} : memref<2x3200x16xf32, #tpu.memory_space<vmem>>, vector<1x1x16xf32>,
      %get3A_643 = vector.shape_cast %get3A_642 : vector<1x1x16xf32> to vector<16xf32>
      %add3A_644 = arith.addf %add3A_602, %get3A_643 : vector<16xf32>
      %add3A_645 = arith.constant 28 : i32
      %add3A_646 = arith.addi %mul3A_332, %add3A_645 : i32
      %add3A_647 = arith.constant 3 : i32
      %add3A_648 = arith.addi %add3A_646, %add3A_647 : i32
      %get3A_649 = arith.constant 1 : i32
      %get3A_650 = arith.index_cast %get3A_649 : i32 to index
      %get3A_651 = arith.index_cast %add3A_648 : i32 to index
      %get3A_652 = arith.constant 0 : index
      %get3A_653 = tpu.vector_load %arg6[%get3A_650, %get3A_651, %get3A_652] {strides = array<i32>} : memref<2x3200x16xf32, #tpu.memory_space<vmem>>, vector<1x1x16xf32>,
      %get3A_654 = vector.shape_cast %get3A_653 : vector<1x1x16xf32> to vector<16xf32>
      %add3A_655 = arith.addf %add3A_613, %get3A_654 : vector<16xf32>
      %add3A_656 = arith.constant 32 : i32
      %add3A_657 = arith.addi %mul3A_332, %add3A_656 : i32
      %get3A_658 = arith.constant 1 : i32
      %get3A_659 = arith.index_cast %get3A_658 : i32 to index
      %get3A_660 = arith.index_cast %add3A_657 : i32 to index
      %get3A_661 = arith.constant 0 : index
      %get3A_662 = tpu.vector_load %arg6[%get3A_659, %get3A_660, %get3A_661] {strides = array<i32>} : memref<2x3200x16xf32, #tpu.memory_space<vmem>>, vector<1x1x16xf32>,
      %get3A_663 = vector.shape_cast %get3A_662 : vector<1x1x16xf32> to vector<16xf32>
      %add3A_664 = arith.addf %add3A_622, %get3A_663 : vector<16xf32>
      %add3A_665 = arith.constant 32 : i32
      %add3A_666 = arith.addi %mul3A_332, %add3A_665 : i32
      %add3A_667 = arith.constant 1 : i32
      %add3A_668 = arith.addi %add3A_666, %add3A_667 : i32
      %get3A_669 = arith.constant 1 : i32
      %get3A_670 = arith.index_cast %get3A_669 : i32 to index
      %get3A_671 = arith.index_cast %add3A_668 : i32 to index
      %get3A_672 = arith.constant 0 : index
      %get3A_673 = tpu.vector_load %arg6[%get3A_670, %get3A_671, %get3A_672] {strides = array<i32>} : memref<2x3200x16xf32, #tpu.memory_space<vmem>>, vector<1x1x16xf32>,
      %get3A_674 = vector.shape_cast %get3A_673 : vector<1x1x16xf32> to vector<16xf32>
      %add3A_675 = arith.addf %add3A_633, %get3A_674 : vector<16xf32>
      %add3A_676 = arith.constant 32 : i32
      %add3A_677 = arith.addi %mul3A_332, %add3A_676 : i32
      %add3A_678 = arith.constant 2 : i32
      %add3A_679 = arith.addi %add3A_677, %add3A_678 : i32
      %get3A_680 = arith.constant 1 : i32
      %get3A_681 = arith.index_cast %get3A_680 : i32 to index
      %get3A_682 = arith.index_cast %add3A_679 : i32 to index
      %get3A_683 = arith.constant 0 : index
      %get3A_684 = tpu.vector_load %arg6[%get3A_681, %get3A_682, %get3A_683] {strides = array<i32>} : memref<2x3200x16xf32, #tpu.memory_space<vmem>>, vector<1x1x16xf32>,
      %get3A_685 = vector.shape_cast %get3A_684 : vector<1x1x16xf32> to vector<16xf32>
      %add3A_686 = arith.addf %add3A_644, %get3A_685 : vector<16xf32>
      %add3A_687 = arith.constant 32 : i32
      %add3A_688 = arith.addi %mul3A_332, %add3A_687 : i32
      %add3A_689 = arith.constant 3 : i32
      %add3A_690 = arith.addi %add3A_688, %add3A_689 : i32
      %get3A_691 = arith.constant 1 : i32
      %get3A_692 = arith.index_cast %get3A_691 : i32 to index
      %get3A_693 = arith.index_cast %add3A_690 : i32 to index
      %get3A_694 = arith.constant 0 : index
      %get3A_695 = tpu.vector_load %arg6[%get3A_692, %get3A_693, %get3A_694] {strides = array<i32>} : memref<2x3200x16xf32, #tpu.memory_space<vmem>>, vector<1x1x16xf32>,
      %get3A_696 = vector.shape_cast %get3A_695 : vector<1x1x16xf32> to vector<16xf32>
      %add3A_697 = arith.addf %add3A_655, %get3A_696 : vector<16xf32>
      %add3A_698 = arith.constant 36 : i32
      %add3A_699 = arith.addi %mul3A_332, %add3A_698 : i32
      %get3A_700 = arith.constant 1 : i32
      %get3A_701 = arith.index_cast %get3A_700 : i32 to index
      %get3A_702 = arith.index_cast %add3A_699 : i32 to index
      %get3A_703 = arith.constant 0 : index
      %get3A_704 = tpu.vector_load %arg6[%get3A_701, %get3A_702, %get3A_703] {strides = array<i32>} : memref<2x3200x16xf32, #tpu.memory_space<vmem>>, vector<1x1x16xf32>,
      %get3A_705 = vector.shape_cast %get3A_704 : vector<1x1x16xf32> to vector<16xf32>
      %add3A_706 = arith.addf %add3A_664, %get3A_705 : vector<16xf32>
      %add3A_707 = arith.constant 36 : i32
      %add3A_708 = arith.addi %mul3A_332, %add3A_707 : i32
      %add3A_709 = arith.constant 1 : i32
      %add3A_710 = arith.addi %add3A_708, %add3A_709 : i32
      %get3A_711 = arith.constant 1 : i32
      %get3A_712 = arith.index_cast %get3A_711 : i32 to index
      %get3A_713 = arith.index_cast %add3A_710 : i32 to index
      %get3A_714 = arith.constant 0 : index
      %get3A_715 = tpu.vector_load %arg6[%get3A_712, %get3A_713, %get3A_714] {strides = array<i32>} : memref<2x3200x16xf32, #tpu.memory_space<vmem>>, vector<1x1x16xf32>,
      %get3A_716 = vector.shape_cast %get3A_715 : vector<1x1x16xf32> to vector<16xf32>
      %add3A_717 = arith.addf %add3A_675, %get3A_716 : vector<16xf32>
      %add3A_718 = arith.constant 36 : i32
      %add3A_719 = arith.addi %mul3A_332, %add3A_718 : i32
      %add3A_720 = arith.constant 2 : i32
      %add3A_721 = arith.addi %add3A_719, %add3A_720 : i32
      %get3A_722 = arith.constant 1 : i32
      %get3A_723 = arith.index_cast %get3A_722 : i32 to index
      %get3A_724 = arith.index_cast %add3A_721 : i32 to index
      %get3A_725 = arith.constant 0 : index
      %get3A_726 = tpu.vector_load %arg6[%get3A_723, %get3A_724, %get3A_725] {strides = array<i32>} : memref<2x3200x16xf32, #tpu.memory_space<vmem>>, vector<1x1x16xf32>,
      %get3A_727 = vector.shape_cast %get3A_726 : vector<1x1x16xf32> to vector<16xf32>
      %add3A_728 = arith.addf %add3A_686, %get3A_727 : vector<16xf32>
      %add3A_729 = arith.constant 36 : i32
      %add3A_730 = arith.addi %mul3A_332, %add3A_729 : i32
      %add3A_731 = arith.constant 3 : i32
      %add3A_732 = arith.addi %add3A_730, %add3A_731 : i32
      %get3A_733 = arith.constant 1 : i32
      %get3A_734 = arith.index_cast %get3A_733 : i32 to index
      %get3A_735 = arith.index_cast %add3A_732 : i32 to index
      %get3A_736 = arith.constant 0 : index
      %get3A_737 = tpu.vector_load %arg6[%get3A_734, %get3A_735, %get3A_736] {strides = array<i32>} : memref<2x3200x16xf32, #tpu.memory_space<vmem>>, vector<1x1x16xf32>,
      %get3A_738 = vector.shape_cast %get3A_737 : vector<1x1x16xf32> to vector<16xf32>
      %add3A_739 = arith.addf %add3A_697, %get3A_738 : vector<16xf32>
      %add3A_740 = arith.constant 40 : i32
      %add3A_741 = arith.addi %mul3A_332, %add3A_740 : i32
      %get3A_742 = arith.constant 1 : i32
      %get3A_743 = arith.index_cast %get3A_742 : i32 to index
      %get3A_744 = arith.index_cast %add3A_741 : i32 to index
      %get3A_745 = arith.constant 0 : index
      %get3A_746 = tpu.vector_load %arg6[%get3A_743, %get3A_744, %get3A_745] {strides = array<i32>} : memref<2x3200x16xf32, #tpu.memory_space<vmem>>, vector<1x1x16xf32>,
      %get3A_747 = vector.shape_cast %get3A_746 : vector<1x1x16xf32> to vector<16xf32>
      %add3A_748 = arith.addf %add3A_706, %get3A_747 : vector<16xf32>
      %add3A_749 = arith.constant 40 : i32
      %add3A_750 = arith.addi %mul3A_332, %add3A_749 : i32
      %add3A_751 = arith.constant 1 : i32
      %add3A_752 = arith.addi %add3A_750, %add3A_751 : i32
      %get3A_753 = arith.constant 1 : i32
      %get3A_754 = arith.index_cast %get3A_753 : i32 to index
      %get3A_755 = arith.index_cast %add3A_752 : i32 to index
      %get3A_756 = arith.constant 0 : index
      %get3A_757 = tpu.vector_load %arg6[%get3A_754, %get3A_755, %get3A_756] {strides = array<i32>} : memref<2x3200x16xf32, #tpu.memory_space<vmem>>, vector<1x1x16xf32>,
      %get3A_758 = vector.shape_cast %get3A_757 : vector<1x1x16xf32> to vector<16xf32>
      %add3A_759 = arith.addf %add3A_717, %get3A_758 : vector<16xf32>
      %add3A_760 = arith.constant 40 : i32
      %add3A_761 = arith.addi %mul3A_332, %add3A_760 : i32
      %add3A_762 = arith.constant 2 : i32
      %add3A_763 = arith.addi %add3A_761, %add3A_762 : i32
      %get3A_764 = arith.constant 1 : i32
      %get3A_765 = arith.index_cast %get3A_764 : i32 to index
      %get3A_766 = arith.index_cast %add3A_763 : i32 to index
      %get3A_767 = arith.constant 0 : index
      %get3A_768 = tpu.vector_load %arg6[%get3A_765, %get3A_766, %get3A_767] {strides = array<i32>} : memref<2x3200x16xf32, #tpu.memory_space<vmem>>, vector<1x1x16xf32>,
      %get3A_769 = vector.shape_cast %get3A_768 : vector<1x1x16xf32> to vector<16xf32>
      %add3A_770 = arith.addf %add3A_728, %get3A_769 : vector<16xf32>
      %add3A_771 = arith.constant 40 : i32
      %add3A_772 = arith.addi %mul3A_332, %add3A_771 : i32
      %add3A_773 = arith.constant 3 : i32
      %add3A_774 = arith.addi %add3A_772, %add3A_773 : i32
      %get3A_775 = arith.constant 1 : i32
      %get3A_776 = arith.index_cast %get3A_775 : i32 to index
      %get3A_777 = arith.index_cast %add3A_774 : i32 to index
      %get3A_778 = arith.constant 0 : index
      %get3A_779 = tpu.vector_load %arg6[%get3A_776, %get3A_777, %get3A_778] {strides = array<i32>} : memref<2x3200x16xf32, #tpu.memory_space<vmem>>, vector<1x1x16xf32>,
      %get3A_780 = vector.shape_cast %get3A_779 : vector<1x1x16xf32> to vector<16xf32>
      %add3A_781 = arith.addf %add3A_739, %get3A_780 : vector<16xf32>
      %add3A_782 = arith.constant 44 : i32
      %add3A_783 = arith.addi %mul3A_332, %add3A_782 : i32
      %get3A_784 = arith.constant 1 : i32
      %get3A_785 = arith.index_cast %get3A_784 : i32 to index
      %get3A_786 = arith.index_cast %add3A_783 : i32 to index
      %get3A_787 = arith.constant 0 : index
      %get3A_788 = tpu.vector_load %arg6[%get3A_785, %get3A_786, %get3A_787] {strides = array<i32>} : memref<2x3200x16xf32, #tpu.memory_space<vmem>>, vector<1x1x16xf32>,
      %get3A_789 = vector.shape_cast %get3A_788 : vector<1x1x16xf32> to vector<16xf32>
      %add3A_790 = arith.addf %add3A_748, %get3A_789 : vector<16xf32>
      %add3A_791 = arith.constant 44 : i32
      %add3A_792 = arith.addi %mul3A_332, %add3A_791 : i32
      %add3A_793 = arith.constant 1 : i32
      %add3A_794 = arith.addi %add3A_792, %add3A_793 : i32
      %get3A_795 = arith.constant 1 : i32
      %get3A_796 = arith.index_cast %get3A_795 : i32 to index
      %get3A_797 = arith.index_cast %add3A_794 : i32 to index
      %get3A_798 = arith.constant 0 : index
      %get3A_799 = tpu.vector_load %arg6[%get3A_796, %get3A_797, %get3A_798] {strides = array<i32>} : memref<2x3200x16xf32, #tpu.memory_space<vmem>>, vector<1x1x16xf32>,
      %get3A_800 = vector.shape_cast %get3A_799 : vector<1x1x16xf32> to vector<16xf32>
      %add3A_801 = arith.addf %add3A_759, %get3A_800 : vector<16xf32>
      %add3A_802 = arith.constant 44 : i32
      %add3A_803 = arith.addi %mul3A_332, %add3A_802 : i32
      %add3A_804 = arith.constant 2 : i32
      %add3A_805 = arith.addi %add3A_803, %add3A_804 : i32
      %get3A_806 = arith.constant 1 : i32
      %get3A_807 = arith.index_cast %get3A_806 : i32 to index
      %get3A_808 = arith.index_cast %add3A_805 : i32 to index
      %get3A_809 = arith.constant 0 : index
      %get3A_810 = tpu.vector_load %arg6[%get3A_807, %get3A_808, %get3A_809] {strides = array<i32>} : memref<2x3200x16xf32, #tpu.memory_space<vmem>>, vector<1x1x16xf32>,
      %get3A_811 = vector.shape_cast %get3A_810 : vector<1x1x16xf32> to vector<16xf32>
      %add3A_812 = arith.addf %add3A_770, %get3A_811 : vector<16xf32>
      %add3A_813 = arith.constant 44 : i32
      %add3A_814 = arith.addi %mul3A_332, %add3A_813 : i32
      %add3A_815 = arith.constant 3 : i32
      %add3A_816 = arith.addi %add3A_814, %add3A_815 : i32
      %get3A_817 = arith.constant 1 : i32
      %get3A_818 = arith.index_cast %get3A_817 : i32 to index
      %get3A_819 = arith.index_cast %add3A_816 : i32 to index
      %get3A_820 = arith.constant 0 : index
      %get3A_821 = tpu.vector_load %arg6[%get3A_818, %get3A_819, %get3A_820] {strides = array<i32>} : memref<2x3200x16xf32, #tpu.memory_space<vmem>>, vector<1x1x16xf32>,
      %get3A_822 = vector.shape_cast %get3A_821 : vector<1x1x16xf32> to vector<16xf32>
      %add3A_823 = arith.addf %add3A_781, %get3A_822 : vector<16xf32>
      %add3A_824 = arith.constant 50 : i32
      %add3A_825 = arith.addi %mul3A_332, %add3A_824 : i32
      %sub3A = arith.constant 2 : i32
      %sub3A_826 = arith.subi %add3A_825, %sub3A : i32
      %get3A_827 = arith.constant 1 : i32
      %get3A_828 = arith.index_cast %get3A_827 : i32 to index
      %get3A_829 = arith.index_cast %sub3A_826 : i32 to index
      %get3A_830 = arith.constant 0 : index
      %get3A_831 = tpu.vector_load %arg6[%get3A_828, %get3A_829, %get3A_830] {strides = array<i32>} : memref<2x3200x16xf32, #tpu.memory_space<vmem>>, vector<1x1x16xf32>,
      %get3A_832 = vector.shape_cast %get3A_831 : vector<1x1x16xf32> to vector<16xf32>
      %add3A_833 = arith.addf %add3A_790, %get3A_832 : vector<16xf32>
      %add3A_834 = arith.constant 50 : i32
      %add3A_835 = arith.addi %mul3A_332, %add3A_834 : i32
      %sub3A_836 = arith.constant 1 : i32
      %sub3A_837 = arith.subi %add3A_835, %sub3A_836 : i32
      %get3A_838 = arith.constant 1 : i32
      %get3A_839 = arith.index_cast %get3A_838 : i32 to index
      %get3A_840 = arith.index_cast %sub3A_837 : i32 to index
      %get3A_841 = arith.constant 0 : index
      %get3A_842 = tpu.vector_load %arg6[%get3A_839, %get3A_840, %get3A_841] {strides = array<i32>} : memref<2x3200x16xf32, #tpu.memory_space<vmem>>, vector<1x1x16xf32>,
      %get3A_843 = vector.shape_cast %get3A_842 : vector<1x1x16xf32> to vector<16xf32>
      %add3A_844 = arith.addf %add3A_801, %get3A_843 : vector<16xf32>
      %add3A_845 = arith.addf %add3A_833, %add3A_844 : vector<16xf32>
      %add3A_846 = arith.addf %add3A_812, %add3A_823 : vector<16xf32>
      %add3A_847 = arith.addf %add3A_845, %add3A_846 : vector<16xf32>
      %mul3A_848 = arith.constant 2.000000e-02 : f32
      %mul3A_849 = vector.broadcast %mul3A_848 : f32 to vector<16xf32>
      %mul3A_850 = arith.mulf %add3A_847, %mul3A_849 : vector<16xf32>
      %swap3A = arith.index_cast %scan3A_330 : i32 to index
      %swap3A_851 = arith.constant 0 : index
      %swap3A_852 = tpu.vector_load %arg7[%swap3A, %swap3A_851] {strides = array<i32>} : memref<64x16xf32, #tpu.memory_space<vmem>>, vector<1x16xf32>,
      %swap3A_853 = vector.shape_cast %swap3A_852 : vector<1x16xf32> to vector<16xf32>
      %swap3A_854 = vector.shape_cast %mul3A_850 : vector<16xf32> to vector<1x16xf32>
      tpu.vector_store %arg7[%swap3A, %swap3A_851], %swap3A_854 {strides = array<i32>} : memref<64x16xf32, #tpu.memory_space<vmem>>, vector<1x16xf32>,
    }
    %scan3A_174 = arith.constant 64 : i32
    %mul3A_175 = arith.constant 512 : i32
    %mul3A_176 = arith.muli %add3A, %mul3A_175 : i32
    %add3A_177 = arith.constant 192 : i32
    %add3A_178 = arith.addi %mul3A_176, %add3A_177 : i32
    "tpu.region"() ({
      %run_scoped3A = tpu.sem_alloc : memref<!tpu.dma_semaphore, #tpu.memory_space<semaphore_mem>>
      %dma_start3A_330 = arith.constant 0 : i32
      %dma_start3A_331 = tpu.memref_slice %arg4[%add3A_178, %dma_start3A_330] : memref<16384x16xf32, #tpu.memory_space<hbm>> -> memref<64x16xf32, #tpu.memory_space<hbm>>
      %dma_start3A_332 = arith.constant 0 : i32
      %dma_start3A_333 = tpu.memref_slice %arg4[%add3A_178, %dma_start3A_332] : memref<16384x16xf32, #tpu.memory_space<hbm>> -> memref<64x16xf32, #tpu.memory_space<hbm>>
      tpu.enqueue_dma source(%arg7 : memref<64x16xf32, #tpu.memory_space<vmem>>) target(%dma_start3A_333 : memref<64x16xf32, #tpu.memory_space<hbm>>) target_semaphore(%run_scoped3A : memref<!tpu.dma_semaphore, #tpu.memory_space<semaphore_mem>>)
      %dma_wait3A_334 = arith.constant 0 : i32
      %dma_wait3A_335 = tpu.memref_slice %arg4[%add3A_178, %dma_wait3A_334] : memref<16384x16xf32, #tpu.memory_space<hbm>> -> memref<64x16xf32, #tpu.memory_space<hbm>>
      %dma_wait3A_336 = arith.constant 0 : i32
      %dma_wait3A_337 = tpu.memref_slice %arg4[%add3A_178, %dma_wait3A_336] : memref<16384x16xf32, #tpu.memory_space<hbm>> -> memref<64x16xf32, #tpu.memory_space<hbm>>
      tpu.wait_dma2 semaphore(%run_scoped3A : memref<!tpu.dma_semaphore, #tpu.memory_space<semaphore_mem>>) src(%arg7 : memref<64x16xf32, #tpu.memory_space<vmem>>) dst(%dma_wait3A_337 : memref<64x16xf32, #tpu.memory_space<hbm>>)
      tpu.yield
    }) : () -> ()
    %dma_start3A_179 = arith.constant 1 : i32
    %dma_start3A_180 = arith.constant 1 : i32
    %dma_start3A_181 = arith.constant 0 : i32
    %dma_start3A_182 = arith.constant 0 : i32
    %dma_start3A_183 = tpu.memref_slice %arg6[%dma_start3A_179, %dma_start3A_181, %dma_start3A_182] : memref<2x3200x16xf32, #tpu.memory_space<vmem>> -> memref<1x3200x16xf32, #tpu.memory_space<vmem>>
    %dma_start3A_184 = tpu.memref_squeeze %dma_start3A_183 : memref<1x3200x16xf32, #tpu.memory_space<vmem>> -> memref<3200x16xf32, #tpu.memory_space<vmem>>
    %dma_start3A_185 = arith.constant 16000 : i32
    %dma_start3A_186 = tpu.memref_slice %arg5[%dma_start3A_185] : memref<25600xi32, #tpu.memory_space<vmem>> -> memref<3200xi32, #tpu.memory_space<vmem>>
    %dma_start3A_187 = arith.constant 0 : i32
    %dma_start3A_188 = arith.constant 0 : i32
    %dma_start3A_189 = tpu.memref_slice %arg3[%dma_start3A_187, %dma_start3A_188] : memref<1000000x16xf32, #tpu.memory_space<hbm>> -> memref<1000000x16xf32, #tpu.memory_space<hbm>>
    %dma_start3A_190 = tpu.memref_slice %arg8[%dma_start3A_180] : memref<2x!tpu.dma_semaphore, #tpu.memory_space<semaphore_mem>> -> memref<1x!tpu.dma_semaphore, #tpu.memory_space<semaphore_mem>>
    %dma_start3A_191 = tpu.memref_squeeze %dma_start3A_190 : memref<1x!tpu.dma_semaphore, #tpu.memory_space<semaphore_mem>> -> memref<!tpu.dma_semaphore, #tpu.memory_space<semaphore_mem>>
    tpu.enqueue_indirect_dma source(%dma_start3A_189 : memref<1000000x16xf32, #tpu.memory_space<hbm>>) target(%dma_start3A_184 : memref<3200x16xf32, #tpu.memory_space<vmem>>) offsets(%dma_start3A_186 : memref<3200xi32, #tpu.memory_space<vmem>>) semaphore(%dma_start3A_191 : memref<!tpu.dma_semaphore, #tpu.memory_space<semaphore_mem>>)
    %dma_wait3A_192 = arith.constant 0 : i32
    %dma_wait3A_193 = arith.constant 0 : i32
    %dma_wait3A_194 = arith.constant 0 : i32
    %dma_wait3A_195 = arith.constant 0 : i32
    %dma_wait3A_196 = tpu.memref_slice %arg6[%dma_wait3A_192, %dma_wait3A_194, %dma_wait3A_195] : memref<2x3200x16xf32, #tpu.memory_space<vmem>> -> memref<1x3200x16xf32, #tpu.memory_space<vmem>>
    %dma_wait3A_197 = tpu.memref_squeeze %dma_wait3A_196 : memref<1x3200x16xf32, #tpu.memory_space<vmem>> -> memref<3200x16xf32, #tpu.memory_space<vmem>>
    %dma_wait3A_198 = arith.constant 0 : i32
    %dma_wait3A_199 = arith.constant 0 : i32
    %dma_wait3A_200 = tpu.memref_slice %arg3[%dma_wait3A_198, %dma_wait3A_199] : memref<1000000x16xf32, #tpu.memory_space<hbm>> -> memref<3200x16xf32, #tpu.memory_space<hbm>>
    %dma_wait3A_201 = tpu.memref_slice %arg8[%dma_wait3A_193] : memref<2x!tpu.dma_semaphore, #tpu.memory_space<semaphore_mem>> -> memref<1x!tpu.dma_semaphore, #tpu.memory_space<semaphore_mem>>
    %dma_wait3A_202 = tpu.memref_squeeze %dma_wait3A_201 : memref<1x!tpu.dma_semaphore, #tpu.memory_space<semaphore_mem>> -> memref<!tpu.dma_semaphore, #tpu.memory_space<semaphore_mem>>
    %dma_wait3A_203 = arith.constant 0 : i32
    %dma_wait3A_204 = arith.constant 0 : i32
    %dma_wait3A_205 = tpu.memref_slice %arg6[%dma_wait3A_192, %dma_wait3A_203, %dma_wait3A_204] : memref<2x3200x16xf32, #tpu.memory_space<vmem>> -> memref<1x3200x16xf32, #tpu.memory_space<vmem>>
    %dma_wait3A_206 = tpu.memref_squeeze %dma_wait3A_205 : memref<1x3200x16xf32, #tpu.memory_space<vmem>> -> memref<3200x16xf32, #tpu.memory_space<vmem>>
    %dma_wait3A_207 = arith.constant 0 : i32
    %dma_wait3A_208 = arith.constant 0 : i32
    %dma_wait3A_209 = tpu.memref_slice %arg3[%dma_wait3A_207, %dma_wait3A_208] : memref<1000000x16xf32, #tpu.memory_space<hbm>> -> memref<3200x16xf32, #tpu.memory_space<hbm>>
    tpu.wait_dma2 semaphore(%dma_wait3A_202 : memref<!tpu.dma_semaphore, #tpu.memory_space<semaphore_mem>>) src(%dma_wait3A_209 : memref<3200x16xf32, #tpu.memory_space<hbm>>) dst(%dma_wait3A_206 : memref<3200x16xf32, #tpu.memory_space<vmem>>)
    %scan3A_210 = arith.constant 0 : i32
    %scan3A_211 = arith.constant 0 : i32
    %scan3A_212 = arith.constant 64 : i32
    %scan3A_213 = arith.addi %scan3A_211, %scan3A_212 : i32
    %scan3A_214 = arith.constant 1 : i32
    scf.for %scan3A_330 = %scan3A_211 to %scan3A_213 step %scan3A_214  : i32 {
      %mul3A_331 = arith.constant 50 : i32
      %mul3A_332 = arith.muli %scan3A_330, %mul3A_331 : i32
      %get3A = arith.constant 0 : i32
      %get3A_333 = arith.index_cast %get3A : i32 to index
      %get3A_334 = arith.index_cast %mul3A_332 : i32 to index
      %get3A_335 = arith.constant 0 : index
      %get3A_336 = tpu.vector_load %arg6[%get3A_333, %get3A_334, %get3A_335] {strides = array<i32>} : memref<2x3200x16xf32, #tpu.memory_space<vmem>>, vector<1x1x16xf32>,
      %get3A_337 = vector.shape_cast %get3A_336 : vector<1x1x16xf32> to vector<16xf32>
      %add3A_338 = arith.constant 1 : i32
      %add3A_339 = arith.addi %mul3A_332, %add3A_338 : i32
      %get3A_340 = arith.constant 0 : i32
      %get3A_341 = arith.index_cast %get3A_340 : i32 to index
      %get3A_342 = arith.index_cast %add3A_339 : i32 to index
      %get3A_343 = arith.constant 0 : index
      %get3A_344 = tpu.vector_load %arg6[%get3A_341, %get3A_342, %get3A_343] {strides = array<i32>} : memref<2x3200x16xf32, #tpu.memory_space<vmem>>, vector<1x1x16xf32>,
      %get3A_345 = vector.shape_cast %get3A_344 : vector<1x1x16xf32> to vector<16xf32>
      %add3A_346 = arith.constant 2 : i32
      %add3A_347 = arith.addi %mul3A_332, %add3A_346 : i32
      %get3A_348 = arith.constant 0 : i32
      %get3A_349 = arith.index_cast %get3A_348 : i32 to index
      %get3A_350 = arith.index_cast %add3A_347 : i32 to index
      %get3A_351 = arith.constant 0 : index
      %get3A_352 = tpu.vector_load %arg6[%get3A_349, %get3A_350, %get3A_351] {strides = array<i32>} : memref<2x3200x16xf32, #tpu.memory_space<vmem>>, vector<1x1x16xf32>,
      %get3A_353 = vector.shape_cast %get3A_352 : vector<1x1x16xf32> to vector<16xf32>
      %add3A_354 = arith.constant 3 : i32
      %add3A_355 = arith.addi %mul3A_332, %add3A_354 : i32
      %get3A_356 = arith.constant 0 : i32
      %get3A_357 = arith.index_cast %get3A_356 : i32 to index
      %get3A_358 = arith.index_cast %add3A_355 : i32 to index
      %get3A_359 = arith.constant 0 : index
      %get3A_360 = tpu.vector_load %arg6[%get3A_357, %get3A_358, %get3A_359] {strides = array<i32>} : memref<2x3200x16xf32, #tpu.memory_space<vmem>>, vector<1x1x16xf32>,
      %get3A_361 = vector.shape_cast %get3A_360 : vector<1x1x16xf32> to vector<16xf32>
      %add3A_362 = arith.constant 4 : i32
      %add3A_363 = arith.addi %mul3A_332, %add3A_362 : i32
      %get3A_364 = arith.constant 0 : i32
      %get3A_365 = arith.index_cast %get3A_364 : i32 to index
      %get3A_366 = arith.index_cast %add3A_363 : i32 to index
      %get3A_367 = arith.constant 0 : index
      %get3A_368 = tpu.vector_load %arg6[%get3A_365, %get3A_366, %get3A_367] {strides = array<i32>} : memref<2x3200x16xf32, #tpu.memory_space<vmem>>, vector<1x1x16xf32>,
      %get3A_369 = vector.shape_cast %get3A_368 : vector<1x1x16xf32> to vector<16xf32>
      %add3A_370 = arith.addf %get3A_337, %get3A_369 : vector<16xf32>
      %add3A_371 = arith.constant 4 : i32
      %add3A_372 = arith.addi %mul3A_332, %add3A_371 : i32
      %add3A_373 = arith.constant 1 : i32
      %add3A_374 = arith.addi %add3A_372, %add3A_373 : i32
      %get3A_375 = arith.constant 0 : i32
      %get3A_376 = arith.index_cast %get3A_375 : i32 to index
      %get3A_377 = arith.index_cast %add3A_374 : i32 to index
      %get3A_378 = arith.constant 0 : index
      %get3A_379 = tpu.vector_load %arg6[%get3A_376, %get3A_377, %get3A_378] {strides = array<i32>} : memref<2x3200x16xf32, #tpu.memory_space<vmem>>, vector<1x1x16xf32>,
      %get3A_380 = vector.shape_cast %get3A_379 : vector<1x1x16xf32> to vector<16xf32>
      %add3A_381 = arith.addf %get3A_345, %get3A_380 : vector<16xf32>
      %add3A_382 = arith.constant 4 : i32
      %add3A_383 = arith.addi %mul3A_332, %add3A_382 : i32
      %add3A_384 = arith.constant 2 : i32
      %add3A_385 = arith.addi %add3A_383, %add3A_384 : i32
      %get3A_386 = arith.constant 0 : i32
      %get3A_387 = arith.index_cast %get3A_386 : i32 to index
      %get3A_388 = arith.index_cast %add3A_385 : i32 to index
      %get3A_389 = arith.constant 0 : index
      %get3A_390 = tpu.vector_load %arg6[%get3A_387, %get3A_388, %get3A_389] {strides = array<i32>} : memref<2x3200x16xf32, #tpu.memory_space<vmem>>, vector<1x1x16xf32>,
      %get3A_391 = vector.shape_cast %get3A_390 : vector<1x1x16xf32> to vector<16xf32>
      %add3A_392 = arith.addf %get3A_353, %get3A_391 : vector<16xf32>
      %add3A_393 = arith.constant 4 : i32
      %add3A_394 = arith.addi %mul3A_332, %add3A_393 : i32
      %add3A_395 = arith.constant 3 : i32
      %add3A_396 = arith.addi %add3A_394, %add3A_395 : i32
      %get3A_397 = arith.constant 0 : i32
      %get3A_398 = arith.index_cast %get3A_397 : i32 to index
      %get3A_399 = arith.index_cast %add3A_396 : i32 to index
      %get3A_400 = arith.constant 0 : index
      %get3A_401 = tpu.vector_load %arg6[%get3A_398, %get3A_399, %get3A_400] {strides = array<i32>} : memref<2x3200x16xf32, #tpu.memory_space<vmem>>, vector<1x1x16xf32>,
      %get3A_402 = vector.shape_cast %get3A_401 : vector<1x1x16xf32> to vector<16xf32>
      %add3A_403 = arith.addf %get3A_361, %get3A_402 : vector<16xf32>
      %add3A_404 = arith.constant 8 : i32
      %add3A_405 = arith.addi %mul3A_332, %add3A_404 : i32
      %get3A_406 = arith.constant 0 : i32
      %get3A_407 = arith.index_cast %get3A_406 : i32 to index
      %get3A_408 = arith.index_cast %add3A_405 : i32 to index
      %get3A_409 = arith.constant 0 : index
      %get3A_410 = tpu.vector_load %arg6[%get3A_407, %get3A_408, %get3A_409] {strides = array<i32>} : memref<2x3200x16xf32, #tpu.memory_space<vmem>>, vector<1x1x16xf32>,
      %get3A_411 = vector.shape_cast %get3A_410 : vector<1x1x16xf32> to vector<16xf32>
      %add3A_412 = arith.addf %add3A_370, %get3A_411 : vector<16xf32>
      %add3A_413 = arith.constant 8 : i32
      %add3A_414 = arith.addi %mul3A_332, %add3A_413 : i32
      %add3A_415 = arith.constant 1 : i32
      %add3A_416 = arith.addi %add3A_414, %add3A_415 : i32
      %get3A_417 = arith.constant 0 : i32
      %get3A_418 = arith.index_cast %get3A_417 : i32 to index
      %get3A_419 = arith.index_cast %add3A_416 : i32 to index
      %get3A_420 = arith.constant 0 : index
      %get3A_421 = tpu.vector_load %arg6[%get3A_418, %get3A_419, %get3A_420] {strides = array<i32>} : memref<2x3200x16xf32, #tpu.memory_space<vmem>>, vector<1x1x16xf32>,
      %get3A_422 = vector.shape_cast %get3A_421 : vector<1x1x16xf32> to vector<16xf32>
      %add3A_423 = arith.addf %add3A_381, %get3A_422 : vector<16xf32>
      %add3A_424 = arith.constant 8 : i32
      %add3A_425 = arith.addi %mul3A_332, %add3A_424 : i32
      %add3A_426 = arith.constant 2 : i32
      %add3A_427 = arith.addi %add3A_425, %add3A_426 : i32
      %get3A_428 = arith.constant 0 : i32
      %get3A_429 = arith.index_cast %get3A_428 : i32 to index
      %get3A_430 = arith.index_cast %add3A_427 : i32 to index
      %get3A_431 = arith.constant 0 : index
      %get3A_432 = tpu.vector_load %arg6[%get3A_429, %get3A_430, %get3A_431] {strides = array<i32>} : memref<2x3200x16xf32, #tpu.memory_space<vmem>>, vector<1x1x16xf32>,
      %get3A_433 = vector.shape_cast %get3A_432 : vector<1x1x16xf32> to vector<16xf32>
      %add3A_434 = arith.addf %add3A_392, %get3A_433 : vector<16xf32>
      %add3A_435 = arith.constant 8 : i32
      %add3A_436 = arith.addi %mul3A_332, %add3A_435 : i32
      %add3A_437 = arith.constant 3 : i32
      %add3A_438 = arith.addi %add3A_436, %add3A_437 : i32
      %get3A_439 = arith.constant 0 : i32
      %get3A_440 = arith.index_cast %get3A_439 : i32 to index
      %get3A_441 = arith.index_cast %add3A_438 : i32 to index
      %get3A_442 = arith.constant 0 : index
      %get3A_443 = tpu.vector_load %arg6[%get3A_440, %get3A_441, %get3A_442] {strides = array<i32>} : memref<2x3200x16xf32, #tpu.memory_space<vmem>>, vector<1x1x16xf32>,
      %get3A_444 = vector.shape_cast %get3A_443 : vector<1x1x16xf32> to vector<16xf32>
      %add3A_445 = arith.addf %add3A_403, %get3A_444 : vector<16xf32>
      %add3A_446 = arith.constant 12 : i32
      %add3A_447 = arith.addi %mul3A_332, %add3A_446 : i32
      %get3A_448 = arith.constant 0 : i32
      %get3A_449 = arith.index_cast %get3A_448 : i32 to index
      %get3A_450 = arith.index_cast %add3A_447 : i32 to index
      %get3A_451 = arith.constant 0 : index
      %get3A_452 = tpu.vector_load %arg6[%get3A_449, %get3A_450, %get3A_451] {strides = array<i32>} : memref<2x3200x16xf32, #tpu.memory_space<vmem>>, vector<1x1x16xf32>,
      %get3A_453 = vector.shape_cast %get3A_452 : vector<1x1x16xf32> to vector<16xf32>
      %add3A_454 = arith.addf %add3A_412, %get3A_453 : vector<16xf32>
      %add3A_455 = arith.constant 12 : i32
      %add3A_456 = arith.addi %mul3A_332, %add3A_455 : i32
      %add3A_457 = arith.constant 1 : i32
      %add3A_458 = arith.addi %add3A_456, %add3A_457 : i32
      %get3A_459 = arith.constant 0 : i32
      %get3A_460 = arith.index_cast %get3A_459 : i32 to index
      %get3A_461 = arith.index_cast %add3A_458 : i32 to index
      %get3A_462 = arith.constant 0 : index
      %get3A_463 = tpu.vector_load %arg6[%get3A_460, %get3A_461, %get3A_462] {strides = array<i32>} : memref<2x3200x16xf32, #tpu.memory_space<vmem>>, vector<1x1x16xf32>,
      %get3A_464 = vector.shape_cast %get3A_463 : vector<1x1x16xf32> to vector<16xf32>
      %add3A_465 = arith.addf %add3A_423, %get3A_464 : vector<16xf32>
      %add3A_466 = arith.constant 12 : i32
      %add3A_467 = arith.addi %mul3A_332, %add3A_466 : i32
      %add3A_468 = arith.constant 2 : i32
      %add3A_469 = arith.addi %add3A_467, %add3A_468 : i32
      %get3A_470 = arith.constant 0 : i32
      %get3A_471 = arith.index_cast %get3A_470 : i32 to index
      %get3A_472 = arith.index_cast %add3A_469 : i32 to index
      %get3A_473 = arith.constant 0 : index
      %get3A_474 = tpu.vector_load %arg6[%get3A_471, %get3A_472, %get3A_473] {strides = array<i32>} : memref<2x3200x16xf32, #tpu.memory_space<vmem>>, vector<1x1x16xf32>,
      %get3A_475 = vector.shape_cast %get3A_474 : vector<1x1x16xf32> to vector<16xf32>
      %add3A_476 = arith.addf %add3A_434, %get3A_475 : vector<16xf32>
      %add3A_477 = arith.constant 12 : i32
      %add3A_478 = arith.addi %mul3A_332, %add3A_477 : i32
      %add3A_479 = arith.constant 3 : i32
      %add3A_480 = arith.addi %add3A_478, %add3A_479 : i32
      %get3A_481 = arith.constant 0 : i32
      %get3A_482 = arith.index_cast %get3A_481 : i32 to index
      %get3A_483 = arith.index_cast %add3A_480 : i32 to index
      %get3A_484 = arith.constant 0 : index
      %get3A_485 = tpu.vector_load %arg6[%get3A_482, %get3A_483, %get3A_484] {strides = array<i32>} : memref<2x3200x16xf32, #tpu.memory_space<vmem>>, vector<1x1x16xf32>,
      %get3A_486 = vector.shape_cast %get3A_485 : vector<1x1x16xf32> to vector<16xf32>
      %add3A_487 = arith.addf %add3A_445, %get3A_486 : vector<16xf32>
      %add3A_488 = arith.constant 16 : i32
      %add3A_489 = arith.addi %mul3A_332, %add3A_488 : i32
      %get3A_490 = arith.constant 0 : i32
      %get3A_491 = arith.index_cast %get3A_490 : i32 to index
      %get3A_492 = arith.index_cast %add3A_489 : i32 to index
      %get3A_493 = arith.constant 0 : index
      %get3A_494 = tpu.vector_load %arg6[%get3A_491, %get3A_492, %get3A_493] {strides = array<i32>} : memref<2x3200x16xf32, #tpu.memory_space<vmem>>, vector<1x1x16xf32>,
      %get3A_495 = vector.shape_cast %get3A_494 : vector<1x1x16xf32> to vector<16xf32>
      %add3A_496 = arith.addf %add3A_454, %get3A_495 : vector<16xf32>
      %add3A_497 = arith.constant 16 : i32
      %add3A_498 = arith.addi %mul3A_332, %add3A_497 : i32
      %add3A_499 = arith.constant 1 : i32
      %add3A_500 = arith.addi %add3A_498, %add3A_499 : i32
      %get3A_501 = arith.constant 0 : i32
      %get3A_502 = arith.index_cast %get3A_501 : i32 to index
      %get3A_503 = arith.index_cast %add3A_500 : i32 to index
      %get3A_504 = arith.constant 0 : index
      %get3A_505 = tpu.vector_load %arg6[%get3A_502, %get3A_503, %get3A_504] {strides = array<i32>} : memref<2x3200x16xf32, #tpu.memory_space<vmem>>, vector<1x1x16xf32>,
      %get3A_506 = vector.shape_cast %get3A_505 : vector<1x1x16xf32> to vector<16xf32>
      %add3A_507 = arith.addf %add3A_465, %get3A_506 : vector<16xf32>
      %add3A_508 = arith.constant 16 : i32
      %add3A_509 = arith.addi %mul3A_332, %add3A_508 : i32
      %add3A_510 = arith.constant 2 : i32
      %add3A_511 = arith.addi %add3A_509, %add3A_510 : i32
      %get3A_512 = arith.constant 0 : i32
      %get3A_513 = arith.index_cast %get3A_512 : i32 to index
      %get3A_514 = arith.index_cast %add3A_511 : i32 to index
      %get3A_515 = arith.constant 0 : index
      %get3A_516 = tpu.vector_load %arg6[%get3A_513, %get3A_514, %get3A_515] {strides = array<i32>} : memref<2x3200x16xf32, #tpu.memory_space<vmem>>, vector<1x1x16xf32>,
      %get3A_517 = vector.shape_cast %get3A_516 : vector<1x1x16xf32> to vector<16xf32>
      %add3A_518 = arith.addf %add3A_476, %get3A_517 : vector<16xf32>
      %add3A_519 = arith.constant 16 : i32
      %add3A_520 = arith.addi %mul3A_332, %add3A_519 : i32
      %add3A_521 = arith.constant 3 : i32
      %add3A_522 = arith.addi %add3A_520, %add3A_521 : i32
      %get3A_523 = arith.constant 0 : i32
      %get3A_524 = arith.index_cast %get3A_523 : i32 to index
      %get3A_525 = arith.index_cast %add3A_522 : i32 to index
      %get3A_526 = arith.constant 0 : index
      %get3A_527 = tpu.vector_load %arg6[%get3A_524, %get3A_525, %get3A_526] {strides = array<i32>} : memref<2x3200x16xf32, #tpu.memory_space<vmem>>, vector<1x1x16xf32>,
      %get3A_528 = vector.shape_cast %get3A_527 : vector<1x1x16xf32> to vector<16xf32>
      %add3A_529 = arith.addf %add3A_487, %get3A_528 : vector<16xf32>
      %add3A_530 = arith.constant 20 : i32
      %add3A_531 = arith.addi %mul3A_332, %add3A_530 : i32
      %get3A_532 = arith.constant 0 : i32
      %get3A_533 = arith.index_cast %get3A_532 : i32 to index
      %get3A_534 = arith.index_cast %add3A_531 : i32 to index
      %get3A_535 = arith.constant 0 : index
      %get3A_536 = tpu.vector_load %arg6[%get3A_533, %get3A_534, %get3A_535] {strides = array<i32>} : memref<2x3200x16xf32, #tpu.memory_space<vmem>>, vector<1x1x16xf32>,
      %get3A_537 = vector.shape_cast %get3A_536 : vector<1x1x16xf32> to vector<16xf32>
      %add3A_538 = arith.addf %add3A_496, %get3A_537 : vector<16xf32>
      %add3A_539 = arith.constant 20 : i32
      %add3A_540 = arith.addi %mul3A_332, %add3A_539 : i32
      %add3A_541 = arith.constant 1 : i32
      %add3A_542 = arith.addi %add3A_540, %add3A_541 : i32
      %get3A_543 = arith.constant 0 : i32
      %get3A_544 = arith.index_cast %get3A_543 : i32 to index
      %get3A_545 = arith.index_cast %add3A_542 : i32 to index
      %get3A_546 = arith.constant 0 : index
      %get3A_547 = tpu.vector_load %arg6[%get3A_544, %get3A_545, %get3A_546] {strides = array<i32>} : memref<2x3200x16xf32, #tpu.memory_space<vmem>>, vector<1x1x16xf32>,
      %get3A_548 = vector.shape_cast %get3A_547 : vector<1x1x16xf32> to vector<16xf32>
      %add3A_549 = arith.addf %add3A_507, %get3A_548 : vector<16xf32>
      %add3A_550 = arith.constant 20 : i32
      %add3A_551 = arith.addi %mul3A_332, %add3A_550 : i32
      %add3A_552 = arith.constant 2 : i32
      %add3A_553 = arith.addi %add3A_551, %add3A_552 : i32
      %get3A_554 = arith.constant 0 : i32
      %get3A_555 = arith.index_cast %get3A_554 : i32 to index
      %get3A_556 = arith.index_cast %add3A_553 : i32 to index
      %get3A_557 = arith.constant 0 : index
      %get3A_558 = tpu.vector_load %arg6[%get3A_555, %get3A_556, %get3A_557] {strides = array<i32>} : memref<2x3200x16xf32, #tpu.memory_space<vmem>>, vector<1x1x16xf32>,
      %get3A_559 = vector.shape_cast %get3A_558 : vector<1x1x16xf32> to vector<16xf32>
      %add3A_560 = arith.addf %add3A_518, %get3A_559 : vector<16xf32>
      %add3A_561 = arith.constant 20 : i32
      %add3A_562 = arith.addi %mul3A_332, %add3A_561 : i32
      %add3A_563 = arith.constant 3 : i32
      %add3A_564 = arith.addi %add3A_562, %add3A_563 : i32
      %get3A_565 = arith.constant 0 : i32
      %get3A_566 = arith.index_cast %get3A_565 : i32 to index
      %get3A_567 = arith.index_cast %add3A_564 : i32 to index
      %get3A_568 = arith.constant 0 : index
      %get3A_569 = tpu.vector_load %arg6[%get3A_566, %get3A_567, %get3A_568] {strides = array<i32>} : memref<2x3200x16xf32, #tpu.memory_space<vmem>>, vector<1x1x16xf32>,
      %get3A_570 = vector.shape_cast %get3A_569 : vector<1x1x16xf32> to vector<16xf32>
      %add3A_571 = arith.addf %add3A_529, %get3A_570 : vector<16xf32>
      %add3A_572 = arith.constant 24 : i32
      %add3A_573 = arith.addi %mul3A_332, %add3A_572 : i32
      %get3A_574 = arith.constant 0 : i32
      %get3A_575 = arith.index_cast %get3A_574 : i32 to index
      %get3A_576 = arith.index_cast %add3A_573 : i32 to index
      %get3A_577 = arith.constant 0 : index
      %get3A_578 = tpu.vector_load %arg6[%get3A_575, %get3A_576, %get3A_577] {strides = array<i32>} : memref<2x3200x16xf32, #tpu.memory_space<vmem>>, vector<1x1x16xf32>,
      %get3A_579 = vector.shape_cast %get3A_578 : vector<1x1x16xf32> to vector<16xf32>
      %add3A_580 = arith.addf %add3A_538, %get3A_579 : vector<16xf32>
      %add3A_581 = arith.constant 24 : i32
      %add3A_582 = arith.addi %mul3A_332, %add3A_581 : i32
      %add3A_583 = arith.constant 1 : i32
      %add3A_584 = arith.addi %add3A_582, %add3A_583 : i32
      %get3A_585 = arith.constant 0 : i32
      %get3A_586 = arith.index_cast %get3A_585 : i32 to index
      %get3A_587 = arith.index_cast %add3A_584 : i32 to index
      %get3A_588 = arith.constant 0 : index
      %get3A_589 = tpu.vector_load %arg6[%get3A_586, %get3A_587, %get3A_588] {strides = array<i32>} : memref<2x3200x16xf32, #tpu.memory_space<vmem>>, vector<1x1x16xf32>,
      %get3A_590 = vector.shape_cast %get3A_589 : vector<1x1x16xf32> to vector<16xf32>
      %add3A_591 = arith.addf %add3A_549, %get3A_590 : vector<16xf32>
      %add3A_592 = arith.constant 24 : i32
      %add3A_593 = arith.addi %mul3A_332, %add3A_592 : i32
      %add3A_594 = arith.constant 2 : i32
      %add3A_595 = arith.addi %add3A_593, %add3A_594 : i32
      %get3A_596 = arith.constant 0 : i32
      %get3A_597 = arith.index_cast %get3A_596 : i32 to index
      %get3A_598 = arith.index_cast %add3A_595 : i32 to index
      %get3A_599 = arith.constant 0 : index
      %get3A_600 = tpu.vector_load %arg6[%get3A_597, %get3A_598, %get3A_599] {strides = array<i32>} : memref<2x3200x16xf32, #tpu.memory_space<vmem>>, vector<1x1x16xf32>,
      %get3A_601 = vector.shape_cast %get3A_600 : vector<1x1x16xf32> to vector<16xf32>
      %add3A_602 = arith.addf %add3A_560, %get3A_601 : vector<16xf32>
      %add3A_603 = arith.constant 24 : i32
      %add3A_604 = arith.addi %mul3A_332, %add3A_603 : i32
      %add3A_605 = arith.constant 3 : i32
      %add3A_606 = arith.addi %add3A_604, %add3A_605 : i32
      %get3A_607 = arith.constant 0 : i32
      %get3A_608 = arith.index_cast %get3A_607 : i32 to index
      %get3A_609 = arith.index_cast %add3A_606 : i32 to index
      %get3A_610 = arith.constant 0 : index
      %get3A_611 = tpu.vector_load %arg6[%get3A_608, %get3A_609, %get3A_610] {strides = array<i32>} : memref<2x3200x16xf32, #tpu.memory_space<vmem>>, vector<1x1x16xf32>,
      %get3A_612 = vector.shape_cast %get3A_611 : vector<1x1x16xf32> to vector<16xf32>
      %add3A_613 = arith.addf %add3A_571, %get3A_612 : vector<16xf32>
      %add3A_614 = arith.constant 28 : i32
      %add3A_615 = arith.addi %mul3A_332, %add3A_614 : i32
      %get3A_616 = arith.constant 0 : i32
      %get3A_617 = arith.index_cast %get3A_616 : i32 to index
      %get3A_618 = arith.index_cast %add3A_615 : i32 to index
      %get3A_619 = arith.constant 0 : index
      %get3A_620 = tpu.vector_load %arg6[%get3A_617, %get3A_618, %get3A_619] {strides = array<i32>} : memref<2x3200x16xf32, #tpu.memory_space<vmem>>, vector<1x1x16xf32>,
      %get3A_621 = vector.shape_cast %get3A_620 : vector<1x1x16xf32> to vector<16xf32>
      %add3A_622 = arith.addf %add3A_580, %get3A_621 : vector<16xf32>
      %add3A_623 = arith.constant 28 : i32
      %add3A_624 = arith.addi %mul3A_332, %add3A_623 : i32
      %add3A_625 = arith.constant 1 : i32
      %add3A_626 = arith.addi %add3A_624, %add3A_625 : i32
      %get3A_627 = arith.constant 0 : i32
      %get3A_628 = arith.index_cast %get3A_627 : i32 to index
      %get3A_629 = arith.index_cast %add3A_626 : i32 to index
      %get3A_630 = arith.constant 0 : index
      %get3A_631 = tpu.vector_load %arg6[%get3A_628, %get3A_629, %get3A_630] {strides = array<i32>} : memref<2x3200x16xf32, #tpu.memory_space<vmem>>, vector<1x1x16xf32>,
      %get3A_632 = vector.shape_cast %get3A_631 : vector<1x1x16xf32> to vector<16xf32>
      %add3A_633 = arith.addf %add3A_591, %get3A_632 : vector<16xf32>
      %add3A_634 = arith.constant 28 : i32
      %add3A_635 = arith.addi %mul3A_332, %add3A_634 : i32
      %add3A_636 = arith.constant 2 : i32
      %add3A_637 = arith.addi %add3A_635, %add3A_636 : i32
      %get3A_638 = arith.constant 0 : i32
      %get3A_639 = arith.index_cast %get3A_638 : i32 to index
      %get3A_640 = arith.index_cast %add3A_637 : i32 to index
      %get3A_641 = arith.constant 0 : index
      %get3A_642 = tpu.vector_load %arg6[%get3A_639, %get3A_640, %get3A_641] {strides = array<i32>} : memref<2x3200x16xf32, #tpu.memory_space<vmem>>, vector<1x1x16xf32>,
      %get3A_643 = vector.shape_cast %get3A_642 : vector<1x1x16xf32> to vector<16xf32>
      %add3A_644 = arith.addf %add3A_602, %get3A_643 : vector<16xf32>
      %add3A_645 = arith.constant 28 : i32
      %add3A_646 = arith.addi %mul3A_332, %add3A_645 : i32
      %add3A_647 = arith.constant 3 : i32
      %add3A_648 = arith.addi %add3A_646, %add3A_647 : i32
      %get3A_649 = arith.constant 0 : i32
      %get3A_650 = arith.index_cast %get3A_649 : i32 to index
      %get3A_651 = arith.index_cast %add3A_648 : i32 to index
      %get3A_652 = arith.constant 0 : index
      %get3A_653 = tpu.vector_load %arg6[%get3A_650, %get3A_651, %get3A_652] {strides = array<i32>} : memref<2x3200x16xf32, #tpu.memory_space<vmem>>, vector<1x1x16xf32>,
      %get3A_654 = vector.shape_cast %get3A_653 : vector<1x1x16xf32> to vector<16xf32>
      %add3A_655 = arith.addf %add3A_613, %get3A_654 : vector<16xf32>
      %add3A_656 = arith.constant 32 : i32
      %add3A_657 = arith.addi %mul3A_332, %add3A_656 : i32
      %get3A_658 = arith.constant 0 : i32
      %get3A_659 = arith.index_cast %get3A_658 : i32 to index
      %get3A_660 = arith.index_cast %add3A_657 : i32 to index
      %get3A_661 = arith.constant 0 : index
      %get3A_662 = tpu.vector_load %arg6[%get3A_659, %get3A_660, %get3A_661] {strides = array<i32>} : memref<2x3200x16xf32, #tpu.memory_space<vmem>>, vector<1x1x16xf32>,
      %get3A_663 = vector.shape_cast %get3A_662 : vector<1x1x16xf32> to vector<16xf32>
      %add3A_664 = arith.addf %add3A_622, %get3A_663 : vector<16xf32>
      %add3A_665 = arith.constant 32 : i32
      %add3A_666 = arith.addi %mul3A_332, %add3A_665 : i32
      %add3A_667 = arith.constant 1 : i32
      %add3A_668 = arith.addi %add3A_666, %add3A_667 : i32
      %get3A_669 = arith.constant 0 : i32
      %get3A_670 = arith.index_cast %get3A_669 : i32 to index
      %get3A_671 = arith.index_cast %add3A_668 : i32 to index
      %get3A_672 = arith.constant 0 : index
      %get3A_673 = tpu.vector_load %arg6[%get3A_670, %get3A_671, %get3A_672] {strides = array<i32>} : memref<2x3200x16xf32, #tpu.memory_space<vmem>>, vector<1x1x16xf32>,
      %get3A_674 = vector.shape_cast %get3A_673 : vector<1x1x16xf32> to vector<16xf32>
      %add3A_675 = arith.addf %add3A_633, %get3A_674 : vector<16xf32>
      %add3A_676 = arith.constant 32 : i32
      %add3A_677 = arith.addi %mul3A_332, %add3A_676 : i32
      %add3A_678 = arith.constant 2 : i32
      %add3A_679 = arith.addi %add3A_677, %add3A_678 : i32
      %get3A_680 = arith.constant 0 : i32
      %get3A_681 = arith.index_cast %get3A_680 : i32 to index
      %get3A_682 = arith.index_cast %add3A_679 : i32 to index
      %get3A_683 = arith.constant 0 : index
      %get3A_684 = tpu.vector_load %arg6[%get3A_681, %get3A_682, %get3A_683] {strides = array<i32>} : memref<2x3200x16xf32, #tpu.memory_space<vmem>>, vector<1x1x16xf32>,
      %get3A_685 = vector.shape_cast %get3A_684 : vector<1x1x16xf32> to vector<16xf32>
      %add3A_686 = arith.addf %add3A_644, %get3A_685 : vector<16xf32>
      %add3A_687 = arith.constant 32 : i32
      %add3A_688 = arith.addi %mul3A_332, %add3A_687 : i32
      %add3A_689 = arith.constant 3 : i32
      %add3A_690 = arith.addi %add3A_688, %add3A_689 : i32
      %get3A_691 = arith.constant 0 : i32
      %get3A_692 = arith.index_cast %get3A_691 : i32 to index
      %get3A_693 = arith.index_cast %add3A_690 : i32 to index
      %get3A_694 = arith.constant 0 : index
      %get3A_695 = tpu.vector_load %arg6[%get3A_692, %get3A_693, %get3A_694] {strides = array<i32>} : memref<2x3200x16xf32, #tpu.memory_space<vmem>>, vector<1x1x16xf32>,
      %get3A_696 = vector.shape_cast %get3A_695 : vector<1x1x16xf32> to vector<16xf32>
      %add3A_697 = arith.addf %add3A_655, %get3A_696 : vector<16xf32>
      %add3A_698 = arith.constant 36 : i32
      %add3A_699 = arith.addi %mul3A_332, %add3A_698 : i32
      %get3A_700 = arith.constant 0 : i32
      %get3A_701 = arith.index_cast %get3A_700 : i32 to index
      %get3A_702 = arith.index_cast %add3A_699 : i32 to index
      %get3A_703 = arith.constant 0 : index
      %get3A_704 = tpu.vector_load %arg6[%get3A_701, %get3A_702, %get3A_703] {strides = array<i32>} : memref<2x3200x16xf32, #tpu.memory_space<vmem>>, vector<1x1x16xf32>,
      %get3A_705 = vector.shape_cast %get3A_704 : vector<1x1x16xf32> to vector<16xf32>
      %add3A_706 = arith.addf %add3A_664, %get3A_705 : vector<16xf32>
      %add3A_707 = arith.constant 36 : i32
      %add3A_708 = arith.addi %mul3A_332, %add3A_707 : i32
      %add3A_709 = arith.constant 1 : i32
      %add3A_710 = arith.addi %add3A_708, %add3A_709 : i32
      %get3A_711 = arith.constant 0 : i32
      %get3A_712 = arith.index_cast %get3A_711 : i32 to index
      %get3A_713 = arith.index_cast %add3A_710 : i32 to index
      %get3A_714 = arith.constant 0 : index
      %get3A_715 = tpu.vector_load %arg6[%get3A_712, %get3A_713, %get3A_714] {strides = array<i32>} : memref<2x3200x16xf32, #tpu.memory_space<vmem>>, vector<1x1x16xf32>,
      %get3A_716 = vector.shape_cast %get3A_715 : vector<1x1x16xf32> to vector<16xf32>
      %add3A_717 = arith.addf %add3A_675, %get3A_716 : vector<16xf32>
      %add3A_718 = arith.constant 36 : i32
      %add3A_719 = arith.addi %mul3A_332, %add3A_718 : i32
      %add3A_720 = arith.constant 2 : i32
      %add3A_721 = arith.addi %add3A_719, %add3A_720 : i32
      %get3A_722 = arith.constant 0 : i32
      %get3A_723 = arith.index_cast %get3A_722 : i32 to index
      %get3A_724 = arith.index_cast %add3A_721 : i32 to index
      %get3A_725 = arith.constant 0 : index
      %get3A_726 = tpu.vector_load %arg6[%get3A_723, %get3A_724, %get3A_725] {strides = array<i32>} : memref<2x3200x16xf32, #tpu.memory_space<vmem>>, vector<1x1x16xf32>,
      %get3A_727 = vector.shape_cast %get3A_726 : vector<1x1x16xf32> to vector<16xf32>
      %add3A_728 = arith.addf %add3A_686, %get3A_727 : vector<16xf32>
      %add3A_729 = arith.constant 36 : i32
      %add3A_730 = arith.addi %mul3A_332, %add3A_729 : i32
      %add3A_731 = arith.constant 3 : i32
      %add3A_732 = arith.addi %add3A_730, %add3A_731 : i32
      %get3A_733 = arith.constant 0 : i32
      %get3A_734 = arith.index_cast %get3A_733 : i32 to index
      %get3A_735 = arith.index_cast %add3A_732 : i32 to index
      %get3A_736 = arith.constant 0 : index
      %get3A_737 = tpu.vector_load %arg6[%get3A_734, %get3A_735, %get3A_736] {strides = array<i32>} : memref<2x3200x16xf32, #tpu.memory_space<vmem>>, vector<1x1x16xf32>,
      %get3A_738 = vector.shape_cast %get3A_737 : vector<1x1x16xf32> to vector<16xf32>
      %add3A_739 = arith.addf %add3A_697, %get3A_738 : vector<16xf32>
      %add3A_740 = arith.constant 40 : i32
      %add3A_741 = arith.addi %mul3A_332, %add3A_740 : i32
      %get3A_742 = arith.constant 0 : i32
      %get3A_743 = arith.index_cast %get3A_742 : i32 to index
      %get3A_744 = arith.index_cast %add3A_741 : i32 to index
      %get3A_745 = arith.constant 0 : index
      %get3A_746 = tpu.vector_load %arg6[%get3A_743, %get3A_744, %get3A_745] {strides = array<i32>} : memref<2x3200x16xf32, #tpu.memory_space<vmem>>, vector<1x1x16xf32>,
      %get3A_747 = vector.shape_cast %get3A_746 : vector<1x1x16xf32> to vector<16xf32>
      %add3A_748 = arith.addf %add3A_706, %get3A_747 : vector<16xf32>
      %add3A_749 = arith.constant 40 : i32
      %add3A_750 = arith.addi %mul3A_332, %add3A_749 : i32
      %add3A_751 = arith.constant 1 : i32
      %add3A_752 = arith.addi %add3A_750, %add3A_751 : i32
      %get3A_753 = arith.constant 0 : i32
      %get3A_754 = arith.index_cast %get3A_753 : i32 to index
      %get3A_755 = arith.index_cast %add3A_752 : i32 to index
      %get3A_756 = arith.constant 0 : index
      %get3A_757 = tpu.vector_load %arg6[%get3A_754, %get3A_755, %get3A_756] {strides = array<i32>} : memref<2x3200x16xf32, #tpu.memory_space<vmem>>, vector<1x1x16xf32>,
      %get3A_758 = vector.shape_cast %get3A_757 : vector<1x1x16xf32> to vector<16xf32>
      %add3A_759 = arith.addf %add3A_717, %get3A_758 : vector<16xf32>
      %add3A_760 = arith.constant 40 : i32
      %add3A_761 = arith.addi %mul3A_332, %add3A_760 : i32
      %add3A_762 = arith.constant 2 : i32
      %add3A_763 = arith.addi %add3A_761, %add3A_762 : i32
      %get3A_764 = arith.constant 0 : i32
      %get3A_765 = arith.index_cast %get3A_764 : i32 to index
      %get3A_766 = arith.index_cast %add3A_763 : i32 to index
      %get3A_767 = arith.constant 0 : index
      %get3A_768 = tpu.vector_load %arg6[%get3A_765, %get3A_766, %get3A_767] {strides = array<i32>} : memref<2x3200x16xf32, #tpu.memory_space<vmem>>, vector<1x1x16xf32>,
      %get3A_769 = vector.shape_cast %get3A_768 : vector<1x1x16xf32> to vector<16xf32>
      %add3A_770 = arith.addf %add3A_728, %get3A_769 : vector<16xf32>
      %add3A_771 = arith.constant 40 : i32
      %add3A_772 = arith.addi %mul3A_332, %add3A_771 : i32
      %add3A_773 = arith.constant 3 : i32
      %add3A_774 = arith.addi %add3A_772, %add3A_773 : i32
      %get3A_775 = arith.constant 0 : i32
      %get3A_776 = arith.index_cast %get3A_775 : i32 to index
      %get3A_777 = arith.index_cast %add3A_774 : i32 to index
      %get3A_778 = arith.constant 0 : index
      %get3A_779 = tpu.vector_load %arg6[%get3A_776, %get3A_777, %get3A_778] {strides = array<i32>} : memref<2x3200x16xf32, #tpu.memory_space<vmem>>, vector<1x1x16xf32>,
      %get3A_780 = vector.shape_cast %get3A_779 : vector<1x1x16xf32> to vector<16xf32>
      %add3A_781 = arith.addf %add3A_739, %get3A_780 : vector<16xf32>
      %add3A_782 = arith.constant 44 : i32
      %add3A_783 = arith.addi %mul3A_332, %add3A_782 : i32
      %get3A_784 = arith.constant 0 : i32
      %get3A_785 = arith.index_cast %get3A_784 : i32 to index
      %get3A_786 = arith.index_cast %add3A_783 : i32 to index
      %get3A_787 = arith.constant 0 : index
      %get3A_788 = tpu.vector_load %arg6[%get3A_785, %get3A_786, %get3A_787] {strides = array<i32>} : memref<2x3200x16xf32, #tpu.memory_space<vmem>>, vector<1x1x16xf32>,
      %get3A_789 = vector.shape_cast %get3A_788 : vector<1x1x16xf32> to vector<16xf32>
      %add3A_790 = arith.addf %add3A_748, %get3A_789 : vector<16xf32>
      %add3A_791 = arith.constant 44 : i32
      %add3A_792 = arith.addi %mul3A_332, %add3A_791 : i32
      %add3A_793 = arith.constant 1 : i32
      %add3A_794 = arith.addi %add3A_792, %add3A_793 : i32
      %get3A_795 = arith.constant 0 : i32
      %get3A_796 = arith.index_cast %get3A_795 : i32 to index
      %get3A_797 = arith.index_cast %add3A_794 : i32 to index
      %get3A_798 = arith.constant 0 : index
      %get3A_799 = tpu.vector_load %arg6[%get3A_796, %get3A_797, %get3A_798] {strides = array<i32>} : memref<2x3200x16xf32, #tpu.memory_space<vmem>>, vector<1x1x16xf32>,
      %get3A_800 = vector.shape_cast %get3A_799 : vector<1x1x16xf32> to vector<16xf32>
      %add3A_801 = arith.addf %add3A_759, %get3A_800 : vector<16xf32>
      %add3A_802 = arith.constant 44 : i32
      %add3A_803 = arith.addi %mul3A_332, %add3A_802 : i32
      %add3A_804 = arith.constant 2 : i32
      %add3A_805 = arith.addi %add3A_803, %add3A_804 : i32
      %get3A_806 = arith.constant 0 : i32
      %get3A_807 = arith.index_cast %get3A_806 : i32 to index
      %get3A_808 = arith.index_cast %add3A_805 : i32 to index
      %get3A_809 = arith.constant 0 : index
      %get3A_810 = tpu.vector_load %arg6[%get3A_807, %get3A_808, %get3A_809] {strides = array<i32>} : memref<2x3200x16xf32, #tpu.memory_space<vmem>>, vector<1x1x16xf32>,
      %get3A_811 = vector.shape_cast %get3A_810 : vector<1x1x16xf32> to vector<16xf32>
      %add3A_812 = arith.addf %add3A_770, %get3A_811 : vector<16xf32>
      %add3A_813 = arith.constant 44 : i32
      %add3A_814 = arith.addi %mul3A_332, %add3A_813 : i32
      %add3A_815 = arith.constant 3 : i32
      %add3A_816 = arith.addi %add3A_814, %add3A_815 : i32
      %get3A_817 = arith.constant 0 : i32
      %get3A_818 = arith.index_cast %get3A_817 : i32 to index
      %get3A_819 = arith.index_cast %add3A_816 : i32 to index
      %get3A_820 = arith.constant 0 : index
      %get3A_821 = tpu.vector_load %arg6[%get3A_818, %get3A_819, %get3A_820] {strides = array<i32>} : memref<2x3200x16xf32, #tpu.memory_space<vmem>>, vector<1x1x16xf32>,
      %get3A_822 = vector.shape_cast %get3A_821 : vector<1x1x16xf32> to vector<16xf32>
      %add3A_823 = arith.addf %add3A_781, %get3A_822 : vector<16xf32>
      %add3A_824 = arith.constant 50 : i32
      %add3A_825 = arith.addi %mul3A_332, %add3A_824 : i32
      %sub3A = arith.constant 2 : i32
      %sub3A_826 = arith.subi %add3A_825, %sub3A : i32
      %get3A_827 = arith.constant 0 : i32
      %get3A_828 = arith.index_cast %get3A_827 : i32 to index
      %get3A_829 = arith.index_cast %sub3A_826 : i32 to index
      %get3A_830 = arith.constant 0 : index
      %get3A_831 = tpu.vector_load %arg6[%get3A_828, %get3A_829, %get3A_830] {strides = array<i32>} : memref<2x3200x16xf32, #tpu.memory_space<vmem>>, vector<1x1x16xf32>,
      %get3A_832 = vector.shape_cast %get3A_831 : vector<1x1x16xf32> to vector<16xf32>
      %add3A_833 = arith.addf %add3A_790, %get3A_832 : vector<16xf32>
      %add3A_834 = arith.constant 50 : i32
      %add3A_835 = arith.addi %mul3A_332, %add3A_834 : i32
      %sub3A_836 = arith.constant 1 : i32
      %sub3A_837 = arith.subi %add3A_835, %sub3A_836 : i32
      %get3A_838 = arith.constant 0 : i32
      %get3A_839 = arith.index_cast %get3A_838 : i32 to index
      %get3A_840 = arith.index_cast %sub3A_837 : i32 to index
      %get3A_841 = arith.constant 0 : index
      %get3A_842 = tpu.vector_load %arg6[%get3A_839, %get3A_840, %get3A_841] {strides = array<i32>} : memref<2x3200x16xf32, #tpu.memory_space<vmem>>, vector<1x1x16xf32>,
      %get3A_843 = vector.shape_cast %get3A_842 : vector<1x1x16xf32> to vector<16xf32>
      %add3A_844 = arith.addf %add3A_801, %get3A_843 : vector<16xf32>
      %add3A_845 = arith.addf %add3A_833, %add3A_844 : vector<16xf32>
      %add3A_846 = arith.addf %add3A_812, %add3A_823 : vector<16xf32>
      %add3A_847 = arith.addf %add3A_845, %add3A_846 : vector<16xf32>
      %mul3A_848 = arith.constant 2.000000e-02 : f32
      %mul3A_849 = vector.broadcast %mul3A_848 : f32 to vector<16xf32>
      %mul3A_850 = arith.mulf %add3A_847, %mul3A_849 : vector<16xf32>
      %swap3A = arith.index_cast %scan3A_330 : i32 to index
      %swap3A_851 = arith.constant 0 : index
      %swap3A_852 = tpu.vector_load %arg7[%swap3A, %swap3A_851] {strides = array<i32>} : memref<64x16xf32, #tpu.memory_space<vmem>>, vector<1x16xf32>,
      %swap3A_853 = vector.shape_cast %swap3A_852 : vector<1x16xf32> to vector<16xf32>
      %swap3A_854 = vector.shape_cast %mul3A_850 : vector<16xf32> to vector<1x16xf32>
      tpu.vector_store %arg7[%swap3A, %swap3A_851], %swap3A_854 {strides = array<i32>} : memref<64x16xf32, #tpu.memory_space<vmem>>, vector<1x16xf32>,
    }
    %scan3A_215 = arith.constant 64 : i32
    %mul3A_216 = arith.constant 512 : i32
    %mul3A_217 = arith.muli %add3A, %mul3A_216 : i32
    %add3A_218 = arith.constant 256 : i32
    %add3A_219 = arith.addi %mul3A_217, %add3A_218 : i32
    "tpu.region"() ({
      %run_scoped3A = tpu.sem_alloc : memref<!tpu.dma_semaphore, #tpu.memory_space<semaphore_mem>>
      %dma_start3A_330 = arith.constant 0 : i32
      %dma_start3A_331 = tpu.memref_slice %arg4[%add3A_219, %dma_start3A_330] : memref<16384x16xf32, #tpu.memory_space<hbm>> -> memref<64x16xf32, #tpu.memory_space<hbm>>
      %dma_start3A_332 = arith.constant 0 : i32
      %dma_start3A_333 = tpu.memref_slice %arg4[%add3A_219, %dma_start3A_332] : memref<16384x16xf32, #tpu.memory_space<hbm>> -> memref<64x16xf32, #tpu.memory_space<hbm>>
      tpu.enqueue_dma source(%arg7 : memref<64x16xf32, #tpu.memory_space<vmem>>) target(%dma_start3A_333 : memref<64x16xf32, #tpu.memory_space<hbm>>) target_semaphore(%run_scoped3A : memref<!tpu.dma_semaphore, #tpu.memory_space<semaphore_mem>>)
      %dma_wait3A_334 = arith.constant 0 : i32
      %dma_wait3A_335 = tpu.memref_slice %arg4[%add3A_219, %dma_wait3A_334] : memref<16384x16xf32, #tpu.memory_space<hbm>> -> memref<64x16xf32, #tpu.memory_space<hbm>>
      %dma_wait3A_336 = arith.constant 0 : i32
      %dma_wait3A_337 = tpu.memref_slice %arg4[%add3A_219, %dma_wait3A_336] : memref<16384x16xf32, #tpu.memory_space<hbm>> -> memref<64x16xf32, #tpu.memory_space<hbm>>
      tpu.wait_dma2 semaphore(%run_scoped3A : memref<!tpu.dma_semaphore, #tpu.memory_space<semaphore_mem>>) src(%arg7 : memref<64x16xf32, #tpu.memory_space<vmem>>) dst(%dma_wait3A_337 : memref<64x16xf32, #tpu.memory_space<hbm>>)
      tpu.yield
    }) : () -> ()
    %dma_start3A_220 = arith.constant 0 : i32
    %dma_start3A_221 = arith.constant 0 : i32
    %dma_start3A_222 = arith.constant 0 : i32
    %dma_start3A_223 = arith.constant 0 : i32
    %dma_start3A_224 = tpu.memref_slice %arg6[%dma_start3A_220, %dma_start3A_222, %dma_start3A_223] : memref<2x3200x16xf32, #tpu.memory_space<vmem>> -> memref<1x3200x16xf32, #tpu.memory_space<vmem>>
    %dma_start3A_225 = tpu.memref_squeeze %dma_start3A_224 : memref<1x3200x16xf32, #tpu.memory_space<vmem>> -> memref<3200x16xf32, #tpu.memory_space<vmem>>
    %dma_start3A_226 = arith.constant 19200 : i32
    %dma_start3A_227 = tpu.memref_slice %arg5[%dma_start3A_226] : memref<25600xi32, #tpu.memory_space<vmem>> -> memref<3200xi32, #tpu.memory_space<vmem>>
    %dma_start3A_228 = arith.constant 0 : i32
    %dma_start3A_229 = arith.constant 0 : i32
    %dma_start3A_230 = tpu.memref_slice %arg3[%dma_start3A_228, %dma_start3A_229] : memref<1000000x16xf32, #tpu.memory_space<hbm>> -> memref<1000000x16xf32, #tpu.memory_space<hbm>>
    %dma_start3A_231 = tpu.memref_slice %arg8[%dma_start3A_221] : memref<2x!tpu.dma_semaphore, #tpu.memory_space<semaphore_mem>> -> memref<1x!tpu.dma_semaphore, #tpu.memory_space<semaphore_mem>>
    %dma_start3A_232 = tpu.memref_squeeze %dma_start3A_231 : memref<1x!tpu.dma_semaphore, #tpu.memory_space<semaphore_mem>> -> memref<!tpu.dma_semaphore, #tpu.memory_space<semaphore_mem>>
    tpu.enqueue_indirect_dma source(%dma_start3A_230 : memref<1000000x16xf32, #tpu.memory_space<hbm>>) target(%dma_start3A_225 : memref<3200x16xf32, #tpu.memory_space<vmem>>) offsets(%dma_start3A_227 : memref<3200xi32, #tpu.memory_space<vmem>>) semaphore(%dma_start3A_232 : memref<!tpu.dma_semaphore, #tpu.memory_space<semaphore_mem>>)
    %dma_wait3A_233 = arith.constant 1 : i32
    %dma_wait3A_234 = arith.constant 1 : i32
    %dma_wait3A_235 = arith.constant 0 : i32
    %dma_wait3A_236 = arith.constant 0 : i32
    %dma_wait3A_237 = tpu.memref_slice %arg6[%dma_wait3A_233, %dma_wait3A_235, %dma_wait3A_236] : memref<2x3200x16xf32, #tpu.memory_space<vmem>> -> memref<1x3200x16xf32, #tpu.memory_space<vmem>>
    %dma_wait3A_238 = tpu.memref_squeeze %dma_wait3A_237 : memref<1x3200x16xf32, #tpu.memory_space<vmem>> -> memref<3200x16xf32, #tpu.memory_space<vmem>>
    %dma_wait3A_239 = arith.constant 0 : i32
    %dma_wait3A_240 = arith.constant 0 : i32
    %dma_wait3A_241 = tpu.memref_slice %arg3[%dma_wait3A_239, %dma_wait3A_240] : memref<1000000x16xf32, #tpu.memory_space<hbm>> -> memref<3200x16xf32, #tpu.memory_space<hbm>>
    %dma_wait3A_242 = tpu.memref_slice %arg8[%dma_wait3A_234] : memref<2x!tpu.dma_semaphore, #tpu.memory_space<semaphore_mem>> -> memref<1x!tpu.dma_semaphore, #tpu.memory_space<semaphore_mem>>
    %dma_wait3A_243 = tpu.memref_squeeze %dma_wait3A_242 : memref<1x!tpu.dma_semaphore, #tpu.memory_space<semaphore_mem>> -> memref<!tpu.dma_semaphore, #tpu.memory_space<semaphore_mem>>
    %dma_wait3A_244 = arith.constant 0 : i32
    %dma_wait3A_245 = arith.constant 0 : i32
    %dma_wait3A_246 = tpu.memref_slice %arg6[%dma_wait3A_233, %dma_wait3A_244, %dma_wait3A_245] : memref<2x3200x16xf32, #tpu.memory_space<vmem>> -> memref<1x3200x16xf32, #tpu.memory_space<vmem>>
    %dma_wait3A_247 = tpu.memref_squeeze %dma_wait3A_246 : memref<1x3200x16xf32, #tpu.memory_space<vmem>> -> memref<3200x16xf32, #tpu.memory_space<vmem>>
    %dma_wait3A_248 = arith.constant 0 : i32
    %dma_wait3A_249 = arith.constant 0 : i32
    %dma_wait3A_250 = tpu.memref_slice %arg3[%dma_wait3A_248, %dma_wait3A_249] : memref<1000000x16xf32, #tpu.memory_space<hbm>> -> memref<3200x16xf32, #tpu.memory_space<hbm>>
    tpu.wait_dma2 semaphore(%dma_wait3A_243 : memref<!tpu.dma_semaphore, #tpu.memory_space<semaphore_mem>>) src(%dma_wait3A_250 : memref<3200x16xf32, #tpu.memory_space<hbm>>) dst(%dma_wait3A_247 : memref<3200x16xf32, #tpu.memory_space<vmem>>)
    %scan3A_251 = arith.constant 0 : i32
    %scan3A_252 = arith.constant 0 : i32
    %scan3A_253 = arith.constant 64 : i32
    %scan3A_254 = arith.addi %scan3A_252, %scan3A_253 : i32
    %scan3A_255 = arith.constant 1 : i32
    scf.for %scan3A_330 = %scan3A_252 to %scan3A_254 step %scan3A_255  : i32 {
      %mul3A_331 = arith.constant 50 : i32
      %mul3A_332 = arith.muli %scan3A_330, %mul3A_331 : i32
      %get3A = arith.constant 1 : i32
      %get3A_333 = arith.index_cast %get3A : i32 to index
      %get3A_334 = arith.index_cast %mul3A_332 : i32 to index
      %get3A_335 = arith.constant 0 : index
      %get3A_336 = tpu.vector_load %arg6[%get3A_333, %get3A_334, %get3A_335] {strides = array<i32>} : memref<2x3200x16xf32, #tpu.memory_space<vmem>>, vector<1x1x16xf32>,
      %get3A_337 = vector.shape_cast %get3A_336 : vector<1x1x16xf32> to vector<16xf32>
      %add3A_338 = arith.constant 1 : i32
      %add3A_339 = arith.addi %mul3A_332, %add3A_338 : i32
      %get3A_340 = arith.constant 1 : i32
      %get3A_341 = arith.index_cast %get3A_340 : i32 to index
      %get3A_342 = arith.index_cast %add3A_339 : i32 to index
      %get3A_343 = arith.constant 0 : index
      %get3A_344 = tpu.vector_load %arg6[%get3A_341, %get3A_342, %get3A_343] {strides = array<i32>} : memref<2x3200x16xf32, #tpu.memory_space<vmem>>, vector<1x1x16xf32>,
      %get3A_345 = vector.shape_cast %get3A_344 : vector<1x1x16xf32> to vector<16xf32>
      %add3A_346 = arith.constant 2 : i32
      %add3A_347 = arith.addi %mul3A_332, %add3A_346 : i32
      %get3A_348 = arith.constant 1 : i32
      %get3A_349 = arith.index_cast %get3A_348 : i32 to index
      %get3A_350 = arith.index_cast %add3A_347 : i32 to index
      %get3A_351 = arith.constant 0 : index
      %get3A_352 = tpu.vector_load %arg6[%get3A_349, %get3A_350, %get3A_351] {strides = array<i32>} : memref<2x3200x16xf32, #tpu.memory_space<vmem>>, vector<1x1x16xf32>,
      %get3A_353 = vector.shape_cast %get3A_352 : vector<1x1x16xf32> to vector<16xf32>
      %add3A_354 = arith.constant 3 : i32
      %add3A_355 = arith.addi %mul3A_332, %add3A_354 : i32
      %get3A_356 = arith.constant 1 : i32
      %get3A_357 = arith.index_cast %get3A_356 : i32 to index
      %get3A_358 = arith.index_cast %add3A_355 : i32 to index
      %get3A_359 = arith.constant 0 : index
      %get3A_360 = tpu.vector_load %arg6[%get3A_357, %get3A_358, %get3A_359] {strides = array<i32>} : memref<2x3200x16xf32, #tpu.memory_space<vmem>>, vector<1x1x16xf32>,
      %get3A_361 = vector.shape_cast %get3A_360 : vector<1x1x16xf32> to vector<16xf32>
      %add3A_362 = arith.constant 4 : i32
      %add3A_363 = arith.addi %mul3A_332, %add3A_362 : i32
      %get3A_364 = arith.constant 1 : i32
      %get3A_365 = arith.index_cast %get3A_364 : i32 to index
      %get3A_366 = arith.index_cast %add3A_363 : i32 to index
      %get3A_367 = arith.constant 0 : index
      %get3A_368 = tpu.vector_load %arg6[%get3A_365, %get3A_366, %get3A_367] {strides = array<i32>} : memref<2x3200x16xf32, #tpu.memory_space<vmem>>, vector<1x1x16xf32>,
      %get3A_369 = vector.shape_cast %get3A_368 : vector<1x1x16xf32> to vector<16xf32>
      %add3A_370 = arith.addf %get3A_337, %get3A_369 : vector<16xf32>
      %add3A_371 = arith.constant 4 : i32
      %add3A_372 = arith.addi %mul3A_332, %add3A_371 : i32
      %add3A_373 = arith.constant 1 : i32
      %add3A_374 = arith.addi %add3A_372, %add3A_373 : i32
      %get3A_375 = arith.constant 1 : i32
      %get3A_376 = arith.index_cast %get3A_375 : i32 to index
      %get3A_377 = arith.index_cast %add3A_374 : i32 to index
      %get3A_378 = arith.constant 0 : index
      %get3A_379 = tpu.vector_load %arg6[%get3A_376, %get3A_377, %get3A_378] {strides = array<i32>} : memref<2x3200x16xf32, #tpu.memory_space<vmem>>, vector<1x1x16xf32>,
      %get3A_380 = vector.shape_cast %get3A_379 : vector<1x1x16xf32> to vector<16xf32>
      %add3A_381 = arith.addf %get3A_345, %get3A_380 : vector<16xf32>
      %add3A_382 = arith.constant 4 : i32
      %add3A_383 = arith.addi %mul3A_332, %add3A_382 : i32
      %add3A_384 = arith.constant 2 : i32
      %add3A_385 = arith.addi %add3A_383, %add3A_384 : i32
      %get3A_386 = arith.constant 1 : i32
      %get3A_387 = arith.index_cast %get3A_386 : i32 to index
      %get3A_388 = arith.index_cast %add3A_385 : i32 to index
      %get3A_389 = arith.constant 0 : index
      %get3A_390 = tpu.vector_load %arg6[%get3A_387, %get3A_388, %get3A_389] {strides = array<i32>} : memref<2x3200x16xf32, #tpu.memory_space<vmem>>, vector<1x1x16xf32>,
      %get3A_391 = vector.shape_cast %get3A_390 : vector<1x1x16xf32> to vector<16xf32>
      %add3A_392 = arith.addf %get3A_353, %get3A_391 : vector<16xf32>
      %add3A_393 = arith.constant 4 : i32
      %add3A_394 = arith.addi %mul3A_332, %add3A_393 : i32
      %add3A_395 = arith.constant 3 : i32
      %add3A_396 = arith.addi %add3A_394, %add3A_395 : i32
      %get3A_397 = arith.constant 1 : i32
      %get3A_398 = arith.index_cast %get3A_397 : i32 to index
      %get3A_399 = arith.index_cast %add3A_396 : i32 to index
      %get3A_400 = arith.constant 0 : index
      %get3A_401 = tpu.vector_load %arg6[%get3A_398, %get3A_399, %get3A_400] {strides = array<i32>} : memref<2x3200x16xf32, #tpu.memory_space<vmem>>, vector<1x1x16xf32>,
      %get3A_402 = vector.shape_cast %get3A_401 : vector<1x1x16xf32> to vector<16xf32>
      %add3A_403 = arith.addf %get3A_361, %get3A_402 : vector<16xf32>
      %add3A_404 = arith.constant 8 : i32
      %add3A_405 = arith.addi %mul3A_332, %add3A_404 : i32
      %get3A_406 = arith.constant 1 : i32
      %get3A_407 = arith.index_cast %get3A_406 : i32 to index
      %get3A_408 = arith.index_cast %add3A_405 : i32 to index
      %get3A_409 = arith.constant 0 : index
      %get3A_410 = tpu.vector_load %arg6[%get3A_407, %get3A_408, %get3A_409] {strides = array<i32>} : memref<2x3200x16xf32, #tpu.memory_space<vmem>>, vector<1x1x16xf32>,
      %get3A_411 = vector.shape_cast %get3A_410 : vector<1x1x16xf32> to vector<16xf32>
      %add3A_412 = arith.addf %add3A_370, %get3A_411 : vector<16xf32>
      %add3A_413 = arith.constant 8 : i32
      %add3A_414 = arith.addi %mul3A_332, %add3A_413 : i32
      %add3A_415 = arith.constant 1 : i32
      %add3A_416 = arith.addi %add3A_414, %add3A_415 : i32
      %get3A_417 = arith.constant 1 : i32
      %get3A_418 = arith.index_cast %get3A_417 : i32 to index
      %get3A_419 = arith.index_cast %add3A_416 : i32 to index
      %get3A_420 = arith.constant 0 : index
      %get3A_421 = tpu.vector_load %arg6[%get3A_418, %get3A_419, %get3A_420] {strides = array<i32>} : memref<2x3200x16xf32, #tpu.memory_space<vmem>>, vector<1x1x16xf32>,
      %get3A_422 = vector.shape_cast %get3A_421 : vector<1x1x16xf32> to vector<16xf32>
      %add3A_423 = arith.addf %add3A_381, %get3A_422 : vector<16xf32>
      %add3A_424 = arith.constant 8 : i32
      %add3A_425 = arith.addi %mul3A_332, %add3A_424 : i32
      %add3A_426 = arith.constant 2 : i32
      %add3A_427 = arith.addi %add3A_425, %add3A_426 : i32
      %get3A_428 = arith.constant 1 : i32
      %get3A_429 = arith.index_cast %get3A_428 : i32 to index
      %get3A_430 = arith.index_cast %add3A_427 : i32 to index
      %get3A_431 = arith.constant 0 : index
      %get3A_432 = tpu.vector_load %arg6[%get3A_429, %get3A_430, %get3A_431] {strides = array<i32>} : memref<2x3200x16xf32, #tpu.memory_space<vmem>>, vector<1x1x16xf32>,
      %get3A_433 = vector.shape_cast %get3A_432 : vector<1x1x16xf32> to vector<16xf32>
      %add3A_434 = arith.addf %add3A_392, %get3A_433 : vector<16xf32>
      %add3A_435 = arith.constant 8 : i32
      %add3A_436 = arith.addi %mul3A_332, %add3A_435 : i32
      %add3A_437 = arith.constant 3 : i32
      %add3A_438 = arith.addi %add3A_436, %add3A_437 : i32
      %get3A_439 = arith.constant 1 : i32
      %get3A_440 = arith.index_cast %get3A_439 : i32 to index
      %get3A_441 = arith.index_cast %add3A_438 : i32 to index
      %get3A_442 = arith.constant 0 : index
      %get3A_443 = tpu.vector_load %arg6[%get3A_440, %get3A_441, %get3A_442] {strides = array<i32>} : memref<2x3200x16xf32, #tpu.memory_space<vmem>>, vector<1x1x16xf32>,
      %get3A_444 = vector.shape_cast %get3A_443 : vector<1x1x16xf32> to vector<16xf32>
      %add3A_445 = arith.addf %add3A_403, %get3A_444 : vector<16xf32>
      %add3A_446 = arith.constant 12 : i32
      %add3A_447 = arith.addi %mul3A_332, %add3A_446 : i32
      %get3A_448 = arith.constant 1 : i32
      %get3A_449 = arith.index_cast %get3A_448 : i32 to index
      %get3A_450 = arith.index_cast %add3A_447 : i32 to index
      %get3A_451 = arith.constant 0 : index
      %get3A_452 = tpu.vector_load %arg6[%get3A_449, %get3A_450, %get3A_451] {strides = array<i32>} : memref<2x3200x16xf32, #tpu.memory_space<vmem>>, vector<1x1x16xf32>,
      %get3A_453 = vector.shape_cast %get3A_452 : vector<1x1x16xf32> to vector<16xf32>
      %add3A_454 = arith.addf %add3A_412, %get3A_453 : vector<16xf32>
      %add3A_455 = arith.constant 12 : i32
      %add3A_456 = arith.addi %mul3A_332, %add3A_455 : i32
      %add3A_457 = arith.constant 1 : i32
      %add3A_458 = arith.addi %add3A_456, %add3A_457 : i32
      %get3A_459 = arith.constant 1 : i32
      %get3A_460 = arith.index_cast %get3A_459 : i32 to index
      %get3A_461 = arith.index_cast %add3A_458 : i32 to index
      %get3A_462 = arith.constant 0 : index
      %get3A_463 = tpu.vector_load %arg6[%get3A_460, %get3A_461, %get3A_462] {strides = array<i32>} : memref<2x3200x16xf32, #tpu.memory_space<vmem>>, vector<1x1x16xf32>,
      %get3A_464 = vector.shape_cast %get3A_463 : vector<1x1x16xf32> to vector<16xf32>
      %add3A_465 = arith.addf %add3A_423, %get3A_464 : vector<16xf32>
      %add3A_466 = arith.constant 12 : i32
      %add3A_467 = arith.addi %mul3A_332, %add3A_466 : i32
      %add3A_468 = arith.constant 2 : i32
      %add3A_469 = arith.addi %add3A_467, %add3A_468 : i32
      %get3A_470 = arith.constant 1 : i32
      %get3A_471 = arith.index_cast %get3A_470 : i32 to index
      %get3A_472 = arith.index_cast %add3A_469 : i32 to index
      %get3A_473 = arith.constant 0 : index
      %get3A_474 = tpu.vector_load %arg6[%get3A_471, %get3A_472, %get3A_473] {strides = array<i32>} : memref<2x3200x16xf32, #tpu.memory_space<vmem>>, vector<1x1x16xf32>,
      %get3A_475 = vector.shape_cast %get3A_474 : vector<1x1x16xf32> to vector<16xf32>
      %add3A_476 = arith.addf %add3A_434, %get3A_475 : vector<16xf32>
      %add3A_477 = arith.constant 12 : i32
      %add3A_478 = arith.addi %mul3A_332, %add3A_477 : i32
      %add3A_479 = arith.constant 3 : i32
      %add3A_480 = arith.addi %add3A_478, %add3A_479 : i32
      %get3A_481 = arith.constant 1 : i32
      %get3A_482 = arith.index_cast %get3A_481 : i32 to index
      %get3A_483 = arith.index_cast %add3A_480 : i32 to index
      %get3A_484 = arith.constant 0 : index
      %get3A_485 = tpu.vector_load %arg6[%get3A_482, %get3A_483, %get3A_484] {strides = array<i32>} : memref<2x3200x16xf32, #tpu.memory_space<vmem>>, vector<1x1x16xf32>,
      %get3A_486 = vector.shape_cast %get3A_485 : vector<1x1x16xf32> to vector<16xf32>
      %add3A_487 = arith.addf %add3A_445, %get3A_486 : vector<16xf32>
      %add3A_488 = arith.constant 16 : i32
      %add3A_489 = arith.addi %mul3A_332, %add3A_488 : i32
      %get3A_490 = arith.constant 1 : i32
      %get3A_491 = arith.index_cast %get3A_490 : i32 to index
      %get3A_492 = arith.index_cast %add3A_489 : i32 to index
      %get3A_493 = arith.constant 0 : index
      %get3A_494 = tpu.vector_load %arg6[%get3A_491, %get3A_492, %get3A_493] {strides = array<i32>} : memref<2x3200x16xf32, #tpu.memory_space<vmem>>, vector<1x1x16xf32>,
      %get3A_495 = vector.shape_cast %get3A_494 : vector<1x1x16xf32> to vector<16xf32>
      %add3A_496 = arith.addf %add3A_454, %get3A_495 : vector<16xf32>
      %add3A_497 = arith.constant 16 : i32
      %add3A_498 = arith.addi %mul3A_332, %add3A_497 : i32
      %add3A_499 = arith.constant 1 : i32
      %add3A_500 = arith.addi %add3A_498, %add3A_499 : i32
      %get3A_501 = arith.constant 1 : i32
      %get3A_502 = arith.index_cast %get3A_501 : i32 to index
      %get3A_503 = arith.index_cast %add3A_500 : i32 to index
      %get3A_504 = arith.constant 0 : index
      %get3A_505 = tpu.vector_load %arg6[%get3A_502, %get3A_503, %get3A_504] {strides = array<i32>} : memref<2x3200x16xf32, #tpu.memory_space<vmem>>, vector<1x1x16xf32>,
      %get3A_506 = vector.shape_cast %get3A_505 : vector<1x1x16xf32> to vector<16xf32>
      %add3A_507 = arith.addf %add3A_465, %get3A_506 : vector<16xf32>
      %add3A_508 = arith.constant 16 : i32
      %add3A_509 = arith.addi %mul3A_332, %add3A_508 : i32
      %add3A_510 = arith.constant 2 : i32
      %add3A_511 = arith.addi %add3A_509, %add3A_510 : i32
      %get3A_512 = arith.constant 1 : i32
      %get3A_513 = arith.index_cast %get3A_512 : i32 to index
      %get3A_514 = arith.index_cast %add3A_511 : i32 to index
      %get3A_515 = arith.constant 0 : index
      %get3A_516 = tpu.vector_load %arg6[%get3A_513, %get3A_514, %get3A_515] {strides = array<i32>} : memref<2x3200x16xf32, #tpu.memory_space<vmem>>, vector<1x1x16xf32>,
      %get3A_517 = vector.shape_cast %get3A_516 : vector<1x1x16xf32> to vector<16xf32>
      %add3A_518 = arith.addf %add3A_476, %get3A_517 : vector<16xf32>
      %add3A_519 = arith.constant 16 : i32
      %add3A_520 = arith.addi %mul3A_332, %add3A_519 : i32
      %add3A_521 = arith.constant 3 : i32
      %add3A_522 = arith.addi %add3A_520, %add3A_521 : i32
      %get3A_523 = arith.constant 1 : i32
      %get3A_524 = arith.index_cast %get3A_523 : i32 to index
      %get3A_525 = arith.index_cast %add3A_522 : i32 to index
      %get3A_526 = arith.constant 0 : index
      %get3A_527 = tpu.vector_load %arg6[%get3A_524, %get3A_525, %get3A_526] {strides = array<i32>} : memref<2x3200x16xf32, #tpu.memory_space<vmem>>, vector<1x1x16xf32>,
      %get3A_528 = vector.shape_cast %get3A_527 : vector<1x1x16xf32> to vector<16xf32>
      %add3A_529 = arith.addf %add3A_487, %get3A_528 : vector<16xf32>
      %add3A_530 = arith.constant 20 : i32
      %add3A_531 = arith.addi %mul3A_332, %add3A_530 : i32
      %get3A_532 = arith.constant 1 : i32
      %get3A_533 = arith.index_cast %get3A_532 : i32 to index
      %get3A_534 = arith.index_cast %add3A_531 : i32 to index
      %get3A_535 = arith.constant 0 : index
      %get3A_536 = tpu.vector_load %arg6[%get3A_533, %get3A_534, %get3A_535] {strides = array<i32>} : memref<2x3200x16xf32, #tpu.memory_space<vmem>>, vector<1x1x16xf32>,
      %get3A_537 = vector.shape_cast %get3A_536 : vector<1x1x16xf32> to vector<16xf32>
      %add3A_538 = arith.addf %add3A_496, %get3A_537 : vector<16xf32>
      %add3A_539 = arith.constant 20 : i32
      %add3A_540 = arith.addi %mul3A_332, %add3A_539 : i32
      %add3A_541 = arith.constant 1 : i32
      %add3A_542 = arith.addi %add3A_540, %add3A_541 : i32
      %get3A_543 = arith.constant 1 : i32
      %get3A_544 = arith.index_cast %get3A_543 : i32 to index
      %get3A_545 = arith.index_cast %add3A_542 : i32 to index
      %get3A_546 = arith.constant 0 : index
      %get3A_547 = tpu.vector_load %arg6[%get3A_544, %get3A_545, %get3A_546] {strides = array<i32>} : memref<2x3200x16xf32, #tpu.memory_space<vmem>>, vector<1x1x16xf32>,
      %get3A_548 = vector.shape_cast %get3A_547 : vector<1x1x16xf32> to vector<16xf32>
      %add3A_549 = arith.addf %add3A_507, %get3A_548 : vector<16xf32>
      %add3A_550 = arith.constant 20 : i32
      %add3A_551 = arith.addi %mul3A_332, %add3A_550 : i32
      %add3A_552 = arith.constant 2 : i32
      %add3A_553 = arith.addi %add3A_551, %add3A_552 : i32
      %get3A_554 = arith.constant 1 : i32
      %get3A_555 = arith.index_cast %get3A_554 : i32 to index
      %get3A_556 = arith.index_cast %add3A_553 : i32 to index
      %get3A_557 = arith.constant 0 : index
      %get3A_558 = tpu.vector_load %arg6[%get3A_555, %get3A_556, %get3A_557] {strides = array<i32>} : memref<2x3200x16xf32, #tpu.memory_space<vmem>>, vector<1x1x16xf32>,
      %get3A_559 = vector.shape_cast %get3A_558 : vector<1x1x16xf32> to vector<16xf32>
      %add3A_560 = arith.addf %add3A_518, %get3A_559 : vector<16xf32>
      %add3A_561 = arith.constant 20 : i32
      %add3A_562 = arith.addi %mul3A_332, %add3A_561 : i32
      %add3A_563 = arith.constant 3 : i32
      %add3A_564 = arith.addi %add3A_562, %add3A_563 : i32
      %get3A_565 = arith.constant 1 : i32
      %get3A_566 = arith.index_cast %get3A_565 : i32 to index
      %get3A_567 = arith.index_cast %add3A_564 : i32 to index
      %get3A_568 = arith.constant 0 : index
      %get3A_569 = tpu.vector_load %arg6[%get3A_566, %get3A_567, %get3A_568] {strides = array<i32>} : memref<2x3200x16xf32, #tpu.memory_space<vmem>>, vector<1x1x16xf32>,
      %get3A_570 = vector.shape_cast %get3A_569 : vector<1x1x16xf32> to vector<16xf32>
      %add3A_571 = arith.addf %add3A_529, %get3A_570 : vector<16xf32>
      %add3A_572 = arith.constant 24 : i32
      %add3A_573 = arith.addi %mul3A_332, %add3A_572 : i32
      %get3A_574 = arith.constant 1 : i32
      %get3A_575 = arith.index_cast %get3A_574 : i32 to index
      %get3A_576 = arith.index_cast %add3A_573 : i32 to index
      %get3A_577 = arith.constant 0 : index
      %get3A_578 = tpu.vector_load %arg6[%get3A_575, %get3A_576, %get3A_577] {strides = array<i32>} : memref<2x3200x16xf32, #tpu.memory_space<vmem>>, vector<1x1x16xf32>,
      %get3A_579 = vector.shape_cast %get3A_578 : vector<1x1x16xf32> to vector<16xf32>
      %add3A_580 = arith.addf %add3A_538, %get3A_579 : vector<16xf32>
      %add3A_581 = arith.constant 24 : i32
      %add3A_582 = arith.addi %mul3A_332, %add3A_581 : i32
      %add3A_583 = arith.constant 1 : i32
      %add3A_584 = arith.addi %add3A_582, %add3A_583 : i32
      %get3A_585 = arith.constant 1 : i32
      %get3A_586 = arith.index_cast %get3A_585 : i32 to index
      %get3A_587 = arith.index_cast %add3A_584 : i32 to index
      %get3A_588 = arith.constant 0 : index
      %get3A_589 = tpu.vector_load %arg6[%get3A_586, %get3A_587, %get3A_588] {strides = array<i32>} : memref<2x3200x16xf32, #tpu.memory_space<vmem>>, vector<1x1x16xf32>,
      %get3A_590 = vector.shape_cast %get3A_589 : vector<1x1x16xf32> to vector<16xf32>
      %add3A_591 = arith.addf %add3A_549, %get3A_590 : vector<16xf32>
      %add3A_592 = arith.constant 24 : i32
      %add3A_593 = arith.addi %mul3A_332, %add3A_592 : i32
      %add3A_594 = arith.constant 2 : i32
      %add3A_595 = arith.addi %add3A_593, %add3A_594 : i32
      %get3A_596 = arith.constant 1 : i32
      %get3A_597 = arith.index_cast %get3A_596 : i32 to index
      %get3A_598 = arith.index_cast %add3A_595 : i32 to index
      %get3A_599 = arith.constant 0 : index
      %get3A_600 = tpu.vector_load %arg6[%get3A_597, %get3A_598, %get3A_599] {strides = array<i32>} : memref<2x3200x16xf32, #tpu.memory_space<vmem>>, vector<1x1x16xf32>,
      %get3A_601 = vector.shape_cast %get3A_600 : vector<1x1x16xf32> to vector<16xf32>
      %add3A_602 = arith.addf %add3A_560, %get3A_601 : vector<16xf32>
      %add3A_603 = arith.constant 24 : i32
      %add3A_604 = arith.addi %mul3A_332, %add3A_603 : i32
      %add3A_605 = arith.constant 3 : i32
      %add3A_606 = arith.addi %add3A_604, %add3A_605 : i32
      %get3A_607 = arith.constant 1 : i32
      %get3A_608 = arith.index_cast %get3A_607 : i32 to index
      %get3A_609 = arith.index_cast %add3A_606 : i32 to index
      %get3A_610 = arith.constant 0 : index
      %get3A_611 = tpu.vector_load %arg6[%get3A_608, %get3A_609, %get3A_610] {strides = array<i32>} : memref<2x3200x16xf32, #tpu.memory_space<vmem>>, vector<1x1x16xf32>,
      %get3A_612 = vector.shape_cast %get3A_611 : vector<1x1x16xf32> to vector<16xf32>
      %add3A_613 = arith.addf %add3A_571, %get3A_612 : vector<16xf32>
      %add3A_614 = arith.constant 28 : i32
      %add3A_615 = arith.addi %mul3A_332, %add3A_614 : i32
      %get3A_616 = arith.constant 1 : i32
      %get3A_617 = arith.index_cast %get3A_616 : i32 to index
      %get3A_618 = arith.index_cast %add3A_615 : i32 to index
      %get3A_619 = arith.constant 0 : index
      %get3A_620 = tpu.vector_load %arg6[%get3A_617, %get3A_618, %get3A_619] {strides = array<i32>} : memref<2x3200x16xf32, #tpu.memory_space<vmem>>, vector<1x1x16xf32>,
      %get3A_621 = vector.shape_cast %get3A_620 : vector<1x1x16xf32> to vector<16xf32>
      %add3A_622 = arith.addf %add3A_580, %get3A_621 : vector<16xf32>
      %add3A_623 = arith.constant 28 : i32
      %add3A_624 = arith.addi %mul3A_332, %add3A_623 : i32
      %add3A_625 = arith.constant 1 : i32
      %add3A_626 = arith.addi %add3A_624, %add3A_625 : i32
      %get3A_627 = arith.constant 1 : i32
      %get3A_628 = arith.index_cast %get3A_627 : i32 to index
      %get3A_629 = arith.index_cast %add3A_626 : i32 to index
      %get3A_630 = arith.constant 0 : index
      %get3A_631 = tpu.vector_load %arg6[%get3A_628, %get3A_629, %get3A_630] {strides = array<i32>} : memref<2x3200x16xf32, #tpu.memory_space<vmem>>, vector<1x1x16xf32>,
      %get3A_632 = vector.shape_cast %get3A_631 : vector<1x1x16xf32> to vector<16xf32>
      %add3A_633 = arith.addf %add3A_591, %get3A_632 : vector<16xf32>
      %add3A_634 = arith.constant 28 : i32
      %add3A_635 = arith.addi %mul3A_332, %add3A_634 : i32
      %add3A_636 = arith.constant 2 : i32
      %add3A_637 = arith.addi %add3A_635, %add3A_636 : i32
      %get3A_638 = arith.constant 1 : i32
      %get3A_639 = arith.index_cast %get3A_638 : i32 to index
      %get3A_640 = arith.index_cast %add3A_637 : i32 to index
      %get3A_641 = arith.constant 0 : index
      %get3A_642 = tpu.vector_load %arg6[%get3A_639, %get3A_640, %get3A_641] {strides = array<i32>} : memref<2x3200x16xf32, #tpu.memory_space<vmem>>, vector<1x1x16xf32>,
      %get3A_643 = vector.shape_cast %get3A_642 : vector<1x1x16xf32> to vector<16xf32>
      %add3A_644 = arith.addf %add3A_602, %get3A_643 : vector<16xf32>
      %add3A_645 = arith.constant 28 : i32
      %add3A_646 = arith.addi %mul3A_332, %add3A_645 : i32
      %add3A_647 = arith.constant 3 : i32
      %add3A_648 = arith.addi %add3A_646, %add3A_647 : i32
      %get3A_649 = arith.constant 1 : i32
      %get3A_650 = arith.index_cast %get3A_649 : i32 to index
      %get3A_651 = arith.index_cast %add3A_648 : i32 to index
      %get3A_652 = arith.constant 0 : index
      %get3A_653 = tpu.vector_load %arg6[%get3A_650, %get3A_651, %get3A_652] {strides = array<i32>} : memref<2x3200x16xf32, #tpu.memory_space<vmem>>, vector<1x1x16xf32>,
      %get3A_654 = vector.shape_cast %get3A_653 : vector<1x1x16xf32> to vector<16xf32>
      %add3A_655 = arith.addf %add3A_613, %get3A_654 : vector<16xf32>
      %add3A_656 = arith.constant 32 : i32
      %add3A_657 = arith.addi %mul3A_332, %add3A_656 : i32
      %get3A_658 = arith.constant 1 : i32
      %get3A_659 = arith.index_cast %get3A_658 : i32 to index
      %get3A_660 = arith.index_cast %add3A_657 : i32 to index
      %get3A_661 = arith.constant 0 : index
      %get3A_662 = tpu.vector_load %arg6[%get3A_659, %get3A_660, %get3A_661] {strides = array<i32>} : memref<2x3200x16xf32, #tpu.memory_space<vmem>>, vector<1x1x16xf32>,
      %get3A_663 = vector.shape_cast %get3A_662 : vector<1x1x16xf32> to vector<16xf32>
      %add3A_664 = arith.addf %add3A_622, %get3A_663 : vector<16xf32>
      %add3A_665 = arith.constant 32 : i32
      %add3A_666 = arith.addi %mul3A_332, %add3A_665 : i32
      %add3A_667 = arith.constant 1 : i32
      %add3A_668 = arith.addi %add3A_666, %add3A_667 : i32
      %get3A_669 = arith.constant 1 : i32
      %get3A_670 = arith.index_cast %get3A_669 : i32 to index
      %get3A_671 = arith.index_cast %add3A_668 : i32 to index
      %get3A_672 = arith.constant 0 : index
      %get3A_673 = tpu.vector_load %arg6[%get3A_670, %get3A_671, %get3A_672] {strides = array<i32>} : memref<2x3200x16xf32, #tpu.memory_space<vmem>>, vector<1x1x16xf32>,
      %get3A_674 = vector.shape_cast %get3A_673 : vector<1x1x16xf32> to vector<16xf32>
      %add3A_675 = arith.addf %add3A_633, %get3A_674 : vector<16xf32>
      %add3A_676 = arith.constant 32 : i32
      %add3A_677 = arith.addi %mul3A_332, %add3A_676 : i32
      %add3A_678 = arith.constant 2 : i32
      %add3A_679 = arith.addi %add3A_677, %add3A_678 : i32
      %get3A_680 = arith.constant 1 : i32
      %get3A_681 = arith.index_cast %get3A_680 : i32 to index
      %get3A_682 = arith.index_cast %add3A_679 : i32 to index
      %get3A_683 = arith.constant 0 : index
      %get3A_684 = tpu.vector_load %arg6[%get3A_681, %get3A_682, %get3A_683] {strides = array<i32>} : memref<2x3200x16xf32, #tpu.memory_space<vmem>>, vector<1x1x16xf32>,
      %get3A_685 = vector.shape_cast %get3A_684 : vector<1x1x16xf32> to vector<16xf32>
      %add3A_686 = arith.addf %add3A_644, %get3A_685 : vector<16xf32>
      %add3A_687 = arith.constant 32 : i32
      %add3A_688 = arith.addi %mul3A_332, %add3A_687 : i32
      %add3A_689 = arith.constant 3 : i32
      %add3A_690 = arith.addi %add3A_688, %add3A_689 : i32
      %get3A_691 = arith.constant 1 : i32
      %get3A_692 = arith.index_cast %get3A_691 : i32 to index
      %get3A_693 = arith.index_cast %add3A_690 : i32 to index
      %get3A_694 = arith.constant 0 : index
      %get3A_695 = tpu.vector_load %arg6[%get3A_692, %get3A_693, %get3A_694] {strides = array<i32>} : memref<2x3200x16xf32, #tpu.memory_space<vmem>>, vector<1x1x16xf32>,
      %get3A_696 = vector.shape_cast %get3A_695 : vector<1x1x16xf32> to vector<16xf32>
      %add3A_697 = arith.addf %add3A_655, %get3A_696 : vector<16xf32>
      %add3A_698 = arith.constant 36 : i32
      %add3A_699 = arith.addi %mul3A_332, %add3A_698 : i32
      %get3A_700 = arith.constant 1 : i32
      %get3A_701 = arith.index_cast %get3A_700 : i32 to index
      %get3A_702 = arith.index_cast %add3A_699 : i32 to index
      %get3A_703 = arith.constant 0 : index
      %get3A_704 = tpu.vector_load %arg6[%get3A_701, %get3A_702, %get3A_703] {strides = array<i32>} : memref<2x3200x16xf32, #tpu.memory_space<vmem>>, vector<1x1x16xf32>,
      %get3A_705 = vector.shape_cast %get3A_704 : vector<1x1x16xf32> to vector<16xf32>
      %add3A_706 = arith.addf %add3A_664, %get3A_705 : vector<16xf32>
      %add3A_707 = arith.constant 36 : i32
      %add3A_708 = arith.addi %mul3A_332, %add3A_707 : i32
      %add3A_709 = arith.constant 1 : i32
      %add3A_710 = arith.addi %add3A_708, %add3A_709 : i32
      %get3A_711 = arith.constant 1 : i32
      %get3A_712 = arith.index_cast %get3A_711 : i32 to index
      %get3A_713 = arith.index_cast %add3A_710 : i32 to index
      %get3A_714 = arith.constant 0 : index
      %get3A_715 = tpu.vector_load %arg6[%get3A_712, %get3A_713, %get3A_714] {strides = array<i32>} : memref<2x3200x16xf32, #tpu.memory_space<vmem>>, vector<1x1x16xf32>,
      %get3A_716 = vector.shape_cast %get3A_715 : vector<1x1x16xf32> to vector<16xf32>
      %add3A_717 = arith.addf %add3A_675, %get3A_716 : vector<16xf32>
      %add3A_718 = arith.constant 36 : i32
      %add3A_719 = arith.addi %mul3A_332, %add3A_718 : i32
      %add3A_720 = arith.constant 2 : i32
      %add3A_721 = arith.addi %add3A_719, %add3A_720 : i32
      %get3A_722 = arith.constant 1 : i32
      %get3A_723 = arith.index_cast %get3A_722 : i32 to index
      %get3A_724 = arith.index_cast %add3A_721 : i32 to index
      %get3A_725 = arith.constant 0 : index
      %get3A_726 = tpu.vector_load %arg6[%get3A_723, %get3A_724, %get3A_725] {strides = array<i32>} : memref<2x3200x16xf32, #tpu.memory_space<vmem>>, vector<1x1x16xf32>,
      %get3A_727 = vector.shape_cast %get3A_726 : vector<1x1x16xf32> to vector<16xf32>
      %add3A_728 = arith.addf %add3A_686, %get3A_727 : vector<16xf32>
      %add3A_729 = arith.constant 36 : i32
      %add3A_730 = arith.addi %mul3A_332, %add3A_729 : i32
      %add3A_731 = arith.constant 3 : i32
      %add3A_732 = arith.addi %add3A_730, %add3A_731 : i32
      %get3A_733 = arith.constant 1 : i32
      %get3A_734 = arith.index_cast %get3A_733 : i32 to index
      %get3A_735 = arith.index_cast %add3A_732 : i32 to index
      %get3A_736 = arith.constant 0 : index
      %get3A_737 = tpu.vector_load %arg6[%get3A_734, %get3A_735, %get3A_736] {strides = array<i32>} : memref<2x3200x16xf32, #tpu.memory_space<vmem>>, vector<1x1x16xf32>,
      %get3A_738 = vector.shape_cast %get3A_737 : vector<1x1x16xf32> to vector<16xf32>
      %add3A_739 = arith.addf %add3A_697, %get3A_738 : vector<16xf32>
      %add3A_740 = arith.constant 40 : i32
      %add3A_741 = arith.addi %mul3A_332, %add3A_740 : i32
      %get3A_742 = arith.constant 1 : i32
      %get3A_743 = arith.index_cast %get3A_742 : i32 to index
      %get3A_744 = arith.index_cast %add3A_741 : i32 to index
      %get3A_745 = arith.constant 0 : index
      %get3A_746 = tpu.vector_load %arg6[%get3A_743, %get3A_744, %get3A_745] {strides = array<i32>} : memref<2x3200x16xf32, #tpu.memory_space<vmem>>, vector<1x1x16xf32>,
      %get3A_747 = vector.shape_cast %get3A_746 : vector<1x1x16xf32> to vector<16xf32>
      %add3A_748 = arith.addf %add3A_706, %get3A_747 : vector<16xf32>
      %add3A_749 = arith.constant 40 : i32
      %add3A_750 = arith.addi %mul3A_332, %add3A_749 : i32
      %add3A_751 = arith.constant 1 : i32
      %add3A_752 = arith.addi %add3A_750, %add3A_751 : i32
      %get3A_753 = arith.constant 1 : i32
      %get3A_754 = arith.index_cast %get3A_753 : i32 to index
      %get3A_755 = arith.index_cast %add3A_752 : i32 to index
      %get3A_756 = arith.constant 0 : index
      %get3A_757 = tpu.vector_load %arg6[%get3A_754, %get3A_755, %get3A_756] {strides = array<i32>} : memref<2x3200x16xf32, #tpu.memory_space<vmem>>, vector<1x1x16xf32>,
      %get3A_758 = vector.shape_cast %get3A_757 : vector<1x1x16xf32> to vector<16xf32>
      %add3A_759 = arith.addf %add3A_717, %get3A_758 : vector<16xf32>
      %add3A_760 = arith.constant 40 : i32
      %add3A_761 = arith.addi %mul3A_332, %add3A_760 : i32
      %add3A_762 = arith.constant 2 : i32
      %add3A_763 = arith.addi %add3A_761, %add3A_762 : i32
      %get3A_764 = arith.constant 1 : i32
      %get3A_765 = arith.index_cast %get3A_764 : i32 to index
      %get3A_766 = arith.index_cast %add3A_763 : i32 to index
      %get3A_767 = arith.constant 0 : index
      %get3A_768 = tpu.vector_load %arg6[%get3A_765, %get3A_766, %get3A_767] {strides = array<i32>} : memref<2x3200x16xf32, #tpu.memory_space<vmem>>, vector<1x1x16xf32>,
      %get3A_769 = vector.shape_cast %get3A_768 : vector<1x1x16xf32> to vector<16xf32>
      %add3A_770 = arith.addf %add3A_728, %get3A_769 : vector<16xf32>
      %add3A_771 = arith.constant 40 : i32
      %add3A_772 = arith.addi %mul3A_332, %add3A_771 : i32
      %add3A_773 = arith.constant 3 : i32
      %add3A_774 = arith.addi %add3A_772, %add3A_773 : i32
      %get3A_775 = arith.constant 1 : i32
      %get3A_776 = arith.index_cast %get3A_775 : i32 to index
      %get3A_777 = arith.index_cast %add3A_774 : i32 to index
      %get3A_778 = arith.constant 0 : index
      %get3A_779 = tpu.vector_load %arg6[%get3A_776, %get3A_777, %get3A_778] {strides = array<i32>} : memref<2x3200x16xf32, #tpu.memory_space<vmem>>, vector<1x1x16xf32>,
      %get3A_780 = vector.shape_cast %get3A_779 : vector<1x1x16xf32> to vector<16xf32>
      %add3A_781 = arith.addf %add3A_739, %get3A_780 : vector<16xf32>
      %add3A_782 = arith.constant 44 : i32
      %add3A_783 = arith.addi %mul3A_332, %add3A_782 : i32
      %get3A_784 = arith.constant 1 : i32
      %get3A_785 = arith.index_cast %get3A_784 : i32 to index
      %get3A_786 = arith.index_cast %add3A_783 : i32 to index
      %get3A_787 = arith.constant 0 : index
      %get3A_788 = tpu.vector_load %arg6[%get3A_785, %get3A_786, %get3A_787] {strides = array<i32>} : memref<2x3200x16xf32, #tpu.memory_space<vmem>>, vector<1x1x16xf32>,
      %get3A_789 = vector.shape_cast %get3A_788 : vector<1x1x16xf32> to vector<16xf32>
      %add3A_790 = arith.addf %add3A_748, %get3A_789 : vector<16xf32>
      %add3A_791 = arith.constant 44 : i32
      %add3A_792 = arith.addi %mul3A_332, %add3A_791 : i32
      %add3A_793 = arith.constant 1 : i32
      %add3A_794 = arith.addi %add3A_792, %add3A_793 : i32
      %get3A_795 = arith.constant 1 : i32
      %get3A_796 = arith.index_cast %get3A_795 : i32 to index
      %get3A_797 = arith.index_cast %add3A_794 : i32 to index
      %get3A_798 = arith.constant 0 : index
      %get3A_799 = tpu.vector_load %arg6[%get3A_796, %get3A_797, %get3A_798] {strides = array<i32>} : memref<2x3200x16xf32, #tpu.memory_space<vmem>>, vector<1x1x16xf32>,
      %get3A_800 = vector.shape_cast %get3A_799 : vector<1x1x16xf32> to vector<16xf32>
      %add3A_801 = arith.addf %add3A_759, %get3A_800 : vector<16xf32>
      %add3A_802 = arith.constant 44 : i32
      %add3A_803 = arith.addi %mul3A_332, %add3A_802 : i32
      %add3A_804 = arith.constant 2 : i32
      %add3A_805 = arith.addi %add3A_803, %add3A_804 : i32
      %get3A_806 = arith.constant 1 : i32
      %get3A_807 = arith.index_cast %get3A_806 : i32 to index
      %get3A_808 = arith.index_cast %add3A_805 : i32 to index
      %get3A_809 = arith.constant 0 : index
      %get3A_810 = tpu.vector_load %arg6[%get3A_807, %get3A_808, %get3A_809] {strides = array<i32>} : memref<2x3200x16xf32, #tpu.memory_space<vmem>>, vector<1x1x16xf32>,
      %get3A_811 = vector.shape_cast %get3A_810 : vector<1x1x16xf32> to vector<16xf32>
      %add3A_812 = arith.addf %add3A_770, %get3A_811 : vector<16xf32>
      %add3A_813 = arith.constant 44 : i32
      %add3A_814 = arith.addi %mul3A_332, %add3A_813 : i32
      %add3A_815 = arith.constant 3 : i32
      %add3A_816 = arith.addi %add3A_814, %add3A_815 : i32
      %get3A_817 = arith.constant 1 : i32
      %get3A_818 = arith.index_cast %get3A_817 : i32 to index
      %get3A_819 = arith.index_cast %add3A_816 : i32 to index
      %get3A_820 = arith.constant 0 : index
      %get3A_821 = tpu.vector_load %arg6[%get3A_818, %get3A_819, %get3A_820] {strides = array<i32>} : memref<2x3200x16xf32, #tpu.memory_space<vmem>>, vector<1x1x16xf32>,
      %get3A_822 = vector.shape_cast %get3A_821 : vector<1x1x16xf32> to vector<16xf32>
      %add3A_823 = arith.addf %add3A_781, %get3A_822 : vector<16xf32>
      %add3A_824 = arith.constant 50 : i32
      %add3A_825 = arith.addi %mul3A_332, %add3A_824 : i32
      %sub3A = arith.constant 2 : i32
      %sub3A_826 = arith.subi %add3A_825, %sub3A : i32
      %get3A_827 = arith.constant 1 : i32
      %get3A_828 = arith.index_cast %get3A_827 : i32 to index
      %get3A_829 = arith.index_cast %sub3A_826 : i32 to index
      %get3A_830 = arith.constant 0 : index
      %get3A_831 = tpu.vector_load %arg6[%get3A_828, %get3A_829, %get3A_830] {strides = array<i32>} : memref<2x3200x16xf32, #tpu.memory_space<vmem>>, vector<1x1x16xf32>,
      %get3A_832 = vector.shape_cast %get3A_831 : vector<1x1x16xf32> to vector<16xf32>
      %add3A_833 = arith.addf %add3A_790, %get3A_832 : vector<16xf32>
      %add3A_834 = arith.constant 50 : i32
      %add3A_835 = arith.addi %mul3A_332, %add3A_834 : i32
      %sub3A_836 = arith.constant 1 : i32
      %sub3A_837 = arith.subi %add3A_835, %sub3A_836 : i32
      %get3A_838 = arith.constant 1 : i32
      %get3A_839 = arith.index_cast %get3A_838 : i32 to index
      %get3A_840 = arith.index_cast %sub3A_837 : i32 to index
      %get3A_841 = arith.constant 0 : index
      %get3A_842 = tpu.vector_load %arg6[%get3A_839, %get3A_840, %get3A_841] {strides = array<i32>} : memref<2x3200x16xf32, #tpu.memory_space<vmem>>, vector<1x1x16xf32>,
      %get3A_843 = vector.shape_cast %get3A_842 : vector<1x1x16xf32> to vector<16xf32>
      %add3A_844 = arith.addf %add3A_801, %get3A_843 : vector<16xf32>
      %add3A_845 = arith.addf %add3A_833, %add3A_844 : vector<16xf32>
      %add3A_846 = arith.addf %add3A_812, %add3A_823 : vector<16xf32>
      %add3A_847 = arith.addf %add3A_845, %add3A_846 : vector<16xf32>
      %mul3A_848 = arith.constant 2.000000e-02 : f32
      %mul3A_849 = vector.broadcast %mul3A_848 : f32 to vector<16xf32>
      %mul3A_850 = arith.mulf %add3A_847, %mul3A_849 : vector<16xf32>
      %swap3A = arith.index_cast %scan3A_330 : i32 to index
      %swap3A_851 = arith.constant 0 : index
      %swap3A_852 = tpu.vector_load %arg7[%swap3A, %swap3A_851] {strides = array<i32>} : memref<64x16xf32, #tpu.memory_space<vmem>>, vector<1x16xf32>,
      %swap3A_853 = vector.shape_cast %swap3A_852 : vector<1x16xf32> to vector<16xf32>
      %swap3A_854 = vector.shape_cast %mul3A_850 : vector<16xf32> to vector<1x16xf32>
      tpu.vector_store %arg7[%swap3A, %swap3A_851], %swap3A_854 {strides = array<i32>} : memref<64x16xf32, #tpu.memory_space<vmem>>, vector<1x16xf32>,
    }
    %scan3A_256 = arith.constant 64 : i32
    %mul3A_257 = arith.constant 512 : i32
    %mul3A_258 = arith.muli %add3A, %mul3A_257 : i32
    %add3A_259 = arith.constant 320 : i32
    %add3A_260 = arith.addi %mul3A_258, %add3A_259 : i32
    "tpu.region"() ({
      %run_scoped3A = tpu.sem_alloc : memref<!tpu.dma_semaphore, #tpu.memory_space<semaphore_mem>>
      %dma_start3A_330 = arith.constant 0 : i32
      %dma_start3A_331 = tpu.memref_slice %arg4[%add3A_260, %dma_start3A_330] : memref<16384x16xf32, #tpu.memory_space<hbm>> -> memref<64x16xf32, #tpu.memory_space<hbm>>
      %dma_start3A_332 = arith.constant 0 : i32
      %dma_start3A_333 = tpu.memref_slice %arg4[%add3A_260, %dma_start3A_332] : memref<16384x16xf32, #tpu.memory_space<hbm>> -> memref<64x16xf32, #tpu.memory_space<hbm>>
      tpu.enqueue_dma source(%arg7 : memref<64x16xf32, #tpu.memory_space<vmem>>) target(%dma_start3A_333 : memref<64x16xf32, #tpu.memory_space<hbm>>) target_semaphore(%run_scoped3A : memref<!tpu.dma_semaphore, #tpu.memory_space<semaphore_mem>>)
      %dma_wait3A_334 = arith.constant 0 : i32
      %dma_wait3A_335 = tpu.memref_slice %arg4[%add3A_260, %dma_wait3A_334] : memref<16384x16xf32, #tpu.memory_space<hbm>> -> memref<64x16xf32, #tpu.memory_space<hbm>>
      %dma_wait3A_336 = arith.constant 0 : i32
      %dma_wait3A_337 = tpu.memref_slice %arg4[%add3A_260, %dma_wait3A_336] : memref<16384x16xf32, #tpu.memory_space<hbm>> -> memref<64x16xf32, #tpu.memory_space<hbm>>
      tpu.wait_dma2 semaphore(%run_scoped3A : memref<!tpu.dma_semaphore, #tpu.memory_space<semaphore_mem>>) src(%arg7 : memref<64x16xf32, #tpu.memory_space<vmem>>) dst(%dma_wait3A_337 : memref<64x16xf32, #tpu.memory_space<hbm>>)
      tpu.yield
    }) : () -> ()
    %dma_start3A_261 = arith.constant 1 : i32
    %dma_start3A_262 = arith.constant 1 : i32
    %dma_start3A_263 = arith.constant 0 : i32
    %dma_start3A_264 = arith.constant 0 : i32
    %dma_start3A_265 = tpu.memref_slice %arg6[%dma_start3A_261, %dma_start3A_263, %dma_start3A_264] : memref<2x3200x16xf32, #tpu.memory_space<vmem>> -> memref<1x3200x16xf32, #tpu.memory_space<vmem>>
    %dma_start3A_266 = tpu.memref_squeeze %dma_start3A_265 : memref<1x3200x16xf32, #tpu.memory_space<vmem>> -> memref<3200x16xf32, #tpu.memory_space<vmem>>
    %dma_start3A_267 = arith.constant 22400 : i32
    %dma_start3A_268 = tpu.memref_slice %arg5[%dma_start3A_267] : memref<25600xi32, #tpu.memory_space<vmem>> -> memref<3200xi32, #tpu.memory_space<vmem>>
    %dma_start3A_269 = arith.constant 0 : i32
    %dma_start3A_270 = arith.constant 0 : i32
    %dma_start3A_271 = tpu.memref_slice %arg3[%dma_start3A_269, %dma_start3A_270] : memref<1000000x16xf32, #tpu.memory_space<hbm>> -> memref<1000000x16xf32, #tpu.memory_space<hbm>>
    %dma_start3A_272 = tpu.memref_slice %arg8[%dma_start3A_262] : memref<2x!tpu.dma_semaphore, #tpu.memory_space<semaphore_mem>> -> memref<1x!tpu.dma_semaphore, #tpu.memory_space<semaphore_mem>>
    %dma_start3A_273 = tpu.memref_squeeze %dma_start3A_272 : memref<1x!tpu.dma_semaphore, #tpu.memory_space<semaphore_mem>> -> memref<!tpu.dma_semaphore, #tpu.memory_space<semaphore_mem>>
    tpu.enqueue_indirect_dma source(%dma_start3A_271 : memref<1000000x16xf32, #tpu.memory_space<hbm>>) target(%dma_start3A_266 : memref<3200x16xf32, #tpu.memory_space<vmem>>) offsets(%dma_start3A_268 : memref<3200xi32, #tpu.memory_space<vmem>>) semaphore(%dma_start3A_273 : memref<!tpu.dma_semaphore, #tpu.memory_space<semaphore_mem>>)
    %dma_wait3A_274 = arith.constant 0 : i32
    %dma_wait3A_275 = arith.constant 0 : i32
    %dma_wait3A_276 = arith.constant 0 : i32
    %dma_wait3A_277 = arith.constant 0 : i32
    %dma_wait3A_278 = tpu.memref_slice %arg6[%dma_wait3A_274, %dma_wait3A_276, %dma_wait3A_277] : memref<2x3200x16xf32, #tpu.memory_space<vmem>> -> memref<1x3200x16xf32, #tpu.memory_space<vmem>>
    %dma_wait3A_279 = tpu.memref_squeeze %dma_wait3A_278 : memref<1x3200x16xf32, #tpu.memory_space<vmem>> -> memref<3200x16xf32, #tpu.memory_space<vmem>>
    %dma_wait3A_280 = arith.constant 0 : i32
    %dma_wait3A_281 = arith.constant 0 : i32
    %dma_wait3A_282 = tpu.memref_slice %arg3[%dma_wait3A_280, %dma_wait3A_281] : memref<1000000x16xf32, #tpu.memory_space<hbm>> -> memref<3200x16xf32, #tpu.memory_space<hbm>>
    %dma_wait3A_283 = tpu.memref_slice %arg8[%dma_wait3A_275] : memref<2x!tpu.dma_semaphore, #tpu.memory_space<semaphore_mem>> -> memref<1x!tpu.dma_semaphore, #tpu.memory_space<semaphore_mem>>
    %dma_wait3A_284 = tpu.memref_squeeze %dma_wait3A_283 : memref<1x!tpu.dma_semaphore, #tpu.memory_space<semaphore_mem>> -> memref<!tpu.dma_semaphore, #tpu.memory_space<semaphore_mem>>
    %dma_wait3A_285 = arith.constant 0 : i32
    %dma_wait3A_286 = arith.constant 0 : i32
    %dma_wait3A_287 = tpu.memref_slice %arg6[%dma_wait3A_274, %dma_wait3A_285, %dma_wait3A_286] : memref<2x3200x16xf32, #tpu.memory_space<vmem>> -> memref<1x3200x16xf32, #tpu.memory_space<vmem>>
    %dma_wait3A_288 = tpu.memref_squeeze %dma_wait3A_287 : memref<1x3200x16xf32, #tpu.memory_space<vmem>> -> memref<3200x16xf32, #tpu.memory_space<vmem>>
    %dma_wait3A_289 = arith.constant 0 : i32
    %dma_wait3A_290 = arith.constant 0 : i32
    %dma_wait3A_291 = tpu.memref_slice %arg3[%dma_wait3A_289, %dma_wait3A_290] : memref<1000000x16xf32, #tpu.memory_space<hbm>> -> memref<3200x16xf32, #tpu.memory_space<hbm>>
    tpu.wait_dma2 semaphore(%dma_wait3A_284 : memref<!tpu.dma_semaphore, #tpu.memory_space<semaphore_mem>>) src(%dma_wait3A_291 : memref<3200x16xf32, #tpu.memory_space<hbm>>) dst(%dma_wait3A_288 : memref<3200x16xf32, #tpu.memory_space<vmem>>)
    %scan3A_292 = arith.constant 0 : i32
    %scan3A_293 = arith.constant 0 : i32
    %scan3A_294 = arith.constant 64 : i32
    %scan3A_295 = arith.addi %scan3A_293, %scan3A_294 : i32
    %scan3A_296 = arith.constant 1 : i32
    scf.for %scan3A_330 = %scan3A_293 to %scan3A_295 step %scan3A_296  : i32 {
      %mul3A_331 = arith.constant 50 : i32
      %mul3A_332 = arith.muli %scan3A_330, %mul3A_331 : i32
      %get3A = arith.constant 0 : i32
      %get3A_333 = arith.index_cast %get3A : i32 to index
      %get3A_334 = arith.index_cast %mul3A_332 : i32 to index
      %get3A_335 = arith.constant 0 : index
      %get3A_336 = tpu.vector_load %arg6[%get3A_333, %get3A_334, %get3A_335] {strides = array<i32>} : memref<2x3200x16xf32, #tpu.memory_space<vmem>>, vector<1x1x16xf32>,
      %get3A_337 = vector.shape_cast %get3A_336 : vector<1x1x16xf32> to vector<16xf32>
      %add3A_338 = arith.constant 1 : i32
      %add3A_339 = arith.addi %mul3A_332, %add3A_338 : i32
      %get3A_340 = arith.constant 0 : i32
      %get3A_341 = arith.index_cast %get3A_340 : i32 to index
      %get3A_342 = arith.index_cast %add3A_339 : i32 to index
      %get3A_343 = arith.constant 0 : index
      %get3A_344 = tpu.vector_load %arg6[%get3A_341, %get3A_342, %get3A_343] {strides = array<i32>} : memref<2x3200x16xf32, #tpu.memory_space<vmem>>, vector<1x1x16xf32>,
      %get3A_345 = vector.shape_cast %get3A_344 : vector<1x1x16xf32> to vector<16xf32>
      %add3A_346 = arith.constant 2 : i32
      %add3A_347 = arith.addi %mul3A_332, %add3A_346 : i32
      %get3A_348 = arith.constant 0 : i32
      %get3A_349 = arith.index_cast %get3A_348 : i32 to index
      %get3A_350 = arith.index_cast %add3A_347 : i32 to index
      %get3A_351 = arith.constant 0 : index
      %get3A_352 = tpu.vector_load %arg6[%get3A_349, %get3A_350, %get3A_351] {strides = array<i32>} : memref<2x3200x16xf32, #tpu.memory_space<vmem>>, vector<1x1x16xf32>,
      %get3A_353 = vector.shape_cast %get3A_352 : vector<1x1x16xf32> to vector<16xf32>
      %add3A_354 = arith.constant 3 : i32
      %add3A_355 = arith.addi %mul3A_332, %add3A_354 : i32
      %get3A_356 = arith.constant 0 : i32
      %get3A_357 = arith.index_cast %get3A_356 : i32 to index
      %get3A_358 = arith.index_cast %add3A_355 : i32 to index
      %get3A_359 = arith.constant 0 : index
      %get3A_360 = tpu.vector_load %arg6[%get3A_357, %get3A_358, %get3A_359] {strides = array<i32>} : memref<2x3200x16xf32, #tpu.memory_space<vmem>>, vector<1x1x16xf32>,
      %get3A_361 = vector.shape_cast %get3A_360 : vector<1x1x16xf32> to vector<16xf32>
      %add3A_362 = arith.constant 4 : i32
      %add3A_363 = arith.addi %mul3A_332, %add3A_362 : i32
      %get3A_364 = arith.constant 0 : i32
      %get3A_365 = arith.index_cast %get3A_364 : i32 to index
      %get3A_366 = arith.index_cast %add3A_363 : i32 to index
      %get3A_367 = arith.constant 0 : index
      %get3A_368 = tpu.vector_load %arg6[%get3A_365, %get3A_366, %get3A_367] {strides = array<i32>} : memref<2x3200x16xf32, #tpu.memory_space<vmem>>, vector<1x1x16xf32>,
      %get3A_369 = vector.shape_cast %get3A_368 : vector<1x1x16xf32> to vector<16xf32>
      %add3A_370 = arith.addf %get3A_337, %get3A_369 : vector<16xf32>
      %add3A_371 = arith.constant 4 : i32
      %add3A_372 = arith.addi %mul3A_332, %add3A_371 : i32
      %add3A_373 = arith.constant 1 : i32
      %add3A_374 = arith.addi %add3A_372, %add3A_373 : i32
      %get3A_375 = arith.constant 0 : i32
      %get3A_376 = arith.index_cast %get3A_375 : i32 to index
      %get3A_377 = arith.index_cast %add3A_374 : i32 to index
      %get3A_378 = arith.constant 0 : index
      %get3A_379 = tpu.vector_load %arg6[%get3A_376, %get3A_377, %get3A_378] {strides = array<i32>} : memref<2x3200x16xf32, #tpu.memory_space<vmem>>, vector<1x1x16xf32>,
      %get3A_380 = vector.shape_cast %get3A_379 : vector<1x1x16xf32> to vector<16xf32>
      %add3A_381 = arith.addf %get3A_345, %get3A_380 : vector<16xf32>
      %add3A_382 = arith.constant 4 : i32
      %add3A_383 = arith.addi %mul3A_332, %add3A_382 : i32
      %add3A_384 = arith.constant 2 : i32
      %add3A_385 = arith.addi %add3A_383, %add3A_384 : i32
      %get3A_386 = arith.constant 0 : i32
      %get3A_387 = arith.index_cast %get3A_386 : i32 to index
      %get3A_388 = arith.index_cast %add3A_385 : i32 to index
      %get3A_389 = arith.constant 0 : index
      %get3A_390 = tpu.vector_load %arg6[%get3A_387, %get3A_388, %get3A_389] {strides = array<i32>} : memref<2x3200x16xf32, #tpu.memory_space<vmem>>, vector<1x1x16xf32>,
      %get3A_391 = vector.shape_cast %get3A_390 : vector<1x1x16xf32> to vector<16xf32>
      %add3A_392 = arith.addf %get3A_353, %get3A_391 : vector<16xf32>
      %add3A_393 = arith.constant 4 : i32
      %add3A_394 = arith.addi %mul3A_332, %add3A_393 : i32
      %add3A_395 = arith.constant 3 : i32
      %add3A_396 = arith.addi %add3A_394, %add3A_395 : i32
      %get3A_397 = arith.constant 0 : i32
      %get3A_398 = arith.index_cast %get3A_397 : i32 to index
      %get3A_399 = arith.index_cast %add3A_396 : i32 to index
      %get3A_400 = arith.constant 0 : index
      %get3A_401 = tpu.vector_load %arg6[%get3A_398, %get3A_399, %get3A_400] {strides = array<i32>} : memref<2x3200x16xf32, #tpu.memory_space<vmem>>, vector<1x1x16xf32>,
      %get3A_402 = vector.shape_cast %get3A_401 : vector<1x1x16xf32> to vector<16xf32>
      %add3A_403 = arith.addf %get3A_361, %get3A_402 : vector<16xf32>
      %add3A_404 = arith.constant 8 : i32
      %add3A_405 = arith.addi %mul3A_332, %add3A_404 : i32
      %get3A_406 = arith.constant 0 : i32
      %get3A_407 = arith.index_cast %get3A_406 : i32 to index
      %get3A_408 = arith.index_cast %add3A_405 : i32 to index
      %get3A_409 = arith.constant 0 : index
      %get3A_410 = tpu.vector_load %arg6[%get3A_407, %get3A_408, %get3A_409] {strides = array<i32>} : memref<2x3200x16xf32, #tpu.memory_space<vmem>>, vector<1x1x16xf32>,
      %get3A_411 = vector.shape_cast %get3A_410 : vector<1x1x16xf32> to vector<16xf32>
      %add3A_412 = arith.addf %add3A_370, %get3A_411 : vector<16xf32>
      %add3A_413 = arith.constant 8 : i32
      %add3A_414 = arith.addi %mul3A_332, %add3A_413 : i32
      %add3A_415 = arith.constant 1 : i32
      %add3A_416 = arith.addi %add3A_414, %add3A_415 : i32
      %get3A_417 = arith.constant 0 : i32
      %get3A_418 = arith.index_cast %get3A_417 : i32 to index
      %get3A_419 = arith.index_cast %add3A_416 : i32 to index
      %get3A_420 = arith.constant 0 : index
      %get3A_421 = tpu.vector_load %arg6[%get3A_418, %get3A_419, %get3A_420] {strides = array<i32>} : memref<2x3200x16xf32, #tpu.memory_space<vmem>>, vector<1x1x16xf32>,
      %get3A_422 = vector.shape_cast %get3A_421 : vector<1x1x16xf32> to vector<16xf32>
      %add3A_423 = arith.addf %add3A_381, %get3A_422 : vector<16xf32>
      %add3A_424 = arith.constant 8 : i32
      %add3A_425 = arith.addi %mul3A_332, %add3A_424 : i32
      %add3A_426 = arith.constant 2 : i32
      %add3A_427 = arith.addi %add3A_425, %add3A_426 : i32
      %get3A_428 = arith.constant 0 : i32
      %get3A_429 = arith.index_cast %get3A_428 : i32 to index
      %get3A_430 = arith.index_cast %add3A_427 : i32 to index
      %get3A_431 = arith.constant 0 : index
      %get3A_432 = tpu.vector_load %arg6[%get3A_429, %get3A_430, %get3A_431] {strides = array<i32>} : memref<2x3200x16xf32, #tpu.memory_space<vmem>>, vector<1x1x16xf32>,
      %get3A_433 = vector.shape_cast %get3A_432 : vector<1x1x16xf32> to vector<16xf32>
      %add3A_434 = arith.addf %add3A_392, %get3A_433 : vector<16xf32>
      %add3A_435 = arith.constant 8 : i32
      %add3A_436 = arith.addi %mul3A_332, %add3A_435 : i32
      %add3A_437 = arith.constant 3 : i32
      %add3A_438 = arith.addi %add3A_436, %add3A_437 : i32
      %get3A_439 = arith.constant 0 : i32
      %get3A_440 = arith.index_cast %get3A_439 : i32 to index
      %get3A_441 = arith.index_cast %add3A_438 : i32 to index
      %get3A_442 = arith.constant 0 : index
      %get3A_443 = tpu.vector_load %arg6[%get3A_440, %get3A_441, %get3A_442] {strides = array<i32>} : memref<2x3200x16xf32, #tpu.memory_space<vmem>>, vector<1x1x16xf32>,
      %get3A_444 = vector.shape_cast %get3A_443 : vector<1x1x16xf32> to vector<16xf32>
      %add3A_445 = arith.addf %add3A_403, %get3A_444 : vector<16xf32>
      %add3A_446 = arith.constant 12 : i32
      %add3A_447 = arith.addi %mul3A_332, %add3A_446 : i32
      %get3A_448 = arith.constant 0 : i32
      %get3A_449 = arith.index_cast %get3A_448 : i32 to index
      %get3A_450 = arith.index_cast %add3A_447 : i32 to index
      %get3A_451 = arith.constant 0 : index
      %get3A_452 = tpu.vector_load %arg6[%get3A_449, %get3A_450, %get3A_451] {strides = array<i32>} : memref<2x3200x16xf32, #tpu.memory_space<vmem>>, vector<1x1x16xf32>,
      %get3A_453 = vector.shape_cast %get3A_452 : vector<1x1x16xf32> to vector<16xf32>
      %add3A_454 = arith.addf %add3A_412, %get3A_453 : vector<16xf32>
      %add3A_455 = arith.constant 12 : i32
      %add3A_456 = arith.addi %mul3A_332, %add3A_455 : i32
      %add3A_457 = arith.constant 1 : i32
      %add3A_458 = arith.addi %add3A_456, %add3A_457 : i32
      %get3A_459 = arith.constant 0 : i32
      %get3A_460 = arith.index_cast %get3A_459 : i32 to index
      %get3A_461 = arith.index_cast %add3A_458 : i32 to index
      %get3A_462 = arith.constant 0 : index
      %get3A_463 = tpu.vector_load %arg6[%get3A_460, %get3A_461, %get3A_462] {strides = array<i32>} : memref<2x3200x16xf32, #tpu.memory_space<vmem>>, vector<1x1x16xf32>,
      %get3A_464 = vector.shape_cast %get3A_463 : vector<1x1x16xf32> to vector<16xf32>
      %add3A_465 = arith.addf %add3A_423, %get3A_464 : vector<16xf32>
      %add3A_466 = arith.constant 12 : i32
      %add3A_467 = arith.addi %mul3A_332, %add3A_466 : i32
      %add3A_468 = arith.constant 2 : i32
      %add3A_469 = arith.addi %add3A_467, %add3A_468 : i32
      %get3A_470 = arith.constant 0 : i32
      %get3A_471 = arith.index_cast %get3A_470 : i32 to index
      %get3A_472 = arith.index_cast %add3A_469 : i32 to index
      %get3A_473 = arith.constant 0 : index
      %get3A_474 = tpu.vector_load %arg6[%get3A_471, %get3A_472, %get3A_473] {strides = array<i32>} : memref<2x3200x16xf32, #tpu.memory_space<vmem>>, vector<1x1x16xf32>,
      %get3A_475 = vector.shape_cast %get3A_474 : vector<1x1x16xf32> to vector<16xf32>
      %add3A_476 = arith.addf %add3A_434, %get3A_475 : vector<16xf32>
      %add3A_477 = arith.constant 12 : i32
      %add3A_478 = arith.addi %mul3A_332, %add3A_477 : i32
      %add3A_479 = arith.constant 3 : i32
      %add3A_480 = arith.addi %add3A_478, %add3A_479 : i32
      %get3A_481 = arith.constant 0 : i32
      %get3A_482 = arith.index_cast %get3A_481 : i32 to index
      %get3A_483 = arith.index_cast %add3A_480 : i32 to index
      %get3A_484 = arith.constant 0 : index
      %get3A_485 = tpu.vector_load %arg6[%get3A_482, %get3A_483, %get3A_484] {strides = array<i32>} : memref<2x3200x16xf32, #tpu.memory_space<vmem>>, vector<1x1x16xf32>,
      %get3A_486 = vector.shape_cast %get3A_485 : vector<1x1x16xf32> to vector<16xf32>
      %add3A_487 = arith.addf %add3A_445, %get3A_486 : vector<16xf32>
      %add3A_488 = arith.constant 16 : i32
      %add3A_489 = arith.addi %mul3A_332, %add3A_488 : i32
      %get3A_490 = arith.constant 0 : i32
      %get3A_491 = arith.index_cast %get3A_490 : i32 to index
      %get3A_492 = arith.index_cast %add3A_489 : i32 to index
      %get3A_493 = arith.constant 0 : index
      %get3A_494 = tpu.vector_load %arg6[%get3A_491, %get3A_492, %get3A_493] {strides = array<i32>} : memref<2x3200x16xf32, #tpu.memory_space<vmem>>, vector<1x1x16xf32>,
      %get3A_495 = vector.shape_cast %get3A_494 : vector<1x1x16xf32> to vector<16xf32>
      %add3A_496 = arith.addf %add3A_454, %get3A_495 : vector<16xf32>
      %add3A_497 = arith.constant 16 : i32
      %add3A_498 = arith.addi %mul3A_332, %add3A_497 : i32
      %add3A_499 = arith.constant 1 : i32
      %add3A_500 = arith.addi %add3A_498, %add3A_499 : i32
      %get3A_501 = arith.constant 0 : i32
      %get3A_502 = arith.index_cast %get3A_501 : i32 to index
      %get3A_503 = arith.index_cast %add3A_500 : i32 to index
      %get3A_504 = arith.constant 0 : index
      %get3A_505 = tpu.vector_load %arg6[%get3A_502, %get3A_503, %get3A_504] {strides = array<i32>} : memref<2x3200x16xf32, #tpu.memory_space<vmem>>, vector<1x1x16xf32>,
      %get3A_506 = vector.shape_cast %get3A_505 : vector<1x1x16xf32> to vector<16xf32>
      %add3A_507 = arith.addf %add3A_465, %get3A_506 : vector<16xf32>
      %add3A_508 = arith.constant 16 : i32
      %add3A_509 = arith.addi %mul3A_332, %add3A_508 : i32
      %add3A_510 = arith.constant 2 : i32
      %add3A_511 = arith.addi %add3A_509, %add3A_510 : i32
      %get3A_512 = arith.constant 0 : i32
      %get3A_513 = arith.index_cast %get3A_512 : i32 to index
      %get3A_514 = arith.index_cast %add3A_511 : i32 to index
      %get3A_515 = arith.constant 0 : index
      %get3A_516 = tpu.vector_load %arg6[%get3A_513, %get3A_514, %get3A_515] {strides = array<i32>} : memref<2x3200x16xf32, #tpu.memory_space<vmem>>, vector<1x1x16xf32>,
      %get3A_517 = vector.shape_cast %get3A_516 : vector<1x1x16xf32> to vector<16xf32>
      %add3A_518 = arith.addf %add3A_476, %get3A_517 : vector<16xf32>
      %add3A_519 = arith.constant 16 : i32
      %add3A_520 = arith.addi %mul3A_332, %add3A_519 : i32
      %add3A_521 = arith.constant 3 : i32
      %add3A_522 = arith.addi %add3A_520, %add3A_521 : i32
      %get3A_523 = arith.constant 0 : i32
      %get3A_524 = arith.index_cast %get3A_523 : i32 to index
      %get3A_525 = arith.index_cast %add3A_522 : i32 to index
      %get3A_526 = arith.constant 0 : index
      %get3A_527 = tpu.vector_load %arg6[%get3A_524, %get3A_525, %get3A_526] {strides = array<i32>} : memref<2x3200x16xf32, #tpu.memory_space<vmem>>, vector<1x1x16xf32>,
      %get3A_528 = vector.shape_cast %get3A_527 : vector<1x1x16xf32> to vector<16xf32>
      %add3A_529 = arith.addf %add3A_487, %get3A_528 : vector<16xf32>
      %add3A_530 = arith.constant 20 : i32
      %add3A_531 = arith.addi %mul3A_332, %add3A_530 : i32
      %get3A_532 = arith.constant 0 : i32
      %get3A_533 = arith.index_cast %get3A_532 : i32 to index
      %get3A_534 = arith.index_cast %add3A_531 : i32 to index
      %get3A_535 = arith.constant 0 : index
      %get3A_536 = tpu.vector_load %arg6[%get3A_533, %get3A_534, %get3A_535] {strides = array<i32>} : memref<2x3200x16xf32, #tpu.memory_space<vmem>>, vector<1x1x16xf32>,
      %get3A_537 = vector.shape_cast %get3A_536 : vector<1x1x16xf32> to vector<16xf32>
      %add3A_538 = arith.addf %add3A_496, %get3A_537 : vector<16xf32>
      %add3A_539 = arith.constant 20 : i32
      %add3A_540 = arith.addi %mul3A_332, %add3A_539 : i32
      %add3A_541 = arith.constant 1 : i32
      %add3A_542 = arith.addi %add3A_540, %add3A_541 : i32
      %get3A_543 = arith.constant 0 : i32
      %get3A_544 = arith.index_cast %get3A_543 : i32 to index
      %get3A_545 = arith.index_cast %add3A_542 : i32 to index
      %get3A_546 = arith.constant 0 : index
      %get3A_547 = tpu.vector_load %arg6[%get3A_544, %get3A_545, %get3A_546] {strides = array<i32>} : memref<2x3200x16xf32, #tpu.memory_space<vmem>>, vector<1x1x16xf32>,
      %get3A_548 = vector.shape_cast %get3A_547 : vector<1x1x16xf32> to vector<16xf32>
      %add3A_549 = arith.addf %add3A_507, %get3A_548 : vector<16xf32>
      %add3A_550 = arith.constant 20 : i32
      %add3A_551 = arith.addi %mul3A_332, %add3A_550 : i32
      %add3A_552 = arith.constant 2 : i32
      %add3A_553 = arith.addi %add3A_551, %add3A_552 : i32
      %get3A_554 = arith.constant 0 : i32
      %get3A_555 = arith.index_cast %get3A_554 : i32 to index
      %get3A_556 = arith.index_cast %add3A_553 : i32 to index
      %get3A_557 = arith.constant 0 : index
      %get3A_558 = tpu.vector_load %arg6[%get3A_555, %get3A_556, %get3A_557] {strides = array<i32>} : memref<2x3200x16xf32, #tpu.memory_space<vmem>>, vector<1x1x16xf32>,
      %get3A_559 = vector.shape_cast %get3A_558 : vector<1x1x16xf32> to vector<16xf32>
      %add3A_560 = arith.addf %add3A_518, %get3A_559 : vector<16xf32>
      %add3A_561 = arith.constant 20 : i32
      %add3A_562 = arith.addi %mul3A_332, %add3A_561 : i32
      %add3A_563 = arith.constant 3 : i32
      %add3A_564 = arith.addi %add3A_562, %add3A_563 : i32
      %get3A_565 = arith.constant 0 : i32
      %get3A_566 = arith.index_cast %get3A_565 : i32 to index
      %get3A_567 = arith.index_cast %add3A_564 : i32 to index
      %get3A_568 = arith.constant 0 : index
      %get3A_569 = tpu.vector_load %arg6[%get3A_566, %get3A_567, %get3A_568] {strides = array<i32>} : memref<2x3200x16xf32, #tpu.memory_space<vmem>>, vector<1x1x16xf32>,
      %get3A_570 = vector.shape_cast %get3A_569 : vector<1x1x16xf32> to vector<16xf32>
      %add3A_571 = arith.addf %add3A_529, %get3A_570 : vector<16xf32>
      %add3A_572 = arith.constant 24 : i32
      %add3A_573 = arith.addi %mul3A_332, %add3A_572 : i32
      %get3A_574 = arith.constant 0 : i32
      %get3A_575 = arith.index_cast %get3A_574 : i32 to index
      %get3A_576 = arith.index_cast %add3A_573 : i32 to index
      %get3A_577 = arith.constant 0 : index
      %get3A_578 = tpu.vector_load %arg6[%get3A_575, %get3A_576, %get3A_577] {strides = array<i32>} : memref<2x3200x16xf32, #tpu.memory_space<vmem>>, vector<1x1x16xf32>,
      %get3A_579 = vector.shape_cast %get3A_578 : vector<1x1x16xf32> to vector<16xf32>
      %add3A_580 = arith.addf %add3A_538, %get3A_579 : vector<16xf32>
      %add3A_581 = arith.constant 24 : i32
      %add3A_582 = arith.addi %mul3A_332, %add3A_581 : i32
      %add3A_583 = arith.constant 1 : i32
      %add3A_584 = arith.addi %add3A_582, %add3A_583 : i32
      %get3A_585 = arith.constant 0 : i32
      %get3A_586 = arith.index_cast %get3A_585 : i32 to index
      %get3A_587 = arith.index_cast %add3A_584 : i32 to index
      %get3A_588 = arith.constant 0 : index
      %get3A_589 = tpu.vector_load %arg6[%get3A_586, %get3A_587, %get3A_588] {strides = array<i32>} : memref<2x3200x16xf32, #tpu.memory_space<vmem>>, vector<1x1x16xf32>,
      %get3A_590 = vector.shape_cast %get3A_589 : vector<1x1x16xf32> to vector<16xf32>
      %add3A_591 = arith.addf %add3A_549, %get3A_590 : vector<16xf32>
      %add3A_592 = arith.constant 24 : i32
      %add3A_593 = arith.addi %mul3A_332, %add3A_592 : i32
      %add3A_594 = arith.constant 2 : i32
      %add3A_595 = arith.addi %add3A_593, %add3A_594 : i32
      %get3A_596 = arith.constant 0 : i32
      %get3A_597 = arith.index_cast %get3A_596 : i32 to index
      %get3A_598 = arith.index_cast %add3A_595 : i32 to index
      %get3A_599 = arith.constant 0 : index
      %get3A_600 = tpu.vector_load %arg6[%get3A_597, %get3A_598, %get3A_599] {strides = array<i32>} : memref<2x3200x16xf32, #tpu.memory_space<vmem>>, vector<1x1x16xf32>,
      %get3A_601 = vector.shape_cast %get3A_600 : vector<1x1x16xf32> to vector<16xf32>
      %add3A_602 = arith.addf %add3A_560, %get3A_601 : vector<16xf32>
      %add3A_603 = arith.constant 24 : i32
      %add3A_604 = arith.addi %mul3A_332, %add3A_603 : i32
      %add3A_605 = arith.constant 3 : i32
      %add3A_606 = arith.addi %add3A_604, %add3A_605 : i32
      %get3A_607 = arith.constant 0 : i32
      %get3A_608 = arith.index_cast %get3A_607 : i32 to index
      %get3A_609 = arith.index_cast %add3A_606 : i32 to index
      %get3A_610 = arith.constant 0 : index
      %get3A_611 = tpu.vector_load %arg6[%get3A_608, %get3A_609, %get3A_610] {strides = array<i32>} : memref<2x3200x16xf32, #tpu.memory_space<vmem>>, vector<1x1x16xf32>,
      %get3A_612 = vector.shape_cast %get3A_611 : vector<1x1x16xf32> to vector<16xf32>
      %add3A_613 = arith.addf %add3A_571, %get3A_612 : vector<16xf32>
      %add3A_614 = arith.constant 28 : i32
      %add3A_615 = arith.addi %mul3A_332, %add3A_614 : i32
      %get3A_616 = arith.constant 0 : i32
      %get3A_617 = arith.index_cast %get3A_616 : i32 to index
      %get3A_618 = arith.index_cast %add3A_615 : i32 to index
      %get3A_619 = arith.constant 0 : index
      %get3A_620 = tpu.vector_load %arg6[%get3A_617, %get3A_618, %get3A_619] {strides = array<i32>} : memref<2x3200x16xf32, #tpu.memory_space<vmem>>, vector<1x1x16xf32>,
      %get3A_621 = vector.shape_cast %get3A_620 : vector<1x1x16xf32> to vector<16xf32>
      %add3A_622 = arith.addf %add3A_580, %get3A_621 : vector<16xf32>
      %add3A_623 = arith.constant 28 : i32
      %add3A_624 = arith.addi %mul3A_332, %add3A_623 : i32
      %add3A_625 = arith.constant 1 : i32
      %add3A_626 = arith.addi %add3A_624, %add3A_625 : i32
      %get3A_627 = arith.constant 0 : i32
      %get3A_628 = arith.index_cast %get3A_627 : i32 to index
      %get3A_629 = arith.index_cast %add3A_626 : i32 to index
      %get3A_630 = arith.constant 0 : index
      %get3A_631 = tpu.vector_load %arg6[%get3A_628, %get3A_629, %get3A_630] {strides = array<i32>} : memref<2x3200x16xf32, #tpu.memory_space<vmem>>, vector<1x1x16xf32>,
      %get3A_632 = vector.shape_cast %get3A_631 : vector<1x1x16xf32> to vector<16xf32>
      %add3A_633 = arith.addf %add3A_591, %get3A_632 : vector<16xf32>
      %add3A_634 = arith.constant 28 : i32
      %add3A_635 = arith.addi %mul3A_332, %add3A_634 : i32
      %add3A_636 = arith.constant 2 : i32
      %add3A_637 = arith.addi %add3A_635, %add3A_636 : i32
      %get3A_638 = arith.constant 0 : i32
      %get3A_639 = arith.index_cast %get3A_638 : i32 to index
      %get3A_640 = arith.index_cast %add3A_637 : i32 to index
      %get3A_641 = arith.constant 0 : index
      %get3A_642 = tpu.vector_load %arg6[%get3A_639, %get3A_640, %get3A_641] {strides = array<i32>} : memref<2x3200x16xf32, #tpu.memory_space<vmem>>, vector<1x1x16xf32>,
      %get3A_643 = vector.shape_cast %get3A_642 : vector<1x1x16xf32> to vector<16xf32>
      %add3A_644 = arith.addf %add3A_602, %get3A_643 : vector<16xf32>
      %add3A_645 = arith.constant 28 : i32
      %add3A_646 = arith.addi %mul3A_332, %add3A_645 : i32
      %add3A_647 = arith.constant 3 : i32
      %add3A_648 = arith.addi %add3A_646, %add3A_647 : i32
      %get3A_649 = arith.constant 0 : i32
      %get3A_650 = arith.index_cast %get3A_649 : i32 to index
      %get3A_651 = arith.index_cast %add3A_648 : i32 to index
      %get3A_652 = arith.constant 0 : index
      %get3A_653 = tpu.vector_load %arg6[%get3A_650, %get3A_651, %get3A_652] {strides = array<i32>} : memref<2x3200x16xf32, #tpu.memory_space<vmem>>, vector<1x1x16xf32>,
      %get3A_654 = vector.shape_cast %get3A_653 : vector<1x1x16xf32> to vector<16xf32>
      %add3A_655 = arith.addf %add3A_613, %get3A_654 : vector<16xf32>
      %add3A_656 = arith.constant 32 : i32
      %add3A_657 = arith.addi %mul3A_332, %add3A_656 : i32
      %get3A_658 = arith.constant 0 : i32
      %get3A_659 = arith.index_cast %get3A_658 : i32 to index
      %get3A_660 = arith.index_cast %add3A_657 : i32 to index
      %get3A_661 = arith.constant 0 : index
      %get3A_662 = tpu.vector_load %arg6[%get3A_659, %get3A_660, %get3A_661] {strides = array<i32>} : memref<2x3200x16xf32, #tpu.memory_space<vmem>>, vector<1x1x16xf32>,
      %get3A_663 = vector.shape_cast %get3A_662 : vector<1x1x16xf32> to vector<16xf32>
      %add3A_664 = arith.addf %add3A_622, %get3A_663 : vector<16xf32>
      %add3A_665 = arith.constant 32 : i32
      %add3A_666 = arith.addi %mul3A_332, %add3A_665 : i32
      %add3A_667 = arith.constant 1 : i32
      %add3A_668 = arith.addi %add3A_666, %add3A_667 : i32
      %get3A_669 = arith.constant 0 : i32
      %get3A_670 = arith.index_cast %get3A_669 : i32 to index
      %get3A_671 = arith.index_cast %add3A_668 : i32 to index
      %get3A_672 = arith.constant 0 : index
      %get3A_673 = tpu.vector_load %arg6[%get3A_670, %get3A_671, %get3A_672] {strides = array<i32>} : memref<2x3200x16xf32, #tpu.memory_space<vmem>>, vector<1x1x16xf32>,
      %get3A_674 = vector.shape_cast %get3A_673 : vector<1x1x16xf32> to vector<16xf32>
      %add3A_675 = arith.addf %add3A_633, %get3A_674 : vector<16xf32>
      %add3A_676 = arith.constant 32 : i32
      %add3A_677 = arith.addi %mul3A_332, %add3A_676 : i32
      %add3A_678 = arith.constant 2 : i32
      %add3A_679 = arith.addi %add3A_677, %add3A_678 : i32
      %get3A_680 = arith.constant 0 : i32
      %get3A_681 = arith.index_cast %get3A_680 : i32 to index
      %get3A_682 = arith.index_cast %add3A_679 : i32 to index
      %get3A_683 = arith.constant 0 : index
      %get3A_684 = tpu.vector_load %arg6[%get3A_681, %get3A_682, %get3A_683] {strides = array<i32>} : memref<2x3200x16xf32, #tpu.memory_space<vmem>>, vector<1x1x16xf32>,
      %get3A_685 = vector.shape_cast %get3A_684 : vector<1x1x16xf32> to vector<16xf32>
      %add3A_686 = arith.addf %add3A_644, %get3A_685 : vector<16xf32>
      %add3A_687 = arith.constant 32 : i32
      %add3A_688 = arith.addi %mul3A_332, %add3A_687 : i32
      %add3A_689 = arith.constant 3 : i32
      %add3A_690 = arith.addi %add3A_688, %add3A_689 : i32
      %get3A_691 = arith.constant 0 : i32
      %get3A_692 = arith.index_cast %get3A_691 : i32 to index
      %get3A_693 = arith.index_cast %add3A_690 : i32 to index
      %get3A_694 = arith.constant 0 : index
      %get3A_695 = tpu.vector_load %arg6[%get3A_692, %get3A_693, %get3A_694] {strides = array<i32>} : memref<2x3200x16xf32, #tpu.memory_space<vmem>>, vector<1x1x16xf32>,
      %get3A_696 = vector.shape_cast %get3A_695 : vector<1x1x16xf32> to vector<16xf32>
      %add3A_697 = arith.addf %add3A_655, %get3A_696 : vector<16xf32>
      %add3A_698 = arith.constant 36 : i32
      %add3A_699 = arith.addi %mul3A_332, %add3A_698 : i32
      %get3A_700 = arith.constant 0 : i32
      %get3A_701 = arith.index_cast %get3A_700 : i32 to index
      %get3A_702 = arith.index_cast %add3A_699 : i32 to index
      %get3A_703 = arith.constant 0 : index
      %get3A_704 = tpu.vector_load %arg6[%get3A_701, %get3A_702, %get3A_703] {strides = array<i32>} : memref<2x3200x16xf32, #tpu.memory_space<vmem>>, vector<1x1x16xf32>,
      %get3A_705 = vector.shape_cast %get3A_704 : vector<1x1x16xf32> to vector<16xf32>
      %add3A_706 = arith.addf %add3A_664, %get3A_705 : vector<16xf32>
      %add3A_707 = arith.constant 36 : i32
      %add3A_708 = arith.addi %mul3A_332, %add3A_707 : i32
      %add3A_709 = arith.constant 1 : i32
      %add3A_710 = arith.addi %add3A_708, %add3A_709 : i32
      %get3A_711 = arith.constant 0 : i32
      %get3A_712 = arith.index_cast %get3A_711 : i32 to index
      %get3A_713 = arith.index_cast %add3A_710 : i32 to index
      %get3A_714 = arith.constant 0 : index
      %get3A_715 = tpu.vector_load %arg6[%get3A_712, %get3A_713, %get3A_714] {strides = array<i32>} : memref<2x3200x16xf32, #tpu.memory_space<vmem>>, vector<1x1x16xf32>,
      %get3A_716 = vector.shape_cast %get3A_715 : vector<1x1x16xf32> to vector<16xf32>
      %add3A_717 = arith.addf %add3A_675, %get3A_716 : vector<16xf32>
      %add3A_718 = arith.constant 36 : i32
      %add3A_719 = arith.addi %mul3A_332, %add3A_718 : i32
      %add3A_720 = arith.constant 2 : i32
      %add3A_721 = arith.addi %add3A_719, %add3A_720 : i32
      %get3A_722 = arith.constant 0 : i32
      %get3A_723 = arith.index_cast %get3A_722 : i32 to index
      %get3A_724 = arith.index_cast %add3A_721 : i32 to index
      %get3A_725 = arith.constant 0 : index
      %get3A_726 = tpu.vector_load %arg6[%get3A_723, %get3A_724, %get3A_725] {strides = array<i32>} : memref<2x3200x16xf32, #tpu.memory_space<vmem>>, vector<1x1x16xf32>,
      %get3A_727 = vector.shape_cast %get3A_726 : vector<1x1x16xf32> to vector<16xf32>
      %add3A_728 = arith.addf %add3A_686, %get3A_727 : vector<16xf32>
      %add3A_729 = arith.constant 36 : i32
      %add3A_730 = arith.addi %mul3A_332, %add3A_729 : i32
      %add3A_731 = arith.constant 3 : i32
      %add3A_732 = arith.addi %add3A_730, %add3A_731 : i32
      %get3A_733 = arith.constant 0 : i32
      %get3A_734 = arith.index_cast %get3A_733 : i32 to index
      %get3A_735 = arith.index_cast %add3A_732 : i32 to index
      %get3A_736 = arith.constant 0 : index
      %get3A_737 = tpu.vector_load %arg6[%get3A_734, %get3A_735, %get3A_736] {strides = array<i32>} : memref<2x3200x16xf32, #tpu.memory_space<vmem>>, vector<1x1x16xf32>,
      %get3A_738 = vector.shape_cast %get3A_737 : vector<1x1x16xf32> to vector<16xf32>
      %add3A_739 = arith.addf %add3A_697, %get3A_738 : vector<16xf32>
      %add3A_740 = arith.constant 40 : i32
      %add3A_741 = arith.addi %mul3A_332, %add3A_740 : i32
      %get3A_742 = arith.constant 0 : i32
      %get3A_743 = arith.index_cast %get3A_742 : i32 to index
      %get3A_744 = arith.index_cast %add3A_741 : i32 to index
      %get3A_745 = arith.constant 0 : index
      %get3A_746 = tpu.vector_load %arg6[%get3A_743, %get3A_744, %get3A_745] {strides = array<i32>} : memref<2x3200x16xf32, #tpu.memory_space<vmem>>, vector<1x1x16xf32>,
      %get3A_747 = vector.shape_cast %get3A_746 : vector<1x1x16xf32> to vector<16xf32>
      %add3A_748 = arith.addf %add3A_706, %get3A_747 : vector<16xf32>
      %add3A_749 = arith.constant 40 : i32
      %add3A_750 = arith.addi %mul3A_332, %add3A_749 : i32
      %add3A_751 = arith.constant 1 : i32
      %add3A_752 = arith.addi %add3A_750, %add3A_751 : i32
      %get3A_753 = arith.constant 0 : i32
      %get3A_754 = arith.index_cast %get3A_753 : i32 to index
      %get3A_755 = arith.index_cast %add3A_752 : i32 to index
      %get3A_756 = arith.constant 0 : index
      %get3A_757 = tpu.vector_load %arg6[%get3A_754, %get3A_755, %get3A_756] {strides = array<i32>} : memref<2x3200x16xf32, #tpu.memory_space<vmem>>, vector<1x1x16xf32>,
      %get3A_758 = vector.shape_cast %get3A_757 : vector<1x1x16xf32> to vector<16xf32>
      %add3A_759 = arith.addf %add3A_717, %get3A_758 : vector<16xf32>
      %add3A_760 = arith.constant 40 : i32
      %add3A_761 = arith.addi %mul3A_332, %add3A_760 : i32
      %add3A_762 = arith.constant 2 : i32
      %add3A_763 = arith.addi %add3A_761, %add3A_762 : i32
      %get3A_764 = arith.constant 0 : i32
      %get3A_765 = arith.index_cast %get3A_764 : i32 to index
      %get3A_766 = arith.index_cast %add3A_763 : i32 to index
      %get3A_767 = arith.constant 0 : index
      %get3A_768 = tpu.vector_load %arg6[%get3A_765, %get3A_766, %get3A_767] {strides = array<i32>} : memref<2x3200x16xf32, #tpu.memory_space<vmem>>, vector<1x1x16xf32>,
      %get3A_769 = vector.shape_cast %get3A_768 : vector<1x1x16xf32> to vector<16xf32>
      %add3A_770 = arith.addf %add3A_728, %get3A_769 : vector<16xf32>
      %add3A_771 = arith.constant 40 : i32
      %add3A_772 = arith.addi %mul3A_332, %add3A_771 : i32
      %add3A_773 = arith.constant 3 : i32
      %add3A_774 = arith.addi %add3A_772, %add3A_773 : i32
      %get3A_775 = arith.constant 0 : i32
      %get3A_776 = arith.index_cast %get3A_775 : i32 to index
      %get3A_777 = arith.index_cast %add3A_774 : i32 to index
      %get3A_778 = arith.constant 0 : index
      %get3A_779 = tpu.vector_load %arg6[%get3A_776, %get3A_777, %get3A_778] {strides = array<i32>} : memref<2x3200x16xf32, #tpu.memory_space<vmem>>, vector<1x1x16xf32>,
      %get3A_780 = vector.shape_cast %get3A_779 : vector<1x1x16xf32> to vector<16xf32>
      %add3A_781 = arith.addf %add3A_739, %get3A_780 : vector<16xf32>
      %add3A_782 = arith.constant 44 : i32
      %add3A_783 = arith.addi %mul3A_332, %add3A_782 : i32
      %get3A_784 = arith.constant 0 : i32
      %get3A_785 = arith.index_cast %get3A_784 : i32 to index
      %get3A_786 = arith.index_cast %add3A_783 : i32 to index
      %get3A_787 = arith.constant 0 : index
      %get3A_788 = tpu.vector_load %arg6[%get3A_785, %get3A_786, %get3A_787] {strides = array<i32>} : memref<2x3200x16xf32, #tpu.memory_space<vmem>>, vector<1x1x16xf32>,
      %get3A_789 = vector.shape_cast %get3A_788 : vector<1x1x16xf32> to vector<16xf32>
      %add3A_790 = arith.addf %add3A_748, %get3A_789 : vector<16xf32>
      %add3A_791 = arith.constant 44 : i32
      %add3A_792 = arith.addi %mul3A_332, %add3A_791 : i32
      %add3A_793 = arith.constant 1 : i32
      %add3A_794 = arith.addi %add3A_792, %add3A_793 : i32
      %get3A_795 = arith.constant 0 : i32
      %get3A_796 = arith.index_cast %get3A_795 : i32 to index
      %get3A_797 = arith.index_cast %add3A_794 : i32 to index
      %get3A_798 = arith.constant 0 : index
      %get3A_799 = tpu.vector_load %arg6[%get3A_796, %get3A_797, %get3A_798] {strides = array<i32>} : memref<2x3200x16xf32, #tpu.memory_space<vmem>>, vector<1x1x16xf32>,
      %get3A_800 = vector.shape_cast %get3A_799 : vector<1x1x16xf32> to vector<16xf32>
      %add3A_801 = arith.addf %add3A_759, %get3A_800 : vector<16xf32>
      %add3A_802 = arith.constant 44 : i32
      %add3A_803 = arith.addi %mul3A_332, %add3A_802 : i32
      %add3A_804 = arith.constant 2 : i32
      %add3A_805 = arith.addi %add3A_803, %add3A_804 : i32
      %get3A_806 = arith.constant 0 : i32
      %get3A_807 = arith.index_cast %get3A_806 : i32 to index
      %get3A_808 = arith.index_cast %add3A_805 : i32 to index
      %get3A_809 = arith.constant 0 : index
      %get3A_810 = tpu.vector_load %arg6[%get3A_807, %get3A_808, %get3A_809] {strides = array<i32>} : memref<2x3200x16xf32, #tpu.memory_space<vmem>>, vector<1x1x16xf32>,
      %get3A_811 = vector.shape_cast %get3A_810 : vector<1x1x16xf32> to vector<16xf32>
      %add3A_812 = arith.addf %add3A_770, %get3A_811 : vector<16xf32>
      %add3A_813 = arith.constant 44 : i32
      %add3A_814 = arith.addi %mul3A_332, %add3A_813 : i32
      %add3A_815 = arith.constant 3 : i32
      %add3A_816 = arith.addi %add3A_814, %add3A_815 : i32
      %get3A_817 = arith.constant 0 : i32
      %get3A_818 = arith.index_cast %get3A_817 : i32 to index
      %get3A_819 = arith.index_cast %add3A_816 : i32 to index
      %get3A_820 = arith.constant 0 : index
      %get3A_821 = tpu.vector_load %arg6[%get3A_818, %get3A_819, %get3A_820] {strides = array<i32>} : memref<2x3200x16xf32, #tpu.memory_space<vmem>>, vector<1x1x16xf32>,
      %get3A_822 = vector.shape_cast %get3A_821 : vector<1x1x16xf32> to vector<16xf32>
      %add3A_823 = arith.addf %add3A_781, %get3A_822 : vector<16xf32>
      %add3A_824 = arith.constant 50 : i32
      %add3A_825 = arith.addi %mul3A_332, %add3A_824 : i32
      %sub3A = arith.constant 2 : i32
      %sub3A_826 = arith.subi %add3A_825, %sub3A : i32
      %get3A_827 = arith.constant 0 : i32
      %get3A_828 = arith.index_cast %get3A_827 : i32 to index
      %get3A_829 = arith.index_cast %sub3A_826 : i32 to index
      %get3A_830 = arith.constant 0 : index
      %get3A_831 = tpu.vector_load %arg6[%get3A_828, %get3A_829, %get3A_830] {strides = array<i32>} : memref<2x3200x16xf32, #tpu.memory_space<vmem>>, vector<1x1x16xf32>,
      %get3A_832 = vector.shape_cast %get3A_831 : vector<1x1x16xf32> to vector<16xf32>
      %add3A_833 = arith.addf %add3A_790, %get3A_832 : vector<16xf32>
      %add3A_834 = arith.constant 50 : i32
      %add3A_835 = arith.addi %mul3A_332, %add3A_834 : i32
      %sub3A_836 = arith.constant 1 : i32
      %sub3A_837 = arith.subi %add3A_835, %sub3A_836 : i32
      %get3A_838 = arith.constant 0 : i32
      %get3A_839 = arith.index_cast %get3A_838 : i32 to index
      %get3A_840 = arith.index_cast %sub3A_837 : i32 to index
      %get3A_841 = arith.constant 0 : index
      %get3A_842 = tpu.vector_load %arg6[%get3A_839, %get3A_840, %get3A_841] {strides = array<i32>} : memref<2x3200x16xf32, #tpu.memory_space<vmem>>, vector<1x1x16xf32>,
      %get3A_843 = vector.shape_cast %get3A_842 : vector<1x1x16xf32> to vector<16xf32>
      %add3A_844 = arith.addf %add3A_801, %get3A_843 : vector<16xf32>
      %add3A_845 = arith.addf %add3A_833, %add3A_844 : vector<16xf32>
      %add3A_846 = arith.addf %add3A_812, %add3A_823 : vector<16xf32>
      %add3A_847 = arith.addf %add3A_845, %add3A_846 : vector<16xf32>
      %mul3A_848 = arith.constant 2.000000e-02 : f32
      %mul3A_849 = vector.broadcast %mul3A_848 : f32 to vector<16xf32>
      %mul3A_850 = arith.mulf %add3A_847, %mul3A_849 : vector<16xf32>
      %swap3A = arith.index_cast %scan3A_330 : i32 to index
      %swap3A_851 = arith.constant 0 : index
      %swap3A_852 = tpu.vector_load %arg7[%swap3A, %swap3A_851] {strides = array<i32>} : memref<64x16xf32, #tpu.memory_space<vmem>>, vector<1x16xf32>,
      %swap3A_853 = vector.shape_cast %swap3A_852 : vector<1x16xf32> to vector<16xf32>
      %swap3A_854 = vector.shape_cast %mul3A_850 : vector<16xf32> to vector<1x16xf32>
      tpu.vector_store %arg7[%swap3A, %swap3A_851], %swap3A_854 {strides = array<i32>} : memref<64x16xf32, #tpu.memory_space<vmem>>, vector<1x16xf32>,
    }
    %scan3A_297 = arith.constant 64 : i32
    %mul3A_298 = arith.constant 512 : i32
    %mul3A_299 = arith.muli %add3A, %mul3A_298 : i32
    %add3A_300 = arith.constant 384 : i32
    %add3A_301 = arith.addi %mul3A_299, %add3A_300 : i32
    "tpu.region"() ({
      %run_scoped3A = tpu.sem_alloc : memref<!tpu.dma_semaphore, #tpu.memory_space<semaphore_mem>>
      %dma_start3A_330 = arith.constant 0 : i32
      %dma_start3A_331 = tpu.memref_slice %arg4[%add3A_301, %dma_start3A_330] : memref<16384x16xf32, #tpu.memory_space<hbm>> -> memref<64x16xf32, #tpu.memory_space<hbm>>
      %dma_start3A_332 = arith.constant 0 : i32
      %dma_start3A_333 = tpu.memref_slice %arg4[%add3A_301, %dma_start3A_332] : memref<16384x16xf32, #tpu.memory_space<hbm>> -> memref<64x16xf32, #tpu.memory_space<hbm>>
      tpu.enqueue_dma source(%arg7 : memref<64x16xf32, #tpu.memory_space<vmem>>) target(%dma_start3A_333 : memref<64x16xf32, #tpu.memory_space<hbm>>) target_semaphore(%run_scoped3A : memref<!tpu.dma_semaphore, #tpu.memory_space<semaphore_mem>>)
      %dma_wait3A_334 = arith.constant 0 : i32
      %dma_wait3A_335 = tpu.memref_slice %arg4[%add3A_301, %dma_wait3A_334] : memref<16384x16xf32, #tpu.memory_space<hbm>> -> memref<64x16xf32, #tpu.memory_space<hbm>>
      %dma_wait3A_336 = arith.constant 0 : i32
      %dma_wait3A_337 = tpu.memref_slice %arg4[%add3A_301, %dma_wait3A_336] : memref<16384x16xf32, #tpu.memory_space<hbm>> -> memref<64x16xf32, #tpu.memory_space<hbm>>
      tpu.wait_dma2 semaphore(%run_scoped3A : memref<!tpu.dma_semaphore, #tpu.memory_space<semaphore_mem>>) src(%arg7 : memref<64x16xf32, #tpu.memory_space<vmem>>) dst(%dma_wait3A_337 : memref<64x16xf32, #tpu.memory_space<hbm>>)
      tpu.yield
    }) : () -> ()
    %dma_wait3A_302 = arith.constant 1 : i32
    %dma_wait3A_303 = arith.constant 1 : i32
    %dma_wait3A_304 = arith.constant 0 : i32
    %dma_wait3A_305 = arith.constant 0 : i32
    %dma_wait3A_306 = tpu.memref_slice %arg6[%dma_wait3A_302, %dma_wait3A_304, %dma_wait3A_305] : memref<2x3200x16xf32, #tpu.memory_space<vmem>> -> memref<1x3200x16xf32, #tpu.memory_space<vmem>>
    %dma_wait3A_307 = tpu.memref_squeeze %dma_wait3A_306 : memref<1x3200x16xf32, #tpu.memory_space<vmem>> -> memref<3200x16xf32, #tpu.memory_space<vmem>>
    %dma_wait3A_308 = arith.constant 0 : i32
    %dma_wait3A_309 = arith.constant 0 : i32
    %dma_wait3A_310 = tpu.memref_slice %arg3[%dma_wait3A_308, %dma_wait3A_309] : memref<1000000x16xf32, #tpu.memory_space<hbm>> -> memref<3200x16xf32, #tpu.memory_space<hbm>>
    %dma_wait3A_311 = tpu.memref_slice %arg8[%dma_wait3A_303] : memref<2x!tpu.dma_semaphore, #tpu.memory_space<semaphore_mem>> -> memref<1x!tpu.dma_semaphore, #tpu.memory_space<semaphore_mem>>
    %dma_wait3A_312 = tpu.memref_squeeze %dma_wait3A_311 : memref<1x!tpu.dma_semaphore, #tpu.memory_space<semaphore_mem>> -> memref<!tpu.dma_semaphore, #tpu.memory_space<semaphore_mem>>
    %dma_wait3A_313 = arith.constant 0 : i32
    %dma_wait3A_314 = arith.constant 0 : i32
    %dma_wait3A_315 = tpu.memref_slice %arg6[%dma_wait3A_302, %dma_wait3A_313, %dma_wait3A_314] : memref<2x3200x16xf32, #tpu.memory_space<vmem>> -> memref<1x3200x16xf32, #tpu.memory_space<vmem>>
    %dma_wait3A_316 = tpu.memref_squeeze %dma_wait3A_315 : memref<1x3200x16xf32, #tpu.memory_space<vmem>> -> memref<3200x16xf32, #tpu.memory_space<vmem>>
    %dma_wait3A_317 = arith.constant 0 : i32
    %dma_wait3A_318 = arith.constant 0 : i32
    %dma_wait3A_319 = tpu.memref_slice %arg3[%dma_wait3A_317, %dma_wait3A_318] : memref<1000000x16xf32, #tpu.memory_space<hbm>> -> memref<3200x16xf32, #tpu.memory_space<hbm>>
    tpu.wait_dma2 semaphore(%dma_wait3A_312 : memref<!tpu.dma_semaphore, #tpu.memory_space<semaphore_mem>>) src(%dma_wait3A_319 : memref<3200x16xf32, #tpu.memory_space<hbm>>) dst(%dma_wait3A_316 : memref<3200x16xf32, #tpu.memory_space<vmem>>)
    %scan3A_320 = arith.constant 0 : i32
    %scan3A_321 = arith.constant 0 : i32
    %scan3A_322 = arith.constant 64 : i32
    %scan3A_323 = arith.addi %scan3A_321, %scan3A_322 : i32
    %scan3A_324 = arith.constant 1 : i32
    scf.for %scan3A_330 = %scan3A_321 to %scan3A_323 step %scan3A_324  : i32 {
      %mul3A_331 = arith.constant 50 : i32
      %mul3A_332 = arith.muli %scan3A_330, %mul3A_331 : i32
      %get3A = arith.constant 1 : i32
      %get3A_333 = arith.index_cast %get3A : i32 to index
      %get3A_334 = arith.index_cast %mul3A_332 : i32 to index
      %get3A_335 = arith.constant 0 : index
      %get3A_336 = tpu.vector_load %arg6[%get3A_333, %get3A_334, %get3A_335] {strides = array<i32>} : memref<2x3200x16xf32, #tpu.memory_space<vmem>>, vector<1x1x16xf32>,
      %get3A_337 = vector.shape_cast %get3A_336 : vector<1x1x16xf32> to vector<16xf32>
      %add3A_338 = arith.constant 1 : i32
      %add3A_339 = arith.addi %mul3A_332, %add3A_338 : i32
      %get3A_340 = arith.constant 1 : i32
      %get3A_341 = arith.index_cast %get3A_340 : i32 to index
      %get3A_342 = arith.index_cast %add3A_339 : i32 to index
      %get3A_343 = arith.constant 0 : index
      %get3A_344 = tpu.vector_load %arg6[%get3A_341, %get3A_342, %get3A_343] {strides = array<i32>} : memref<2x3200x16xf32, #tpu.memory_space<vmem>>, vector<1x1x16xf32>,
      %get3A_345 = vector.shape_cast %get3A_344 : vector<1x1x16xf32> to vector<16xf32>
      %add3A_346 = arith.constant 2 : i32
      %add3A_347 = arith.addi %mul3A_332, %add3A_346 : i32
      %get3A_348 = arith.constant 1 : i32
      %get3A_349 = arith.index_cast %get3A_348 : i32 to index
      %get3A_350 = arith.index_cast %add3A_347 : i32 to index
      %get3A_351 = arith.constant 0 : index
      %get3A_352 = tpu.vector_load %arg6[%get3A_349, %get3A_350, %get3A_351] {strides = array<i32>} : memref<2x3200x16xf32, #tpu.memory_space<vmem>>, vector<1x1x16xf32>,
      %get3A_353 = vector.shape_cast %get3A_352 : vector<1x1x16xf32> to vector<16xf32>
      %add3A_354 = arith.constant 3 : i32
      %add3A_355 = arith.addi %mul3A_332, %add3A_354 : i32
      %get3A_356 = arith.constant 1 : i32
      %get3A_357 = arith.index_cast %get3A_356 : i32 to index
      %get3A_358 = arith.index_cast %add3A_355 : i32 to index
      %get3A_359 = arith.constant 0 : index
      %get3A_360 = tpu.vector_load %arg6[%get3A_357, %get3A_358, %get3A_359] {strides = array<i32>} : memref<2x3200x16xf32, #tpu.memory_space<vmem>>, vector<1x1x16xf32>,
      %get3A_361 = vector.shape_cast %get3A_360 : vector<1x1x16xf32> to vector<16xf32>
      %add3A_362 = arith.constant 4 : i32
      %add3A_363 = arith.addi %mul3A_332, %add3A_362 : i32
      %get3A_364 = arith.constant 1 : i32
      %get3A_365 = arith.index_cast %get3A_364 : i32 to index
      %get3A_366 = arith.index_cast %add3A_363 : i32 to index
      %get3A_367 = arith.constant 0 : index
      %get3A_368 = tpu.vector_load %arg6[%get3A_365, %get3A_366, %get3A_367] {strides = array<i32>} : memref<2x3200x16xf32, #tpu.memory_space<vmem>>, vector<1x1x16xf32>,
      %get3A_369 = vector.shape_cast %get3A_368 : vector<1x1x16xf32> to vector<16xf32>
      %add3A_370 = arith.addf %get3A_337, %get3A_369 : vector<16xf32>
      %add3A_371 = arith.constant 4 : i32
      %add3A_372 = arith.addi %mul3A_332, %add3A_371 : i32
      %add3A_373 = arith.constant 1 : i32
      %add3A_374 = arith.addi %add3A_372, %add3A_373 : i32
      %get3A_375 = arith.constant 1 : i32
      %get3A_376 = arith.index_cast %get3A_375 : i32 to index
      %get3A_377 = arith.index_cast %add3A_374 : i32 to index
      %get3A_378 = arith.constant 0 : index
      %get3A_379 = tpu.vector_load %arg6[%get3A_376, %get3A_377, %get3A_378] {strides = array<i32>} : memref<2x3200x16xf32, #tpu.memory_space<vmem>>, vector<1x1x16xf32>,
      %get3A_380 = vector.shape_cast %get3A_379 : vector<1x1x16xf32> to vector<16xf32>
      %add3A_381 = arith.addf %get3A_345, %get3A_380 : vector<16xf32>
      %add3A_382 = arith.constant 4 : i32
      %add3A_383 = arith.addi %mul3A_332, %add3A_382 : i32
      %add3A_384 = arith.constant 2 : i32
      %add3A_385 = arith.addi %add3A_383, %add3A_384 : i32
      %get3A_386 = arith.constant 1 : i32
      %get3A_387 = arith.index_cast %get3A_386 : i32 to index
      %get3A_388 = arith.index_cast %add3A_385 : i32 to index
      %get3A_389 = arith.constant 0 : index
      %get3A_390 = tpu.vector_load %arg6[%get3A_387, %get3A_388, %get3A_389] {strides = array<i32>} : memref<2x3200x16xf32, #tpu.memory_space<vmem>>, vector<1x1x16xf32>,
      %get3A_391 = vector.shape_cast %get3A_390 : vector<1x1x16xf32> to vector<16xf32>
      %add3A_392 = arith.addf %get3A_353, %get3A_391 : vector<16xf32>
      %add3A_393 = arith.constant 4 : i32
      %add3A_394 = arith.addi %mul3A_332, %add3A_393 : i32
      %add3A_395 = arith.constant 3 : i32
      %add3A_396 = arith.addi %add3A_394, %add3A_395 : i32
      %get3A_397 = arith.constant 1 : i32
      %get3A_398 = arith.index_cast %get3A_397 : i32 to index
      %get3A_399 = arith.index_cast %add3A_396 : i32 to index
      %get3A_400 = arith.constant 0 : index
      %get3A_401 = tpu.vector_load %arg6[%get3A_398, %get3A_399, %get3A_400] {strides = array<i32>} : memref<2x3200x16xf32, #tpu.memory_space<vmem>>, vector<1x1x16xf32>,
      %get3A_402 = vector.shape_cast %get3A_401 : vector<1x1x16xf32> to vector<16xf32>
      %add3A_403 = arith.addf %get3A_361, %get3A_402 : vector<16xf32>
      %add3A_404 = arith.constant 8 : i32
      %add3A_405 = arith.addi %mul3A_332, %add3A_404 : i32
      %get3A_406 = arith.constant 1 : i32
      %get3A_407 = arith.index_cast %get3A_406 : i32 to index
      %get3A_408 = arith.index_cast %add3A_405 : i32 to index
      %get3A_409 = arith.constant 0 : index
      %get3A_410 = tpu.vector_load %arg6[%get3A_407, %get3A_408, %get3A_409] {strides = array<i32>} : memref<2x3200x16xf32, #tpu.memory_space<vmem>>, vector<1x1x16xf32>,
      %get3A_411 = vector.shape_cast %get3A_410 : vector<1x1x16xf32> to vector<16xf32>
      %add3A_412 = arith.addf %add3A_370, %get3A_411 : vector<16xf32>
      %add3A_413 = arith.constant 8 : i32
      %add3A_414 = arith.addi %mul3A_332, %add3A_413 : i32
      %add3A_415 = arith.constant 1 : i32
      %add3A_416 = arith.addi %add3A_414, %add3A_415 : i32
      %get3A_417 = arith.constant 1 : i32
      %get3A_418 = arith.index_cast %get3A_417 : i32 to index
      %get3A_419 = arith.index_cast %add3A_416 : i32 to index
      %get3A_420 = arith.constant 0 : index
      %get3A_421 = tpu.vector_load %arg6[%get3A_418, %get3A_419, %get3A_420] {strides = array<i32>} : memref<2x3200x16xf32, #tpu.memory_space<vmem>>, vector<1x1x16xf32>,
      %get3A_422 = vector.shape_cast %get3A_421 : vector<1x1x16xf32> to vector<16xf32>
      %add3A_423 = arith.addf %add3A_381, %get3A_422 : vector<16xf32>
      %add3A_424 = arith.constant 8 : i32
      %add3A_425 = arith.addi %mul3A_332, %add3A_424 : i32
      %add3A_426 = arith.constant 2 : i32
      %add3A_427 = arith.addi %add3A_425, %add3A_426 : i32
      %get3A_428 = arith.constant 1 : i32
      %get3A_429 = arith.index_cast %get3A_428 : i32 to index
      %get3A_430 = arith.index_cast %add3A_427 : i32 to index
      %get3A_431 = arith.constant 0 : index
      %get3A_432 = tpu.vector_load %arg6[%get3A_429, %get3A_430, %get3A_431] {strides = array<i32>} : memref<2x3200x16xf32, #tpu.memory_space<vmem>>, vector<1x1x16xf32>,
      %get3A_433 = vector.shape_cast %get3A_432 : vector<1x1x16xf32> to vector<16xf32>
      %add3A_434 = arith.addf %add3A_392, %get3A_433 : vector<16xf32>
      %add3A_435 = arith.constant 8 : i32
      %add3A_436 = arith.addi %mul3A_332, %add3A_435 : i32
      %add3A_437 = arith.constant 3 : i32
      %add3A_438 = arith.addi %add3A_436, %add3A_437 : i32
      %get3A_439 = arith.constant 1 : i32
      %get3A_440 = arith.index_cast %get3A_439 : i32 to index
      %get3A_441 = arith.index_cast %add3A_438 : i32 to index
      %get3A_442 = arith.constant 0 : index
      %get3A_443 = tpu.vector_load %arg6[%get3A_440, %get3A_441, %get3A_442] {strides = array<i32>} : memref<2x3200x16xf32, #tpu.memory_space<vmem>>, vector<1x1x16xf32>,
      %get3A_444 = vector.shape_cast %get3A_443 : vector<1x1x16xf32> to vector<16xf32>
      %add3A_445 = arith.addf %add3A_403, %get3A_444 : vector<16xf32>
      %add3A_446 = arith.constant 12 : i32
      %add3A_447 = arith.addi %mul3A_332, %add3A_446 : i32
      %get3A_448 = arith.constant 1 : i32
      %get3A_449 = arith.index_cast %get3A_448 : i32 to index
      %get3A_450 = arith.index_cast %add3A_447 : i32 to index
      %get3A_451 = arith.constant 0 : index
      %get3A_452 = tpu.vector_load %arg6[%get3A_449, %get3A_450, %get3A_451] {strides = array<i32>} : memref<2x3200x16xf32, #tpu.memory_space<vmem>>, vector<1x1x16xf32>,
      %get3A_453 = vector.shape_cast %get3A_452 : vector<1x1x16xf32> to vector<16xf32>
      %add3A_454 = arith.addf %add3A_412, %get3A_453 : vector<16xf32>
      %add3A_455 = arith.constant 12 : i32
      %add3A_456 = arith.addi %mul3A_332, %add3A_455 : i32
      %add3A_457 = arith.constant 1 : i32
      %add3A_458 = arith.addi %add3A_456, %add3A_457 : i32
      %get3A_459 = arith.constant 1 : i32
      %get3A_460 = arith.index_cast %get3A_459 : i32 to index
      %get3A_461 = arith.index_cast %add3A_458 : i32 to index
      %get3A_462 = arith.constant 0 : index
      %get3A_463 = tpu.vector_load %arg6[%get3A_460, %get3A_461, %get3A_462] {strides = array<i32>} : memref<2x3200x16xf32, #tpu.memory_space<vmem>>, vector<1x1x16xf32>,
      %get3A_464 = vector.shape_cast %get3A_463 : vector<1x1x16xf32> to vector<16xf32>
      %add3A_465 = arith.addf %add3A_423, %get3A_464 : vector<16xf32>
      %add3A_466 = arith.constant 12 : i32
      %add3A_467 = arith.addi %mul3A_332, %add3A_466 : i32
      %add3A_468 = arith.constant 2 : i32
      %add3A_469 = arith.addi %add3A_467, %add3A_468 : i32
      %get3A_470 = arith.constant 1 : i32
      %get3A_471 = arith.index_cast %get3A_470 : i32 to index
      %get3A_472 = arith.index_cast %add3A_469 : i32 to index
      %get3A_473 = arith.constant 0 : index
      %get3A_474 = tpu.vector_load %arg6[%get3A_471, %get3A_472, %get3A_473] {strides = array<i32>} : memref<2x3200x16xf32, #tpu.memory_space<vmem>>, vector<1x1x16xf32>,
      %get3A_475 = vector.shape_cast %get3A_474 : vector<1x1x16xf32> to vector<16xf32>
      %add3A_476 = arith.addf %add3A_434, %get3A_475 : vector<16xf32>
      %add3A_477 = arith.constant 12 : i32
      %add3A_478 = arith.addi %mul3A_332, %add3A_477 : i32
      %add3A_479 = arith.constant 3 : i32
      %add3A_480 = arith.addi %add3A_478, %add3A_479 : i32
      %get3A_481 = arith.constant 1 : i32
      %get3A_482 = arith.index_cast %get3A_481 : i32 to index
      %get3A_483 = arith.index_cast %add3A_480 : i32 to index
      %get3A_484 = arith.constant 0 : index
      %get3A_485 = tpu.vector_load %arg6[%get3A_482, %get3A_483, %get3A_484] {strides = array<i32>} : memref<2x3200x16xf32, #tpu.memory_space<vmem>>, vector<1x1x16xf32>,
      %get3A_486 = vector.shape_cast %get3A_485 : vector<1x1x16xf32> to vector<16xf32>
      %add3A_487 = arith.addf %add3A_445, %get3A_486 : vector<16xf32>
      %add3A_488 = arith.constant 16 : i32
      %add3A_489 = arith.addi %mul3A_332, %add3A_488 : i32
      %get3A_490 = arith.constant 1 : i32
      %get3A_491 = arith.index_cast %get3A_490 : i32 to index
      %get3A_492 = arith.index_cast %add3A_489 : i32 to index
      %get3A_493 = arith.constant 0 : index
      %get3A_494 = tpu.vector_load %arg6[%get3A_491, %get3A_492, %get3A_493] {strides = array<i32>} : memref<2x3200x16xf32, #tpu.memory_space<vmem>>, vector<1x1x16xf32>,
      %get3A_495 = vector.shape_cast %get3A_494 : vector<1x1x16xf32> to vector<16xf32>
      %add3A_496 = arith.addf %add3A_454, %get3A_495 : vector<16xf32>
      %add3A_497 = arith.constant 16 : i32
      %add3A_498 = arith.addi %mul3A_332, %add3A_497 : i32
      %add3A_499 = arith.constant 1 : i32
      %add3A_500 = arith.addi %add3A_498, %add3A_499 : i32
      %get3A_501 = arith.constant 1 : i32
      %get3A_502 = arith.index_cast %get3A_501 : i32 to index
      %get3A_503 = arith.index_cast %add3A_500 : i32 to index
      %get3A_504 = arith.constant 0 : index
      %get3A_505 = tpu.vector_load %arg6[%get3A_502, %get3A_503, %get3A_504] {strides = array<i32>} : memref<2x3200x16xf32, #tpu.memory_space<vmem>>, vector<1x1x16xf32>,
      %get3A_506 = vector.shape_cast %get3A_505 : vector<1x1x16xf32> to vector<16xf32>
      %add3A_507 = arith.addf %add3A_465, %get3A_506 : vector<16xf32>
      %add3A_508 = arith.constant 16 : i32
      %add3A_509 = arith.addi %mul3A_332, %add3A_508 : i32
      %add3A_510 = arith.constant 2 : i32
      %add3A_511 = arith.addi %add3A_509, %add3A_510 : i32
      %get3A_512 = arith.constant 1 : i32
      %get3A_513 = arith.index_cast %get3A_512 : i32 to index
      %get3A_514 = arith.index_cast %add3A_511 : i32 to index
      %get3A_515 = arith.constant 0 : index
      %get3A_516 = tpu.vector_load %arg6[%get3A_513, %get3A_514, %get3A_515] {strides = array<i32>} : memref<2x3200x16xf32, #tpu.memory_space<vmem>>, vector<1x1x16xf32>,
      %get3A_517 = vector.shape_cast %get3A_516 : vector<1x1x16xf32> to vector<16xf32>
      %add3A_518 = arith.addf %add3A_476, %get3A_517 : vector<16xf32>
      %add3A_519 = arith.constant 16 : i32
      %add3A_520 = arith.addi %mul3A_332, %add3A_519 : i32
      %add3A_521 = arith.constant 3 : i32
      %add3A_522 = arith.addi %add3A_520, %add3A_521 : i32
      %get3A_523 = arith.constant 1 : i32
      %get3A_524 = arith.index_cast %get3A_523 : i32 to index
      %get3A_525 = arith.index_cast %add3A_522 : i32 to index
      %get3A_526 = arith.constant 0 : index
      %get3A_527 = tpu.vector_load %arg6[%get3A_524, %get3A_525, %get3A_526] {strides = array<i32>} : memref<2x3200x16xf32, #tpu.memory_space<vmem>>, vector<1x1x16xf32>,
      %get3A_528 = vector.shape_cast %get3A_527 : vector<1x1x16xf32> to vector<16xf32>
      %add3A_529 = arith.addf %add3A_487, %get3A_528 : vector<16xf32>
      %add3A_530 = arith.constant 20 : i32
      %add3A_531 = arith.addi %mul3A_332, %add3A_530 : i32
      %get3A_532 = arith.constant 1 : i32
      %get3A_533 = arith.index_cast %get3A_532 : i32 to index
      %get3A_534 = arith.index_cast %add3A_531 : i32 to index
      %get3A_535 = arith.constant 0 : index
      %get3A_536 = tpu.vector_load %arg6[%get3A_533, %get3A_534, %get3A_535] {strides = array<i32>} : memref<2x3200x16xf32, #tpu.memory_space<vmem>>, vector<1x1x16xf32>,
      %get3A_537 = vector.shape_cast %get3A_536 : vector<1x1x16xf32> to vector<16xf32>
      %add3A_538 = arith.addf %add3A_496, %get3A_537 : vector<16xf32>
      %add3A_539 = arith.constant 20 : i32
      %add3A_540 = arith.addi %mul3A_332, %add3A_539 : i32
      %add3A_541 = arith.constant 1 : i32
      %add3A_542 = arith.addi %add3A_540, %add3A_541 : i32
      %get3A_543 = arith.constant 1 : i32
      %get3A_544 = arith.index_cast %get3A_543 : i32 to index
      %get3A_545 = arith.index_cast %add3A_542 : i32 to index
      %get3A_546 = arith.constant 0 : index
      %get3A_547 = tpu.vector_load %arg6[%get3A_544, %get3A_545, %get3A_546] {strides = array<i32>} : memref<2x3200x16xf32, #tpu.memory_space<vmem>>, vector<1x1x16xf32>,
      %get3A_548 = vector.shape_cast %get3A_547 : vector<1x1x16xf32> to vector<16xf32>
      %add3A_549 = arith.addf %add3A_507, %get3A_548 : vector<16xf32>
      %add3A_550 = arith.constant 20 : i32
      %add3A_551 = arith.addi %mul3A_332, %add3A_550 : i32
      %add3A_552 = arith.constant 2 : i32
      %add3A_553 = arith.addi %add3A_551, %add3A_552 : i32
      %get3A_554 = arith.constant 1 : i32
      %get3A_555 = arith.index_cast %get3A_554 : i32 to index
      %get3A_556 = arith.index_cast %add3A_553 : i32 to index
      %get3A_557 = arith.constant 0 : index
      %get3A_558 = tpu.vector_load %arg6[%get3A_555, %get3A_556, %get3A_557] {strides = array<i32>} : memref<2x3200x16xf32, #tpu.memory_space<vmem>>, vector<1x1x16xf32>,
      %get3A_559 = vector.shape_cast %get3A_558 : vector<1x1x16xf32> to vector<16xf32>
      %add3A_560 = arith.addf %add3A_518, %get3A_559 : vector<16xf32>
      %add3A_561 = arith.constant 20 : i32
      %add3A_562 = arith.addi %mul3A_332, %add3A_561 : i32
      %add3A_563 = arith.constant 3 : i32
      %add3A_564 = arith.addi %add3A_562, %add3A_563 : i32
      %get3A_565 = arith.constant 1 : i32
      %get3A_566 = arith.index_cast %get3A_565 : i32 to index
      %get3A_567 = arith.index_cast %add3A_564 : i32 to index
      %get3A_568 = arith.constant 0 : index
      %get3A_569 = tpu.vector_load %arg6[%get3A_566, %get3A_567, %get3A_568] {strides = array<i32>} : memref<2x3200x16xf32, #tpu.memory_space<vmem>>, vector<1x1x16xf32>,
      %get3A_570 = vector.shape_cast %get3A_569 : vector<1x1x16xf32> to vector<16xf32>
      %add3A_571 = arith.addf %add3A_529, %get3A_570 : vector<16xf32>
      %add3A_572 = arith.constant 24 : i32
      %add3A_573 = arith.addi %mul3A_332, %add3A_572 : i32
      %get3A_574 = arith.constant 1 : i32
      %get3A_575 = arith.index_cast %get3A_574 : i32 to index
      %get3A_576 = arith.index_cast %add3A_573 : i32 to index
      %get3A_577 = arith.constant 0 : index
      %get3A_578 = tpu.vector_load %arg6[%get3A_575, %get3A_576, %get3A_577] {strides = array<i32>} : memref<2x3200x16xf32, #tpu.memory_space<vmem>>, vector<1x1x16xf32>,
      %get3A_579 = vector.shape_cast %get3A_578 : vector<1x1x16xf32> to vector<16xf32>
      %add3A_580 = arith.addf %add3A_538, %get3A_579 : vector<16xf32>
      %add3A_581 = arith.constant 24 : i32
      %add3A_582 = arith.addi %mul3A_332, %add3A_581 : i32
      %add3A_583 = arith.constant 1 : i32
      %add3A_584 = arith.addi %add3A_582, %add3A_583 : i32
      %get3A_585 = arith.constant 1 : i32
      %get3A_586 = arith.index_cast %get3A_585 : i32 to index
      %get3A_587 = arith.index_cast %add3A_584 : i32 to index
      %get3A_588 = arith.constant 0 : index
      %get3A_589 = tpu.vector_load %arg6[%get3A_586, %get3A_587, %get3A_588] {strides = array<i32>} : memref<2x3200x16xf32, #tpu.memory_space<vmem>>, vector<1x1x16xf32>,
      %get3A_590 = vector.shape_cast %get3A_589 : vector<1x1x16xf32> to vector<16xf32>
      %add3A_591 = arith.addf %add3A_549, %get3A_590 : vector<16xf32>
      %add3A_592 = arith.constant 24 : i32
      %add3A_593 = arith.addi %mul3A_332, %add3A_592 : i32
      %add3A_594 = arith.constant 2 : i32
      %add3A_595 = arith.addi %add3A_593, %add3A_594 : i32
      %get3A_596 = arith.constant 1 : i32
      %get3A_597 = arith.index_cast %get3A_596 : i32 to index
      %get3A_598 = arith.index_cast %add3A_595 : i32 to index
      %get3A_599 = arith.constant 0 : index
      %get3A_600 = tpu.vector_load %arg6[%get3A_597, %get3A_598, %get3A_599] {strides = array<i32>} : memref<2x3200x16xf32, #tpu.memory_space<vmem>>, vector<1x1x16xf32>,
      %get3A_601 = vector.shape_cast %get3A_600 : vector<1x1x16xf32> to vector<16xf32>
      %add3A_602 = arith.addf %add3A_560, %get3A_601 : vector<16xf32>
      %add3A_603 = arith.constant 24 : i32
      %add3A_604 = arith.addi %mul3A_332, %add3A_603 : i32
      %add3A_605 = arith.constant 3 : i32
      %add3A_606 = arith.addi %add3A_604, %add3A_605 : i32
      %get3A_607 = arith.constant 1 : i32
      %get3A_608 = arith.index_cast %get3A_607 : i32 to index
      %get3A_609 = arith.index_cast %add3A_606 : i32 to index
      %get3A_610 = arith.constant 0 : index
      %get3A_611 = tpu.vector_load %arg6[%get3A_608, %get3A_609, %get3A_610] {strides = array<i32>} : memref<2x3200x16xf32, #tpu.memory_space<vmem>>, vector<1x1x16xf32>,
      %get3A_612 = vector.shape_cast %get3A_611 : vector<1x1x16xf32> to vector<16xf32>
      %add3A_613 = arith.addf %add3A_571, %get3A_612 : vector<16xf32>
      %add3A_614 = arith.constant 28 : i32
      %add3A_615 = arith.addi %mul3A_332, %add3A_614 : i32
      %get3A_616 = arith.constant 1 : i32
      %get3A_617 = arith.index_cast %get3A_616 : i32 to index
      %get3A_618 = arith.index_cast %add3A_615 : i32 to index
      %get3A_619 = arith.constant 0 : index
      %get3A_620 = tpu.vector_load %arg6[%get3A_617, %get3A_618, %get3A_619] {strides = array<i32>} : memref<2x3200x16xf32, #tpu.memory_space<vmem>>, vector<1x1x16xf32>,
      %get3A_621 = vector.shape_cast %get3A_620 : vector<1x1x16xf32> to vector<16xf32>
      %add3A_622 = arith.addf %add3A_580, %get3A_621 : vector<16xf32>
      %add3A_623 = arith.constant 28 : i32
      %add3A_624 = arith.addi %mul3A_332, %add3A_623 : i32
      %add3A_625 = arith.constant 1 : i32
      %add3A_626 = arith.addi %add3A_624, %add3A_625 : i32
      %get3A_627 = arith.constant 1 : i32
      %get3A_628 = arith.index_cast %get3A_627 : i32 to index
      %get3A_629 = arith.index_cast %add3A_626 : i32 to index
      %get3A_630 = arith.constant 0 : index
      %get3A_631 = tpu.vector_load %arg6[%get3A_628, %get3A_629, %get3A_630] {strides = array<i32>} : memref<2x3200x16xf32, #tpu.memory_space<vmem>>, vector<1x1x16xf32>,
      %get3A_632 = vector.shape_cast %get3A_631 : vector<1x1x16xf32> to vector<16xf32>
      %add3A_633 = arith.addf %add3A_591, %get3A_632 : vector<16xf32>
      %add3A_634 = arith.constant 28 : i32
      %add3A_635 = arith.addi %mul3A_332, %add3A_634 : i32
      %add3A_636 = arith.constant 2 : i32
      %add3A_637 = arith.addi %add3A_635, %add3A_636 : i32
      %get3A_638 = arith.constant 1 : i32
      %get3A_639 = arith.index_cast %get3A_638 : i32 to index
      %get3A_640 = arith.index_cast %add3A_637 : i32 to index
      %get3A_641 = arith.constant 0 : index
      %get3A_642 = tpu.vector_load %arg6[%get3A_639, %get3A_640, %get3A_641] {strides = array<i32>} : memref<2x3200x16xf32, #tpu.memory_space<vmem>>, vector<1x1x16xf32>,
      %get3A_643 = vector.shape_cast %get3A_642 : vector<1x1x16xf32> to vector<16xf32>
      %add3A_644 = arith.addf %add3A_602, %get3A_643 : vector<16xf32>
      %add3A_645 = arith.constant 28 : i32
      %add3A_646 = arith.addi %mul3A_332, %add3A_645 : i32
      %add3A_647 = arith.constant 3 : i32
      %add3A_648 = arith.addi %add3A_646, %add3A_647 : i32
      %get3A_649 = arith.constant 1 : i32
      %get3A_650 = arith.index_cast %get3A_649 : i32 to index
      %get3A_651 = arith.index_cast %add3A_648 : i32 to index
      %get3A_652 = arith.constant 0 : index
      %get3A_653 = tpu.vector_load %arg6[%get3A_650, %get3A_651, %get3A_652] {strides = array<i32>} : memref<2x3200x16xf32, #tpu.memory_space<vmem>>, vector<1x1x16xf32>,
      %get3A_654 = vector.shape_cast %get3A_653 : vector<1x1x16xf32> to vector<16xf32>
      %add3A_655 = arith.addf %add3A_613, %get3A_654 : vector<16xf32>
      %add3A_656 = arith.constant 32 : i32
      %add3A_657 = arith.addi %mul3A_332, %add3A_656 : i32
      %get3A_658 = arith.constant 1 : i32
      %get3A_659 = arith.index_cast %get3A_658 : i32 to index
      %get3A_660 = arith.index_cast %add3A_657 : i32 to index
      %get3A_661 = arith.constant 0 : index
      %get3A_662 = tpu.vector_load %arg6[%get3A_659, %get3A_660, %get3A_661] {strides = array<i32>} : memref<2x3200x16xf32, #tpu.memory_space<vmem>>, vector<1x1x16xf32>,
      %get3A_663 = vector.shape_cast %get3A_662 : vector<1x1x16xf32> to vector<16xf32>
      %add3A_664 = arith.addf %add3A_622, %get3A_663 : vector<16xf32>
      %add3A_665 = arith.constant 32 : i32
      %add3A_666 = arith.addi %mul3A_332, %add3A_665 : i32
      %add3A_667 = arith.constant 1 : i32
      %add3A_668 = arith.addi %add3A_666, %add3A_667 : i32
      %get3A_669 = arith.constant 1 : i32
      %get3A_670 = arith.index_cast %get3A_669 : i32 to index
      %get3A_671 = arith.index_cast %add3A_668 : i32 to index
      %get3A_672 = arith.constant 0 : index
      %get3A_673 = tpu.vector_load %arg6[%get3A_670, %get3A_671, %get3A_672] {strides = array<i32>} : memref<2x3200x16xf32, #tpu.memory_space<vmem>>, vector<1x1x16xf32>,
      %get3A_674 = vector.shape_cast %get3A_673 : vector<1x1x16xf32> to vector<16xf32>
      %add3A_675 = arith.addf %add3A_633, %get3A_674 : vector<16xf32>
      %add3A_676 = arith.constant 32 : i32
      %add3A_677 = arith.addi %mul3A_332, %add3A_676 : i32
      %add3A_678 = arith.constant 2 : i32
      %add3A_679 = arith.addi %add3A_677, %add3A_678 : i32
      %get3A_680 = arith.constant 1 : i32
      %get3A_681 = arith.index_cast %get3A_680 : i32 to index
      %get3A_682 = arith.index_cast %add3A_679 : i32 to index
      %get3A_683 = arith.constant 0 : index
      %get3A_684 = tpu.vector_load %arg6[%get3A_681, %get3A_682, %get3A_683] {strides = array<i32>} : memref<2x3200x16xf32, #tpu.memory_space<vmem>>, vector<1x1x16xf32>,
      %get3A_685 = vector.shape_cast %get3A_684 : vector<1x1x16xf32> to vector<16xf32>
      %add3A_686 = arith.addf %add3A_644, %get3A_685 : vector<16xf32>
      %add3A_687 = arith.constant 32 : i32
      %add3A_688 = arith.addi %mul3A_332, %add3A_687 : i32
      %add3A_689 = arith.constant 3 : i32
      %add3A_690 = arith.addi %add3A_688, %add3A_689 : i32
      %get3A_691 = arith.constant 1 : i32
      %get3A_692 = arith.index_cast %get3A_691 : i32 to index
      %get3A_693 = arith.index_cast %add3A_690 : i32 to index
      %get3A_694 = arith.constant 0 : index
      %get3A_695 = tpu.vector_load %arg6[%get3A_692, %get3A_693, %get3A_694] {strides = array<i32>} : memref<2x3200x16xf32, #tpu.memory_space<vmem>>, vector<1x1x16xf32>,
      %get3A_696 = vector.shape_cast %get3A_695 : vector<1x1x16xf32> to vector<16xf32>
      %add3A_697 = arith.addf %add3A_655, %get3A_696 : vector<16xf32>
      %add3A_698 = arith.constant 36 : i32
      %add3A_699 = arith.addi %mul3A_332, %add3A_698 : i32
      %get3A_700 = arith.constant 1 : i32
      %get3A_701 = arith.index_cast %get3A_700 : i32 to index
      %get3A_702 = arith.index_cast %add3A_699 : i32 to index
      %get3A_703 = arith.constant 0 : index
      %get3A_704 = tpu.vector_load %arg6[%get3A_701, %get3A_702, %get3A_703] {strides = array<i32>} : memref<2x3200x16xf32, #tpu.memory_space<vmem>>, vector<1x1x16xf32>,
      %get3A_705 = vector.shape_cast %get3A_704 : vector<1x1x16xf32> to vector<16xf32>
      %add3A_706 = arith.addf %add3A_664, %get3A_705 : vector<16xf32>
      %add3A_707 = arith.constant 36 : i32
      %add3A_708 = arith.addi %mul3A_332, %add3A_707 : i32
      %add3A_709 = arith.constant 1 : i32
      %add3A_710 = arith.addi %add3A_708, %add3A_709 : i32
      %get3A_711 = arith.constant 1 : i32
      %get3A_712 = arith.index_cast %get3A_711 : i32 to index
      %get3A_713 = arith.index_cast %add3A_710 : i32 to index
      %get3A_714 = arith.constant 0 : index
      %get3A_715 = tpu.vector_load %arg6[%get3A_712, %get3A_713, %get3A_714] {strides = array<i32>} : memref<2x3200x16xf32, #tpu.memory_space<vmem>>, vector<1x1x16xf32>,
      %get3A_716 = vector.shape_cast %get3A_715 : vector<1x1x16xf32> to vector<16xf32>
      %add3A_717 = arith.addf %add3A_675, %get3A_716 : vector<16xf32>
      %add3A_718 = arith.constant 36 : i32
      %add3A_719 = arith.addi %mul3A_332, %add3A_718 : i32
      %add3A_720 = arith.constant 2 : i32
      %add3A_721 = arith.addi %add3A_719, %add3A_720 : i32
      %get3A_722 = arith.constant 1 : i32
      %get3A_723 = arith.index_cast %get3A_722 : i32 to index
      %get3A_724 = arith.index_cast %add3A_721 : i32 to index
      %get3A_725 = arith.constant 0 : index
      %get3A_726 = tpu.vector_load %arg6[%get3A_723, %get3A_724, %get3A_725] {strides = array<i32>} : memref<2x3200x16xf32, #tpu.memory_space<vmem>>, vector<1x1x16xf32>,
      %get3A_727 = vector.shape_cast %get3A_726 : vector<1x1x16xf32> to vector<16xf32>
      %add3A_728 = arith.addf %add3A_686, %get3A_727 : vector<16xf32>
      %add3A_729 = arith.constant 36 : i32
      %add3A_730 = arith.addi %mul3A_332, %add3A_729 : i32
      %add3A_731 = arith.constant 3 : i32
      %add3A_732 = arith.addi %add3A_730, %add3A_731 : i32
      %get3A_733 = arith.constant 1 : i32
      %get3A_734 = arith.index_cast %get3A_733 : i32 to index
      %get3A_735 = arith.index_cast %add3A_732 : i32 to index
      %get3A_736 = arith.constant 0 : index
      %get3A_737 = tpu.vector_load %arg6[%get3A_734, %get3A_735, %get3A_736] {strides = array<i32>} : memref<2x3200x16xf32, #tpu.memory_space<vmem>>, vector<1x1x16xf32>,
      %get3A_738 = vector.shape_cast %get3A_737 : vector<1x1x16xf32> to vector<16xf32>
      %add3A_739 = arith.addf %add3A_697, %get3A_738 : vector<16xf32>
      %add3A_740 = arith.constant 40 : i32
      %add3A_741 = arith.addi %mul3A_332, %add3A_740 : i32
      %get3A_742 = arith.constant 1 : i32
      %get3A_743 = arith.index_cast %get3A_742 : i32 to index
      %get3A_744 = arith.index_cast %add3A_741 : i32 to index
      %get3A_745 = arith.constant 0 : index
      %get3A_746 = tpu.vector_load %arg6[%get3A_743, %get3A_744, %get3A_745] {strides = array<i32>} : memref<2x3200x16xf32, #tpu.memory_space<vmem>>, vector<1x1x16xf32>,
      %get3A_747 = vector.shape_cast %get3A_746 : vector<1x1x16xf32> to vector<16xf32>
      %add3A_748 = arith.addf %add3A_706, %get3A_747 : vector<16xf32>
      %add3A_749 = arith.constant 40 : i32
      %add3A_750 = arith.addi %mul3A_332, %add3A_749 : i32
      %add3A_751 = arith.constant 1 : i32
      %add3A_752 = arith.addi %add3A_750, %add3A_751 : i32
      %get3A_753 = arith.constant 1 : i32
      %get3A_754 = arith.index_cast %get3A_753 : i32 to index
      %get3A_755 = arith.index_cast %add3A_752 : i32 to index
      %get3A_756 = arith.constant 0 : index
      %get3A_757 = tpu.vector_load %arg6[%get3A_754, %get3A_755, %get3A_756] {strides = array<i32>} : memref<2x3200x16xf32, #tpu.memory_space<vmem>>, vector<1x1x16xf32>,
      %get3A_758 = vector.shape_cast %get3A_757 : vector<1x1x16xf32> to vector<16xf32>
      %add3A_759 = arith.addf %add3A_717, %get3A_758 : vector<16xf32>
      %add3A_760 = arith.constant 40 : i32
      %add3A_761 = arith.addi %mul3A_332, %add3A_760 : i32
      %add3A_762 = arith.constant 2 : i32
      %add3A_763 = arith.addi %add3A_761, %add3A_762 : i32
      %get3A_764 = arith.constant 1 : i32
      %get3A_765 = arith.index_cast %get3A_764 : i32 to index
      %get3A_766 = arith.index_cast %add3A_763 : i32 to index
      %get3A_767 = arith.constant 0 : index
      %get3A_768 = tpu.vector_load %arg6[%get3A_765, %get3A_766, %get3A_767] {strides = array<i32>} : memref<2x3200x16xf32, #tpu.memory_space<vmem>>, vector<1x1x16xf32>,
      %get3A_769 = vector.shape_cast %get3A_768 : vector<1x1x16xf32> to vector<16xf32>
      %add3A_770 = arith.addf %add3A_728, %get3A_769 : vector<16xf32>
      %add3A_771 = arith.constant 40 : i32
      %add3A_772 = arith.addi %mul3A_332, %add3A_771 : i32
      %add3A_773 = arith.constant 3 : i32
      %add3A_774 = arith.addi %add3A_772, %add3A_773 : i32
      %get3A_775 = arith.constant 1 : i32
      %get3A_776 = arith.index_cast %get3A_775 : i32 to index
      %get3A_777 = arith.index_cast %add3A_774 : i32 to index
      %get3A_778 = arith.constant 0 : index
      %get3A_779 = tpu.vector_load %arg6[%get3A_776, %get3A_777, %get3A_778] {strides = array<i32>} : memref<2x3200x16xf32, #tpu.memory_space<vmem>>, vector<1x1x16xf32>,
      %get3A_780 = vector.shape_cast %get3A_779 : vector<1x1x16xf32> to vector<16xf32>
      %add3A_781 = arith.addf %add3A_739, %get3A_780 : vector<16xf32>
      %add3A_782 = arith.constant 44 : i32
      %add3A_783 = arith.addi %mul3A_332, %add3A_782 : i32
      %get3A_784 = arith.constant 1 : i32
      %get3A_785 = arith.index_cast %get3A_784 : i32 to index
      %get3A_786 = arith.index_cast %add3A_783 : i32 to index
      %get3A_787 = arith.constant 0 : index
      %get3A_788 = tpu.vector_load %arg6[%get3A_785, %get3A_786, %get3A_787] {strides = array<i32>} : memref<2x3200x16xf32, #tpu.memory_space<vmem>>, vector<1x1x16xf32>,
      %get3A_789 = vector.shape_cast %get3A_788 : vector<1x1x16xf32> to vector<16xf32>
      %add3A_790 = arith.addf %add3A_748, %get3A_789 : vector<16xf32>
      %add3A_791 = arith.constant 44 : i32
      %add3A_792 = arith.addi %mul3A_332, %add3A_791 : i32
      %add3A_793 = arith.constant 1 : i32
      %add3A_794 = arith.addi %add3A_792, %add3A_793 : i32
      %get3A_795 = arith.constant 1 : i32
      %get3A_796 = arith.index_cast %get3A_795 : i32 to index
      %get3A_797 = arith.index_cast %add3A_794 : i32 to index
      %get3A_798 = arith.constant 0 : index
      %get3A_799 = tpu.vector_load %arg6[%get3A_796, %get3A_797, %get3A_798] {strides = array<i32>} : memref<2x3200x16xf32, #tpu.memory_space<vmem>>, vector<1x1x16xf32>,
      %get3A_800 = vector.shape_cast %get3A_799 : vector<1x1x16xf32> to vector<16xf32>
      %add3A_801 = arith.addf %add3A_759, %get3A_800 : vector<16xf32>
      %add3A_802 = arith.constant 44 : i32
      %add3A_803 = arith.addi %mul3A_332, %add3A_802 : i32
      %add3A_804 = arith.constant 2 : i32
      %add3A_805 = arith.addi %add3A_803, %add3A_804 : i32
      %get3A_806 = arith.constant 1 : i32
      %get3A_807 = arith.index_cast %get3A_806 : i32 to index
      %get3A_808 = arith.index_cast %add3A_805 : i32 to index
      %get3A_809 = arith.constant 0 : index
      %get3A_810 = tpu.vector_load %arg6[%get3A_807, %get3A_808, %get3A_809] {strides = array<i32>} : memref<2x3200x16xf32, #tpu.memory_space<vmem>>, vector<1x1x16xf32>,
      %get3A_811 = vector.shape_cast %get3A_810 : vector<1x1x16xf32> to vector<16xf32>
      %add3A_812 = arith.addf %add3A_770, %get3A_811 : vector<16xf32>
      %add3A_813 = arith.constant 44 : i32
      %add3A_814 = arith.addi %mul3A_332, %add3A_813 : i32
      %add3A_815 = arith.constant 3 : i32
      %add3A_816 = arith.addi %add3A_814, %add3A_815 : i32
      %get3A_817 = arith.constant 1 : i32
      %get3A_818 = arith.index_cast %get3A_817 : i32 to index
      %get3A_819 = arith.index_cast %add3A_816 : i32 to index
      %get3A_820 = arith.constant 0 : index
      %get3A_821 = tpu.vector_load %arg6[%get3A_818, %get3A_819, %get3A_820] {strides = array<i32>} : memref<2x3200x16xf32, #tpu.memory_space<vmem>>, vector<1x1x16xf32>,
      %get3A_822 = vector.shape_cast %get3A_821 : vector<1x1x16xf32> to vector<16xf32>
      %add3A_823 = arith.addf %add3A_781, %get3A_822 : vector<16xf32>
      %add3A_824 = arith.constant 50 : i32
      %add3A_825 = arith.addi %mul3A_332, %add3A_824 : i32
      %sub3A = arith.constant 2 : i32
      %sub3A_826 = arith.subi %add3A_825, %sub3A : i32
      %get3A_827 = arith.constant 1 : i32
      %get3A_828 = arith.index_cast %get3A_827 : i32 to index
      %get3A_829 = arith.index_cast %sub3A_826 : i32 to index
      %get3A_830 = arith.constant 0 : index
      %get3A_831 = tpu.vector_load %arg6[%get3A_828, %get3A_829, %get3A_830] {strides = array<i32>} : memref<2x3200x16xf32, #tpu.memory_space<vmem>>, vector<1x1x16xf32>,
      %get3A_832 = vector.shape_cast %get3A_831 : vector<1x1x16xf32> to vector<16xf32>
      %add3A_833 = arith.addf %add3A_790, %get3A_832 : vector<16xf32>
      %add3A_834 = arith.constant 50 : i32
      %add3A_835 = arith.addi %mul3A_332, %add3A_834 : i32
      %sub3A_836 = arith.constant 1 : i32
      %sub3A_837 = arith.subi %add3A_835, %sub3A_836 : i32
      %get3A_838 = arith.constant 1 : i32
      %get3A_839 = arith.index_cast %get3A_838 : i32 to index
      %get3A_840 = arith.index_cast %sub3A_837 : i32 to index
      %get3A_841 = arith.constant 0 : index
      %get3A_842 = tpu.vector_load %arg6[%get3A_839, %get3A_840, %get3A_841] {strides = array<i32>} : memref<2x3200x16xf32, #tpu.memory_space<vmem>>, vector<1x1x16xf32>,
      %get3A_843 = vector.shape_cast %get3A_842 : vector<1x1x16xf32> to vector<16xf32>
      %add3A_844 = arith.addf %add3A_801, %get3A_843 : vector<16xf32>
      %add3A_845 = arith.addf %add3A_833, %add3A_844 : vector<16xf32>
      %add3A_846 = arith.addf %add3A_812, %add3A_823 : vector<16xf32>
      %add3A_847 = arith.addf %add3A_845, %add3A_846 : vector<16xf32>
      %mul3A_848 = arith.constant 2.000000e-02 : f32
      %mul3A_849 = vector.broadcast %mul3A_848 : f32 to vector<16xf32>
      %mul3A_850 = arith.mulf %add3A_847, %mul3A_849 : vector<16xf32>
      %swap3A = arith.index_cast %scan3A_330 : i32 to index
      %swap3A_851 = arith.constant 0 : index
      %swap3A_852 = tpu.vector_load %arg7[%swap3A, %swap3A_851] {strides = array<i32>} : memref<64x16xf32, #tpu.memory_space<vmem>>, vector<1x16xf32>,
      %swap3A_853 = vector.shape_cast %swap3A_852 : vector<1x16xf32> to vector<16xf32>
      %swap3A_854 = vector.shape_cast %mul3A_850 : vector<16xf32> to vector<1x16xf32>
      tpu.vector_store %arg7[%swap3A, %swap3A_851], %swap3A_854 {strides = array<i32>} : memref<64x16xf32, #tpu.memory_space<vmem>>, vector<1x16xf32>,
    }
    %scan3A_325 = arith.constant 64 : i32
    %mul3A_326 = arith.constant 512 : i32
    %mul3A_327 = arith.muli %add3A, %mul3A_326 : i32
    %add3A_328 = arith.constant 448 : i32
    %add3A_329 = arith.addi %mul3A_327, %add3A_328 : i32
    "tpu.region"() ({
      %run_scoped3A = tpu.sem_alloc : memref<!tpu.dma_semaphore, #tpu.memory_space<semaphore_mem>>
      %dma_start3A_330 = arith.constant 0 : i32
      %dma_start3A_331 = tpu.memref_slice %arg4[%add3A_329, %dma_start3A_330] : memref<16384x16xf32, #tpu.memory_space<hbm>> -> memref<64x16xf32, #tpu.memory_space<hbm>>
      %dma_start3A_332 = arith.constant 0 : i32
      %dma_start3A_333 = tpu.memref_slice %arg4[%add3A_329, %dma_start3A_332] : memref<16384x16xf32, #tpu.memory_space<hbm>> -> memref<64x16xf32, #tpu.memory_space<hbm>>
      tpu.enqueue_dma source(%arg7 : memref<64x16xf32, #tpu.memory_space<vmem>>) target(%dma_start3A_333 : memref<64x16xf32, #tpu.memory_space<hbm>>) target_semaphore(%run_scoped3A : memref<!tpu.dma_semaphore, #tpu.memory_space<semaphore_mem>>)
      %dma_wait3A_334 = arith.constant 0 : i32
      %dma_wait3A_335 = tpu.memref_slice %arg4[%add3A_329, %dma_wait3A_334] : memref<16384x16xf32, #tpu.memory_space<hbm>> -> memref<64x16xf32, #tpu.memory_space<hbm>>
      %dma_wait3A_336 = arith.constant 0 : i32
      %dma_wait3A_337 = tpu.memref_slice %arg4[%add3A_329, %dma_wait3A_336] : memref<16384x16xf32, #tpu.memory_space<hbm>> -> memref<64x16xf32, #tpu.memory_space<hbm>>
      tpu.wait_dma2 semaphore(%run_scoped3A : memref<!tpu.dma_semaphore, #tpu.memory_space<semaphore_mem>>) src(%arg7 : memref<64x16xf32, #tpu.memory_space<vmem>>) dst(%dma_wait3A_337 : memref<64x16xf32, #tpu.memory_space<hbm>>)
      tpu.yield
    }) : () -> ()
    return
  }
}

</mosaic_0001>

<sc_bundles>
// kernel: kernel.3.cloned.1.call-start
scs
__scs_entry_jumppad:
0x0: {  	(pc) =	sbr.rel $0x88, $3  }
0x1: {  	(tag) =	ssettag $0x0;
	lr =	simm.s32 $0x1  }
0x2: {  	[smem:$0x3F9F] =	sst lr;
	_ =	strace $0xD0000000  }
0x3: {  	_ = 	snop  }
0x4: {  	_ = 	snop  }
0x5: {  	_ = 	snop  }
0x6: {  	_ = 	snop  }
0x7: {  	_ = 	snop  }
__scs_overlays_trampoline_lowered:
0x8: {  	[smem:$0x3FAE] =	sst s0  }
0x9: {  	[smem:$0x3FAF] =	sst s1  }
0xa: {  	[smem:$0x3FB0] =	sst s2  }
0xb: {  	[smem:$0x3FB1] =	sst s3  }
0xc: {  	[smem:$0x3FB2] =	sst s4  }
0xd: {  	[smem:$0x3FB3] =	sst s5  }
0xe: {  	[smem:$0x3FB4] =	sst s6  }
0xf: {  	[smem:$0x3FB5] =	sst s7  }
0x10: {  	[smem:$0x3FB6] =	sst s8  }
0x11: {  	[smem:$0x3FB7] =	sst s9;
	s0 =	simm.s32 @!p0 $0x0  }
0x12: {  	s1 =	sld [smem:$0x3F9D];
	s0 =	simm.s32 @p0 $0x1  }
0x13: {  	[smem:$0x3FB8] =	sst s0;
	s0 =	simm.s32 @!p1 $0x0  }
0x14: {  	s2 =	sld [smem:$0x3F9C];
	s0 =	simm.s32 @p1 $0x1  }
0x15: {  	[smem:$0x3FB9] =	sst s0;
	s0 =	simm.s32 @!p2 $0x0  }
0x16: {  	s3 =	sld [smem:$0x3FDB];
	s0 =	simm.s32 @p2 $0x1  }
0x17: {  	s4 =	simm.s32 $0x1BF5;
	[smem:$0x3FBB] =	sst s0  }
0x18: {  	s0 =	sld [smem:$0x3F9E];
	_ =	swait.ge [sflag:s4], $0x0  }
0x19: {  	s7 =	sld [smem:$0x3F9F]  }
0x1a: {  	s8 =	sadd.s32 $0xFFFFE003, lr  }
0x1b: {  	s9 =	sadd.s32 $0xFFFFFEF7, lr;
	s5 =	simm.s32 $0xFFFFFFFF;
	p2 =	slt.u32 s8, $0xFFFFF086  }
0x1c: {  	p1 =	slt.u32 s9, $0xF7A;
	s5 =	simm.s32 @!p2 $0x0  }
0x1d: {  	s5 =	simm.s32 @p1 $0x1;
	p0 =	seq.s32 s7, s2  }
0x1e: {  	s7 =	smul.u32 @!p0 $0xF7A, s2;
	p2 =	seq.s32 @!p0 s5, $0x0  }
0x1f: {  	s9 =	smul.u32 $0xF7A, s1;
	s8 =	simm.s32 @!p0 $0x1BF5;
	p2 =	por !p2, p0  }
0x20: {  	[sflag:s8] =	ssyncset.s32 @!p0 $0xFFFFF086;
	s6 =	sadd.s32 @!p0 s3, s7;
	s7 =	simm.s32 @!p0 $0x108  }
0x21: {  	s3 =	sadd.s32 s3, s9;
	s6 =	sadd.s32 @!p0 $0x88, s6;
	s7 =	simm.s32 @p2 $0x1082  }
0x22: {  	[simem:s7], [sflag:s8] =	dma.local @!p0 [hbm:s6], $0xF7A  }
0x23: {  	s9 =	sor.u32 $0xD0000000, s2;
	s6 =	simm.s32 $0x108;
	_ =	swait.ge @!p0 [sflag:s8], $0x0  }
0x24: {  	s3 =	sadd.s32 $0x88, s3;
	s6 =	simm.s32 @!p1 $0x1082;
	[sflag:s4] =	ssyncset.s32 $0xFFFFF086  }
0x25: {  	[simem:s6], [sflag:s4] =	dma.local [hbm:s3], $0xF7A  }
0x26: {  	[smem:$0x3F9F] =	sst s1;
	(tag) =	ssettag s2;
	_ =	strace s9  }
0x27: {  	s1 =	sld [smem:$0x3FAF]  }
0x28: {  	s2 =	sld [smem:$0x3FB0]  }
0x29: {  	s4 =	sld [smem:$0x3FB2]  }
0x2a: {  	p0 =	seq.s32 s5, $0x0;
	s5 =	sld [smem:$0x3FB3]  }
0x2b: {  	s6 =	sld [smem:$0x3FB4]  }
0x2c: {  	s7 =	sld [smem:$0x3FB5]  }
0x2d: {  	s3 =	simm.s32 $0x108;
	s8 =	sld [smem:$0x3FB6]  }
0x2e: {  	s3 =	simm.s32 @!p0 $0x1082;
	s9 =	sld [smem:$0x3FB7]  }
0x2f: {  	lr =	sadd.s32 s0, s3;
	s0 =	sld [smem:$0x3FAE]  }
0x30: {  	s3 =	sld [smem:$0x3FB1]  }
0x31: {  	[smem:$0x3FBA] =	sst s10  }
0x32: {  	s10 =	sld [smem:$0x3FB8];
	_ =	sdelay $0x3  }
0x33: {  	p0 =	seq.s32 s10, $0x1;
	s10 =	sld [smem:$0x3FBA];
	_ =	sdelay $0x3  }
0x34: {  	[smem:$0x3FBA] =	sst s10  }
0x35: {  	s10 =	sld [smem:$0x3FB9];
	_ =	sdelay $0x3  }
0x36: {  	p1 =	seq.s32 s10, $0x1;
	s10 =	sld [smem:$0x3FBA];
	_ =	sdelay $0x3  }
0x37: {  	[smem:$0x3FBA] =	sst s10  }
0x38: {  	s10 =	sld [smem:$0x3FBB]  }
0x39: {  	_ = 	snop;
	(pc) =	sbr.ind lr, $3  }
0x3a: {  	_ = 	snop  }
0x3b: {  	_ = 	snop  }
0x3c: {  	p2 =	seq.s32 s10, $0x1;
	s10 =	sld [smem:$0x3FBA]  }
0x3d: {  	_ =	shalt  }
0x3e: {  	_ =	shalt  }
0x3f: {  	_ =	shalt  }
0x40: {  	_ =	shalt  }
0x41: {  	_ =	shalt  }
0x42: {  	_ =	shalt  }
0x43: {  	_ =	shalt  }
0x44: {  	_ =	shalt  }
0x45: {  	_ =	shalt  }
0x46: {  	_ =	shalt  }
0x47: {  	_ =	shalt  }
0x48: {  	_ =	shalt  }
0x49: {  	_ =	shalt  }
0x4a: {  	_ =	shalt  }
0x4b: {  	_ =	shalt  }
0x4c: {  	_ =	shalt  }
0x4d: {  	_ =	shalt  }
0x4e: {  	_ =	shalt  }
0x4f: {  	_ =	shalt  }
0x50: {  	_ =	shalt  }
0x51: {  	_ =	shalt  }
0x52: {  	_ =	shalt  }
0x53: {  	_ =	shalt  }
0x54: {  	_ =	shalt  }
0x55: {  	_ =	shalt  }
0x56: {  	_ =	shalt  }
0x57: {  	_ =	shalt  }
0x58: {  	_ =	shalt  }
0x59: {  	_ =	shalt  }
0x5a: {  	_ =	shalt  }
0x5b: {  	_ =	shalt  }
0x5c: {  	_ =	shalt  }
0x5d: {  	_ =	shalt  }
0x5e: {  	_ =	shalt  }
0x5f: {  	_ =	shalt  }
0x60: {  	_ =	shalt  }
0x61: {  	_ =	shalt  }
0x62: {  	_ =	shalt  }
0x63: {  	_ =	shalt  }
0x64: {  	_ =	shalt  }
0x65: {  	_ =	shalt  }
0x66: {  	_ =	shalt  }
0x67: {  	_ =	shalt  }
0x68: {  	_ =	shalt  }
0x69: {  	_ =	shalt  }
0x6a: {  	_ =	shalt  }
0x6b: {  	_ =	shalt  }
0x6c: {  	_ =	shalt  }
0x6d: {  	_ =	shalt  }
0x6e: {  	_ =	shalt  }
0x6f: {  	_ =	shalt  }
0x70: {  	_ =	shalt  }
0x71: {  	_ =	shalt  }
0x72: {  	_ =	shalt  }
0x73: {  	_ =	shalt  }
0x74: {  	_ =	shalt  }
0x75: {  	_ =	shalt  }
0x76: {  	_ =	shalt  }
0x77: {  	_ =	shalt  }
0x78: {  	_ =	shalt  }
0x79: {  	_ =	shalt  }
0x7a: {  	_ =	shalt  }
0x7b: {  	_ =	shalt  }
0x7c: {  	_ =	shalt  }
0x7d: {  	_ =	shalt  }
0x7e: {  	_ =	shalt  }
0x7f: {  	_ =	shalt  }
0x80: {  	_ =	shalt  }
0x81: {  	_ =	shalt  }
0x82: {  	_ =	shalt  }
0x83: {  	_ =	shalt  }
0x84: {  	_ =	shalt  }
0x85: {  	_ =	shalt  }
0x86: {  	_ =	shalt  }
0x87: {  	_ =	shalt  }
.Lfunc_end0:
.L_simem_size_0:
called_computation_lowered:
.L_overlay_start_0:
0x88: {  	s2 =	sld [smem:$0x3FD9]  }
0x89: {  	s3 =	sld [smem:$0x3FFE];
	_ =	sdelay $0x1  }
0x8a: {  	s1 =	srdreg.scid  }
0x8b: {  	s0 =	sand.u32 $0x1, s1  }
0x8c: {  	s17 =	sshll.u32 s0, $0xA;
	s2 =	sadd.s32 s3, s2  }
0x8d: {  	s2 =	sadd.s32 s2, s17  }
0x8e: {  	[smem:$0x3FC6] =	sst s2  }
0x8f: {  	_ = 	snop  }
0x90: {  	s2 =	sld [smem:$0x3FD0];
	(tm) =	ssettm $0x1  }
0x91: {  	s18 =	sld [smem:$0x3FFB];
	_ =	sdelay $0x3  }
0x92: {  	_ =	strace s18  }
0x93: {  	s3 =	sld [smem:$0x3FFC];
	_ =	sdelay $0x3  }
0x94: {  	_ =	strace s3  }
0x95: {  	s3 =	sld [smem:$0x3FFD];
	_ =	sdelay $0x3  }
0x96: {  	_ =	strace s3  }
0x97: {  	_ =	strace $0x8FFFFFFF  }
0x98: {  	s19 =	sld [smem:$0x3FDB];
	_ =	sdelay $0x1  }
0x99: {  	s4 =	simm.s32 $_scs_section_size  }
0x9a: {  	s5 =	simm.s32 $_size__tile_overlayer_lowered;
	s6 =	simm.s32 $_tile_overlayer_lowered  }
0x9b: {  	s22 =	simm.s32 $0x1BFF;
	s21 =	sshll.u32 s6, $0x1;
	s3 =	sadd.s32 s4, s19  }
0x9c: {  	s7 =	simm.s32 $0x0;
	s20 =	sshll.u32 s5, $0x1;
	s5 =	sadd.s32 s21, s3  }
0x9d: {  	[timem:s7], [sflag:s22] =	dma.local [hbm:s5], s20  }
0x9e: {  	_ =	swait.ge [sflag:s22], s20  }
0x9f: {  	s4 =	ssub.s32 $0x0, s20;
	[sflag:s22] =	ssyncset.done $0x0  }
0xa0: {  	[sflag:s22] =	ssyncadd.s32 s4;
	_ =	sdelay $0x1  }
0xa1: {  	s23 =	simm.s32 $0x1B8B  }
0xa2: {  	_ =	swait.ge [sflag:s23], $0x1  }
0xa3: {  	[sflag:s23] =	ssyncset.done $0x0  }
0xa4: {  	s25 =	simm.s32 $0x1B8E;
	s24 =	sld [smem:$0x3FFE];
	[sflag:s23] =	ssyncadd.s32 $0xFFFFFFFF  }
0xa5: {  	s26 =	simm.s32 $execute0_lowered;
	[smem:$0x3FD2] =	sst s25  }
0xa6: {  	s5 =	sshll.u32 s26, $0x1;
	_ =	strace $0x80000046;
	[dreg:$0x1] =	wrdreg $0xFFFFFFFF  }
0xa7: {  	s28 =	simm.s32 $_size_execute0_lowered;
	s3 =	sadd.s32 s3, s5;
	[dreg:$0x0] =	wrdreg $0x0  }
0xa8: {  	s5 =	sshll.u32 s28, $0x1;
	[dreg:$0x2] =	wrdreg s3  }
0xa9: {  	[dreg:$0x3] =	wrdreg s5  }
0xaa: {  	[dreg:$0x4] =	wrdreg $0xC0  }
0xab: {  	_ =	task [dreg:s7], $0x5FFFF  }
0xac: {  	[dreg:$0x1] =	wrdreg $0xFFFFFFFF  }
0xad: {  	[dreg:$0x0] =	wrdreg $0x60  }
0xae: {  	[dreg:$0x2] =	wrdreg s24  }
0xaf: {  	[dreg:$0x3] =	wrdreg s2  }
0xb0: {  	[dreg:$0x4] =	wrdreg $0x9  }
0xb1: {  	_ =	task.clear_ibuf [dreg:s7], $0x5FFFF;
	_ =	strace $0x90000046  }
0xb2: {  	s29 =	simm.s32 $0x9;
	_ =	strace $0x80000048  }
0xb3: {  	_ =	swait.ge [sflag:s29], $0x1  }
0xb4: {  	[sflag:s29] =	ssyncadd.s32 $0xFFFFFFFF  }
0xb5: {  	_ =	strace $0x90000048  }
0xb6: {  	_ =	sfence  }
0xb7: {  	s30 =	sld [smem:$0x0];
	_ =	sdelay $0x2  }
0xb8: {  	s31 =	sshll.u32 s1, $0xD;
	s1 =	sshrl.u32 s1, $0x2  }
0xb9: {  	s3 =	sand.u32 $0x4000, s31;
	s1 =	sadd.s32 s1, s30  }
0xba: {  	s0 =	sor.u32 s3, s0;
	s1 =	sshll.u32 s1, $0x11  }
0xbb: {  	s0 =	sor.u32 s1, s0  }
0xbc: {  	s0 =	sadd.s32 $0x8F2B, s0  }
0xbd: {  	[sflag:s0] =	ssyncadd.remote.s32 $0x1  }
0xbe: {  	_ =	sfence.sel $0xFFFF  }
0xbf: {  	[dreg:$0x0] =	wrdreg $0xFFFFFFFF;
	(pc) =	sbr.abs _section_cstart, $3  }
0xc0: {  	[dreg:$0x1] =	wrdreg $0xFFFFFFFF  }
0xc1: {  	_ =	task.clear_ibuf [dreg:s7], $0x2FFFF;
	_ =	strace $0x9FFFFFFF  }
0xc2: {  	(tm) =	ssettm $0x7FFFFFFF  }
0xc3: {  	_ =	shalt  }
tec
execute0_lowered:
.L_overlay_start_1:
0x0: {  	(tag) =	ssettag $0x1  }
0x1: {  	s3 =	rddreg [dreg:$0x0];
	s1 =	srdreg.scid  }
0x2: {  	s0 =	stileid.u32;
	s4 =	rddreg [dreg:$0x1];
	s2 =	simm.s32 $0x0  }
0x3: {  	s14 =	simm.s32 $0x3;
	s15 =	simm.s32 $0xC80;
	s16 =	simm.s32 $0x6400  }
0x4: {  	s17 =	simm.s32 $0x12C00;
	s18 =	simm.s32 $0x1;
	s19 =	simm.s32 $0x1900  }
0x5: {  	s20 =	simm.s32 $0x2;
	s21 =	simm.s32 $0x1F400;
	s22 =	simm.s32 $0x2580  }
0x6: {  	s23 =	simm.s32 $0x3200;
	s24 =	simm.s32 $0x3E80;
	s25 =	simm.s32 $0x4B00  }
0x7: {  	s26 =	simm.s32 $0x5780;
	s5 =	sand.u32 $0x1, s1;
	s6 =	sshll.u32 s0, $0x1  }
0x8: {  	s28 =	simm.s32 $0x0;
	[smem:$0x7FF] =	sst s2;
	s6 =	sor.u32 s5, s6  }
0x9: {  	s5 =	ssub.s32 $0x2, s5;
	s7 =	smul.u32 $0xC80, s6;
	s6 =	sshll.u32 s6, $0xA  }
0xa: {  	_ =	strace $0x80000047;
	s8 =	sshrl.u32 s5, $0x1;
	s4 =	sadd.s32 s4, s6  }
0xb: {  	s13 =	ssub.s32 s5, s8;
	s7 =	sadd.s32 s7, s3;
	s3 =	sadd.s32 $0xF42A00, s3  }
0xc: {  	s6 =	sadd.s32 $0x80, s4;
	s8 =	sadd.s32 $0x180, s4;
	s9 =	sadd.s32 $0x200, s4  }
0xd: {  	s10 =	sadd.s32 $0x280, s4;
	s11 =	sadd.s32 $0x300, s4;
	s12 =	sadd.s32 $0x380, s4  }
0xe: {  	s13 =	smax.u32 s13, $0x1;
	s5 =	sadd.s32 $0x600, s7;
	s7 =	sadd.s32 $0x100, s4  }
.LBB2_1:
0xf: {  	[tilespmem:s2], [sflag:$0x3] =	stream.linear.gather [hbm4b:s5+s2], $0x6400, $0x38;
	[tilespmem:$0x1F800] =	vst v63  }
0x10: {  	_ =	swait.ge [sflag:s14], $0x6400  }
0x11: {  	[sflag:s14] =	ssyncset.done $0x0  }
0x12: {  	[sflag:s14] =	ssyncadd.s32 $0xFFFF9C00  }
0x13: {  	[tilespmem:s16], [sflag:$0x1] =	stream.indirect.gather [hbm4b:s3+s15], $0x10, s2, s15, $0xb8;
	[tilespmem:$0x1F800] =	vst v63  }
0x14: {  	_ = 	snop  }
0x15: {  	[tilespmem:s17], [sflag:$0x2] =	stream.indirect.gather [hbm4b:s3+s15], $0x10, s15, s15, $0xb8;
	[tilespmem:$0x1F800] =	vst v63  }
0x16: {  	_ =	swait.ge [sflag:s18], $0xC800  }
0x17: {  	[sflag:s18] =	ssyncset.done $0x0  }
0x18: {  	s29 =	simm.s32 $0x6590;
	[sflag:s18] =	ssyncadd.s32 $0xFFFF3800  }
0x19: {  	v0 =	vld [tilespmem:s29+$0x170]  }
0x1a: {  	v1 =	vld [tilespmem:s29+$0x150]  }
0x1b: {  	v2 =	vld [tilespmem:s29+$0x130]  }
0x1c: {  	v3 =	vld [tilespmem:s29+$0x110]  }
0x1d: {  	v4 =	vld [tilespmem:s29+$0xF0]  }
0x1e: {  	v5 =	vld [tilespmem:s29+$0xD0]  }
0x1f: {  	v6 =	vld [tilespmem:s29+$0xB0]  }
0x20: {  	v7 =	vld [tilespmem:s29+$0x90]  }
0x21: {  	v8 =	vld [tilespmem:s29+$0x70]  }
0x22: {  	v9 =	vld [tilespmem:s29+$0x50]  }
0x23: {  	v10 =	vld [tilespmem:s29+$0x30]  }
0x24: {  	v11 =	vld [tilespmem:s29+$0x10]  }
0x25: {  	v12 =	vld [tilespmem:s29+$0xFFFFFFF0]  }
0x26: {  	v13 =	vld [tilespmem:s29+$0xFFFFFFD0]  }
0x27: {  	v14 =	vld [tilespmem:s29+$0xFFFFFFB0]  }
0x28: {  	v15 =	vld [tilespmem:s29+$0xFFFFFF90]  }
0x29: {  	v16 =	vld [tilespmem:s29+$0xFFFFFF70]  }
0x2a: {  	v17 =	vld [tilespmem:s29+$0xFFFFFF50]  }
0x2b: {  	v18 =	vld [tilespmem:s29+$0xFFFFFF30]  }
0x2c: {  	v19 =	vld [tilespmem:s29+$0xFFFFFF10]  }
0x2d: {  	v20 =	vld [tilespmem:s29+$0xFFFFFEF0]  }
0x2e: {  	v21 =	vld [tilespmem:s29+$0xFFFFFE90]  }
0x2f: {  	v22 =	vld [tilespmem:s29+$0xFFFFFED0]  }
0x30: {  	v23 =	vld [tilespmem:s29+$0xFFFFFEA0]  }
0x31: {  	v24 =	vld [tilespmem:s29+$0xFFFFFEB0]  }
0x32: {  	v25 =	vld [tilespmem:s29+$0xFFFFFE70]  }
0x33: {  	v26 =	vld [tilespmem:s29+$0xFFFFFE80]  }
0x34: {  	s31 =	simm.s32 $0x40;
	s30 =	simm.s32 $0x0;
	v27 =	vld [tilespmem:s29+$0xFFFFFEC0]  }
.LBB2_2:
0x35: {  	p0 =	sne.s32 s31, $0xFC0;
	v28 =	vld [tilespmem:s29+$0xFFFFFEE0]  }
0x36: {  	v29 =	vld [tilespmem:s29+$0xFFFFFF00]  }
0x37: {  	v30 =	vld [tilespmem:s29+$0xFFFFFF20]  }
0x38: {  	v31 =	vld [tilespmem:s29+$0xFFFFFF40]  }
0x39: {  	v24 =	vadd.f32 v24, v25;
	v25 =	vadd.f32 v27, v26;
	v26 =	vld [tilespmem:s29+$0xFFFFFF60]  }
0x3a: {  	v21 =	vadd.f32 v22, v21;
	v22 =	vadd.f32 v28, v23;
	v23 =	vld [tilespmem:s29+$0xFFFFFF80]  }
0x3b: {  	v20 =	vadd.f32 v20, v24;
	v24 =	vadd.f32 v29, v25;
	v25 =	vld [tilespmem:s29+$0xFFFFFFA0]  }
0x3c: {  	v19 =	vadd.f32 v19, v21;
	v21 =	vadd.f32 v30, v22;
	v22 =	vld [tilespmem:s29+$0xFFFFFFC0]  }
0x3d: {  	v18 =	vadd.f32 v18, v20;
	v20 =	vadd.f32 v31, v24;
	v24 =	vld [tilespmem:s29+$0xFFFFFFE0]  }
0x3e: {  	v17 =	vadd.f32 v17, v19;
	v19 =	vadd.f32 v26, v21;
	v21 =	vld [tilespmem:s29+$0x0]  }
0x3f: {  	v16 =	vadd.f32 v16, v18;
	v18 =	vadd.f32 v23, v20;
	v20 =	vld [tilespmem:s29+$0x20]  }
0x40: {  	v15 =	vadd.f32 v15, v17;
	v17 =	vadd.f32 v25, v19;
	v19 =	vld [tilespmem:s29+$0x40]  }
0x41: {  	v14 =	vadd.f32 v14, v16;
	v16 =	vadd.f32 v22, v18;
	v18 =	vld [tilespmem:s29+$0x60]  }
0x42: {  	v13 =	vadd.f32 v13, v15;
	v15 =	vadd.f32 v24, v17;
	v17 =	vld [tilespmem:s29+$0x80]  }
0x43: {  	v12 =	vadd.f32 v12, v14;
	v14 =	vadd.f32 v21, v16;
	v16 =	vld [tilespmem:s29+$0xA0]  }
0x44: {  	v11 =	vadd.f32 v11, v13;
	v13 =	vadd.f32 v20, v15;
	v15 =	vld [tilespmem:s29+$0xC0]  }
0x45: {  	v10 =	vadd.f32 v10, v12;
	v12 =	vadd.f32 v19, v14;
	v14 =	vld [tilespmem:s29+$0xE0]  }
0x46: {  	v9 =	vadd.f32 v9, v11;
	v11 =	vadd.f32 v18, v13;
	v13 =	vld [tilespmem:s29+$0x100]  }
0x47: {  	v8 =	vadd.f32 v8, v10;
	v10 =	vadd.f32 v17, v12;
	v12 =	vld [tilespmem:s29+$0x120]  }
0x48: {  	v7 =	vadd.f32 v7, v9;
	v9 =	vadd.f32 v16, v11;
	v11 =	vld [tilespmem:s29+$0x140]  }
0x49: {  	v6 =	vadd.f32 v6, v8;
	v8 =	vadd.f32 v15, v10;
	v10 =	vld [tilespmem:s29+$0x160]  }
0x4a: {  	v5 =	vadd.f32 v5, v7;
	v7 =	vadd.f32 v14, v9;
	v9 =	vld [tilespmem:s29+$0x180]  }
0x4b: {  	v4 =	vadd.f32 v4, v6;
	v6 =	vadd.f32 v13, v8  }
0x4c: {  	v3 =	vadd.f32 v3, v5;
	v5 =	vadd.f32 v12, v7  }
0x4d: {  	v2 =	vadd.f32 v2, v4;
	v4 =	vadd.f32 v11, v6  }
0x4e: {  	v1 =	vadd.f32 v1, v3;
	v3 =	vadd.f32 v10, v5  }
0x4f: {  	v0 =	vadd.f32 v0, v2;
	v2 =	vadd.f32 v9, v4;
	_ =	sdelay $0x1  }
0x50: {  	v1 =	vadd.f32 v3, v1;
	v0 =	vadd.f32 v2, v0;
	_ =	sdelay $0x1  }
0x51: {  	v0 =	vadd.f32 v0, v1;
	_ =	sdelay $0x1  }
0x52: {  	v0 =	vmul.f32 $1.999999960e-02, v0  }
0x53: {  	s1 =	sshra.s32 s30, $0x2;
	s30 =	smov.u32 s31  }
0x54: {  	s29 =	sadd.s32 $0x320, s29;
	[tilespmem:s1+$0x1F400] =	vst v0  }
0x55: {  	v0 =	vld [tilespmem:s29+$0x170]  }
0x56: {  	v1 =	vld [tilespmem:s29+$0x150]  }
0x57: {  	v2 =	vld [tilespmem:s29+$0x130]  }
0x58: {  	v3 =	vld [tilespmem:s29+$0x110]  }
0x59: {  	v4 =	vld [tilespmem:s29+$0xF0]  }
0x5a: {  	v5 =	vld [tilespmem:s29+$0xD0]  }
0x5b: {  	v6 =	vld [tilespmem:s29+$0xB0]  }
0x5c: {  	v7 =	vld [tilespmem:s29+$0x90]  }
0x5d: {  	v8 =	vld [tilespmem:s29+$0x70]  }
0x5e: {  	v9 =	vld [tilespmem:s29+$0x50]  }
0x5f: {  	v10 =	vld [tilespmem:s29+$0x30]  }
0x60: {  	v11 =	vld [tilespmem:s29+$0x10]  }
0x61: {  	v12 =	vld [tilespmem:s29+$0xFFFFFFF0]  }
0x62: {  	v13 =	vld [tilespmem:s29+$0xFFFFFFD0]  }
0x63: {  	v14 =	vld [tilespmem:s29+$0xFFFFFFB0]  }
0x64: {  	v15 =	vld [tilespmem:s29+$0xFFFFFF90]  }
0x65: {  	v16 =	vld [tilespmem:s29+$0xFFFFFF70]  }
0x66: {  	v17 =	vld [tilespmem:s29+$0xFFFFFF50]  }
0x67: {  	v18 =	vld [tilespmem:s29+$0xFFFFFF30]  }
0x68: {  	v19 =	vld [tilespmem:s29+$0xFFFFFF10]  }
0x69: {  	v20 =	vld [tilespmem:s29+$0xFFFFFEF0]  }
0x6a: {  	v21 =	vld [tilespmem:s29+$0xFFFFFE90]  }
0x6b: {  	v22 =	vld [tilespmem:s29+$0xFFFFFED0]  }
.Ltmp0:
0x6c: {  	v23 =	vld [tilespmem:s29+$0xFFFFFEA0];
	(pc) =	sbr.rel @p0 .LBB2_2-.Ltmp0, $4  }
0x6d: {  	v24 =	vld [tilespmem:s29+$0xFFFFFEB0]  }
0x6e: {  	v25 =	vld [tilespmem:s29+$0xFFFFFE70]  }
0x6f: {  	v26 =	vld [tilespmem:s29+$0xFFFFFE80]  }
0x70: {  	s31 =	sadd.s32 $0x40, s31;
	v27 =	vld [tilespmem:s29+$0xFFFFFEC0]  }
0x71: {  	v28 =	vld [tilespmem:s29+$0xFFFFFEE0]  }
0x72: {  	v29 =	vld [tilespmem:s29+$0xFFFFFF00]  }
0x73: {  	v30 =	vld [tilespmem:s29+$0xFFFFFF20]  }
0x74: {  	v31 =	vld [tilespmem:s29+$0xFFFFFF40];
	v24 =	vadd.f32 v24, v25  }
0x75: {  	v21 =	vadd.f32 v22, v21;
	v25 =	vadd.f32 v27, v26;
	v26 =	vld [tilespmem:s29+$0xFFFFFF60]  }
0x76: {  	v20 =	vadd.f32 v20, v24;
	v22 =	vadd.f32 v28, v23;
	v23 =	vld [tilespmem:s29+$0xFFFFFF80]  }
0x77: {  	v19 =	vadd.f32 v19, v21;
	v24 =	vadd.f32 v29, v25;
	v25 =	vld [tilespmem:s29+$0xFFFFFFA0]  }
0x78: {  	v18 =	vadd.f32 v18, v20;
	v21 =	vadd.f32 v30, v22;
	v22 =	vld [tilespmem:s29+$0xFFFFFFC0]  }
0x79: {  	v17 =	vadd.f32 v17, v19;
	v20 =	vadd.f32 v31, v24;
	v24 =	vld [tilespmem:s29+$0xFFFFFFE0]  }
0x7a: {  	v16 =	vadd.f32 v16, v18;
	v19 =	vadd.f32 v26, v21;
	v21 =	vld [tilespmem:s29+$0x0]  }
0x7b: {  	v15 =	vadd.f32 v15, v17;
	v18 =	vadd.f32 v23, v20;
	v20 =	vld [tilespmem:s29+$0x20]  }
0x7c: {  	v14 =	vadd.f32 v14, v16;
	v17 =	vadd.f32 v25, v19;
	v19 =	vld [tilespmem:s29+$0x40]  }
0x7d: {  	v13 =	vadd.f32 v13, v15;
	v16 =	vadd.f32 v22, v18;
	v18 =	vld [tilespmem:s29+$0x60]  }
0x7e: {  	v12 =	vadd.f32 v12, v14;
	v15 =	vadd.f32 v24, v17;
	v17 =	vld [tilespmem:s29+$0x80]  }
0x7f: {  	v11 =	vadd.f32 v11, v13;
	v14 =	vadd.f32 v21, v16;
	v16 =	vld [tilespmem:s29+$0xA0]  }
0x80: {  	v10 =	vadd.f32 v10, v12;
	v13 =	vadd.f32 v20, v15;
	v15 =	vld [tilespmem:s29+$0xC0]  }
0x81: {  	v9 =	vadd.f32 v9, v11;
	v12 =	vadd.f32 v19, v14;
	v14 =	vld [tilespmem:s29+$0xE0]  }
0x82: {  	v8 =	vadd.f32 v8, v10;
	v11 =	vadd.f32 v18, v13;
	v13 =	vld [tilespmem:s29+$0x100]  }
0x83: {  	v7 =	vadd.f32 v7, v9;
	v10 =	vadd.f32 v17, v12;
	v12 =	vld [tilespmem:s29+$0x120]  }
0x84: {  	v6 =	vadd.f32 v6, v8;
	v9 =	vadd.f32 v16, v11;
	v11 =	vld [tilespmem:s29+$0x140]  }
0x85: {  	v5 =	vadd.f32 v5, v7;
	v8 =	vadd.f32 v15, v10;
	v10 =	vld [tilespmem:s29+$0x160]  }
0x86: {  	v4 =	vadd.f32 v4, v6;
	v7 =	vadd.f32 v14, v9;
	v9 =	vld [tilespmem:s29+$0x180]  }
0x87: {  	v6 =	vadd.f32 v13, v8  }
0x88: {  	v3 =	vadd.f32 v3, v5;
	v2 =	vadd.f32 v2, v4  }
0x89: {  	v5 =	vadd.f32 v12, v7;
	v4 =	vadd.f32 v11, v6  }
0x8a: {  	v1 =	vadd.f32 v1, v3;
	v0 =	vadd.f32 v0, v2  }
0x8b: {  	v3 =	vadd.f32 v10, v5;
	v2 =	vadd.f32 v9, v4;
	_ =	sdelay $0x1  }
0x8c: {  	v1 =	vadd.f32 v3, v1;
	v0 =	vadd.f32 v2, v0;
	_ =	sdelay $0x1  }
0x8d: {  	v0 =	vadd.f32 v0, v1;
	_ =	sdelay $0x1  }
0x8e: {  	v0 =	vmul.f32 $1.999999960e-02, v0  }
0x8f: {  	s1 =	sshra.s32 s30, $0x2  }
0x90: {  	s29 =	simm.s32 $0x1F400;
	[tilespmem:s1+$0x1F400] =	vst v0;
	s1 =	simm.s32 $0x0  }
0x91: {  	[hbm4b:s4+s1] =	stream.linear.scatter [tilespmem:s29], [sflag:$0x3], $0x400, $0x38;
	[tilespmem:$0x1F800] =	vst v63  }
0x92: {  	_ =	swait.ge [sflag:s14], $0x400  }
0x93: {  	[sflag:s14] =	ssyncset.done $0x0  }
0x94: {  	[sflag:s14] =	ssyncadd.s32 $0xFFFFFC00  }
0x95: {  	[tilespmem:s16], [sflag:$0x1] =	stream.indirect.gather [hbm4b:s3+s15], $0x10, s19, s15, $0xb8;
	[tilespmem:$0x1F800] =	vst v63  }
0x96: {  	_ =	swait.ge [sflag:s20], $0xC800  }
0x97: {  	[sflag:s20] =	ssyncset.done $0x0  }
0x98: {  	s30 =	simm.s32 $0x0;
	[sflag:s20] =	ssyncadd.s32 $0xFFFF3800  }
0x99: {  	v0 =	vld [tilespmem:s30+$0x12F00]  }
0x9a: {  	v1 =	vld [tilespmem:s30+$0x12EE0]  }
0x9b: {  	v2 =	vld [tilespmem:s30+$0x12EC0]  }
0x9c: {  	v3 =	vld [tilespmem:s30+$0x12EA0]  }
0x9d: {  	v4 =	vld [tilespmem:s30+$0x12E80]  }
0x9e: {  	v5 =	vld [tilespmem:s30+$0x12E60]  }
0x9f: {  	v6 =	vld [tilespmem:s30+$0x12E40]  }
0xa0: {  	v7 =	vld [tilespmem:s30+$0x12E20]  }
0xa1: {  	v8 =	vld [tilespmem:s30+$0x12E00]  }
0xa2: {  	v9 =	vld [tilespmem:s30+$0x12DE0]  }
0xa3: {  	v10 =	vld [tilespmem:s30+$0x12DC0]  }
0xa4: {  	v11 =	vld [tilespmem:s30+$0x12DA0]  }
0xa5: {  	v12 =	vld [tilespmem:s30+$0x12D80]  }
0xa6: {  	v13 =	vld [tilespmem:s30+$0x12D60]  }
0xa7: {  	v14 =	vld [tilespmem:s30+$0x12D40]  }
0xa8: {  	v15 =	vld [tilespmem:s30+$0x12D20]  }
0xa9: {  	v16 =	vld [tilespmem:s30+$0x12D00]  }
0xaa: {  	v17 =	vld [tilespmem:s30+$0x12CE0]  }
0xab: {  	v18 =	vld [tilespmem:s30+$0x12CC0]  }
0xac: {  	v19 =	vld [tilespmem:s30+$0x12CA0]  }
0xad: {  	v20 =	vld [tilespmem:s30+$0x12C80]  }
0xae: {  	v21 =	vld [tilespmem:s30+$0x12C20]  }
0xaf: {  	v22 =	vld [tilespmem:s30+$0x12C60]  }
0xb0: {  	v23 =	vld [tilespmem:s30+$0x12C30]  }
0xb1: {  	v24 =	vld [tilespmem:s30+$0x12C40]  }
0xb2: {  	v25 =	vld [tilespmem:s30+$0x12C00]  }
0xb3: {  	v26 =	vld [tilespmem:s30+$0x12C10]  }
0xb4: {  	v27 =	vld [tilespmem:s30+$0x12C50]  }
0xb5: {  	v60 =	vld [tilespmem:s30+$0x12C70]  }
0xb6: {  	v61 =	vld [tilespmem:s30+$0x12C90]  }
0xb7: {  	v62 =	vld [tilespmem:s30+$0x12CB0]  }
0xb8: {  	v63 =	vld [tilespmem:s30+$0x12CD0]  }
0xb9: {  	v24 =	vadd.f32 v24, v25;
	v25 =	vadd.f32 v27, v26;
	v26 =	vld [tilespmem:s30+$0x12CF0]  }
0xba: {  	v21 =	vadd.f32 v22, v21;
	v22 =	vadd.f32 v60, v23;
	v23 =	vld [tilespmem:s30+$0x12D10]  }
0xbb: {  	v20 =	vadd.f32 v20, v24;
	v24 =	vadd.f32 v61, v25;
	v25 =	vld [tilespmem:s30+$0x12D30]  }
0xbc: {  	v19 =	vadd.f32 v19, v21;
	v21 =	vadd.f32 v62, v22;
	v22 =	vld [tilespmem:s30+$0x12D50]  }
0xbd: {  	v18 =	vadd.f32 v18, v20;
	v20 =	vadd.f32 v63, v24;
	v24 =	vld [tilespmem:s30+$0x12D70]  }
0xbe: {  	v17 =	vadd.f32 v17, v19;
	v19 =	vadd.f32 v26, v21;
	v21 =	vld [tilespmem:s30+$0x12D90]  }
0xbf: {  	v16 =	vadd.f32 v16, v18;
	v18 =	vadd.f32 v23, v20;
	v20 =	vld [tilespmem:s30+$0x12DB0]  }
0xc0: {  	v15 =	vadd.f32 v15, v17;
	v17 =	vadd.f32 v25, v19;
	v19 =	vld [tilespmem:s30+$0x12DD0]  }
0xc1: {  	v14 =	vadd.f32 v14, v16;
	v16 =	vadd.f32 v22, v18;
	v18 =	vld [tilespmem:s30+$0x12DF0]  }
0xc2: {  	v13 =	vadd.f32 v13, v15;
	v15 =	vadd.f32 v24, v17;
	v17 =	vld [tilespmem:s30+$0x12E10]  }
0xc3: {  	v12 =	vadd.f32 v12, v14;
	v14 =	vadd.f32 v21, v16;
	v16 =	vld [tilespmem:s30+$0x12E30]  }
0xc4: {  	v11 =	vadd.f32 v11, v13;
	v13 =	vadd.f32 v20, v15;
	v15 =	vld [tilespmem:s30+$0x12E50]  }
0xc5: {  	v10 =	vadd.f32 v10, v12;
	v12 =	vadd.f32 v19, v14;
	v14 =	vld [tilespmem:s30+$0x12E70]  }
0xc6: {  	v9 =	vadd.f32 v9, v11;
	v11 =	vadd.f32 v18, v13;
	v13 =	vld [tilespmem:s30+$0x12E90]  }
0xc7: {  	v8 =	vadd.f32 v8, v10;
	v10 =	vadd.f32 v17, v12;
	v12 =	vld [tilespmem:s30+$0x12EB0]  }
0xc8: {  	v7 =	vadd.f32 v7, v9;
	v9 =	vadd.f32 v16, v11;
	v11 =	vld [tilespmem:s30+$0x12ED0]  }
0xc9: {  	v6 =	vadd.f32 v6, v8;
	v8 =	vadd.f32 v15, v10;
	v10 =	vld [tilespmem:s30+$0x12EF0]  }
0xca: {  	v5 =	vadd.f32 v5, v7;
	v7 =	vadd.f32 v14, v9;
	v9 =	vld [tilespmem:s30+$0x12F10]  }
0xcb: {  	v4 =	vadd.f32 v4, v6;
	v6 =	vadd.f32 v13, v8  }
0xcc: {  	v3 =	vadd.f32 v3, v5;
	v5 =	vadd.f32 v12, v7  }
0xcd: {  	v2 =	vadd.f32 v2, v4;
	v4 =	vadd.f32 v11, v6  }
0xce: {  	v1 =	vadd.f32 v1, v3;
	v3 =	vadd.f32 v10, v5  }
0xcf: {  	v0 =	vadd.f32 v0, v2;
	v2 =	vadd.f32 v9, v4;
	_ =	sdelay $0x1  }
0xd0: {  	v1 =	vadd.f32 v3, v1;
	v0 =	vadd.f32 v2, v0;
	_ =	sdelay $0x1  }
0xd1: {  	v0 =	vadd.f32 v0, v1;
	_ =	sdelay $0x1  }
0xd2: {  	v0 =	vmul.f32 $1.999999960e-02, v0;
	_ =	sdelay $0x1  }
0xd3: {  	s30 =	simm.s32 $0x320;
	[tilespmem:s29+$0x0] =	vst v0  }
0xd4: {  	v0 =	vld [tilespmem:s30+$0x12F00]  }
0xd5: {  	v1 =	vld [tilespmem:s30+$0x12EE0]  }
0xd6: {  	v2 =	vld [tilespmem:s30+$0x12EC0]  }
0xd7: {  	v3 =	vld [tilespmem:s30+$0x12EA0]  }
0xd8: {  	v4 =	vld [tilespmem:s30+$0x12E80]  }
0xd9: {  	v5 =	vld [tilespmem:s30+$0x12E60]  }
0xda: {  	v6 =	vld [tilespmem:s30+$0x12E40]  }
0xdb: {  	v7 =	vld [tilespmem:s30+$0x12E20]  }
0xdc: {  	v8 =	vld [tilespmem:s30+$0x12E00]  }
0xdd: {  	v9 =	vld [tilespmem:s30+$0x12DE0]  }
0xde: {  	v10 =	vld [tilespmem:s30+$0x12DC0]  }
0xdf: {  	v11 =	vld [tilespmem:s30+$0x12DA0]  }
0xe0: {  	v12 =	vld [tilespmem:s30+$0x12D80]  }
0xe1: {  	v13 =	vld [tilespmem:s30+$0x12D60]  }
0xe2: {  	v14 =	vld [tilespmem:s30+$0x12D40]  }
0xe3: {  	v15 =	vld [tilespmem:s30+$0x12D20]  }
0xe4: {  	v16 =	vld [tilespmem:s30+$0x12D00]  }
0xe5: {  	v17 =	vld [tilespmem:s30+$0x12CE0]  }
0xe6: {  	v18 =	vld [tilespmem:s30+$0x12CC0]  }
0xe7: {  	v19 =	vld [tilespmem:s30+$0x12CA0]  }
0xe8: {  	v20 =	vld [tilespmem:s30+$0x12C80]  }
0xe9: {  	v21 =	vld [tilespmem:s30+$0x12C20]  }
0xea: {  	v22 =	vld [tilespmem:s30+$0x12C60]  }
0xeb: {  	v23 =	vld [tilespmem:s30+$0x12C30]  }
0xec: {  	v24 =	vld [tilespmem:s30+$0x12C40]  }
0xed: {  	v25 =	vld [tilespmem:s30+$0x12C00]  }
0xee: {  	s31 =	simm.s32 $0x1900;
	v26 =	vld [tilespmem:s30+$0x12C10]  }
.LBB2_4:
0xef: {  	p0 =	sne.s32 s31, $0x31380;
	v27 =	vld [tilespmem:s30+$0x12C50]  }
0xf0: {  	v28 =	vld [tilespmem:s30+$0x12C70]  }
0xf1: {  	v29 =	vld [tilespmem:s30+$0x12C90]  }
0xf2: {  	v30 =	vld [tilespmem:s30+$0x12CB0]  }
0xf3: {  	v31 =	vld [tilespmem:s30+$0x12CD0]  }
0xf4: {  	v24 =	vadd.f32 v24, v25;
	v25 =	vadd.f32 v27, v26;
	v26 =	vld [tilespmem:s30+$0x12CF0]  }
0xf5: {  	v21 =	vadd.f32 v22, v21;
	v22 =	vadd.f32 v28, v23;
	v23 =	vld [tilespmem:s30+$0x12D10]  }
0xf6: {  	v20 =	vadd.f32 v20, v24;
	v24 =	vadd.f32 v29, v25;
	v25 =	vld [tilespmem:s30+$0x12D30]  }
0xf7: {  	v19 =	vadd.f32 v19, v21;
	v21 =	vadd.f32 v30, v22;
	v22 =	vld [tilespmem:s30+$0x12D50]  }
0xf8: {  	v18 =	vadd.f32 v18, v20;
	v20 =	vadd.f32 v31, v24;
	v24 =	vld [tilespmem:s30+$0x12D70]  }
0xf9: {  	v17 =	vadd.f32 v17, v19;
	v19 =	vadd.f32 v26, v21;
	v21 =	vld [tilespmem:s30+$0x12D90]  }
0xfa: {  	v16 =	vadd.f32 v16, v18;
	v18 =	vadd.f32 v23, v20;
	v20 =	vld [tilespmem:s30+$0x12DB0]  }
0xfb: {  	v15 =	vadd.f32 v15, v17;
	v17 =	vadd.f32 v25, v19;
	v19 =	vld [tilespmem:s30+$0x12DD0]  }
0xfc: {  	v14 =	vadd.f32 v14, v16;
	v16 =	vadd.f32 v22, v18;
	v18 =	vld [tilespmem:s30+$0x12DF0]  }
0xfd: {  	v13 =	vadd.f32 v13, v15;
	v15 =	vadd.f32 v24, v17;
	v17 =	vld [tilespmem:s30+$0x12E10]  }
0xfe: {  	v12 =	vadd.f32 v12, v14;
	v14 =	vadd.f32 v21, v16;
	v16 =	vld [tilespmem:s30+$0x12E30]  }
0xff: {  	v11 =	vadd.f32 v11, v13;
	v13 =	vadd.f32 v20, v15;
	v15 =	vld [tilespmem:s30+$0x12E50]  }
0x100: {  	v10 =	vadd.f32 v10, v12;
	v12 =	vadd.f32 v19, v14;
	v14 =	vld [tilespmem:s30+$0x12E70]  }
0x101: {  	v9 =	vadd.f32 v9, v11;
	v11 =	vadd.f32 v18, v13;
	v13 =	vld [tilespmem:s30+$0x12E90]  }
0x102: {  	v8 =	vadd.f32 v8, v10;
	v10 =	vadd.f32 v17, v12;
	v12 =	vld [tilespmem:s30+$0x12EB0]  }
0x103: {  	v7 =	vadd.f32 v7, v9;
	v9 =	vadd.f32 v16, v11;
	v11 =	vld [tilespmem:s30+$0x12ED0]  }
0x104: {  	v6 =	vadd.f32 v6, v8;
	v8 =	vadd.f32 v15, v10;
	v10 =	vld [tilespmem:s30+$0x12EF0]  }
0x105: {  	v5 =	vadd.f32 v5, v7;
	v7 =	vadd.f32 v14, v9;
	v9 =	vld [tilespmem:s30+$0x12F10]  }
0x106: {  	v4 =	vadd.f32 v4, v6;
	v6 =	vadd.f32 v13, v8  }
0x107: {  	v3 =	vadd.f32 v3, v5;
	v5 =	vadd.f32 v12, v7  }
0x108: {  	v2 =	vadd.f32 v2, v4;
	v4 =	vadd.f32 v11, v6  }
0x109: {  	v1 =	vadd.f32 v1, v3;
	v3 =	vadd.f32 v10, v5  }
0x10a: {  	v0 =	vadd.f32 v0, v2;
	v2 =	vadd.f32 v9, v4;
	_ =	sdelay $0x1  }
0x10b: {  	v1 =	vadd.f32 v3, v1;
	v0 =	vadd.f32 v2, v0;
	_ =	sdelay $0x1  }
0x10c: {  	v0 =	vadd.f32 v0, v1;
	_ =	sdelay $0x1  }
0x10d: {  	v0 =	vmul.f32 $1.999999960e-02, v0  }
0x10e: {  	s29 =	sadd.s32 $0x10, s29  }
0x10f: {  	s30 =	sshra.s32 s31, $0x2;
	[tilespmem:s29+$0x0] =	vst v0  }
0x110: {  	v0 =	vld [tilespmem:s30+$0x12F00]  }
0x111: {  	v1 =	vld [tilespmem:s30+$0x12EE0]  }
0x112: {  	v2 =	vld [tilespmem:s30+$0x12EC0]  }
0x113: {  	v3 =	vld [tilespmem:s30+$0x12EA0]  }
0x114: {  	v4 =	vld [tilespmem:s30+$0x12E80]  }
0x115: {  	v5 =	vld [tilespmem:s30+$0x12E60]  }
0x116: {  	v6 =	vld [tilespmem:s30+$0x12E40]  }
0x117: {  	v7 =	vld [tilespmem:s30+$0x12E20]  }
0x118: {  	v8 =	vld [tilespmem:s30+$0x12E00]  }
0x119: {  	v9 =	vld [tilespmem:s30+$0x12DE0]  }
0x11a: {  	v10 =	vld [tilespmem:s30+$0x12DC0]  }
0x11b: {  	v11 =	vld [tilespmem:s30+$0x12DA0]  }
0x11c: {  	v12 =	vld [tilespmem:s30+$0x12D80]  }
0x11d: {  	v13 =	vld [tilespmem:s30+$0x12D60]  }
0x11e: {  	v14 =	vld [tilespmem:s30+$0x12D40]  }
0x11f: {  	v15 =	vld [tilespmem:s30+$0x12D20]  }
0x120: {  	v16 =	vld [tilespmem:s30+$0x12D00]  }
0x121: {  	v17 =	vld [tilespmem:s30+$0x12CE0]  }
0x122: {  	v18 =	vld [tilespmem:s30+$0x12CC0]  }
0x123: {  	v19 =	vld [tilespmem:s30+$0x12CA0]  }
0x124: {  	v20 =	vld [tilespmem:s30+$0x12C80]  }
0x125: {  	v21 =	vld [tilespmem:s30+$0x12C20]  }
.Ltmp1:
0x126: {  	v22 =	vld [tilespmem:s30+$0x12C60];
	(pc) =	sbr.rel @p0 .LBB2_4-.Ltmp1, $4  }
0x127: {  	v23 =	vld [tilespmem:s30+$0x12C30]  }
0x128: {  	v24 =	vld [tilespmem:s30+$0x12C40]  }
0x129: {  	v25 =	vld [tilespmem:s30+$0x12C00]  }
0x12a: {  	s31 =	sadd.s32 $0xC80, s31;
	v26 =	vld [tilespmem:s30+$0x12C10]  }
0x12b: {  	v27 =	vld [tilespmem:s30+$0x12C50]  }
0x12c: {  	v28 =	vld [tilespmem:s30+$0x12C70]  }
0x12d: {  	v29 =	vld [tilespmem:s30+$0x12C90]  }
0x12e: {  	v30 =	vld [tilespmem:s30+$0x12CB0]  }
0x12f: {  	v31 =	vld [tilespmem:s30+$0x12CD0];
	v24 =	vadd.f32 v24, v25  }
0x130: {  	v21 =	vadd.f32 v22, v21;
	v25 =	vadd.f32 v27, v26;
	v26 =	vld [tilespmem:s30+$0x12CF0]  }
0x131: {  	v22 =	vadd.f32 v28, v23;
	v23 =	vld [tilespmem:s30+$0x12D10];
	v20 =	vadd.f32 v20, v24  }
0x132: {  	v19 =	vadd.f32 v19, v21;
	v24 =	vadd.f32 v29, v25;
	v25 =	vld [tilespmem:s30+$0x12D30]  }
0x133: {  	v21 =	vadd.f32 v30, v22;
	v22 =	vld [tilespmem:s30+$0x12D50];
	v18 =	vadd.f32 v18, v20  }
0x134: {  	v17 =	vadd.f32 v17, v19;
	v20 =	vadd.f32 v31, v24;
	v24 =	vld [tilespmem:s30+$0x12D70]  }
0x135: {  	v16 =	vadd.f32 v16, v18;
	v19 =	vadd.f32 v26, v21;
	v21 =	vld [tilespmem:s30+$0x12D90]  }
0x136: {  	v15 =	vadd.f32 v15, v17;
	v18 =	vadd.f32 v23, v20;
	v20 =	vld [tilespmem:s30+$0x12DB0]  }
0x137: {  	v14 =	vadd.f32 v14, v16;
	v17 =	vadd.f32 v25, v19;
	v19 =	vld [tilespmem:s30+$0x12DD0]  }
0x138: {  	v13 =	vadd.f32 v13, v15;
	v16 =	vadd.f32 v22, v18;
	v18 =	vld [tilespmem:s30+$0x12DF0]  }
0x139: {  	v12 =	vadd.f32 v12, v14;
	v15 =	vadd.f32 v24, v17;
	v17 =	vld [tilespmem:s30+$0x12E10]  }
0x13a: {  	v11 =	vadd.f32 v11, v13;
	v14 =	vadd.f32 v21, v16;
	v16 =	vld [tilespmem:s30+$0x12E30]  }
0x13b: {  	v10 =	vadd.f32 v10, v12;
	v13 =	vadd.f32 v20, v15;
	v15 =	vld [tilespmem:s30+$0x12E50]  }
0x13c: {  	v9 =	vadd.f32 v9, v11;
	v12 =	vadd.f32 v19, v14;
	v14 =	vld [tilespmem:s30+$0x12E70]  }
0x13d: {  	v8 =	vadd.f32 v8, v10;
	v11 =	vadd.f32 v18, v13;
	v13 =	vld [tilespmem:s30+$0x12E90]  }
0x13e: {  	v7 =	vadd.f32 v7, v9;
	v10 =	vadd.f32 v17, v12;
	v12 =	vld [tilespmem:s30+$0x12EB0]  }
0x13f: {  	v6 =	vadd.f32 v6, v8;
	v9 =	vadd.f32 v16, v11;
	v11 =	vld [tilespmem:s30+$0x12ED0]  }
0x140: {  	v5 =	vadd.f32 v5, v7;
	v8 =	vadd.f32 v15, v10;
	v10 =	vld [tilespmem:s30+$0x12EF0]  }
0x141: {  	v4 =	vadd.f32 v4, v6;
	v7 =	vadd.f32 v14, v9;
	v9 =	vld [tilespmem:s30+$0x12F10]  }
0x142: {  	v6 =	vadd.f32 v13, v8  }
0x143: {  	v3 =	vadd.f32 v3, v5;
	v2 =	vadd.f32 v2, v4  }
0x144: {  	v5 =	vadd.f32 v12, v7;
	v4 =	vadd.f32 v11, v6  }
0x145: {  	v1 =	vadd.f32 v1, v3;
	v0 =	vadd.f32 v0, v2  }
0x146: {  	v3 =	vadd.f32 v10, v5;
	v2 =	vadd.f32 v9, v4;
	_ =	sdelay $0x1  }
0x147: {  	v1 =	vadd.f32 v3, v1;
	v0 =	vadd.f32 v2, v0;
	_ =	sdelay $0x1  }
0x148: {  	v0 =	vadd.f32 v0, v1;
	_ =	sdelay $0x1  }
0x149: {  	v0 =	vmul.f32 $1.999999960e-02, v0  }
0x14a: {  	s1 =	sadd.s32 $0x10, s29  }
0x14b: {  	s29 =	simm.s32 $0x0;
	[tilespmem:s1+$0x0] =	vst v0  }
0x14c: {  	[hbm4b:s6+s29] =	stream.linear.scatter [tilespmem:s21], [sflag:$0x3], $0x400, $0x38;
	[tilespmem:$0x1F800] =	vst v63  }
0x14d: {  	_ =	swait.ge [sflag:s14], $0x400  }
0x14e: {  	[sflag:s14] =	ssyncset.done $0x0  }
0x14f: {  	[sflag:s14] =	ssyncadd.s32 $0xFFFFFC00  }
0x150: {  	[tilespmem:s17], [sflag:$0x2] =	stream.indirect.gather [hbm4b:s3+s15], $0x10, s22, s15, $0xb8;
	[tilespmem:$0x1F800] =	vst v63  }
0x151: {  	_ =	swait.ge [sflag:s18], $0xC800  }
0x152: {  	[sflag:s18] =	ssyncset.done $0x0  }
0x153: {  	s30 =	simm.s32 $0x6590;
	[sflag:s18] =	ssyncadd.s32 $0xFFFF3800  }
0x154: {  	v0 =	vld [tilespmem:s30+$0x170]  }
0x155: {  	v1 =	vld [tilespmem:s30+$0x150]  }
0x156: {  	v2 =	vld [tilespmem:s30+$0x130]  }
0x157: {  	v3 =	vld [tilespmem:s30+$0x110]  }
0x158: {  	v4 =	vld [tilespmem:s30+$0xF0]  }
0x159: {  	v5 =	vld [tilespmem:s30+$0xD0]  }
0x15a: {  	v6 =	vld [tilespmem:s30+$0xB0]  }
0x15b: {  	v7 =	vld [tilespmem:s30+$0x90]  }
0x15c: {  	v8 =	vld [tilespmem:s30+$0x70]  }
0x15d: {  	v9 =	vld [tilespmem:s30+$0x50]  }
0x15e: {  	v10 =	vld [tilespmem:s30+$0x30]  }
0x15f: {  	v11 =	vld [tilespmem:s30+$0x10]  }
0x160: {  	v12 =	vld [tilespmem:s30+$0xFFFFFFF0]  }
0x161: {  	v13 =	vld [tilespmem:s30+$0xFFFFFFD0]  }
0x162: {  	v14 =	vld [tilespmem:s30+$0xFFFFFFB0]  }
0x163: {  	v15 =	vld [tilespmem:s30+$0xFFFFFF90]  }
0x164: {  	v16 =	vld [tilespmem:s30+$0xFFFFFF70]  }
0x165: {  	v17 =	vld [tilespmem:s30+$0xFFFFFF50]  }
0x166: {  	v18 =	vld [tilespmem:s30+$0xFFFFFF30]  }
0x167: {  	v19 =	vld [tilespmem:s30+$0xFFFFFF10]  }
0x168: {  	v20 =	vld [tilespmem:s30+$0xFFFFFEF0]  }
0x169: {  	v21 =	vld [tilespmem:s30+$0xFFFFFE90]  }
0x16a: {  	v22 =	vld [tilespmem:s30+$0xFFFFFED0]  }
0x16b: {  	v23 =	vld [tilespmem:s30+$0xFFFFFEA0]  }
0x16c: {  	v24 =	vld [tilespmem:s30+$0xFFFFFEB0]  }
0x16d: {  	v25 =	vld [tilespmem:s30+$0xFFFFFE70]  }
0x16e: {  	v26 =	vld [tilespmem:s30+$0xFFFFFE80]  }
0x16f: {  	s31 =	simm.s32 $0x40;
	v27 =	vld [tilespmem:s30+$0xFFFFFEC0]  }
.LBB2_6:
0x170: {  	p0 =	sne.s32 s31, $0xFC0;
	v28 =	vld [tilespmem:s30+$0xFFFFFEE0]  }
0x171: {  	v29 =	vld [tilespmem:s30+$0xFFFFFF00]  }
0x172: {  	v30 =	vld [tilespmem:s30+$0xFFFFFF20]  }
0x173: {  	v31 =	vld [tilespmem:s30+$0xFFFFFF40]  }
0x174: {  	v24 =	vadd.f32 v24, v25;
	v25 =	vadd.f32 v27, v26;
	v26 =	vld [tilespmem:s30+$0xFFFFFF60]  }
0x175: {  	v21 =	vadd.f32 v22, v21;
	v22 =	vadd.f32 v28, v23;
	v23 =	vld [tilespmem:s30+$0xFFFFFF80]  }
0x176: {  	v20 =	vadd.f32 v20, v24;
	v24 =	vadd.f32 v29, v25;
	v25 =	vld [tilespmem:s30+$0xFFFFFFA0]  }
0x177: {  	v19 =	vadd.f32 v19, v21;
	v21 =	vadd.f32 v30, v22;
	v22 =	vld [tilespmem:s30+$0xFFFFFFC0]  }
0x178: {  	v18 =	vadd.f32 v18, v20;
	v20 =	vadd.f32 v31, v24;
	v24 =	vld [tilespmem:s30+$0xFFFFFFE0]  }
0x179: {  	v17 =	vadd.f32 v17, v19;
	v19 =	vadd.f32 v26, v21;
	v21 =	vld [tilespmem:s30+$0x0]  }
0x17a: {  	v16 =	vadd.f32 v16, v18;
	v18 =	vadd.f32 v23, v20;
	v20 =	vld [tilespmem:s30+$0x20]  }
0x17b: {  	v15 =	vadd.f32 v15, v17;
	v17 =	vadd.f32 v25, v19;
	v19 =	vld [tilespmem:s30+$0x40]  }
0x17c: {  	v14 =	vadd.f32 v14, v16;
	v16 =	vadd.f32 v22, v18;
	v18 =	vld [tilespmem:s30+$0x60]  }
0x17d: {  	v13 =	vadd.f32 v13, v15;
	v15 =	vadd.f32 v24, v17;
	v17 =	vld [tilespmem:s30+$0x80]  }
0x17e: {  	v12 =	vadd.f32 v12, v14;
	v14 =	vadd.f32 v21, v16;
	v16 =	vld [tilespmem:s30+$0xA0]  }
0x17f: {  	v11 =	vadd.f32 v11, v13;
	v13 =	vadd.f32 v20, v15;
	v15 =	vld [tilespmem:s30+$0xC0]  }
0x180: {  	v10 =	vadd.f32 v10, v12;
	v12 =	vadd.f32 v19, v14;
	v14 =	vld [tilespmem:s30+$0xE0]  }
0x181: {  	v9 =	vadd.f32 v9, v11;
	v11 =	vadd.f32 v18, v13;
	v13 =	vld [tilespmem:s30+$0x100]  }
0x182: {  	v8 =	vadd.f32 v8, v10;
	v10 =	vadd.f32 v17, v12;
	v12 =	vld [tilespmem:s30+$0x120]  }
0x183: {  	v7 =	vadd.f32 v7, v9;
	v9 =	vadd.f32 v16, v11;
	v11 =	vld [tilespmem:s30+$0x140]  }
0x184: {  	v6 =	vadd.f32 v6, v8;
	v8 =	vadd.f32 v15, v10;
	v10 =	vld [tilespmem:s30+$0x160]  }
0x185: {  	v5 =	vadd.f32 v5, v7;
	v7 =	vadd.f32 v14, v9;
	v9 =	vld [tilespmem:s30+$0x180]  }
0x186: {  	v4 =	vadd.f32 v4, v6;
	v6 =	vadd.f32 v13, v8  }
0x187: {  	v3 =	vadd.f32 v3, v5;
	v5 =	vadd.f32 v12, v7  }
0x188: {  	v2 =	vadd.f32 v2, v4;
	v4 =	vadd.f32 v11, v6  }
0x189: {  	v1 =	vadd.f32 v1, v3;
	v3 =	vadd.f32 v10, v5  }
0x18a: {  	v0 =	vadd.f32 v0, v2;
	v2 =	vadd.f32 v9, v4;
	_ =	sdelay $0x1  }
0x18b: {  	v1 =	vadd.f32 v3, v1;
	v0 =	vadd.f32 v2, v0;
	_ =	sdelay $0x1  }
0x18c: {  	v0 =	vadd.f32 v0, v1;
	_ =	sdelay $0x1  }
0x18d: {  	v0 =	vmul.f32 $1.999999960e-02, v0  }
0x18e: {  	s1 =	sshra.s32 s29, $0x2;
	s29 =	smov.u32 s31  }
0x18f: {  	s30 =	sadd.s32 $0x320, s30;
	[tilespmem:s1+$0x1F400] =	vst v0  }
0x190: {  	v0 =	vld [tilespmem:s30+$0x170]  }
0x191: {  	v1 =	vld [tilespmem:s30+$0x150]  }
0x192: {  	v2 =	vld [tilespmem:s30+$0x130]  }
0x193: {  	v3 =	vld [tilespmem:s30+$0x110]  }
0x194: {  	v4 =	vld [tilespmem:s30+$0xF0]  }
0x195: {  	v5 =	vld [tilespmem:s30+$0xD0]  }
0x196: {  	v6 =	vld [tilespmem:s30+$0xB0]  }
0x197: {  	v7 =	vld [tilespmem:s30+$0x90]  }
0x198: {  	v8 =	vld [tilespmem:s30+$0x70]  }
0x199: {  	v9 =	vld [tilespmem:s30+$0x50]  }
0x19a: {  	v10 =	vld [tilespmem:s30+$0x30]  }
0x19b: {  	v11 =	vld [tilespmem:s30+$0x10]  }
0x19c: {  	v12 =	vld [tilespmem:s30+$0xFFFFFFF0]  }
0x19d: {  	v13 =	vld [tilespmem:s30+$0xFFFFFFD0]  }
0x19e: {  	v14 =	vld [tilespmem:s30+$0xFFFFFFB0]  }
0x19f: {  	v15 =	vld [tilespmem:s30+$0xFFFFFF90]  }
0x1a0: {  	v16 =	vld [tilespmem:s30+$0xFFFFFF70]  }
0x1a1: {  	v17 =	vld [tilespmem:s30+$0xFFFFFF50]  }
0x1a2: {  	v18 =	vld [tilespmem:s30+$0xFFFFFF30]  }
0x1a3: {  	v19 =	vld [tilespmem:s30+$0xFFFFFF10]  }
0x1a4: {  	v20 =	vld [tilespmem:s30+$0xFFFFFEF0]  }
0x1a5: {  	v21 =	vld [tilespmem:s30+$0xFFFFFE90]  }
0x1a6: {  	v22 =	vld [tilespmem:s30+$0xFFFFFED0]  }
.Ltmp2:
0x1a7: {  	v23 =	vld [tilespmem:s30+$0xFFFFFEA0];
	(pc) =	sbr.rel @p0 .LBB2_6-.Ltmp2, $4  }
0x1a8: {  	v24 =	vld [tilespmem:s30+$0xFFFFFEB0]  }
0x1a9: {  	v25 =	vld [tilespmem:s30+$0xFFFFFE70]  }
0x1aa: {  	v26 =	vld [tilespmem:s30+$0xFFFFFE80]  }
0x1ab: {  	s31 =	sadd.s32 $0x40, s31;
	v27 =	vld [tilespmem:s30+$0xFFFFFEC0]  }
0x1ac: {  	v28 =	vld [tilespmem:s30+$0xFFFFFEE0]  }
0x1ad: {  	v29 =	vld [tilespmem:s30+$0xFFFFFF00]  }
0x1ae: {  	v30 =	vld [tilespmem:s30+$0xFFFFFF20]  }
0x1af: {  	v31 =	vld [tilespmem:s30+$0xFFFFFF40];
	v24 =	vadd.f32 v24, v25  }
0x1b0: {  	v21 =	vadd.f32 v22, v21;
	v25 =	vadd.f32 v27, v26;
	v26 =	vld [tilespmem:s30+$0xFFFFFF60]  }
0x1b1: {  	v20 =	vadd.f32 v20, v24;
	v22 =	vadd.f32 v28, v23;
	v23 =	vld [tilespmem:s30+$0xFFFFFF80]  }
0x1b2: {  	v19 =	vadd.f32 v19, v21;
	v24 =	vadd.f32 v29, v25;
	v25 =	vld [tilespmem:s30+$0xFFFFFFA0]  }
0x1b3: {  	v18 =	vadd.f32 v18, v20;
	v21 =	vadd.f32 v30, v22;
	v22 =	vld [tilespmem:s30+$0xFFFFFFC0]  }
0x1b4: {  	v17 =	vadd.f32 v17, v19;
	v20 =	vadd.f32 v31, v24;
	v24 =	vld [tilespmem:s30+$0xFFFFFFE0]  }
0x1b5: {  	v16 =	vadd.f32 v16, v18;
	v19 =	vadd.f32 v26, v21;
	v21 =	vld [tilespmem:s30+$0x0]  }
0x1b6: {  	v15 =	vadd.f32 v15, v17;
	v18 =	vadd.f32 v23, v20;
	v20 =	vld [tilespmem:s30+$0x20]  }
0x1b7: {  	v14 =	vadd.f32 v14, v16;
	v17 =	vadd.f32 v25, v19;
	v19 =	vld [tilespmem:s30+$0x40]  }
0x1b8: {  	v13 =	vadd.f32 v13, v15;
	v16 =	vadd.f32 v22, v18;
	v18 =	vld [tilespmem:s30+$0x60]  }
0x1b9: {  	v12 =	vadd.f32 v12, v14;
	v15 =	vadd.f32 v24, v17;
	v17 =	vld [tilespmem:s30+$0x80]  }
0x1ba: {  	v11 =	vadd.f32 v11, v13;
	v14 =	vadd.f32 v21, v16;
	v16 =	vld [tilespmem:s30+$0xA0]  }
0x1bb: {  	v10 =	vadd.f32 v10, v12;
	v13 =	vadd.f32 v20, v15;
	v15 =	vld [tilespmem:s30+$0xC0]  }
0x1bc: {  	v9 =	vadd.f32 v9, v11;
	v12 =	vadd.f32 v19, v14;
	v14 =	vld [tilespmem:s30+$0xE0]  }
0x1bd: {  	v8 =	vadd.f32 v8, v10;
	v11 =	vadd.f32 v18, v13;
	v13 =	vld [tilespmem:s30+$0x100]  }
0x1be: {  	v7 =	vadd.f32 v7, v9;
	v10 =	vadd.f32 v17, v12;
	v12 =	vld [tilespmem:s30+$0x120]  }
0x1bf: {  	v6 =	vadd.f32 v6, v8;
	v9 =	vadd.f32 v16, v11;
	v11 =	vld [tilespmem:s30+$0x140]  }
0x1c0: {  	v5 =	vadd.f32 v5, v7;
	v8 =	vadd.f32 v15, v10;
	v10 =	vld [tilespmem:s30+$0x160]  }
0x1c1: {  	v4 =	vadd.f32 v4, v6;
	v7 =	vadd.f32 v14, v9;
	v9 =	vld [tilespmem:s30+$0x180]  }
0x1c2: {  	v6 =	vadd.f32 v13, v8  }
0x1c3: {  	v3 =	vadd.f32 v3, v5;
	v2 =	vadd.f32 v2, v4  }
0x1c4: {  	v5 =	vadd.f32 v12, v7;
	v4 =	vadd.f32 v11, v6  }
0x1c5: {  	v1 =	vadd.f32 v1, v3;
	v0 =	vadd.f32 v0, v2  }
0x1c6: {  	v3 =	vadd.f32 v10, v5;
	v2 =	vadd.f32 v9, v4;
	_ =	sdelay $0x1  }
0x1c7: {  	v1 =	vadd.f32 v3, v1;
	v0 =	vadd.f32 v2, v0;
	_ =	sdelay $0x1  }
0x1c8: {  	v0 =	vadd.f32 v0, v1;
	_ =	sdelay $0x1  }
0x1c9: {  	v0 =	vmul.f32 $1.999999960e-02, v0  }
0x1ca: {  	s1 =	sshra.s32 s29, $0x2  }
0x1cb: {  	s29 =	simm.s32 $0x1F400;
	[tilespmem:s1+$0x1F400] =	vst v0;
	s1 =	simm.s32 $0x0  }
0x1cc: {  	[hbm4b:s7+s1] =	stream.linear.scatter [tilespmem:s29], [sflag:$0x3], $0x400, $0x38;
	[tilespmem:$0x1F800] =	vst v63  }
0x1cd: {  	_ =	swait.ge [sflag:s14], $0x400  }
0x1ce: {  	[sflag:s14] =	ssyncset.done $0x0  }
0x1cf: {  	[sflag:s14] =	ssyncadd.s32 $0xFFFFFC00  }
0x1d0: {  	[tilespmem:s16], [sflag:$0x1] =	stream.indirect.gather [hbm4b:s3+s15], $0x10, s23, s15, $0xb8;
	[tilespmem:$0x1F800] =	vst v63  }
0x1d1: {  	_ =	swait.ge [sflag:s20], $0xC800  }
0x1d2: {  	[sflag:s20] =	ssyncset.done $0x0  }
0x1d3: {  	s30 =	simm.s32 $0x0;
	[sflag:s20] =	ssyncadd.s32 $0xFFFF3800  }
0x1d4: {  	v0 =	vld [tilespmem:s30+$0x12F00]  }
0x1d5: {  	v1 =	vld [tilespmem:s30+$0x12EE0]  }
0x1d6: {  	v2 =	vld [tilespmem:s30+$0x12EC0]  }
0x1d7: {  	v3 =	vld [tilespmem:s30+$0x12EA0]  }
0x1d8: {  	v4 =	vld [tilespmem:s30+$0x12E80]  }
0x1d9: {  	v5 =	vld [tilespmem:s30+$0x12E60]  }
0x1da: {  	v6 =	vld [tilespmem:s30+$0x12E40]  }
0x1db: {  	v7 =	vld [tilespmem:s30+$0x12E20]  }
0x1dc: {  	v8 =	vld [tilespmem:s30+$0x12E00]  }
0x1dd: {  	v9 =	vld [tilespmem:s30+$0x12DE0]  }
0x1de: {  	v10 =	vld [tilespmem:s30+$0x12DC0]  }
0x1df: {  	v11 =	vld [tilespmem:s30+$0x12DA0]  }
0x1e0: {  	v12 =	vld [tilespmem:s30+$0x12D80]  }
0x1e1: {  	v13 =	vld [tilespmem:s30+$0x12D60]  }
0x1e2: {  	v14 =	vld [tilespmem:s30+$0x12D40]  }
0x1e3: {  	v15 =	vld [tilespmem:s30+$0x12D20]  }
0x1e4: {  	v16 =	vld [tilespmem:s30+$0x12D00]  }
0x1e5: {  	v17 =	vld [tilespmem:s30+$0x12CE0]  }
0x1e6: {  	v18 =	vld [tilespmem:s30+$0x12CC0]  }
0x1e7: {  	v19 =	vld [tilespmem:s30+$0x12CA0]  }
0x1e8: {  	v20 =	vld [tilespmem:s30+$0x12C80]  }
0x1e9: {  	v21 =	vld [tilespmem:s30+$0x12C20]  }
0x1ea: {  	v22 =	vld [tilespmem:s30+$0x12C60]  }
0x1eb: {  	v23 =	vld [tilespmem:s30+$0x12C30]  }
0x1ec: {  	v24 =	vld [tilespmem:s30+$0x12C40]  }
0x1ed: {  	v25 =	vld [tilespmem:s30+$0x12C00]  }
0x1ee: {  	v26 =	vld [tilespmem:s30+$0x12C10]  }
0x1ef: {  	v27 =	vld [tilespmem:s30+$0x12C50]  }
0x1f0: {  	v60 =	vld [tilespmem:s30+$0x12C70]  }
0x1f1: {  	v61 =	vld [tilespmem:s30+$0x12C90]  }
0x1f2: {  	v62 =	vld [tilespmem:s30+$0x12CB0]  }
0x1f3: {  	v63 =	vld [tilespmem:s30+$0x12CD0]  }
0x1f4: {  	v24 =	vadd.f32 v24, v25;
	v25 =	vadd.f32 v27, v26;
	v26 =	vld [tilespmem:s30+$0x12CF0]  }
0x1f5: {  	v21 =	vadd.f32 v22, v21;
	v22 =	vadd.f32 v60, v23;
	v23 =	vld [tilespmem:s30+$0x12D10]  }
0x1f6: {  	v20 =	vadd.f32 v20, v24;
	v24 =	vadd.f32 v61, v25;
	v25 =	vld [tilespmem:s30+$0x12D30]  }
0x1f7: {  	v19 =	vadd.f32 v19, v21;
	v21 =	vadd.f32 v62, v22;
	v22 =	vld [tilespmem:s30+$0x12D50]  }
0x1f8: {  	v18 =	vadd.f32 v18, v20;
	v20 =	vadd.f32 v63, v24;
	v24 =	vld [tilespmem:s30+$0x12D70]  }
0x1f9: {  	v17 =	vadd.f32 v17, v19;
	v19 =	vadd.f32 v26, v21;
	v21 =	vld [tilespmem:s30+$0x12D90]  }
0x1fa: {  	v16 =	vadd.f32 v16, v18;
	v18 =	vadd.f32 v23, v20;
	v20 =	vld [tilespmem:s30+$0x12DB0]  }
0x1fb: {  	v15 =	vadd.f32 v15, v17;
	v17 =	vadd.f32 v25, v19;
	v19 =	vld [tilespmem:s30+$0x12DD0]  }
0x1fc: {  	v14 =	vadd.f32 v14, v16;
	v16 =	vadd.f32 v22, v18;
	v18 =	vld [tilespmem:s30+$0x12DF0]  }
0x1fd: {  	v13 =	vadd.f32 v13, v15;
	v15 =	vadd.f32 v24, v17;
	v17 =	vld [tilespmem:s30+$0x12E10]  }
0x1fe: {  	v12 =	vadd.f32 v12, v14;
	v14 =	vadd.f32 v21, v16;
	v16 =	vld [tilespmem:s30+$0x12E30]  }
0x1ff: {  	v11 =	vadd.f32 v11, v13;
	v13 =	vadd.f32 v20, v15;
	v15 =	vld [tilespmem:s30+$0x12E50]  }
0x200: {  	v10 =	vadd.f32 v10, v12;
	v12 =	vadd.f32 v19, v14;
	v14 =	vld [tilespmem:s30+$0x12E70]  }
0x201: {  	v9 =	vadd.f32 v9, v11;
	v11 =	vadd.f32 v18, v13;
	v13 =	vld [tilespmem:s30+$0x12E90]  }
0x202: {  	v8 =	vadd.f32 v8, v10;
	v10 =	vadd.f32 v17, v12;
	v12 =	vld [tilespmem:s30+$0x12EB0]  }
0x203: {  	v7 =	vadd.f32 v7, v9;
	v9 =	vadd.f32 v16, v11;
	v11 =	vld [tilespmem:s30+$0x12ED0]  }
0x204: {  	v6 =	vadd.f32 v6, v8;
	v8 =	vadd.f32 v15, v10;
	v10 =	vld [tilespmem:s30+$0x12EF0]  }
0x205: {  	v5 =	vadd.f32 v5, v7;
	v7 =	vadd.f32 v14, v9;
	v9 =	vld [tilespmem:s30+$0x12F10]  }
0x206: {  	v4 =	vadd.f32 v4, v6;
	v6 =	vadd.f32 v13, v8  }
0x207: {  	v3 =	vadd.f32 v3, v5;
	v5 =	vadd.f32 v12, v7  }
0x208: {  	v2 =	vadd.f32 v2, v4;
	v4 =	vadd.f32 v11, v6  }
0x209: {  	v1 =	vadd.f32 v1, v3;
	v3 =	vadd.f32 v10, v5  }
0x20a: {  	v0 =	vadd.f32 v0, v2;
	v2 =	vadd.f32 v9, v4;
	_ =	sdelay $0x1  }
0x20b: {  	v1 =	vadd.f32 v3, v1;
	v0 =	vadd.f32 v2, v0;
	_ =	sdelay $0x1  }
0x20c: {  	v0 =	vadd.f32 v0, v1;
	_ =	sdelay $0x1  }
0x20d: {  	v0 =	vmul.f32 $1.999999960e-02, v0;
	_ =	sdelay $0x1  }
0x20e: {  	s30 =	simm.s32 $0x320;
	[tilespmem:s29+$0x0] =	vst v0  }
0x20f: {  	v0 =	vld [tilespmem:s30+$0x12F00]  }
0x210: {  	v1 =	vld [tilespmem:s30+$0x12EE0]  }
0x211: {  	v2 =	vld [tilespmem:s30+$0x12EC0]  }
0x212: {  	v3 =	vld [tilespmem:s30+$0x12EA0]  }
0x213: {  	v4 =	vld [tilespmem:s30+$0x12E80]  }
0x214: {  	v5 =	vld [tilespmem:s30+$0x12E60]  }
0x215: {  	v6 =	vld [tilespmem:s30+$0x12E40]  }
0x216: {  	v7 =	vld [tilespmem:s30+$0x12E20]  }
0x217: {  	v8 =	vld [tilespmem:s30+$0x12E00]  }
0x218: {  	v9 =	vld [tilespmem:s30+$0x12DE0]  }
0x219: {  	v10 =	vld [tilespmem:s30+$0x12DC0]  }
0x21a: {  	v11 =	vld [tilespmem:s30+$0x12DA0]  }
0x21b: {  	v12 =	vld [tilespmem:s30+$0x12D80]  }
0x21c: {  	v13 =	vld [tilespmem:s30+$0x12D60]  }
0x21d: {  	v14 =	vld [tilespmem:s30+$0x12D40]  }
0x21e: {  	v15 =	vld [tilespmem:s30+$0x12D20]  }
0x21f: {  	v16 =	vld [tilespmem:s30+$0x12D00]  }
0x220: {  	v17 =	vld [tilespmem:s30+$0x12CE0]  }
0x221: {  	v18 =	vld [tilespmem:s30+$0x12CC0]  }
0x222: {  	v19 =	vld [tilespmem:s30+$0x12CA0]  }
0x223: {  	v20 =	vld [tilespmem:s30+$0x12C80]  }
0x224: {  	v21 =	vld [tilespmem:s30+$0x12C20]  }
0x225: {  	v22 =	vld [tilespmem:s30+$0x12C60]  }
0x226: {  	v23 =	vld [tilespmem:s30+$0x12C30]  }
0x227: {  	v24 =	vld [tilespmem:s30+$0x12C40]  }
0x228: {  	v25 =	vld [tilespmem:s30+$0x12C00]  }
0x229: {  	s31 =	simm.s32 $0x1900;
	v26 =	vld [tilespmem:s30+$0x12C10]  }
.LBB2_8:
0x22a: {  	p0 =	sne.s32 s31, $0x31380;
	v27 =	vld [tilespmem:s30+$0x12C50]  }
0x22b: {  	v28 =	vld [tilespmem:s30+$0x12C70]  }
0x22c: {  	v29 =	vld [tilespmem:s30+$0x12C90]  }
0x22d: {  	v30 =	vld [tilespmem:s30+$0x12CB0]  }
0x22e: {  	v31 =	vld [tilespmem:s30+$0x12CD0]  }
0x22f: {  	v24 =	vadd.f32 v24, v25;
	v25 =	vadd.f32 v27, v26;
	v26 =	vld [tilespmem:s30+$0x12CF0]  }
0x230: {  	v21 =	vadd.f32 v22, v21;
	v22 =	vadd.f32 v28, v23;
	v23 =	vld [tilespmem:s30+$0x12D10]  }
0x231: {  	v20 =	vadd.f32 v20, v24;
	v24 =	vadd.f32 v29, v25;
	v25 =	vld [tilespmem:s30+$0x12D30]  }
0x232: {  	v19 =	vadd.f32 v19, v21;
	v21 =	vadd.f32 v30, v22;
	v22 =	vld [tilespmem:s30+$0x12D50]  }
0x233: {  	v18 =	vadd.f32 v18, v20;
	v20 =	vadd.f32 v31, v24;
	v24 =	vld [tilespmem:s30+$0x12D70]  }
0x234: {  	v17 =	vadd.f32 v17, v19;
	v19 =	vadd.f32 v26, v21;
	v21 =	vld [tilespmem:s30+$0x12D90]  }
0x235: {  	v16 =	vadd.f32 v16, v18;
	v18 =	vadd.f32 v23, v20;
	v20 =	vld [tilespmem:s30+$0x12DB0]  }
0x236: {  	v15 =	vadd.f32 v15, v17;
	v17 =	vadd.f32 v25, v19;
	v19 =	vld [tilespmem:s30+$0x12DD0]  }
0x237: {  	v14 =	vadd.f32 v14, v16;
	v16 =	vadd.f32 v22, v18;
	v18 =	vld [tilespmem:s30+$0x12DF0]  }
0x238: {  	v13 =	vadd.f32 v13, v15;
	v15 =	vadd.f32 v24, v17;
	v17 =	vld [tilespmem:s30+$0x12E10]  }
0x239: {  	v12 =	vadd.f32 v12, v14;
	v14 =	vadd.f32 v21, v16;
	v16 =	vld [tilespmem:s30+$0x12E30]  }
0x23a: {  	v11 =	vadd.f32 v11, v13;
	v13 =	vadd.f32 v20, v15;
	v15 =	vld [tilespmem:s30+$0x12E50]  }
0x23b: {  	v10 =	vadd.f32 v10, v12;
	v12 =	vadd.f32 v19, v14;
	v14 =	vld [tilespmem:s30+$0x12E70]  }
0x23c: {  	v9 =	vadd.f32 v9, v11;
	v11 =	vadd.f32 v18, v13;
	v13 =	vld [tilespmem:s30+$0x12E90]  }
0x23d: {  	v8 =	vadd.f32 v8, v10;
	v10 =	vadd.f32 v17, v12;
	v12 =	vld [tilespmem:s30+$0x12EB0]  }
0x23e: {  	v7 =	vadd.f32 v7, v9;
	v9 =	vadd.f32 v16, v11;
	v11 =	vld [tilespmem:s30+$0x12ED0]  }
0x23f: {  	v6 =	vadd.f32 v6, v8;
	v8 =	vadd.f32 v15, v10;
	v10 =	vld [tilespmem:s30+$0x12EF0]  }
0x240: {  	v5 =	vadd.f32 v5, v7;
	v7 =	vadd.f32 v14, v9;
	v9 =	vld [tilespmem:s30+$0x12F10]  }
0x241: {  	v4 =	vadd.f32 v4, v6;
	v6 =	vadd.f32 v13, v8  }
0x242: {  	v3 =	vadd.f32 v3, v5;
	v5 =	vadd.f32 v12, v7  }
0x243: {  	v2 =	vadd.f32 v2, v4;
	v4 =	vadd.f32 v11, v6  }
0x244: {  	v1 =	vadd.f32 v1, v3;
	v3 =	vadd.f32 v10, v5  }
0x245: {  	v0 =	vadd.f32 v0, v2;
	v2 =	vadd.f32 v9, v4;
	_ =	sdelay $0x1  }
0x246: {  	v1 =	vadd.f32 v3, v1;
	v0 =	vadd.f32 v2, v0;
	_ =	sdelay $0x1  }
0x247: {  	v0 =	vadd.f32 v0, v1;
	_ =	sdelay $0x1  }
0x248: {  	v0 =	vmul.f32 $1.999999960e-02, v0  }
0x249: {  	s29 =	sadd.s32 $0x10, s29  }
0x24a: {  	s30 =	sshra.s32 s31, $0x2;
	[tilespmem:s29+$0x0] =	vst v0  }
0x24b: {  	v0 =	vld [tilespmem:s30+$0x12F00]  }
0x24c: {  	v1 =	vld [tilespmem:s30+$0x12EE0]  }
0x24d: {  	v2 =	vld [tilespmem:s30+$0x12EC0]  }
0x24e: {  	v3 =	vld [tilespmem:s30+$0x12EA0]  }
0x24f: {  	v4 =	vld [tilespmem:s30+$0x12E80]  }
0x250: {  	v5 =	vld [tilespmem:s30+$0x12E60]  }
0x251: {  	v6 =	vld [tilespmem:s30+$0x12E40]  }
0x252: {  	v7 =	vld [tilespmem:s30+$0x12E20]  }
0x253: {  	v8 =	vld [tilespmem:s30+$0x12E00]  }
0x254: {  	v9 =	vld [tilespmem:s30+$0x12DE0]  }
0x255: {  	v10 =	vld [tilespmem:s30+$0x12DC0]  }
0x256: {  	v11 =	vld [tilespmem:s30+$0x12DA0]  }
0x257: {  	v12 =	vld [tilespmem:s30+$0x12D80]  }
0x258: {  	v13 =	vld [tilespmem:s30+$0x12D60]  }
0x259: {  	v14 =	vld [tilespmem:s30+$0x12D40]  }
0x25a: {  	v15 =	vld [tilespmem:s30+$0x12D20]  }
0x25b: {  	v16 =	vld [tilespmem:s30+$0x12D00]  }
0x25c: {  	v17 =	vld [tilespmem:s30+$0x12CE0]  }
0x25d: {  	v18 =	vld [tilespmem:s30+$0x12CC0]  }
0x25e: {  	v19 =	vld [tilespmem:s30+$0x12CA0]  }
0x25f: {  	v20 =	vld [tilespmem:s30+$0x12C80]  }
0x260: {  	v21 =	vld [tilespmem:s30+$0x12C20]  }
.Ltmp3:
0x261: {  	v22 =	vld [tilespmem:s30+$0x12C60];
	(pc) =	sbr.rel @p0 .LBB2_8-.Ltmp3, $4  }
0x262: {  	v23 =	vld [tilespmem:s30+$0x12C30]  }
0x263: {  	v24 =	vld [tilespmem:s30+$0x12C40]  }
0x264: {  	v25 =	vld [tilespmem:s30+$0x12C00]  }
0x265: {  	s31 =	sadd.s32 $0xC80, s31;
	v26 =	vld [tilespmem:s30+$0x12C10]  }
0x266: {  	v27 =	vld [tilespmem:s30+$0x12C50]  }
0x267: {  	v28 =	vld [tilespmem:s30+$0x12C70]  }
0x268: {  	v29 =	vld [tilespmem:s30+$0x12C90]  }
0x269: {  	v30 =	vld [tilespmem:s30+$0x12CB0]  }
0x26a: {  	v31 =	vld [tilespmem:s30+$0x12CD0];
	v24 =	vadd.f32 v24, v25  }
0x26b: {  	v21 =	vadd.f32 v22, v21;
	v25 =	vadd.f32 v27, v26;
	v26 =	vld [tilespmem:s30+$0x12CF0]  }
0x26c: {  	v22 =	vadd.f32 v28, v23;
	v23 =	vld [tilespmem:s30+$0x12D10];
	v20 =	vadd.f32 v20, v24  }
0x26d: {  	v19 =	vadd.f32 v19, v21;
	v24 =	vadd.f32 v29, v25;
	v25 =	vld [tilespmem:s30+$0x12D30]  }
0x26e: {  	v21 =	vadd.f32 v30, v22;
	v22 =	vld [tilespmem:s30+$0x12D50];
	v18 =	vadd.f32 v18, v20  }
0x26f: {  	v17 =	vadd.f32 v17, v19;
	v20 =	vadd.f32 v31, v24;
	v24 =	vld [tilespmem:s30+$0x12D70]  }
0x270: {  	v16 =	vadd.f32 v16, v18;
	v19 =	vadd.f32 v26, v21;
	v21 =	vld [tilespmem:s30+$0x12D90]  }
0x271: {  	v15 =	vadd.f32 v15, v17;
	v18 =	vadd.f32 v23, v20;
	v20 =	vld [tilespmem:s30+$0x12DB0]  }
0x272: {  	v14 =	vadd.f32 v14, v16;
	v17 =	vadd.f32 v25, v19;
	v19 =	vld [tilespmem:s30+$0x12DD0]  }
0x273: {  	v13 =	vadd.f32 v13, v15;
	v16 =	vadd.f32 v22, v18;
	v18 =	vld [tilespmem:s30+$0x12DF0]  }
0x274: {  	v12 =	vadd.f32 v12, v14;
	v15 =	vadd.f32 v24, v17;
	v17 =	vld [tilespmem:s30+$0x12E10]  }
0x275: {  	v11 =	vadd.f32 v11, v13;
	v14 =	vadd.f32 v21, v16;
	v16 =	vld [tilespmem:s30+$0x12E30]  }
0x276: {  	v10 =	vadd.f32 v10, v12;
	v13 =	vadd.f32 v20, v15;
	v15 =	vld [tilespmem:s30+$0x12E50]  }
0x277: {  	v9 =	vadd.f32 v9, v11;
	v12 =	vadd.f32 v19, v14;
	v14 =	vld [tilespmem:s30+$0x12E70]  }
0x278: {  	v8 =	vadd.f32 v8, v10;
	v11 =	vadd.f32 v18, v13;
	v13 =	vld [tilespmem:s30+$0x12E90]  }
0x279: {  	v7 =	vadd.f32 v7, v9;
	v10 =	vadd.f32 v17, v12;
	v12 =	vld [tilespmem:s30+$0x12EB0]  }
0x27a: {  	v6 =	vadd.f32 v6, v8;
	v9 =	vadd.f32 v16, v11;
	v11 =	vld [tilespmem:s30+$0x12ED0]  }
0x27b: {  	v5 =	vadd.f32 v5, v7;
	v8 =	vadd.f32 v15, v10;
	v10 =	vld [tilespmem:s30+$0x12EF0]  }
0x27c: {  	v4 =	vadd.f32 v4, v6;
	v7 =	vadd.f32 v14, v9;
	v9 =	vld [tilespmem:s30+$0x12F10]  }
0x27d: {  	v6 =	vadd.f32 v13, v8  }
0x27e: {  	v3 =	vadd.f32 v3, v5;
	v2 =	vadd.f32 v2, v4  }
0x27f: {  	v5 =	vadd.f32 v12, v7;
	v4 =	vadd.f32 v11, v6  }
0x280: {  	v1 =	vadd.f32 v1, v3;
	v0 =	vadd.f32 v0, v2  }
0x281: {  	v3 =	vadd.f32 v10, v5;
	v2 =	vadd.f32 v9, v4;
	_ =	sdelay $0x1  }
0x282: {  	v1 =	vadd.f32 v3, v1;
	v0 =	vadd.f32 v2, v0;
	_ =	sdelay $0x1  }
0x283: {  	v0 =	vadd.f32 v0, v1;
	_ =	sdelay $0x1  }
0x284: {  	v0 =	vmul.f32 $1.999999960e-02, v0  }
0x285: {  	s1 =	sadd.s32 $0x10, s29  }
0x286: {  	s29 =	simm.s32 $0x0;
	[tilespmem:s1+$0x0] =	vst v0  }
0x287: {  	[hbm4b:s8+s29] =	stream.linear.scatter [tilespmem:s21], [sflag:$0x3], $0x400, $0x38;
	[tilespmem:$0x1F800] =	vst v63  }
0x288: {  	_ =	swait.ge [sflag:s14], $0x400  }
0x289: {  	[sflag:s14] =	ssyncset.done $0x0  }
0x28a: {  	[sflag:s14] =	ssyncadd.s32 $0xFFFFFC00  }
0x28b: {  	[tilespmem:s17], [sflag:$0x2] =	stream.indirect.gather [hbm4b:s3+s15], $0x10, s24, s15, $0xb8;
	[tilespmem:$0x1F800] =	vst v63  }
0x28c: {  	_ =	swait.ge [sflag:s18], $0xC800  }
0x28d: {  	[sflag:s18] =	ssyncset.done $0x0  }
0x28e: {  	s30 =	simm.s32 $0x6590;
	[sflag:s18] =	ssyncadd.s32 $0xFFFF3800  }
0x28f: {  	v0 =	vld [tilespmem:s30+$0x170]  }
0x290: {  	v1 =	vld [tilespmem:s30+$0x150]  }
0x291: {  	v2 =	vld [tilespmem:s30+$0x130]  }
0x292: {  	v3 =	vld [tilespmem:s30+$0x110]  }
0x293: {  	v4 =	vld [tilespmem:s30+$0xF0]  }
0x294: {  	v5 =	vld [tilespmem:s30+$0xD0]  }
0x295: {  	v6 =	vld [tilespmem:s30+$0xB0]  }
0x296: {  	v7 =	vld [tilespmem:s30+$0x90]  }
0x297: {  	v8 =	vld [tilespmem:s30+$0x70]  }
0x298: {  	v9 =	vld [tilespmem:s30+$0x50]  }
0x299: {  	v10 =	vld [tilespmem:s30+$0x30]  }
0x29a: {  	v11 =	vld [tilespmem:s30+$0x10]  }
0x29b: {  	v12 =	vld [tilespmem:s30+$0xFFFFFFF0]  }
0x29c: {  	v13 =	vld [tilespmem:s30+$0xFFFFFFD0]  }
0x29d: {  	v14 =	vld [tilespmem:s30+$0xFFFFFFB0]  }
0x29e: {  	v15 =	vld [tilespmem:s30+$0xFFFFFF90]  }
0x29f: {  	v16 =	vld [tilespmem:s30+$0xFFFFFF70]  }
0x2a0: {  	v17 =	vld [tilespmem:s30+$0xFFFFFF50]  }
0x2a1: {  	v18 =	vld [tilespmem:s30+$0xFFFFFF30]  }
0x2a2: {  	v19 =	vld [tilespmem:s30+$0xFFFFFF10]  }
0x2a3: {  	v20 =	vld [tilespmem:s30+$0xFFFFFEF0]  }
0x2a4: {  	v21 =	vld [tilespmem:s30+$0xFFFFFE90]  }
0x2a5: {  	v22 =	vld [tilespmem:s30+$0xFFFFFED0]  }
0x2a6: {  	v23 =	vld [tilespmem:s30+$0xFFFFFEA0]  }
0x2a7: {  	v24 =	vld [tilespmem:s30+$0xFFFFFEB0]  }
0x2a8: {  	v25 =	vld [tilespmem:s30+$0xFFFFFE70]  }
0x2a9: {  	v26 =	vld [tilespmem:s30+$0xFFFFFE80]  }
0x2aa: {  	s31 =	simm.s32 $0x40;
	v27 =	vld [tilespmem:s30+$0xFFFFFEC0]  }
.LBB2_10:
0x2ab: {  	p0 =	sne.s32 s31, $0xFC0;
	v28 =	vld [tilespmem:s30+$0xFFFFFEE0]  }
0x2ac: {  	v29 =	vld [tilespmem:s30+$0xFFFFFF00]  }
0x2ad: {  	v30 =	vld [tilespmem:s30+$0xFFFFFF20]  }
0x2ae: {  	v31 =	vld [tilespmem:s30+$0xFFFFFF40]  }
0x2af: {  	v24 =	vadd.f32 v24, v25;
	v25 =	vadd.f32 v27, v26;
	v26 =	vld [tilespmem:s30+$0xFFFFFF60]  }
0x2b0: {  	v21 =	vadd.f32 v22, v21;
	v22 =	vadd.f32 v28, v23;
	v23 =	vld [tilespmem:s30+$0xFFFFFF80]  }
0x2b1: {  	v20 =	vadd.f32 v20, v24;
	v24 =	vadd.f32 v29, v25;
	v25 =	vld [tilespmem:s30+$0xFFFFFFA0]  }
0x2b2: {  	v19 =	vadd.f32 v19, v21;
	v21 =	vadd.f32 v30, v22;
	v22 =	vld [tilespmem:s30+$0xFFFFFFC0]  }
0x2b3: {  	v18 =	vadd.f32 v18, v20;
	v20 =	vadd.f32 v31, v24;
	v24 =	vld [tilespmem:s30+$0xFFFFFFE0]  }
0x2b4: {  	v17 =	vadd.f32 v17, v19;
	v19 =	vadd.f32 v26, v21;
	v21 =	vld [tilespmem:s30+$0x0]  }
0x2b5: {  	v16 =	vadd.f32 v16, v18;
	v18 =	vadd.f32 v23, v20;
	v20 =	vld [tilespmem:s30+$0x20]  }
0x2b6: {  	v15 =	vadd.f32 v15, v17;
	v17 =	vadd.f32 v25, v19;
	v19 =	vld [tilespmem:s30+$0x40]  }
0x2b7: {  	v14 =	vadd.f32 v14, v16;
	v16 =	vadd.f32 v22, v18;
	v18 =	vld [tilespmem:s30+$0x60]  }
0x2b8: {  	v13 =	vadd.f32 v13, v15;
	v15 =	vadd.f32 v24, v17;
	v17 =	vld [tilespmem:s30+$0x80]  }
0x2b9: {  	v12 =	vadd.f32 v12, v14;
	v14 =	vadd.f32 v21, v16;
	v16 =	vld [tilespmem:s30+$0xA0]  }
0x2ba: {  	v11 =	vadd.f32 v11, v13;
	v13 =	vadd.f32 v20, v15;
	v15 =	vld [tilespmem:s30+$0xC0]  }
0x2bb: {  	v10 =	vadd.f32 v10, v12;
	v12 =	vadd.f32 v19, v14;
	v14 =	vld [tilespmem:s30+$0xE0]  }
0x2bc: {  	v9 =	vadd.f32 v9, v11;
	v11 =	vadd.f32 v18, v13;
	v13 =	vld [tilespmem:s30+$0x100]  }
0x2bd: {  	v8 =	vadd.f32 v8, v10;
	v10 =	vadd.f32 v17, v12;
	v12 =	vld [tilespmem:s30+$0x120]  }
0x2be: {  	v7 =	vadd.f32 v7, v9;
	v9 =	vadd.f32 v16, v11;
	v11 =	vld [tilespmem:s30+$0x140]  }
0x2bf: {  	v6 =	vadd.f32 v6, v8;
	v8 =	vadd.f32 v15, v10;
	v10 =	vld [tilespmem:s30+$0x160]  }
0x2c0: {  	v5 =	vadd.f32 v5, v7;
	v7 =	vadd.f32 v14, v9;
	v9 =	vld [tilespmem:s30+$0x180]  }
0x2c1: {  	v4 =	vadd.f32 v4, v6;
	v6 =	vadd.f32 v13, v8  }
0x2c2: {  	v3 =	vadd.f32 v3, v5;
	v5 =	vadd.f32 v12, v7  }
0x2c3: {  	v2 =	vadd.f32 v2, v4;
	v4 =	vadd.f32 v11, v6  }
0x2c4: {  	v1 =	vadd.f32 v1, v3;
	v3 =	vadd.f32 v10, v5  }
0x2c5: {  	v0 =	vadd.f32 v0, v2;
	v2 =	vadd.f32 v9, v4;
	_ =	sdelay $0x1  }
0x2c6: {  	v1 =	vadd.f32 v3, v1;
	v0 =	vadd.f32 v2, v0;
	_ =	sdelay $0x1  }
0x2c7: {  	v0 =	vadd.f32 v0, v1;
	_ =	sdelay $0x1  }
0x2c8: {  	v0 =	vmul.f32 $1.999999960e-02, v0  }
0x2c9: {  	s1 =	sshra.s32 s29, $0x2;
	s29 =	smov.u32 s31  }
0x2ca: {  	s30 =	sadd.s32 $0x320, s30;
	[tilespmem:s1+$0x1F400] =	vst v0  }
0x2cb: {  	v0 =	vld [tilespmem:s30+$0x170]  }
0x2cc: {  	v1 =	vld [tilespmem:s30+$0x150]  }
0x2cd: {  	v2 =	vld [tilespmem:s30+$0x130]  }
0x2ce: {  	v3 =	vld [tilespmem:s30+$0x110]  }
0x2cf: {  	v4 =	vld [tilespmem:s30+$0xF0]  }
0x2d0: {  	v5 =	vld [tilespmem:s30+$0xD0]  }
0x2d1: {  	v6 =	vld [tilespmem:s30+$0xB0]  }
0x2d2: {  	v7 =	vld [tilespmem:s30+$0x90]  }
0x2d3: {  	v8 =	vld [tilespmem:s30+$0x70]  }
0x2d4: {  	v9 =	vld [tilespmem:s30+$0x50]  }
0x2d5: {  	v10 =	vld [tilespmem:s30+$0x30]  }
0x2d6: {  	v11 =	vld [tilespmem:s30+$0x10]  }
0x2d7: {  	v12 =	vld [tilespmem:s30+$0xFFFFFFF0]  }
0x2d8: {  	v13 =	vld [tilespmem:s30+$0xFFFFFFD0]  }
0x2d9: {  	v14 =	vld [tilespmem:s30+$0xFFFFFFB0]  }
0x2da: {  	v15 =	vld [tilespmem:s30+$0xFFFFFF90]  }
0x2db: {  	v16 =	vld [tilespmem:s30+$0xFFFFFF70]  }
0x2dc: {  	v17 =	vld [tilespmem:s30+$0xFFFFFF50]  }
0x2dd: {  	v18 =	vld [tilespmem:s30+$0xFFFFFF30]  }
0x2de: {  	v19 =	vld [tilespmem:s30+$0xFFFFFF10]  }
0x2df: {  	v20 =	vld [tilespmem:s30+$0xFFFFFEF0]  }
0x2e0: {  	v21 =	vld [tilespmem:s30+$0xFFFFFE90]  }
0x2e1: {  	v22 =	vld [tilespmem:s30+$0xFFFFFED0]  }
.Ltmp4:
0x2e2: {  	v23 =	vld [tilespmem:s30+$0xFFFFFEA0];
	(pc) =	sbr.rel @p0 .LBB2_10-.Ltmp4, $4  }
0x2e3: {  	v24 =	vld [tilespmem:s30+$0xFFFFFEB0]  }
0x2e4: {  	v25 =	vld [tilespmem:s30+$0xFFFFFE70]  }
0x2e5: {  	v26 =	vld [tilespmem:s30+$0xFFFFFE80]  }
0x2e6: {  	s31 =	sadd.s32 $0x40, s31;
	v27 =	vld [tilespmem:s30+$0xFFFFFEC0]  }
0x2e7: {  	v28 =	vld [tilespmem:s30+$0xFFFFFEE0]  }
0x2e8: {  	v29 =	vld [tilespmem:s30+$0xFFFFFF00]  }
0x2e9: {  	v30 =	vld [tilespmem:s30+$0xFFFFFF20]  }
0x2ea: {  	v31 =	vld [tilespmem:s30+$0xFFFFFF40];
	v24 =	vadd.f32 v24, v25  }
0x2eb: {  	v21 =	vadd.f32 v22, v21;
	v25 =	vadd.f32 v27, v26;
	v26 =	vld [tilespmem:s30+$0xFFFFFF60]  }
0x2ec: {  	v20 =	vadd.f32 v20, v24;
	v22 =	vadd.f32 v28, v23;
	v23 =	vld [tilespmem:s30+$0xFFFFFF80]  }
0x2ed: {  	v19 =	vadd.f32 v19, v21;
	v24 =	vadd.f32 v29, v25;
	v25 =	vld [tilespmem:s30+$0xFFFFFFA0]  }
0x2ee: {  	v18 =	vadd.f32 v18, v20;
	v21 =	vadd.f32 v30, v22;
	v22 =	vld [tilespmem:s30+$0xFFFFFFC0]  }
0x2ef: {  	v17 =	vadd.f32 v17, v19;
	v20 =	vadd.f32 v31, v24;
	v24 =	vld [tilespmem:s30+$0xFFFFFFE0]  }
0x2f0: {  	v16 =	vadd.f32 v16, v18;
	v19 =	vadd.f32 v26, v21;
	v21 =	vld [tilespmem:s30+$0x0]  }
0x2f1: {  	v15 =	vadd.f32 v15, v17;
	v18 =	vadd.f32 v23, v20;
	v20 =	vld [tilespmem:s30+$0x20]  }
0x2f2: {  	v14 =	vadd.f32 v14, v16;
	v17 =	vadd.f32 v25, v19;
	v19 =	vld [tilespmem:s30+$0x40]  }
0x2f3: {  	v13 =	vadd.f32 v13, v15;
	v16 =	vadd.f32 v22, v18;
	v18 =	vld [tilespmem:s30+$0x60]  }
0x2f4: {  	v12 =	vadd.f32 v12, v14;
	v15 =	vadd.f32 v24, v17;
	v17 =	vld [tilespmem:s30+$0x80]  }
0x2f5: {  	v11 =	vadd.f32 v11, v13;
	v14 =	vadd.f32 v21, v16;
	v16 =	vld [tilespmem:s30+$0xA0]  }
0x2f6: {  	v10 =	vadd.f32 v10, v12;
	v13 =	vadd.f32 v20, v15;
	v15 =	vld [tilespmem:s30+$0xC0]  }
0x2f7: {  	v9 =	vadd.f32 v9, v11;
	v12 =	vadd.f32 v19, v14;
	v14 =	vld [tilespmem:s30+$0xE0]  }
0x2f8: {  	v8 =	vadd.f32 v8, v10;
	v11 =	vadd.f32 v18, v13;
	v13 =	vld [tilespmem:s30+$0x100]  }
0x2f9: {  	v7 =	vadd.f32 v7, v9;
	v10 =	vadd.f32 v17, v12;
	v12 =	vld [tilespmem:s30+$0x120]  }
0x2fa: {  	v6 =	vadd.f32 v6, v8;
	v9 =	vadd.f32 v16, v11;
	v11 =	vld [tilespmem:s30+$0x140]  }
0x2fb: {  	v5 =	vadd.f32 v5, v7;
	v8 =	vadd.f32 v15, v10;
	v10 =	vld [tilespmem:s30+$0x160]  }
0x2fc: {  	v4 =	vadd.f32 v4, v6;
	v7 =	vadd.f32 v14, v9;
	v9 =	vld [tilespmem:s30+$0x180]  }
0x2fd: {  	v6 =	vadd.f32 v13, v8  }
0x2fe: {  	v3 =	vadd.f32 v3, v5;
	v2 =	vadd.f32 v2, v4  }
0x2ff: {  	v5 =	vadd.f32 v12, v7;
	v4 =	vadd.f32 v11, v6  }
0x300: {  	v1 =	vadd.f32 v1, v3;
	v0 =	vadd.f32 v0, v2  }
0x301: {  	v3 =	vadd.f32 v10, v5;
	v2 =	vadd.f32 v9, v4;
	_ =	sdelay $0x1  }
0x302: {  	v1 =	vadd.f32 v3, v1;
	v0 =	vadd.f32 v2, v0;
	_ =	sdelay $0x1  }
0x303: {  	v0 =	vadd.f32 v0, v1;
	_ =	sdelay $0x1  }
0x304: {  	v0 =	vmul.f32 $1.999999960e-02, v0  }
0x305: {  	s1 =	sshra.s32 s29, $0x2  }
0x306: {  	s29 =	simm.s32 $0x1F400;
	[tilespmem:s1+$0x1F400] =	vst v0;
	s1 =	simm.s32 $0x0  }
0x307: {  	[hbm4b:s9+s1] =	stream.linear.scatter [tilespmem:s29], [sflag:$0x3], $0x400, $0x38;
	[tilespmem:$0x1F800] =	vst v63  }
0x308: {  	_ =	swait.ge [sflag:s14], $0x400  }
0x309: {  	[sflag:s14] =	ssyncset.done $0x0  }
0x30a: {  	[sflag:s14] =	ssyncadd.s32 $0xFFFFFC00  }
0x30b: {  	[tilespmem:s16], [sflag:$0x1] =	stream.indirect.gather [hbm4b:s3+s15], $0x10, s25, s15, $0xb8;
	[tilespmem:$0x1F800] =	vst v63  }
0x30c: {  	_ =	swait.ge [sflag:s20], $0xC800  }
0x30d: {  	[sflag:s20] =	ssyncset.done $0x0  }
0x30e: {  	s30 =	simm.s32 $0x0;
	[sflag:s20] =	ssyncadd.s32 $0xFFFF3800  }
0x30f: {  	v0 =	vld [tilespmem:s30+$0x12F00]  }
0x310: {  	v1 =	vld [tilespmem:s30+$0x12EE0]  }
0x311: {  	v2 =	vld [tilespmem:s30+$0x12EC0]  }
0x312: {  	v3 =	vld [tilespmem:s30+$0x12EA0]  }
0x313: {  	v4 =	vld [tilespmem:s30+$0x12E80]  }
0x314: {  	v5 =	vld [tilespmem:s30+$0x12E60]  }
0x315: {  	v6 =	vld [tilespmem:s30+$0x12E40]  }
0x316: {  	v7 =	vld [tilespmem:s30+$0x12E20]  }
0x317: {  	v8 =	vld [tilespmem:s30+$0x12E00]  }
0x318: {  	v9 =	vld [tilespmem:s30+$0x12DE0]  }
0x319: {  	v10 =	vld [tilespmem:s30+$0x12DC0]  }
0x31a: {  	v11 =	vld [tilespmem:s30+$0x12DA0]  }
0x31b: {  	v12 =	vld [tilespmem:s30+$0x12D80]  }
0x31c: {  	v13 =	vld [tilespmem:s30+$0x12D60]  }
0x31d: {  	v14 =	vld [tilespmem:s30+$0x12D40]  }
0x31e: {  	v15 =	vld [tilespmem:s30+$0x12D20]  }
0x31f: {  	v16 =	vld [tilespmem:s30+$0x12D00]  }
0x320: {  	v17 =	vld [tilespmem:s30+$0x12CE0]  }
0x321: {  	v18 =	vld [tilespmem:s30+$0x12CC0]  }
0x322: {  	v19 =	vld [tilespmem:s30+$0x12CA0]  }
0x323: {  	v20 =	vld [tilespmem:s30+$0x12C80]  }
0x324: {  	v21 =	vld [tilespmem:s30+$0x12C20]  }
0x325: {  	v22 =	vld [tilespmem:s30+$0x12C60]  }
0x326: {  	v23 =	vld [tilespmem:s30+$0x12C30]  }
0x327: {  	v24 =	vld [tilespmem:s30+$0x12C40]  }
0x328: {  	v25 =	vld [tilespmem:s30+$0x12C00]  }
0x329: {  	v26 =	vld [tilespmem:s30+$0x12C10]  }
0x32a: {  	v27 =	vld [tilespmem:s30+$0x12C50]  }
0x32b: {  	v60 =	vld [tilespmem:s30+$0x12C70]  }
0x32c: {  	v61 =	vld [tilespmem:s30+$0x12C90]  }
0x32d: {  	v62 =	vld [tilespmem:s30+$0x12CB0]  }
0x32e: {  	v63 =	vld [tilespmem:s30+$0x12CD0]  }
0x32f: {  	v24 =	vadd.f32 v24, v25;
	v25 =	vadd.f32 v27, v26;
	v26 =	vld [tilespmem:s30+$0x12CF0]  }
0x330: {  	v21 =	vadd.f32 v22, v21;
	v22 =	vadd.f32 v60, v23;
	v23 =	vld [tilespmem:s30+$0x12D10]  }
0x331: {  	v20 =	vadd.f32 v20, v24;
	v24 =	vadd.f32 v61, v25;
	v25 =	vld [tilespmem:s30+$0x12D30]  }
0x332: {  	v19 =	vadd.f32 v19, v21;
	v21 =	vadd.f32 v62, v22;
	v22 =	vld [tilespmem:s30+$0x12D50]  }
0x333: {  	v18 =	vadd.f32 v18, v20;
	v20 =	vadd.f32 v63, v24;
	v24 =	vld [tilespmem:s30+$0x12D70]  }
0x334: {  	v17 =	vadd.f32 v17, v19;
	v19 =	vadd.f32 v26, v21;
	v21 =	vld [tilespmem:s30+$0x12D90]  }
0x335: {  	v16 =	vadd.f32 v16, v18;
	v18 =	vadd.f32 v23, v20;
	v20 =	vld [tilespmem:s30+$0x12DB0]  }
0x336: {  	v15 =	vadd.f32 v15, v17;
	v17 =	vadd.f32 v25, v19;
	v19 =	vld [tilespmem:s30+$0x12DD0]  }
0x337: {  	v14 =	vadd.f32 v14, v16;
	v16 =	vadd.f32 v22, v18;
	v18 =	vld [tilespmem:s30+$0x12DF0]  }
0x338: {  	v13 =	vadd.f32 v13, v15;
	v15 =	vadd.f32 v24, v17;
	v17 =	vld [tilespmem:s30+$0x12E10]  }
0x339: {  	v12 =	vadd.f32 v12, v14;
	v14 =	vadd.f32 v21, v16;
	v16 =	vld [tilespmem:s30+$0x12E30]  }
0x33a: {  	v11 =	vadd.f32 v11, v13;
	v13 =	vadd.f32 v20, v15;
	v15 =	vld [tilespmem:s30+$0x12E50]  }
0x33b: {  	v10 =	vadd.f32 v10, v12;
	v12 =	vadd.f32 v19, v14;
	v14 =	vld [tilespmem:s30+$0x12E70]  }
0x33c: {  	v9 =	vadd.f32 v9, v11;
	v11 =	vadd.f32 v18, v13;
	v13 =	vld [tilespmem:s30+$0x12E90]  }
0x33d: {  	v8 =	vadd.f32 v8, v10;
	v10 =	vadd.f32 v17, v12;
	v12 =	vld [tilespmem:s30+$0x12EB0]  }
0x33e: {  	v7 =	vadd.f32 v7, v9;
	v9 =	vadd.f32 v16, v11;
	v11 =	vld [tilespmem:s30+$0x12ED0]  }
0x33f: {  	v6 =	vadd.f32 v6, v8;
	v8 =	vadd.f32 v15, v10;
	v10 =	vld [tilespmem:s30+$0x12EF0]  }
0x340: {  	v5 =	vadd.f32 v5, v7;
	v7 =	vadd.f32 v14, v9;
	v9 =	vld [tilespmem:s30+$0x12F10]  }
0x341: {  	v4 =	vadd.f32 v4, v6;
	v6 =	vadd.f32 v13, v8  }
0x342: {  	v3 =	vadd.f32 v3, v5;
	v5 =	vadd.f32 v12, v7  }
0x343: {  	v2 =	vadd.f32 v2, v4;
	v4 =	vadd.f32 v11, v6  }
0x344: {  	v1 =	vadd.f32 v1, v3;
	v3 =	vadd.f32 v10, v5  }
0x345: {  	v0 =	vadd.f32 v0, v2;
	v2 =	vadd.f32 v9, v4;
	_ =	sdelay $0x1  }
0x346: {  	v1 =	vadd.f32 v3, v1;
	v0 =	vadd.f32 v2, v0;
	_ =	sdelay $0x1  }
0x347: {  	v0 =	vadd.f32 v0, v1;
	_ =	sdelay $0x1  }
0x348: {  	v0 =	vmul.f32 $1.999999960e-02, v0;
	_ =	sdelay $0x1  }
0x349: {  	s30 =	simm.s32 $0x320;
	[tilespmem:s29+$0x0] =	vst v0  }
0x34a: {  	v0 =	vld [tilespmem:s30+$0x12F00]  }
0x34b: {  	v1 =	vld [tilespmem:s30+$0x12EE0]  }
0x34c: {  	v2 =	vld [tilespmem:s30+$0x12EC0]  }
0x34d: {  	v3 =	vld [tilespmem:s30+$0x12EA0]  }
0x34e: {  	v4 =	vld [tilespmem:s30+$0x12E80]  }
0x34f: {  	v5 =	vld [tilespmem:s30+$0x12E60]  }
0x350: {  	v6 =	vld [tilespmem:s30+$0x12E40]  }
0x351: {  	v7 =	vld [tilespmem:s30+$0x12E20]  }
0x352: {  	v8 =	vld [tilespmem:s30+$0x12E00]  }
0x353: {  	v9 =	vld [tilespmem:s30+$0x12DE0]  }
0x354: {  	v10 =	vld [tilespmem:s30+$0x12DC0]  }
0x355: {  	v11 =	vld [tilespmem:s30+$0x12DA0]  }
0x356: {  	v12 =	vld [tilespmem:s30+$0x12D80]  }
0x357: {  	v13 =	vld [tilespmem:s30+$0x12D60]  }
0x358: {  	v14 =	vld [tilespmem:s30+$0x12D40]  }
0x359: {  	v15 =	vld [tilespmem:s30+$0x12D20]  }
0x35a: {  	v16 =	vld [tilespmem:s30+$0x12D00]  }
0x35b: {  	v17 =	vld [tilespmem:s30+$0x12CE0]  }
0x35c: {  	v18 =	vld [tilespmem:s30+$0x12CC0]  }
0x35d: {  	v19 =	vld [tilespmem:s30+$0x12CA0]  }
0x35e: {  	v20 =	vld [tilespmem:s30+$0x12C80]  }
0x35f: {  	v21 =	vld [tilespmem:s30+$0x12C20]  }
0x360: {  	v22 =	vld [tilespmem:s30+$0x12C60]  }
0x361: {  	v23 =	vld [tilespmem:s30+$0x12C30]  }
0x362: {  	v24 =	vld [tilespmem:s30+$0x12C40]  }
0x363: {  	v25 =	vld [tilespmem:s30+$0x12C00]  }
0x364: {  	s31 =	simm.s32 $0x1900;
	v26 =	vld [tilespmem:s30+$0x12C10]  }
.LBB2_12:
0x365: {  	p0 =	sne.s32 s31, $0x31380;
	v27 =	vld [tilespmem:s30+$0x12C50]  }
0x366: {  	v28 =	vld [tilespmem:s30+$0x12C70]  }
0x367: {  	v29 =	vld [tilespmem:s30+$0x12C90]  }
0x368: {  	v30 =	vld [tilespmem:s30+$0x12CB0]  }
0x369: {  	v31 =	vld [tilespmem:s30+$0x12CD0]  }
0x36a: {  	v24 =	vadd.f32 v24, v25;
	v25 =	vadd.f32 v27, v26;
	v26 =	vld [tilespmem:s30+$0x12CF0]  }
0x36b: {  	v21 =	vadd.f32 v22, v21;
	v22 =	vadd.f32 v28, v23;
	v23 =	vld [tilespmem:s30+$0x12D10]  }
0x36c: {  	v20 =	vadd.f32 v20, v24;
	v24 =	vadd.f32 v29, v25;
	v25 =	vld [tilespmem:s30+$0x12D30]  }
0x36d: {  	v19 =	vadd.f32 v19, v21;
	v21 =	vadd.f32 v30, v22;
	v22 =	vld [tilespmem:s30+$0x12D50]  }
0x36e: {  	v18 =	vadd.f32 v18, v20;
	v20 =	vadd.f32 v31, v24;
	v24 =	vld [tilespmem:s30+$0x12D70]  }
0x36f: {  	v17 =	vadd.f32 v17, v19;
	v19 =	vadd.f32 v26, v21;
	v21 =	vld [tilespmem:s30+$0x12D90]  }
0x370: {  	v16 =	vadd.f32 v16, v18;
	v18 =	vadd.f32 v23, v20;
	v20 =	vld [tilespmem:s30+$0x12DB0]  }
0x371: {  	v15 =	vadd.f32 v15, v17;
	v17 =	vadd.f32 v25, v19;
	v19 =	vld [tilespmem:s30+$0x12DD0]  }
0x372: {  	v14 =	vadd.f32 v14, v16;
	v16 =	vadd.f32 v22, v18;
	v18 =	vld [tilespmem:s30+$0x12DF0]  }
0x373: {  	v13 =	vadd.f32 v13, v15;
	v15 =	vadd.f32 v24, v17;
	v17 =	vld [tilespmem:s30+$0x12E10]  }
0x374: {  	v12 =	vadd.f32 v12, v14;
	v14 =	vadd.f32 v21, v16;
	v16 =	vld [tilespmem:s30+$0x12E30]  }
0x375: {  	v11 =	vadd.f32 v11, v13;
	v13 =	vadd.f32 v20, v15;
	v15 =	vld [tilespmem:s30+$0x12E50]  }
0x376: {  	v10 =	vadd.f32 v10, v12;
	v12 =	vadd.f32 v19, v14;
	v14 =	vld [tilespmem:s30+$0x12E70]  }
0x377: {  	v9 =	vadd.f32 v9, v11;
	v11 =	vadd.f32 v18, v13;
	v13 =	vld [tilespmem:s30+$0x12E90]  }
0x378: {  	v8 =	vadd.f32 v8, v10;
	v10 =	vadd.f32 v17, v12;
	v12 =	vld [tilespmem:s30+$0x12EB0]  }
0x379: {  	v7 =	vadd.f32 v7, v9;
	v9 =	vadd.f32 v16, v11;
	v11 =	vld [tilespmem:s30+$0x12ED0]  }
0x37a: {  	v6 =	vadd.f32 v6, v8;
	v8 =	vadd.f32 v15, v10;
	v10 =	vld [tilespmem:s30+$0x12EF0]  }
0x37b: {  	v5 =	vadd.f32 v5, v7;
	v7 =	vadd.f32 v14, v9;
	v9 =	vld [tilespmem:s30+$0x12F10]  }
0x37c: {  	v4 =	vadd.f32 v4, v6;
	v6 =	vadd.f32 v13, v8  }
0x37d: {  	v3 =	vadd.f32 v3, v5;
	v5 =	vadd.f32 v12, v7  }
0x37e: {  	v2 =	vadd.f32 v2, v4;
	v4 =	vadd.f32 v11, v6  }
0x37f: {  	v1 =	vadd.f32 v1, v3;
	v3 =	vadd.f32 v10, v5  }
0x380: {  	v0 =	vadd.f32 v0, v2;
	v2 =	vadd.f32 v9, v4;
	_ =	sdelay $0x1  }
0x381: {  	v1 =	vadd.f32 v3, v1;
	v0 =	vadd.f32 v2, v0;
	_ =	sdelay $0x1  }
0x382: {  	v0 =	vadd.f32 v0, v1;
	_ =	sdelay $0x1  }
0x383: {  	v0 =	vmul.f32 $1.999999960e-02, v0  }
0x384: {  	s29 =	sadd.s32 $0x10, s29  }
0x385: {  	s30 =	sshra.s32 s31, $0x2;
	[tilespmem:s29+$0x0] =	vst v0  }
0x386: {  	v0 =	vld [tilespmem:s30+$0x12F00]  }
0x387: {  	v1 =	vld [tilespmem:s30+$0x12EE0]  }
0x388: {  	v2 =	vld [tilespmem:s30+$0x12EC0]  }
0x389: {  	v3 =	vld [tilespmem:s30+$0x12EA0]  }
0x38a: {  	v4 =	vld [tilespmem:s30+$0x12E80]  }
0x38b: {  	v5 =	vld [tilespmem:s30+$0x12E60]  }
0x38c: {  	v6 =	vld [tilespmem:s30+$0x12E40]  }
0x38d: {  	v7 =	vld [tilespmem:s30+$0x12E20]  }
0x38e: {  	v8 =	vld [tilespmem:s30+$0x12E00]  }
0x38f: {  	v9 =	vld [tilespmem:s30+$0x12DE0]  }
0x390: {  	v10 =	vld [tilespmem:s30+$0x12DC0]  }
0x391: {  	v11 =	vld [tilespmem:s30+$0x12DA0]  }
0x392: {  	v12 =	vld [tilespmem:s30+$0x12D80]  }
0x393: {  	v13 =	vld [tilespmem:s30+$0x12D60]  }
0x394: {  	v14 =	vld [tilespmem:s30+$0x12D40]  }
0x395: {  	v15 =	vld [tilespmem:s30+$0x12D20]  }
0x396: {  	v16 =	vld [tilespmem:s30+$0x12D00]  }
0x397: {  	v17 =	vld [tilespmem:s30+$0x12CE0]  }
0x398: {  	v18 =	vld [tilespmem:s30+$0x12CC0]  }
0x399: {  	v19 =	vld [tilespmem:s30+$0x12CA0]  }
0x39a: {  	v20 =	vld [tilespmem:s30+$0x12C80]  }
0x39b: {  	v21 =	vld [tilespmem:s30+$0x12C20]  }
.Ltmp5:
0x39c: {  	v22 =	vld [tilespmem:s30+$0x12C60];
	(pc) =	sbr.rel @p0 .LBB2_12-.Ltmp5, $4  }
0x39d: {  	v23 =	vld [tilespmem:s30+$0x12C30]  }
0x39e: {  	v24 =	vld [tilespmem:s30+$0x12C40]  }
0x39f: {  	v25 =	vld [tilespmem:s30+$0x12C00]  }
0x3a0: {  	s31 =	sadd.s32 $0xC80, s31;
	v26 =	vld [tilespmem:s30+$0x12C10]  }
0x3a1: {  	v27 =	vld [tilespmem:s30+$0x12C50]  }
0x3a2: {  	v28 =	vld [tilespmem:s30+$0x12C70]  }
0x3a3: {  	v29 =	vld [tilespmem:s30+$0x12C90]  }
0x3a4: {  	v30 =	vld [tilespmem:s30+$0x12CB0]  }
0x3a5: {  	v31 =	vld [tilespmem:s30+$0x12CD0];
	v24 =	vadd.f32 v24, v25  }
0x3a6: {  	v21 =	vadd.f32 v22, v21;
	v25 =	vadd.f32 v27, v26;
	v26 =	vld [tilespmem:s30+$0x12CF0]  }
0x3a7: {  	v22 =	vadd.f32 v28, v23;
	v23 =	vld [tilespmem:s30+$0x12D10];
	v20 =	vadd.f32 v20, v24  }
0x3a8: {  	v19 =	vadd.f32 v19, v21;
	v24 =	vadd.f32 v29, v25;
	v25 =	vld [tilespmem:s30+$0x12D30]  }
0x3a9: {  	v21 =	vadd.f32 v30, v22;
	v22 =	vld [tilespmem:s30+$0x12D50];
	v18 =	vadd.f32 v18, v20  }
0x3aa: {  	v17 =	vadd.f32 v17, v19;
	v20 =	vadd.f32 v31, v24;
	v24 =	vld [tilespmem:s30+$0x12D70]  }
0x3ab: {  	v16 =	vadd.f32 v16, v18;
	v19 =	vadd.f32 v26, v21;
	v21 =	vld [tilespmem:s30+$0x12D90]  }
0x3ac: {  	v15 =	vadd.f32 v15, v17;
	v18 =	vadd.f32 v23, v20;
	v20 =	vld [tilespmem:s30+$0x12DB0]  }
0x3ad: {  	v14 =	vadd.f32 v14, v16;
	v17 =	vadd.f32 v25, v19;
	v19 =	vld [tilespmem:s30+$0x12DD0]  }
0x3ae: {  	v13 =	vadd.f32 v13, v15;
	v16 =	vadd.f32 v22, v18;
	v18 =	vld [tilespmem:s30+$0x12DF0]  }
0x3af: {  	v12 =	vadd.f32 v12, v14;
	v15 =	vadd.f32 v24, v17;
	v17 =	vld [tilespmem:s30+$0x12E10]  }
0x3b0: {  	v11 =	vadd.f32 v11, v13;
	v14 =	vadd.f32 v21, v16;
	v16 =	vld [tilespmem:s30+$0x12E30]  }
0x3b1: {  	v10 =	vadd.f32 v10, v12;
	v13 =	vadd.f32 v20, v15;
	v15 =	vld [tilespmem:s30+$0x12E50]  }
0x3b2: {  	v9 =	vadd.f32 v9, v11;
	v12 =	vadd.f32 v19, v14;
	v14 =	vld [tilespmem:s30+$0x12E70]  }
0x3b3: {  	v8 =	vadd.f32 v8, v10;
	v11 =	vadd.f32 v18, v13;
	v13 =	vld [tilespmem:s30+$0x12E90]  }
0x3b4: {  	v7 =	vadd.f32 v7, v9;
	v10 =	vadd.f32 v17, v12;
	v12 =	vld [tilespmem:s30+$0x12EB0]  }
0x3b5: {  	v6 =	vadd.f32 v6, v8;
	v9 =	vadd.f32 v16, v11;
	v11 =	vld [tilespmem:s30+$0x12ED0]  }
0x3b6: {  	v5 =	vadd.f32 v5, v7;
	v8 =	vadd.f32 v15, v10;
	v10 =	vld [tilespmem:s30+$0x12EF0]  }
0x3b7: {  	v4 =	vadd.f32 v4, v6;
	v7 =	vadd.f32 v14, v9;
	v9 =	vld [tilespmem:s30+$0x12F10]  }
0x3b8: {  	v6 =	vadd.f32 v13, v8  }
0x3b9: {  	v3 =	vadd.f32 v3, v5;
	v2 =	vadd.f32 v2, v4  }
0x3ba: {  	v5 =	vadd.f32 v12, v7;
	v4 =	vadd.f32 v11, v6  }
0x3bb: {  	v1 =	vadd.f32 v1, v3;
	v0 =	vadd.f32 v0, v2  }
0x3bc: {  	v3 =	vadd.f32 v10, v5;
	v2 =	vadd.f32 v9, v4;
	_ =	sdelay $0x1  }
0x3bd: {  	v1 =	vadd.f32 v3, v1;
	v0 =	vadd.f32 v2, v0;
	_ =	sdelay $0x1  }
0x3be: {  	v0 =	vadd.f32 v0, v1;
	_ =	sdelay $0x1  }
0x3bf: {  	v0 =	vmul.f32 $1.999999960e-02, v0  }
0x3c0: {  	s1 =	sadd.s32 $0x10, s29  }
0x3c1: {  	s29 =	simm.s32 $0x0;
	[tilespmem:s1+$0x0] =	vst v0  }
0x3c2: {  	[hbm4b:s10+s29] =	stream.linear.scatter [tilespmem:s21], [sflag:$0x3], $0x400, $0x38;
	[tilespmem:$0x1F800] =	vst v63  }
0x3c3: {  	_ =	swait.ge [sflag:s14], $0x400  }
0x3c4: {  	[sflag:s14] =	ssyncset.done $0x0  }
0x3c5: {  	[sflag:s14] =	ssyncadd.s32 $0xFFFFFC00  }
0x3c6: {  	[tilespmem:s17], [sflag:$0x2] =	stream.indirect.gather [hbm4b:s3+s15], $0x10, s26, s15, $0xb8;
	[tilespmem:$0x1F800] =	vst v63  }
0x3c7: {  	_ =	swait.ge [sflag:s18], $0xC800  }
0x3c8: {  	[sflag:s18] =	ssyncset.done $0x0  }
0x3c9: {  	s30 =	simm.s32 $0x6590;
	[sflag:s18] =	ssyncadd.s32 $0xFFFF3800  }
0x3ca: {  	v0 =	vld [tilespmem:s30+$0x170]  }
0x3cb: {  	v1 =	vld [tilespmem:s30+$0x150]  }
0x3cc: {  	v2 =	vld [tilespmem:s30+$0x130]  }
0x3cd: {  	v3 =	vld [tilespmem:s30+$0x110]  }
0x3ce: {  	v4 =	vld [tilespmem:s30+$0xF0]  }
0x3cf: {  	v5 =	vld [tilespmem:s30+$0xD0]  }
0x3d0: {  	v6 =	vld [tilespmem:s30+$0xB0]  }
0x3d1: {  	v7 =	vld [tilespmem:s30+$0x90]  }
0x3d2: {  	v8 =	vld [tilespmem:s30+$0x70]  }
0x3d3: {  	v9 =	vld [tilespmem:s30+$0x50]  }
0x3d4: {  	v10 =	vld [tilespmem:s30+$0x30]  }
0x3d5: {  	v11 =	vld [tilespmem:s30+$0x10]  }
0x3d6: {  	v12 =	vld [tilespmem:s30+$0xFFFFFFF0]  }
0x3d7: {  	v13 =	vld [tilespmem:s30+$0xFFFFFFD0]  }
0x3d8: {  	v14 =	vld [tilespmem:s30+$0xFFFFFFB0]  }
0x3d9: {  	v15 =	vld [tilespmem:s30+$0xFFFFFF90]  }
0x3da: {  	v16 =	vld [tilespmem:s30+$0xFFFFFF70]  }
0x3db: {  	v17 =	vld [tilespmem:s30+$0xFFFFFF50]  }
0x3dc: {  	v18 =	vld [tilespmem:s30+$0xFFFFFF30]  }
0x3dd: {  	v19 =	vld [tilespmem:s30+$0xFFFFFF10]  }
0x3de: {  	v20 =	vld [tilespmem:s30+$0xFFFFFEF0]  }
0x3df: {  	v21 =	vld [tilespmem:s30+$0xFFFFFE90]  }
0x3e0: {  	v22 =	vld [tilespmem:s30+$0xFFFFFED0]  }
0x3e1: {  	v23 =	vld [tilespmem:s30+$0xFFFFFEA0]  }
0x3e2: {  	v24 =	vld [tilespmem:s30+$0xFFFFFEB0]  }
0x3e3: {  	v25 =	vld [tilespmem:s30+$0xFFFFFE70]  }
0x3e4: {  	v26 =	vld [tilespmem:s30+$0xFFFFFE80]  }
0x3e5: {  	s31 =	simm.s32 $0x40;
	v27 =	vld [tilespmem:s30+$0xFFFFFEC0]  }
.LBB2_14:
0x3e6: {  	p0 =	sne.s32 s31, $0xFC0;
	v28 =	vld [tilespmem:s30+$0xFFFFFEE0]  }
0x3e7: {  	v29 =	vld [tilespmem:s30+$0xFFFFFF00]  }
0x3e8: {  	v30 =	vld [tilespmem:s30+$0xFFFFFF20]  }
0x3e9: {  	v31 =	vld [tilespmem:s30+$0xFFFFFF40]  }
0x3ea: {  	v24 =	vadd.f32 v24, v25;
	v25 =	vadd.f32 v27, v26;
	v26 =	vld [tilespmem:s30+$0xFFFFFF60]  }
0x3eb: {  	v21 =	vadd.f32 v22, v21;
	v22 =	vadd.f32 v28, v23;
	v23 =	vld [tilespmem:s30+$0xFFFFFF80]  }
0x3ec: {  	v20 =	vadd.f32 v20, v24;
	v24 =	vadd.f32 v29, v25;
	v25 =	vld [tilespmem:s30+$0xFFFFFFA0]  }
0x3ed: {  	v19 =	vadd.f32 v19, v21;
	v21 =	vadd.f32 v30, v22;
	v22 =	vld [tilespmem:s30+$0xFFFFFFC0]  }
0x3ee: {  	v18 =	vadd.f32 v18, v20;
	v20 =	vadd.f32 v31, v24;
	v24 =	vld [tilespmem:s30+$0xFFFFFFE0]  }
0x3ef: {  	v17 =	vadd.f32 v17, v19;
	v19 =	vadd.f32 v26, v21;
	v21 =	vld [tilespmem:s30+$0x0]  }
0x3f0: {  	v16 =	vadd.f32 v16, v18;
	v18 =	vadd.f32 v23, v20;
	v20 =	vld [tilespmem:s30+$0x20]  }
0x3f1: {  	v15 =	vadd.f32 v15, v17;
	v17 =	vadd.f32 v25, v19;
	v19 =	vld [tilespmem:s30+$0x40]  }
0x3f2: {  	v14 =	vadd.f32 v14, v16;
	v16 =	vadd.f32 v22, v18;
	v18 =	vld [tilespmem:s30+$0x60]  }
0x3f3: {  	v13 =	vadd.f32 v13, v15;
	v15 =	vadd.f32 v24, v17;
	v17 =	vld [tilespmem:s30+$0x80]  }
0x3f4: {  	v12 =	vadd.f32 v12, v14;
	v14 =	vadd.f32 v21, v16;
	v16 =	vld [tilespmem:s30+$0xA0]  }
0x3f5: {  	v11 =	vadd.f32 v11, v13;
	v13 =	vadd.f32 v20, v15;
	v15 =	vld [tilespmem:s30+$0xC0]  }
0x3f6: {  	v10 =	vadd.f32 v10, v12;
	v12 =	vadd.f32 v19, v14;
	v14 =	vld [tilespmem:s30+$0xE0]  }
0x3f7: {  	v9 =	vadd.f32 v9, v11;
	v11 =	vadd.f32 v18, v13;
	v13 =	vld [tilespmem:s30+$0x100]  }
0x3f8: {  	v8 =	vadd.f32 v8, v10;
	v10 =	vadd.f32 v17, v12;
	v12 =	vld [tilespmem:s30+$0x120]  }
0x3f9: {  	v7 =	vadd.f32 v7, v9;
	v9 =	vadd.f32 v16, v11;
	v11 =	vld [tilespmem:s30+$0x140]  }
0x3fa: {  	v6 =	vadd.f32 v6, v8;
	v8 =	vadd.f32 v15, v10;
	v10 =	vld [tilespmem:s30+$0x160]  }
0x3fb: {  	v5 =	vadd.f32 v5, v7;
	v7 =	vadd.f32 v14, v9;
	v9 =	vld [tilespmem:s30+$0x180]  }
0x3fc: {  	v4 =	vadd.f32 v4, v6;
	v6 =	vadd.f32 v13, v8  }
0x3fd: {  	v3 =	vadd.f32 v3, v5;
	v5 =	vadd.f32 v12, v7  }
0x3fe: {  	v2 =	vadd.f32 v2, v4;
	v4 =	vadd.f32 v11, v6  }
0x3ff: {  	v1 =	vadd.f32 v1, v3;
	v3 =	vadd.f32 v10, v5  }
0x400: {  	v0 =	vadd.f32 v0, v2;
	v2 =	vadd.f32 v9, v4;
	_ =	sdelay $0x1  }
0x401: {  	v1 =	vadd.f32 v3, v1;
	v0 =	vadd.f32 v2, v0;
	_ =	sdelay $0x1  }
0x402: {  	v0 =	vadd.f32 v0, v1;
	_ =	sdelay $0x1  }
0x403: {  	v0 =	vmul.f32 $1.999999960e-02, v0  }
0x404: {  	s1 =	sshra.s32 s29, $0x2;
	s29 =	smov.u32 s31  }
0x405: {  	s30 =	sadd.s32 $0x320, s30;
	[tilespmem:s1+$0x1F400] =	vst v0  }
0x406: {  	v0 =	vld [tilespmem:s30+$0x170]  }
0x407: {  	v1 =	vld [tilespmem:s30+$0x150]  }
0x408: {  	v2 =	vld [tilespmem:s30+$0x130]  }
0x409: {  	v3 =	vld [tilespmem:s30+$0x110]  }
0x40a: {  	v4 =	vld [tilespmem:s30+$0xF0]  }
0x40b: {  	v5 =	vld [tilespmem:s30+$0xD0]  }
0x40c: {  	v6 =	vld [tilespmem:s30+$0xB0]  }
0x40d: {  	v7 =	vld [tilespmem:s30+$0x90]  }
0x40e: {  	v8 =	vld [tilespmem:s30+$0x70]  }
0x40f: {  	v9 =	vld [tilespmem:s30+$0x50]  }
0x410: {  	v10 =	vld [tilespmem:s30+$0x30]  }
0x411: {  	v11 =	vld [tilespmem:s30+$0x10]  }
0x412: {  	v12 =	vld [tilespmem:s30+$0xFFFFFFF0]  }
0x413: {  	v13 =	vld [tilespmem:s30+$0xFFFFFFD0]  }
0x414: {  	v14 =	vld [tilespmem:s30+$0xFFFFFFB0]  }
0x415: {  	v15 =	vld [tilespmem:s30+$0xFFFFFF90]  }
0x416: {  	v16 =	vld [tilespmem:s30+$0xFFFFFF70]  }
0x417: {  	v17 =	vld [tilespmem:s30+$0xFFFFFF50]  }
0x418: {  	v18 =	vld [tilespmem:s30+$0xFFFFFF30]  }
0x419: {  	v19 =	vld [tilespmem:s30+$0xFFFFFF10]  }
0x41a: {  	v20 =	vld [tilespmem:s30+$0xFFFFFEF0]  }
0x41b: {  	v21 =	vld [tilespmem:s30+$0xFFFFFE90]  }
0x41c: {  	v22 =	vld [tilespmem:s30+$0xFFFFFED0]  }
.Ltmp6:
0x41d: {  	v23 =	vld [tilespmem:s30+$0xFFFFFEA0];
	(pc) =	sbr.rel @p0 .LBB2_14-.Ltmp6, $4  }
0x41e: {  	v24 =	vld [tilespmem:s30+$0xFFFFFEB0]  }
0x41f: {  	v25 =	vld [tilespmem:s30+$0xFFFFFE70]  }
0x420: {  	v26 =	vld [tilespmem:s30+$0xFFFFFE80]  }
0x421: {  	s31 =	sadd.s32 $0x40, s31;
	v27 =	vld [tilespmem:s30+$0xFFFFFEC0]  }
0x422: {  	v28 =	vld [tilespmem:s30+$0xFFFFFEE0]  }
0x423: {  	v29 =	vld [tilespmem:s30+$0xFFFFFF00]  }
0x424: {  	v30 =	vld [tilespmem:s30+$0xFFFFFF20]  }
0x425: {  	v31 =	vld [tilespmem:s30+$0xFFFFFF40];
	v24 =	vadd.f32 v24, v25  }
0x426: {  	v21 =	vadd.f32 v22, v21;
	v25 =	vadd.f32 v27, v26;
	v26 =	vld [tilespmem:s30+$0xFFFFFF60]  }
0x427: {  	v20 =	vadd.f32 v20, v24;
	v22 =	vadd.f32 v28, v23;
	v23 =	vld [tilespmem:s30+$0xFFFFFF80]  }
0x428: {  	v19 =	vadd.f32 v19, v21;
	v24 =	vadd.f32 v29, v25;
	v25 =	vld [tilespmem:s30+$0xFFFFFFA0]  }
0x429: {  	v18 =	vadd.f32 v18, v20;
	v21 =	vadd.f32 v30, v22;
	v22 =	vld [tilespmem:s30+$0xFFFFFFC0]  }
0x42a: {  	v17 =	vadd.f32 v17, v19;
	v20 =	vadd.f32 v31, v24;
	v24 =	vld [tilespmem:s30+$0xFFFFFFE0]  }
0x42b: {  	v16 =	vadd.f32 v16, v18;
	v19 =	vadd.f32 v26, v21;
	v21 =	vld [tilespmem:s30+$0x0]  }
0x42c: {  	v15 =	vadd.f32 v15, v17;
	v18 =	vadd.f32 v23, v20;
	v20 =	vld [tilespmem:s30+$0x20]  }
0x42d: {  	v14 =	vadd.f32 v14, v16;
	v17 =	vadd.f32 v25, v19;
	v19 =	vld [tilespmem:s30+$0x40]  }
0x42e: {  	v13 =	vadd.f32 v13, v15;
	v16 =	vadd.f32 v22, v18;
	v18 =	vld [tilespmem:s30+$0x60]  }
0x42f: {  	v12 =	vadd.f32 v12, v14;
	v15 =	vadd.f32 v24, v17;
	v17 =	vld [tilespmem:s30+$0x80]  }
0x430: {  	v11 =	vadd.f32 v11, v13;
	v14 =	vadd.f32 v21, v16;
	v16 =	vld [tilespmem:s30+$0xA0]  }
0x431: {  	v10 =	vadd.f32 v10, v12;
	v13 =	vadd.f32 v20, v15;
	v15 =	vld [tilespmem:s30+$0xC0]  }
0x432: {  	v9 =	vadd.f32 v9, v11;
	v12 =	vadd.f32 v19, v14;
	v14 =	vld [tilespmem:s30+$0xE0]  }
0x433: {  	v8 =	vadd.f32 v8, v10;
	v11 =	vadd.f32 v18, v13;
	v13 =	vld [tilespmem:s30+$0x100]  }
0x434: {  	v7 =	vadd.f32 v7, v9;
	v10 =	vadd.f32 v17, v12;
	v12 =	vld [tilespmem:s30+$0x120]  }
0x435: {  	v6 =	vadd.f32 v6, v8;
	v9 =	vadd.f32 v16, v11;
	v11 =	vld [tilespmem:s30+$0x140]  }
0x436: {  	v5 =	vadd.f32 v5, v7;
	v8 =	vadd.f32 v15, v10;
	v10 =	vld [tilespmem:s30+$0x160]  }
0x437: {  	v4 =	vadd.f32 v4, v6;
	v7 =	vadd.f32 v14, v9;
	v9 =	vld [tilespmem:s30+$0x180]  }
0x438: {  	v6 =	vadd.f32 v13, v8  }
0x439: {  	v3 =	vadd.f32 v3, v5;
	v2 =	vadd.f32 v2, v4  }
0x43a: {  	v5 =	vadd.f32 v12, v7;
	v4 =	vadd.f32 v11, v6  }
0x43b: {  	v1 =	vadd.f32 v1, v3;
	v0 =	vadd.f32 v0, v2  }
0x43c: {  	v3 =	vadd.f32 v10, v5;
	v2 =	vadd.f32 v9, v4;
	_ =	sdelay $0x1  }
0x43d: {  	v1 =	vadd.f32 v3, v1;
	v0 =	vadd.f32 v2, v0;
	_ =	sdelay $0x1  }
0x43e: {  	v0 =	vadd.f32 v0, v1;
	_ =	sdelay $0x1  }
0x43f: {  	v0 =	vmul.f32 $1.999999960e-02, v0  }
0x440: {  	s1 =	sshra.s32 s29, $0x2  }
0x441: {  	s29 =	simm.s32 $0x1F400;
	[tilespmem:s1+$0x1F400] =	vst v0;
	s1 =	simm.s32 $0x0  }
0x442: {  	[hbm4b:s11+s1] =	stream.linear.scatter [tilespmem:s29], [sflag:$0x3], $0x400, $0x38;
	[tilespmem:$0x1F800] =	vst v63  }
0x443: {  	_ =	swait.ge [sflag:s14], $0x400  }
0x444: {  	[sflag:s14] =	ssyncset.done $0x0  }
0x445: {  	[sflag:s14] =	ssyncadd.s32 $0xFFFFFC00  }
0x446: {  	_ =	swait.ge [sflag:s20], $0xC800  }
0x447: {  	[sflag:s20] =	ssyncset.done $0x0  }
0x448: {  	s30 =	simm.s32 $0x0;
	[sflag:s20] =	ssyncadd.s32 $0xFFFF3800  }
0x449: {  	v0 =	vld [tilespmem:s30+$0x12F00]  }
0x44a: {  	v1 =	vld [tilespmem:s30+$0x12EE0]  }
0x44b: {  	v2 =	vld [tilespmem:s30+$0x12EC0]  }
0x44c: {  	v3 =	vld [tilespmem:s30+$0x12EA0]  }
0x44d: {  	v4 =	vld [tilespmem:s30+$0x12E80]  }
0x44e: {  	v5 =	vld [tilespmem:s30+$0x12E60]  }
0x44f: {  	v6 =	vld [tilespmem:s30+$0x12E40]  }
0x450: {  	v7 =	vld [tilespmem:s30+$0x12E20]  }
0x451: {  	v8 =	vld [tilespmem:s30+$0x12E00]  }
0x452: {  	v9 =	vld [tilespmem:s30+$0x12DE0]  }
0x453: {  	v10 =	vld [tilespmem:s30+$0x12DC0]  }
0x454: {  	v11 =	vld [tilespmem:s30+$0x12DA0]  }
0x455: {  	v12 =	vld [tilespmem:s30+$0x12D80]  }
0x456: {  	v13 =	vld [tilespmem:s30+$0x12D60]  }
0x457: {  	v14 =	vld [tilespmem:s30+$0x12D40]  }
0x458: {  	v15 =	vld [tilespmem:s30+$0x12D20]  }
0x459: {  	v16 =	vld [tilespmem:s30+$0x12D00]  }
0x45a: {  	v17 =	vld [tilespmem:s30+$0x12CE0]  }
0x45b: {  	v18 =	vld [tilespmem:s30+$0x12CC0]  }
0x45c: {  	v19 =	vld [tilespmem:s30+$0x12CA0]  }
0x45d: {  	v20 =	vld [tilespmem:s30+$0x12C80]  }
0x45e: {  	v21 =	vld [tilespmem:s30+$0x12C20]  }
0x45f: {  	v22 =	vld [tilespmem:s30+$0x12C60]  }
0x460: {  	v23 =	vld [tilespmem:s30+$0x12C30]  }
0x461: {  	v24 =	vld [tilespmem:s30+$0x12C40]  }
0x462: {  	v25 =	vld [tilespmem:s30+$0x12C00]  }
0x463: {  	v26 =	vld [tilespmem:s30+$0x12C10]  }
0x464: {  	v27 =	vld [tilespmem:s30+$0x12C50]  }
0x465: {  	v60 =	vld [tilespmem:s30+$0x12C70]  }
0x466: {  	v61 =	vld [tilespmem:s30+$0x12C90]  }
0x467: {  	v62 =	vld [tilespmem:s30+$0x12CB0]  }
0x468: {  	v63 =	vld [tilespmem:s30+$0x12CD0]  }
0x469: {  	v24 =	vadd.f32 v24, v25;
	v25 =	vadd.f32 v27, v26;
	v26 =	vld [tilespmem:s30+$0x12CF0]  }
0x46a: {  	v21 =	vadd.f32 v22, v21;
	v22 =	vadd.f32 v60, v23;
	v23 =	vld [tilespmem:s30+$0x12D10]  }
0x46b: {  	v20 =	vadd.f32 v20, v24;
	v24 =	vadd.f32 v61, v25;
	v25 =	vld [tilespmem:s30+$0x12D30]  }
0x46c: {  	v19 =	vadd.f32 v19, v21;
	v21 =	vadd.f32 v62, v22;
	v22 =	vld [tilespmem:s30+$0x12D50]  }
0x46d: {  	v18 =	vadd.f32 v18, v20;
	v20 =	vadd.f32 v63, v24;
	v24 =	vld [tilespmem:s30+$0x12D70]  }
0x46e: {  	v17 =	vadd.f32 v17, v19;
	v19 =	vadd.f32 v26, v21;
	v21 =	vld [tilespmem:s30+$0x12D90]  }
0x46f: {  	v16 =	vadd.f32 v16, v18;
	v18 =	vadd.f32 v23, v20;
	v20 =	vld [tilespmem:s30+$0x12DB0]  }
0x470: {  	v15 =	vadd.f32 v15, v17;
	v17 =	vadd.f32 v25, v19;
	v19 =	vld [tilespmem:s30+$0x12DD0]  }
0x471: {  	v14 =	vadd.f32 v14, v16;
	v16 =	vadd.f32 v22, v18;
	v18 =	vld [tilespmem:s30+$0x12DF0]  }
0x472: {  	v13 =	vadd.f32 v13, v15;
	v15 =	vadd.f32 v24, v17;
	v17 =	vld [tilespmem:s30+$0x12E10]  }
0x473: {  	v12 =	vadd.f32 v12, v14;
	v14 =	vadd.f32 v21, v16;
	v16 =	vld [tilespmem:s30+$0x12E30]  }
0x474: {  	v11 =	vadd.f32 v11, v13;
	v13 =	vadd.f32 v20, v15;
	v15 =	vld [tilespmem:s30+$0x12E50]  }
0x475: {  	v10 =	vadd.f32 v10, v12;
	v12 =	vadd.f32 v19, v14;
	v14 =	vld [tilespmem:s30+$0x12E70]  }
0x476: {  	v9 =	vadd.f32 v9, v11;
	v11 =	vadd.f32 v18, v13;
	v13 =	vld [tilespmem:s30+$0x12E90]  }
0x477: {  	v8 =	vadd.f32 v8, v10;
	v10 =	vadd.f32 v17, v12;
	v12 =	vld [tilespmem:s30+$0x12EB0]  }
0x478: {  	v7 =	vadd.f32 v7, v9;
	v9 =	vadd.f32 v16, v11;
	v11 =	vld [tilespmem:s30+$0x12ED0]  }
0x479: {  	v6 =	vadd.f32 v6, v8;
	v8 =	vadd.f32 v15, v10;
	v10 =	vld [tilespmem:s30+$0x12EF0]  }
0x47a: {  	v5 =	vadd.f32 v5, v7;
	v7 =	vadd.f32 v14, v9;
	v9 =	vld [tilespmem:s30+$0x12F10]  }
0x47b: {  	v4 =	vadd.f32 v4, v6;
	v6 =	vadd.f32 v13, v8  }
0x47c: {  	v3 =	vadd.f32 v3, v5;
	v5 =	vadd.f32 v12, v7  }
0x47d: {  	v2 =	vadd.f32 v2, v4;
	v4 =	vadd.f32 v11, v6  }
0x47e: {  	v1 =	vadd.f32 v1, v3;
	v3 =	vadd.f32 v10, v5  }
0x47f: {  	v0 =	vadd.f32 v0, v2;
	v2 =	vadd.f32 v9, v4;
	_ =	sdelay $0x1  }
0x480: {  	v1 =	vadd.f32 v3, v1;
	v0 =	vadd.f32 v2, v0;
	_ =	sdelay $0x1  }
0x481: {  	v0 =	vadd.f32 v0, v1;
	_ =	sdelay $0x1  }
0x482: {  	v0 =	vmul.f32 $1.999999960e-02, v0;
	_ =	sdelay $0x1  }
0x483: {  	s30 =	simm.s32 $0x320;
	[tilespmem:s29+$0x0] =	vst v0  }
0x484: {  	v0 =	vld [tilespmem:s30+$0x12F00]  }
0x485: {  	v1 =	vld [tilespmem:s30+$0x12EE0]  }
0x486: {  	v2 =	vld [tilespmem:s30+$0x12EC0]  }
0x487: {  	v3 =	vld [tilespmem:s30+$0x12EA0]  }
0x488: {  	v4 =	vld [tilespmem:s30+$0x12E80]  }
0x489: {  	v5 =	vld [tilespmem:s30+$0x12E60]  }
0x48a: {  	v6 =	vld [tilespmem:s30+$0x12E40]  }
0x48b: {  	v7 =	vld [tilespmem:s30+$0x12E20]  }
0x48c: {  	v8 =	vld [tilespmem:s30+$0x12E00]  }
0x48d: {  	v9 =	vld [tilespmem:s30+$0x12DE0]  }
0x48e: {  	v10 =	vld [tilespmem:s30+$0x12DC0]  }
0x48f: {  	v11 =	vld [tilespmem:s30+$0x12DA0]  }
0x490: {  	v12 =	vld [tilespmem:s30+$0x12D80]  }
0x491: {  	v13 =	vld [tilespmem:s30+$0x12D60]  }
0x492: {  	v14 =	vld [tilespmem:s30+$0x12D40]  }
0x493: {  	v15 =	vld [tilespmem:s30+$0x12D20]  }
0x494: {  	v16 =	vld [tilespmem:s30+$0x12D00]  }
0x495: {  	v17 =	vld [tilespmem:s30+$0x12CE0]  }
0x496: {  	v18 =	vld [tilespmem:s30+$0x12CC0]  }
0x497: {  	v19 =	vld [tilespmem:s30+$0x12CA0]  }
0x498: {  	v20 =	vld [tilespmem:s30+$0x12C80]  }
0x499: {  	v21 =	vld [tilespmem:s30+$0x12C20]  }
0x49a: {  	v22 =	vld [tilespmem:s30+$0x12C60]  }
0x49b: {  	v23 =	vld [tilespmem:s30+$0x12C30]  }
0x49c: {  	v24 =	vld [tilespmem:s30+$0x12C40]  }
0x49d: {  	v25 =	vld [tilespmem:s30+$0x12C00]  }
0x49e: {  	s31 =	simm.s32 $0x1900;
	v26 =	vld [tilespmem:s30+$0x12C10]  }
.LBB2_16:
0x49f: {  	p0 =	sne.s32 s31, $0x31380;
	v27 =	vld [tilespmem:s30+$0x12C50]  }
0x4a0: {  	v28 =	vld [tilespmem:s30+$0x12C70]  }
0x4a1: {  	v29 =	vld [tilespmem:s30+$0x12C90]  }
0x4a2: {  	v30 =	vld [tilespmem:s30+$0x12CB0]  }
0x4a3: {  	v31 =	vld [tilespmem:s30+$0x12CD0]  }
0x4a4: {  	v24 =	vadd.f32 v24, v25;
	v25 =	vadd.f32 v27, v26;
	v26 =	vld [tilespmem:s30+$0x12CF0]  }
0x4a5: {  	v21 =	vadd.f32 v22, v21;
	v22 =	vadd.f32 v28, v23;
	v23 =	vld [tilespmem:s30+$0x12D10]  }
0x4a6: {  	v20 =	vadd.f32 v20, v24;
	v24 =	vadd.f32 v29, v25;
	v25 =	vld [tilespmem:s30+$0x12D30]  }
0x4a7: {  	v19 =	vadd.f32 v19, v21;
	v21 =	vadd.f32 v30, v22;
	v22 =	vld [tilespmem:s30+$0x12D50]  }
0x4a8: {  	v18 =	vadd.f32 v18, v20;
	v20 =	vadd.f32 v31, v24;
	v24 =	vld [tilespmem:s30+$0x12D70]  }
0x4a9: {  	v17 =	vadd.f32 v17, v19;
	v19 =	vadd.f32 v26, v21;
	v21 =	vld [tilespmem:s30+$0x12D90]  }
0x4aa: {  	v16 =	vadd.f32 v16, v18;
	v18 =	vadd.f32 v23, v20;
	v20 =	vld [tilespmem:s30+$0x12DB0]  }
0x4ab: {  	v15 =	vadd.f32 v15, v17;
	v17 =	vadd.f32 v25, v19;
	v19 =	vld [tilespmem:s30+$0x12DD0]  }
0x4ac: {  	v14 =	vadd.f32 v14, v16;
	v16 =	vadd.f32 v22, v18;
	v18 =	vld [tilespmem:s30+$0x12DF0]  }
0x4ad: {  	v13 =	vadd.f32 v13, v15;
	v15 =	vadd.f32 v24, v17;
	v17 =	vld [tilespmem:s30+$0x12E10]  }
0x4ae: {  	v12 =	vadd.f32 v12, v14;
	v14 =	vadd.f32 v21, v16;
	v16 =	vld [tilespmem:s30+$0x12E30]  }
0x4af: {  	v11 =	vadd.f32 v11, v13;
	v13 =	vadd.f32 v20, v15;
	v15 =	vld [tilespmem:s30+$0x12E50]  }
0x4b0: {  	v10 =	vadd.f32 v10, v12;
	v12 =	vadd.f32 v19, v14;
	v14 =	vld [tilespmem:s30+$0x12E70]  }
0x4b1: {  	v9 =	vadd.f32 v9, v11;
	v11 =	vadd.f32 v18, v13;
	v13 =	vld [tilespmem:s30+$0x12E90]  }
0x4b2: {  	v8 =	vadd.f32 v8, v10;
	v10 =	vadd.f32 v17, v12;
	v12 =	vld [tilespmem:s30+$0x12EB0]  }
0x4b3: {  	v7 =	vadd.f32 v7, v9;
	v9 =	vadd.f32 v16, v11;
	v11 =	vld [tilespmem:s30+$0x12ED0]  }
0x4b4: {  	v6 =	vadd.f32 v6, v8;
	v8 =	vadd.f32 v15, v10;
	v10 =	vld [tilespmem:s30+$0x12EF0]  }
0x4b5: {  	v5 =	vadd.f32 v5, v7;
	v7 =	vadd.f32 v14, v9;
	v9 =	vld [tilespmem:s30+$0x12F10]  }
0x4b6: {  	v4 =	vadd.f32 v4, v6;
	v6 =	vadd.f32 v13, v8  }
0x4b7: {  	v3 =	vadd.f32 v3, v5;
	v5 =	vadd.f32 v12, v7  }
0x4b8: {  	v2 =	vadd.f32 v2, v4;
	v4 =	vadd.f32 v11, v6  }
0x4b9: {  	v1 =	vadd.f32 v1, v3;
	v3 =	vadd.f32 v10, v5  }
0x4ba: {  	v0 =	vadd.f32 v0, v2;
	v2 =	vadd.f32 v9, v4;
	_ =	sdelay $0x1  }
0x4bb: {  	v1 =	vadd.f32 v3, v1;
	v0 =	vadd.f32 v2, v0;
	_ =	sdelay $0x1  }
0x4bc: {  	v0 =	vadd.f32 v0, v1;
	_ =	sdelay $0x1  }
0x4bd: {  	v0 =	vmul.f32 $1.999999960e-02, v0  }
0x4be: {  	s29 =	sadd.s32 $0x10, s29  }
0x4bf: {  	s30 =	sshra.s32 s31, $0x2;
	[tilespmem:s29+$0x0] =	vst v0  }
0x4c0: {  	v0 =	vld [tilespmem:s30+$0x12F00]  }
0x4c1: {  	v1 =	vld [tilespmem:s30+$0x12EE0]  }
0x4c2: {  	v2 =	vld [tilespmem:s30+$0x12EC0]  }
0x4c3: {  	v3 =	vld [tilespmem:s30+$0x12EA0]  }
0x4c4: {  	v4 =	vld [tilespmem:s30+$0x12E80]  }
0x4c5: {  	v5 =	vld [tilespmem:s30+$0x12E60]  }
0x4c6: {  	v6 =	vld [tilespmem:s30+$0x12E40]  }
0x4c7: {  	v7 =	vld [tilespmem:s30+$0x12E20]  }
0x4c8: {  	v8 =	vld [tilespmem:s30+$0x12E00]  }
0x4c9: {  	v9 =	vld [tilespmem:s30+$0x12DE0]  }
0x4ca: {  	v10 =	vld [tilespmem:s30+$0x12DC0]  }
0x4cb: {  	v11 =	vld [tilespmem:s30+$0x12DA0]  }
0x4cc: {  	v12 =	vld [tilespmem:s30+$0x12D80]  }
0x4cd: {  	v13 =	vld [tilespmem:s30+$0x12D60]  }
0x4ce: {  	v14 =	vld [tilespmem:s30+$0x12D40]  }
0x4cf: {  	v15 =	vld [tilespmem:s30+$0x12D20]  }
0x4d0: {  	v16 =	vld [tilespmem:s30+$0x12D00]  }
0x4d1: {  	v17 =	vld [tilespmem:s30+$0x12CE0]  }
0x4d2: {  	v18 =	vld [tilespmem:s30+$0x12CC0]  }
0x4d3: {  	v19 =	vld [tilespmem:s30+$0x12CA0]  }
0x4d4: {  	v20 =	vld [tilespmem:s30+$0x12C80]  }
0x4d5: {  	v21 =	vld [tilespmem:s30+$0x12C20]  }
.Ltmp7:
0x4d6: {  	v22 =	vld [tilespmem:s30+$0x12C60];
	(pc) =	sbr.rel @p0 .LBB2_16-.Ltmp7, $4  }
0x4d7: {  	v23 =	vld [tilespmem:s30+$0x12C30]  }
0x4d8: {  	v24 =	vld [tilespmem:s30+$0x12C40]  }
0x4d9: {  	v25 =	vld [tilespmem:s30+$0x12C00]  }
0x4da: {  	s31 =	sadd.s32 $0xC80, s31;
	v26 =	vld [tilespmem:s30+$0x12C10]  }
0x4db: {  	v27 =	vld [tilespmem:s30+$0x12C50]  }
0x4dc: {  	v28 =	vld [tilespmem:s30+$0x12C70]  }
0x4dd: {  	v29 =	vld [tilespmem:s30+$0x12C90]  }
0x4de: {  	v30 =	vld [tilespmem:s30+$0x12CB0]  }
0x4df: {  	v31 =	vld [tilespmem:s30+$0x12CD0]  }
0x4e0: {  	v60 =	vld [tilespmem:s30+$0x12CF0];
	v24 =	vadd.f32 v24, v25;
	v59 =	vadd.f32 v27, v26  }
0x4e1: {  	v21 =	vadd.f32 v22, v21;
	v62 =	vld [tilespmem:s30+$0x12D10];
	v61 =	vadd.f32 v28, v23  }
0x4e2: {  	v20 =	vadd.f32 v20, v24;
	v28 =	vld [tilespmem:s30+$0x12D30];
	v63 =	vadd.f32 v29, v59  }
0x4e3: {  	v19 =	vadd.f32 v19, v21;
	v29 =	vadd.f32 v30, v61;
	v30 =	vld [tilespmem:s30+$0x12D50]  }
0x4e4: {  	v32 =	vld [tilespmem:s30+$0x12D70];
	v18 =	vadd.f32 v18, v20;
	v31 =	vadd.f32 v31, v63  }
0x4e5: {  	v34 =	vld [tilespmem:s30+$0x12D90];
	v17 =	vadd.f32 v17, v19;
	v33 =	vadd.f32 v60, v29  }
0x4e6: {  	v36 =	vld [tilespmem:s30+$0x12DB0];
	v16 =	vadd.f32 v16, v18;
	v35 =	vadd.f32 v62, v31  }
0x4e7: {  	v38 =	vld [tilespmem:s30+$0x12DD0];
	v15 =	vadd.f32 v15, v17;
	v37 =	vadd.f32 v28, v33  }
0x4e8: {  	v40 =	vld [tilespmem:s30+$0x12DF0];
	v14 =	vadd.f32 v14, v16;
	v39 =	vadd.f32 v30, v35  }
0x4e9: {  	v42 =	vld [tilespmem:s30+$0x12E10];
	v13 =	vadd.f32 v13, v15;
	v41 =	vadd.f32 v32, v37  }
0x4ea: {  	v44 =	vld [tilespmem:s30+$0x12E30];
	v12 =	vadd.f32 v12, v14;
	v43 =	vadd.f32 v34, v39  }
0x4eb: {  	v46 =	vld [tilespmem:s30+$0x12E50];
	v11 =	vadd.f32 v11, v13;
	v45 =	vadd.f32 v36, v41  }
0x4ec: {  	v48 =	vld [tilespmem:s30+$0x12E70];
	v10 =	vadd.f32 v10, v12;
	v47 =	vadd.f32 v38, v43  }
0x4ed: {  	v50 =	vld [tilespmem:s30+$0x12E90];
	v9 =	vadd.f32 v9, v11;
	v49 =	vadd.f32 v40, v45  }
0x4ee: {  	v52 =	vld [tilespmem:s30+$0x12EB0];
	v8 =	vadd.f32 v8, v10;
	v51 =	vadd.f32 v42, v47  }
0x4ef: {  	v54 =	vld [tilespmem:s30+$0x12ED0];
	v7 =	vadd.f32 v7, v9;
	v53 =	vadd.f32 v44, v49  }
0x4f0: {  	v56 =	vld [tilespmem:s30+$0x12EF0];
	v6 =	vadd.f32 v6, v8;
	v55 =	vadd.f32 v46, v51  }
0x4f1: {  	v58 =	vld [tilespmem:s30+$0x12F10];
	v5 =	vadd.f32 v5, v7;
	v57 =	vadd.f32 v48, v53  }
0x4f2: {  	v4 =	vadd.f32 v4, v6;
	v59 =	vadd.f32 v50, v55  }
0x4f3: {  	v3 =	vadd.f32 v3, v5;
	v60 =	vadd.f32 v52, v57  }
0x4f4: {  	v2 =	vadd.f32 v2, v4;
	v61 =	vadd.f32 v54, v59  }
0x4f5: {  	v1 =	vadd.f32 v1, v3;
	v62 =	vadd.f32 v56, v60  }
0x4f6: {  	v0 =	vadd.f32 v0, v2;
	v63 =	vadd.f32 v58, v61;
	_ =	sdelay $0x1  }
0x4f7: {  	v1 =	vadd.f32 v62, v1;
	v0 =	vadd.f32 v63, v0;
	_ =	sdelay $0x1  }
0x4f8: {  	v0 =	vadd.f32 v0, v1;
	_ =	sdelay $0x1  }
0x4f9: {  	s28 =	sadd.s32 $0x1, s28;
	v0 =	vmul.f32 $1.999999960e-02, v0  }
0x4fa: {  	s1 =	sadd.s32 $0x10, s29;
	p0 =	sne.s32 s28, s13  }
.Ltmp8:
0x4fb: {  	[tilespmem:s1+$0x0] =	vst v0;
	(pc) =	sbr.rel @p0 .LBB2_1-.Ltmp8, $4  }
0x4fc: {  	[hbm4b:s12+s2] =	stream.linear.scatter [tilespmem:s21], [sflag:$0x3], $0x400, $0x38;
	[tilespmem:$0x1F800] =	vst v63  }
0x4fd: {  	_ =	swait.ge [sflag:s14], $0x400  }
0x4fe: {  	[sflag:s14] =	ssyncset.done $0x0  }
0x4ff: {  	[sflag:s14] =	ssyncadd.s32 $0xFFFFFC00  }
0x500: {  	_ =	sfence.sel $0x180000  }
0x501: {  	[bflag:$0x0] =	sbarrier.arrive $0xFFFF  }
0x502: {  	_ =	strace $0x90000047  }
0x503: {  	[bflag:$0x2] =	sbarrier.arrive $0xFFFF  }
0x504: {  	p0 =	sne.s32 s0, $0x0;
	s0 =	rddreg [dreg:$0x2]  }
0x505: {  	s0 =	sadd.s32 @!p0 $0x100000, s0  }
0x506: {  	[sflag:s0] =	ssyncadd.tile.s32 @!p0 $0x1;
	_ =	shalt  }
.Lfunc_end2:
_tile_overlayer_lowered:
.L_overlay_start_2:
0x507: {  	(tag) =	ssettag $0x2  }
0x508: {  	s0 =	rddreg [dreg:$0x0];
	s2 =	stileid.u32  }
0x509: {  	s1 =	rddreg [dreg:$0x1];
	p0 =	sne.s32 s2, $0x0  }
0x50a: {  	s3 =	rddreg [dreg:$0x2];
	[bflag:$0x3] =	sbarrier.arrive $0xFFFF;
	s2 =	simm.s32 @!p0 $0x1C03  }
0x50b: {  	[timem:s3], [sflag:s2] =	dma.local @!p0 [hbm:s0], s1  }
0x50c: {  	s0 =	simm.s32 @!p0 $0x3  }
0x50d: {  	_ =	swait.ge @!p0 [sflag:s0], s1  }
0x50e: {  	s1 =	ssub.s32 @!p0 $0x0, s1;
	[sflag:s0] =	ssyncset.done @!p0 $0x0  }
0x50f: {  	[sflag:s0] =	ssyncadd.s32 @!p0 s1  }
0x510: {  	[bflag:$0x3] =	sbarrier.arrive $0xFFFF  }
0x511: {  	_ =	shalt  }

</sc_bundles>
